<compile_context>
chip_gen: v7x
topology: tpu7x:2x2x1
jax: 0.10.2.dev20260603
libtpu: 0.0.44.dev20260713+nightly
codegen_flags: <defaults>
</compile_context>

<pallas_src>
import functools

import jax
import jax.numpy as jnp
from jax import lax
from jax.experimental import pallas as pl
from jax.experimental.pallas import tpu as pltpu
from jax.experimental.pallas import tpu_sc as plsc

B = 16384
EMB = 256
UDIM = 64
E = 16
C = 100
CP = 128
IND = 80
HID = 64
NPAIR = 2 * B
T = 2048
P = NPAIR + E * T
NT = P // T
NC = 2
NS = 16
NW = NC * NS

_SC_MESH = dict(core_axis_name="c", subcore_axis_name="s")


def _wid():
    return lax.axis_index("s") * NC + lax.axis_index("c")


def _sc_gather_u(table, idx):
    per = B // NW

    @functools.partial(
        pl.kernel,
        out_type=jax.ShapeDtypeStruct((B, 128), jnp.float32),
        mesh=plsc.VectorSubcoreMesh(**_SC_MESH),
        scratch_types=[
            pltpu.VMEM((per,), jnp.int32),
            pltpu.VMEM((per, 128), jnp.float32),
            pltpu.SemaphoreType.DMA,
        ],
    )
    def k(table_hbm, idx_hbm, out_hbm, idx_v, rows_v, sem):
        base = _wid() * per
        pltpu.sync_copy(idx_hbm.at[pl.ds(base, per)], idx_v)
        pltpu.async_copy(table_hbm.at[idx_v], rows_v, sem).wait()
        pltpu.sync_copy(rows_v, out_hbm.at[pl.ds(base, per)])

    return k(table, idx)


def _gelu(z):
    return 0.5 * z * (1.0 + lax.erf(z * 0.7071067811865476))


_HI_MASK = -65536


def _pack_bf16_pair(a, b):
    ab = lax.bitcast_convert_type(
        a.astype(jnp.bfloat16).astype(jnp.float32), jnp.int32)
    bb = lax.bitcast_convert_type(
        b.astype(jnp.bfloat16).astype(jnp.float32), jnp.int32)
    return jnp.bitwise_or(
        jnp.bitwise_and(bb, jnp.full(bb.shape, _HI_MASK, jnp.int32)),
        lax.shift_right_logical(ab, 16))


def _unpack_lo(v):
    return lax.bitcast_convert_type(
        lax.shift_left(v, 16), jnp.float32).astype(jnp.bfloat16)


def _unpack_hi(v):
    return lax.bitcast_convert_type(
        jnp.bitwise_and(v, jnp.full(v.shape, _HI_MASK, jnp.int32)),
        jnp.float32).astype(jnp.bfloat16)


def _ln(z, g, beta):
    mu = jnp.mean(z, axis=-1, keepdims=True)
    d = z - mu
    var = jnp.mean(d * d, axis=-1, keepdims=True)
    return d * lax.rsqrt(var + 1e-5) * g + beta


def _fwd_body(xf_ref, u_ref, w1_ref, b1_ref, w2_ref, b2_ref, g_ref, beta_ref,
              gwh_ref, gwu_ref, gb_ref, h_ref, gi0_ref, gi1_ref, wc_ref):
    xf = xf_ref[...]
    h1 = _gelu(jnp.dot(xf, w1_ref[...], preferred_element_type=jnp.float32)
               + b1_ref[...])
    h2 = _gelu(jnp.dot(h1, w2_ref[...], preferred_element_type=jnp.float32)
               + b2_ref[...])
    h = _ln(h2, g_ref[...], beta_ref[...])
    h_ref[...] = _pack_bf16_pair(h[:, :128], h[:, 128:])
    u = u_ref[...]
    l = (jnp.dot(h, gwh_ref[...], preferred_element_type=jnp.float32)
         + jnp.dot(u, gwu_ref[...], preferred_element_type=jnp.float32)
         + gb_ref[...])
    BT = l.shape[0]
    iota = lax.broadcasted_iota(jnp.int32, (BT, E), 1)
    big = jnp.int32(999)
    m0 = jnp.max(l, axis=1, keepdims=True)
    i0 = jnp.min(jnp.where(l >= m0, iota, big), axis=1, keepdims=True)
    l2 = jnp.where(iota == i0, -1e30, l)
    m1 = jnp.max(l2, axis=1, keepdims=True)
    i1 = jnp.min(jnp.where(l2 >= m1, iota, big), axis=1, keepdims=True)
    w0 = 1.0 / (1.0 + jnp.exp(m1 - m0))
    w1 = 1.0 - w0
    vals = jnp.concatenate(
        [i0.astype(jnp.float32), i1.astype(jnp.float32)], axis=1)
    eye = (lax.broadcasted_iota(jnp.int32, (128, 128), 0)
           == lax.broadcasted_iota(jnp.int32, (128, 128), 1)
           ).astype(jnp.float32)
    r0 = []
    r1 = []
    for cch in range(BT // 128):
        blk = vals[cch * 128:(cch + 1) * 128, :2]
        ck = lax.dot_general(blk, eye, (((0,), (0,)), ((), ())),
                             preferred_element_type=jnp.float32)
        r0.append(ck[0:1])
        r1.append(ck[1:2])
    gi0_ref[...] = jnp.concatenate(r0, axis=0)
    gi1_ref[...] = jnp.concatenate(r1, axis=0)
    wc_ref[...] = jnp.concatenate(
        [jnp.broadcast_to(w0, (BT, 16)), jnp.broadcast_to(w1, (BT, 16)),
         jnp.zeros((BT, 96), jnp.float32)], axis=1)


def _fwd(xf, u, w1, b1, w2, b2, g, beta, gwh, gwu, gb):
    BT = 1024
    grid = B // BT
    nr = BT // 128
    return pl.pallas_call(
        _fwd_body,
        grid=(grid,),
        in_specs=[
            pl.BlockSpec((BT, IND), lambda i: (i, 0)),
            pl.BlockSpec((BT, 128), lambda i: (i, 0)),
            pl.BlockSpec((IND, HID), lambda i: (0, 0)),
            pl.BlockSpec((1, HID), lambda i: (0, 0)),
            pl.BlockSpec((HID, EMB), lambda i: (0, 0)),
            pl.BlockSpec((1, EMB), lambda i: (0, 0)),
            pl.BlockSpec((1, EMB), lambda i: (0, 0)),
            pl.BlockSpec((1, EMB), lambda i: (0, 0)),
            pl.BlockSpec((EMB, E), lambda i: (0, 0)),
            pl.BlockSpec((128, E), lambda i: (0, 0)),
            pl.BlockSpec((1, E), lambda i: (0, 0)),
        ],
        out_specs=[
            pl.BlockSpec((BT, 128), lambda i: (i, 0)),
            pl.BlockSpec((nr, 128), lambda i: (i, 0)),
            pl.BlockSpec((nr, 128), lambda i: (i, 0)),
            pl.BlockSpec((BT, 128), lambda i: (i, 0)),
        ],
        out_shape=[
            jax.ShapeDtypeStruct((B, 128), jnp.int32),
            jax.ShapeDtypeStruct((B // 128, 128), jnp.float32),
            jax.ShapeDtypeStruct((B // 128, 128), jnp.float32),
            jax.ShapeDtypeStruct((B, 128), jnp.float32),
        ],
        compiler_params=pltpu.CompilerParams(
            dimension_semantics=("parallel",)),
    )(xf, u, w1, b1, w2, b2, g, beta, gwh, gwu, gb)


def _route_body(gi0_ref, gi1_ref, pos_ref, te_ref):
    ep = jnp.concatenate([gi0_ref[...], gi1_ref[...]], axis=0).astype(jnp.int32)
    nrow = ep.shape[0]
    f32 = jnp.float32
    r128 = lax.broadcasted_iota(jnp.int32, (128, 128), 0)
    c128 = lax.broadcasted_iota(jnp.int32, (128, 128), 1)
    su128 = (r128 < c128).astype(f32)
    rr = lax.broadcasted_iota(jnp.int32, (nrow, nrow), 0)
    cc = lax.broadcasted_iota(jnp.int32, (nrow, nrow), 1)
    slr = (cc < rr).astype(f32)
    masks = []
    withins = []
    rowsums = []
    for e in range(E):
        me = (ep == e).astype(f32)
        masks.append(me)
        withins.append(jnp.dot(me, su128, preferred_element_type=f32))
        rowsums.append(jnp.sum(me, axis=1, keepdims=True))
    rs = jnp.concatenate(rowsums, axis=1)
    rowbase = jnp.dot(slr, rs, preferred_element_type=f32)
    ones_col = jnp.ones((nrow, 1), f32)
    counts = lax.dot_general(rs, ones_col, (((0,), (0,)), ((), ())),
                             preferred_element_type=f32)
    ci = counts.astype(jnp.int32)
    padded = ((ci + (T - 1)) // T) * T
    r16 = lax.broadcasted_iota(jnp.int32, (E, E), 0)
    c16 = lax.broadcasted_iota(jnp.int32, (E, E), 1)
    sl16 = (c16 < r16).astype(f32)
    qcol = jnp.dot(sl16, padded.astype(f32),
                   preferred_element_type=f32)
    acc = jnp.zeros_like(masks[0])
    for e in range(E):
        base_e = qcol[e:e + 1, 0:1] + rowbase[:, e:e + 1]
        acc = acc + masks[e] * (base_e + withins[e])
    pos_ref[...] = acc.astype(jnp.int32)
    jt = lax.broadcasted_iota(jnp.int32, (E, NT), 1) * T
    cmp = (qcol.astype(jnp.int32) <= jt).astype(jnp.int32)
    te = jnp.sum(cmp, axis=0, keepdims=True) - 1
    te_ref[...] = jnp.broadcast_to(te, (8, NT))


def _route(gi0, gi1):
    nrow = NPAIR // 128
    return pl.pallas_call(
        _route_body,
        in_specs=[
            pl.BlockSpec((B // 128, 128), lambda: (0, 0)),
            pl.BlockSpec((B // 128, 128), lambda: (0, 0)),
        ],
        out_specs=[
            pl.BlockSpec((nrow, 128), lambda: (0, 0)),
            pl.BlockSpec((8, NT), lambda: (0, 0)),
        ],
        out_shape=[
            jax.ShapeDtypeStruct((nrow, 128), jnp.int32),
            jax.ShapeDtypeStruct((8, NT), jnp.int32),
        ],
    )(gi0, gi1)


def _sc_dispatch(h, pos):
    per = NPAIR // NW
    SUB = 128
    nsub = per // SUB

    @functools.partial(
        pl.kernel,
        out_type=jax.ShapeDtypeStruct((P, 128), jnp.int32),
        mesh=plsc.VectorSubcoreMesh(**_SC_MESH),
        scratch_types=[
            pltpu.VMEM((SUB,), jnp.int32),
            pltpu.VMEM((SUB,), jnp.int32),
            pltpu.VMEM((SUB,), jnp.int32),
            pltpu.VMEM((SUB,), jnp.int32),
            pltpu.VMEM((SUB, 128), jnp.int32),
            pltpu.VMEM((SUB, 128), jnp.int32),
            pltpu.SemaphoreType.DMA,
            pltpu.SemaphoreType.DMA,
            pltpu.SemaphoreType.DMA,
            pltpu.SemaphoreType.DMA,
        ],
    )
    def k(h_hbm, pos_hbm, hs_hbm, tok0, tok1, pos0, pos1, r0, r1,
          gs0, gs1, ss0, ss1):
        toks = [tok0, tok1]
        poss = [pos0, pos1]
        rows = [r0, r1]
        gss = [gs0, gs1]
        sss = [ss0, ss1]
        gh = [None, None]
        sh = [None, None]
        w = _wid()
        for s in range(nsub):
            b = s % 2
            if s >= 2:
                sh[b].wait()
            base = w * per + s * SUB
            bm = base % B

            def fill(c, _):
                toks[b][pl.ds(c * 16, 16)] = (
                    bm + c * 16 + lax.iota(jnp.int32, 16))
                return 0

            lax.fori_loop(0, SUB // 16, fill, 0)
            pltpu.sync_copy(pos_hbm.at[base // 128], poss[b])
            gh[b] = pltpu.async_copy(h_hbm.at[toks[b]], rows[b], gss[b])
            if s >= 1:
                c = (s - 1) % 2
                gh[c].wait()
                sh[c] = pltpu.async_copy(rows[c], hs_hbm.at[poss[c]], sss[c])
        last = (nsub - 1) % 2
        gh[last].wait()
        sh[last] = pltpu.async_copy(rows[last], hs_hbm.at[poss[last]],
                                    sss[last])
        if nsub >= 2:
            sh[(nsub - 2) % 2].wait()
        sh[last].wait()

    return k(h, pos)


def _expert_body(te_ref, hs_ref, w1_ref, b1_ref, g_ref, beta_ref,
                 w2_ref, b2_ref, ys_ref):
    hs32 = hs_ref[...]
    w1 = w1_ref[0]
    z = (jnp.dot(_unpack_lo(hs32), w1[:128],
                 preferred_element_type=jnp.float32)
         + jnp.dot(_unpack_hi(hs32), w1[128:],
                   preferred_element_type=jnp.float32)) + b1_ref[0]
    z = _gelu(z)
    z = _ln(z, g_ref[0], beta_ref[0])
    y = jnp.dot(z.astype(jnp.bfloat16), w2_ref[0],
                preferred_element_type=jnp.float32) + b2_ref[0]
    ys_ref[...] = y


def _experts(te, hs, w1, b1, g, beta, w2p, b2p):
    grid_spec = pltpu.PrefetchScalarGridSpec(
        num_scalar_prefetch=1,
        grid=(NT,),
        in_specs=[
            pl.BlockSpec((T, 128), lambda i, te: (i, 0)),
            pl.BlockSpec((1, EMB, EMB), lambda i, te: (te[i], 0, 0)),
            pl.BlockSpec((1, 1, EMB), lambda i, te: (te[i], 0, 0)),
            pl.BlockSpec((1, 1, EMB), lambda i, te: (te[i], 0, 0)),
            pl.BlockSpec((1, 1, EMB), lambda i, te: (te[i], 0, 0)),
            pl.BlockSpec((1, EMB, CP), lambda i, te: (te[i], 0, 0)),
            pl.BlockSpec((1, 1, CP), lambda i, te: (te[i], 0, 0)),
        ],
        out_specs=pl.BlockSpec((T, CP), lambda i, te: (i, 0)),
    )
    return pl.pallas_call(
        _expert_body,
        grid_spec=grid_spec,
        out_shape=jax.ShapeDtypeStruct((P, CP), jnp.float32),
        compiler_params=pltpu.CompilerParams(
            dimension_semantics=("arbitrary",)),
    )(te, hs, w1, b1, g, beta, w2p, b2p)


def _sc_combine(ys, pos2d, wc):
    per = B // NW
    SUB = 128
    nsub = per // SUB

    @functools.partial(
        pl.kernel,
        out_type=jax.ShapeDtypeStruct((B, C), jnp.float32),
        mesh=plsc.VectorSubcoreMesh(**_SC_MESH),
        scratch_types=[
            pltpu.VMEM((SUB,), jnp.int32),
            pltpu.VMEM((SUB,), jnp.int32),
            pltpu.VMEM((SUB,), jnp.int32),
            pltpu.VMEM((SUB,), jnp.int32),
            pltpu.VMEM((SUB, 128), jnp.float32),
            pltpu.VMEM((SUB, 128), jnp.float32),
            pltpu.VMEM((SUB, CP), jnp.float32),
            pltpu.VMEM((SUB, CP), jnp.float32),
            pltpu.VMEM((SUB, CP), jnp.float32),
            pltpu.VMEM((SUB, CP), jnp.float32),
            pltpu.VMEM((SUB, C), jnp.float32),
            pltpu.SemaphoreType.DMA,
            pltpu.SemaphoreType.DMA,
            pltpu.SemaphoreType.DMA,
            pltpu.SemaphoreType.DMA,
        ],
    )
    def k(ys_hbm, pos_hbm, wc_hbm, out_hbm,
          i0a, i0b, i1a, i1b, wca, wcb, g0a, g0b, g1a, g1b, ob,
          s0a, s0b, s1a, s1b):
        i0s = [i0a, i0b]
        i1s = [i1a, i1b]
        wcs = [wca, wcb]
        g0s = [g0a, g0b]
        g1s = [g1a, g1b]
        sm0 = [s0a, s0b]
        sm1 = [s1a, s1b]
        h0 = [None, None]
        h1 = [None, None]
        w = _wid()

        def start(s):
            b = s % 2
            base = w * per + s * SUB
            row = base // 128
            pltpu.sync_copy(pos_hbm.at[row], i0s[b])
            pltpu.sync_copy(pos_hbm.at[(B // 128) + row], i1s[b])
            pltpu.sync_copy(wc_hbm.at[pl.ds(base, SUB)], wcs[b])
            h0[b] = pltpu.async_copy(ys_hbm.at[i0s[b]], g0s[b], sm0[b])
            h1[b] = pltpu.async_copy(ys_hbm.at[i1s[b]], g1s[b], sm1[b])

        start(0)
        for s in range(nsub):
            b = s % 2
            if s + 1 < nsub:
                start(s + 1)
            h0[b].wait()
            h1[b].wait()
            g0 = g0s[b]
            g1 = g1s[b]
            wc_v = wcs[b]

            def body(r, _):
                a = wc_v[r, pl.ds(0, 16)]
                c = wc_v[r, pl.ds(16, 16)]
                for off in (0, 16, 32, 48, 64, 80, C - 16):
                    sl = pl.ds(off, 16)
                    ob[r, sl] = a * g0[r, sl] + c * g1[r, sl]
                return 0

            lax.fori_loop(0, SUB, body, 0)
            base = w * per + s * SUB
            pltpu.sync_copy(ob, out_hbm.at[pl.ds(base, SUB)])

    return k(ys, pos2d, wc)


def kernel(x, user_ids, bb_W1, bb_b1, bb_W2, bb_b2, bb_g, bb_beta,
           user_table, gate_W, gate_b,
           ex_W1, ex_b1, ex_g, ex_beta, ex_W2, ex_b2):
    i32 = jnp.int32
    xf = x.reshape(B, IND)
    table_p = jnp.pad(user_table, ((0, 0), (0, 128 - UDIM)))
    u = _sc_gather_u(table_p, user_ids.astype(i32))
    gwu_p = jnp.pad(gate_W[EMB:], ((0, 128 - UDIM), (0, 0)))
    h, gi0, gi1, wc = _fwd(xf, u, bb_W1, bb_b1.reshape(1, HID), bb_W2,
                           bb_b2.reshape(1, EMB), bb_g.reshape(1, EMB),
                           bb_beta.reshape(1, EMB), gate_W[:EMB], gwu_p,
                           gate_b.reshape(1, E))
    pos2d, te8 = _route(gi0, gi1)
    te = te8[0]
    hs = _sc_dispatch(h, pos2d)
    w2p = jnp.pad(ex_W2, ((0, 0), (0, 0), (0, CP - C))).astype(jnp.bfloat16)
    b2p = jnp.pad(ex_b2, ((0, 0), (0, CP - C))).reshape(E, 1, CP)
    ys = _experts(te, hs, ex_W1.astype(jnp.bfloat16), ex_b1.reshape(E, 1, EMB),
                  ex_g.reshape(E, 1, EMB), ex_beta.reshape(E, 1, EMB),
                  w2p, b2p)
    return _sc_combine(ys, pos2d, wc)

# --- scband reference (transcript-rebuilt; emitter-appended) ---
"""Pipeline reference for scband-mo-eclassifier-12635793784890 (READ-ONLY COPY).

The authoritative reference and input builder live on the scoring server;
editing this copy changes nothing except your own understanding.
"""

import jax, jax.numpy as jnp
import numpy as np

B = 16384
EMB = 256
UDIM = 64
E = 16
TOPK = 2
C = 100
NUSERS = 100000
IN_DIM = 16 * 5
HID = 64


def setup_inputs(seed: int = 0) -> dict:
    key = jax.random.key(seed)
    ks = jax.random.split(key, 20)
    inp = {}
    inp["x"] = jax.random.normal(ks[0], (B, 16, 5), dtype=jnp.float32)
    inp["user_ids"] = jax.random.randint(ks[1], (B,), 0, NUSERS, dtype=jnp.int64 if jax.config.jax_enable_x64 else jnp.int32)
    # TinyBackbone params
    inp["bb_W1"] = jax.random.normal(ks[2], (IN_DIM, HID), dtype=jnp.float32) * (1.0 / np.sqrt(IN_DIM))
    inp["bb_b1"] = jnp.zeros((HID,), dtype=jnp.float32)
    inp["bb_W2"] = jax.random.normal(ks[3], (HID, EMB), dtype=jnp.float32) * (1.0 / np.sqrt(HID))
    inp["bb_b2"] = jnp.zeros((EMB,), dtype=jnp.float32)
    inp["bb_g"] = jnp.ones((EMB,), dtype=jnp.float32)
    inp["bb_beta"] = jnp.zeros((EMB,), dtype=jnp.float32)
    # user embedding table
    inp["user_table"] = jax.random.normal(ks[4], (NUSERS, UDIM), dtype=jnp.float32)
    # UserAwareGate: Linear(emb+user_dim -> E)
    inp["gate_W"] = jax.random.normal(ks[5], (EMB + UDIM, E), dtype=jnp.float32) * (1.0 / np.sqrt(EMB + UDIM))
    inp["gate_b"] = jnp.zeros((E,), dtype=jnp.float32)
    # Experts (stacked): fc1[E,emb,emb], ln[E,emb], fc2[E,emb,C]
    inp["ex_W1"] = jax.random.normal(ks[6], (E, EMB, EMB), dtype=jnp.float32) * (1.0 / np.sqrt(EMB))
    inp["ex_b1"] = jnp.zeros((E, EMB), dtype=jnp.float32)
    inp["ex_g"] = jnp.ones((E, EMB), dtype=jnp.float32)
    inp["ex_beta"] = jnp.zeros((E, EMB), dtype=jnp.float32)
    inp["ex_W2"] = jax.random.normal(ks[7], (E, EMB, C), dtype=jnp.float32) * (1.0 / np.sqrt(EMB))
    inp["ex_b2"] = jnp.zeros((E, C), dtype=jnp.float32)
    return inp


def _layernorm(z, g, b, eps=1e-5):
    mu = jnp.mean(z, axis=-1, keepdims=True)
    var = jnp.mean((z - mu) ** 2, axis=-1, keepdims=True)
    return (z - mu) / jnp.sqrt(var + eps) * g + b


def reference(x, user_ids, bb_W1, bb_b1, bb_W2, bb_b2, bb_g, bb_beta,
              user_table, gate_W, gate_b,
              ex_W1, ex_b1, ex_g, ex_beta, ex_W2, ex_b2):
    Bn = x.shape[0]
    # TinyBackbone
    xf = x.reshape(Bn, -1)
    h = jax.nn.gelu(xf @ bb_W1 + bb_b1, approximate=False)
    h = jax.nn.gelu(h @ bb_W2 + bb_b2, approximate=False)
    h = _layernorm(h, bb_g, bb_beta)
    # user embedding lookup (gather)
    u = jnp.take(user_table, user_ids, axis=0)
    # UserAwareGate
    g_logits = jnp.concatenate([h, u], axis=-1) @ gate_W + gate_b
    w = jax.nn.softmax(g_logits, axis=-1)
    # top-k masking + renormalize (user_aware variant: divide by sum + 1e-9)
    _, idx = jax.lax.top_k(w, TOPK)
    mask = jnp.zeros_like(w).at[jnp.arange(Bn)[:, None], idx].set(1.0)
    w = w * mask
    w = w / (jnp.sum(w, axis=-1, keepdims=True) + 1e-9)
    # Experts (dense: all experts computed, then weighted-summed). Dropout = eval mode (identity).
    z = jnp.einsum('bd,edf->bef', h, ex_W1) + ex_b1[None, :, :]
    z = jax.nn.gelu(z, approximate=False)
    z = _layernorm(z, ex_g[None, :, :], ex_beta[None, :, :])
    logits_per_exp = jnp.einsum('bef,efc->bec', z, ex_W2) + ex_b2[None, :, :]
    logits = jnp.sum(w[:, :, None] * logits_per_exp, axis=1)
    return logits

if __name__ == "__main__":
    import jax
    _d = setup_inputs()
    print(jax.jit(kernel)(*tuple(_d.values())))

</pallas_src>

<mosaic_0001>
#map = affine_map<(d0, d1) -> (0, 0)>
module attributes {stable_mosaic.version = 14 : i64} {
  func.func @k(%arg0: i32, %arg1: i32, %arg2: memref<65536x128xf32, #tpu.memory_space<hbm>>, %arg3: memref<256x128xi32, #tpu.memory_space<hbm>>, %arg4: memref<16384x128xf32, #tpu.memory_space<hbm>>, %arg5: memref<16384x100xf32, #tpu.memory_space<hbm>>, %arg6: memref<128xi32, #tpu.memory_space<vmem>>, %arg7: memref<128xi32, #tpu.memory_space<vmem>>, %arg8: memref<128xi32, #tpu.memory_space<vmem>>, %arg9: memref<128xi32, #tpu.memory_space<vmem>>, %arg10: memref<128x128xf32, #tpu.memory_space<vmem>>, %arg11: memref<128x128xf32, #tpu.memory_space<vmem>>, %arg12: memref<128x128xf32, #tpu.memory_space<vmem>>, %arg13: memref<128x128xf32, #tpu.memory_space<vmem>>, %arg14: memref<128x128xf32, #tpu.memory_space<vmem>>, %arg15: memref<128x128xf32, #tpu.memory_space<vmem>>, %arg16: memref<128x100xf32, #tpu.memory_space<vmem>>, %arg17: memref<!tpu.dma_semaphore, #tpu.memory_space<semaphore_mem>>, %arg18: memref<!tpu.dma_semaphore, #tpu.memory_space<semaphore_mem>>, %arg19: memref<!tpu.dma_semaphore, #tpu.memory_space<semaphore_mem>>, %arg20: memref<!tpu.dma_semaphore, #tpu.memory_space<semaphore_mem>>) attributes {dimension_semantics = [#tpu.dimension_semantics<core_parallel>, #tpu.dimension_semantics<subcore_parallel>], iteration_bounds = array<i64: 2, 16>, scalar_prefetch = 0 : i64, scratch_operands = 15 : i64, tpu.core_type = #tpu.core_type<sc_vector_subcore>, window_params = [{transform_indices = #map}, {transform_indices = #map}, {transform_indices = #map}, {transform_indices = #map}]} {
    %mul3A = arith.constant 2 : i32
    %mul3A_0 = arith.muli %arg1, %mul3A : i32
    %add3A = arith.addi %mul3A_0, %arg0 : i32
    %mul3A_1 = arith.constant 512 : i32
    %mul3A_2 = arith.muli %add3A, %mul3A_1 : i32
    %add3A_3 = arith.constant 0 : i32
    %add3A_4 = arith.addi %mul3A_2, %add3A_3 : i32
    %jit3A = arith.constant 128 : i32
    %div3A = arith.divsi %add3A_4, %jit3A : i32
    %sign3A = arith.constant 0 : i32
    %sign3A_5 = arith.cmpi sgt, %add3A_4, %sign3A : i32
    %sign3A_6 = arith.extui %sign3A_5 : i1 to i32
    %sign3A_7 = arith.constant 0 : i32
    %sign3A_8 = arith.cmpi slt, %add3A_4, %sign3A_7 : i32
    %sign3A_9 = arith.extui %sign3A_8 : i1 to i32
    %sign3A_10 = arith.subi %sign3A_6, %sign3A_9 : i32
    %sign3A_11 = arith.constant 0 : i32
    %sign3A_12 = arith.cmpi sgt, %jit3A, %sign3A_11 : i32
    %sign3A_13 = arith.extui %sign3A_12 : i1 to i32
    %sign3A_14 = arith.constant 0 : i32
    %sign3A_15 = arith.cmpi slt, %jit3A, %sign3A_14 : i32
    %sign3A_16 = arith.extui %sign3A_15 : i1 to i32
    %sign3A_17 = arith.subi %sign3A_13, %sign3A_16 : i32
    %ne3A = arith.cmpi ne, %sign3A_10, %sign3A_17 : i32
    %rem3A = arith.remsi %add3A_4, %jit3A : i32
    %ne3A_18 = arith.constant 0 : i32
    %ne3A_19 = arith.cmpi ne, %rem3A, %ne3A_18 : i32
    %and3A = arith.andi %ne3A, %ne3A_19 : i1
    %sub3A = arith.constant 1 : i32
    %sub3A_20 = arith.subi %div3A, %sub3A : i32
    %select_n3A = arith.select %and3A, %sub3A_20, %div3A : i32
    "tpu.region"() ({
      %run_scoped3A = tpu.sem_alloc : memref<!tpu.dma_semaphore, #tpu.memory_space<semaphore_mem>>
      %dma_start3A_202 = arith.constant 0 : i32
      %dma_start3A_203 = tpu.memref_slice %arg3[%select_n3A, %dma_start3A_202] : memref<256x128xi32, #tpu.memory_space<hbm>> -> memref<1x128xi32, #tpu.memory_space<hbm>>
      %dma_start3A_204 = tpu.memref_squeeze %dma_start3A_203 : memref<1x128xi32, #tpu.memory_space<hbm>> -> memref<128xi32, #tpu.memory_space<hbm>>
      %dma_start3A_205 = arith.constant 0 : i32
      %dma_start3A_206 = tpu.memref_slice %arg3[%select_n3A, %dma_start3A_205] : memref<256x128xi32, #tpu.memory_space<hbm>> -> memref<1x128xi32, #tpu.memory_space<hbm>>
      %dma_start3A_207 = tpu.memref_squeeze %dma_start3A_206 : memref<1x128xi32, #tpu.memory_space<hbm>> -> memref<128xi32, #tpu.memory_space<hbm>>
      tpu.enqueue_dma source(%dma_start3A_207 : memref<128xi32, #tpu.memory_space<hbm>>) target(%arg6 : memref<128xi32, #tpu.memory_space<vmem>>) target_semaphore(%run_scoped3A : memref<!tpu.dma_semaphore, #tpu.memory_space<semaphore_mem>>)
      %dma_wait3A_208 = arith.constant 0 : i32
      %dma_wait3A_209 = tpu.memref_slice %arg3[%select_n3A, %dma_wait3A_208] : memref<256x128xi32, #tpu.memory_space<hbm>> -> memref<1x128xi32, #tpu.memory_space<hbm>>
      %dma_wait3A_210 = tpu.memref_squeeze %dma_wait3A_209 : memref<1x128xi32, #tpu.memory_space<hbm>> -> memref<128xi32, #tpu.memory_space<hbm>>
      %dma_wait3A_211 = arith.constant 0 : i32
      %dma_wait3A_212 = tpu.memref_slice %arg3[%select_n3A, %dma_wait3A_211] : memref<256x128xi32, #tpu.memory_space<hbm>> -> memref<1x128xi32, #tpu.memory_space<hbm>>
      %dma_wait3A_213 = tpu.memref_squeeze %dma_wait3A_212 : memref<1x128xi32, #tpu.memory_space<hbm>> -> memref<128xi32, #tpu.memory_space<hbm>>
      tpu.wait_dma2 semaphore(%run_scoped3A : memref<!tpu.dma_semaphore, #tpu.memory_space<semaphore_mem>>) src(%dma_wait3A_213 : memref<128xi32, #tpu.memory_space<hbm>>) dst(%arg6 : memref<128xi32, #tpu.memory_space<vmem>>)
      tpu.yield
    }) : () -> ()
    %add3A_21 = arith.constant 128 : i32
    %add3A_22 = arith.addi %add3A_21, %select_n3A : i32
    "tpu.region"() ({
      %run_scoped3A = tpu.sem_alloc : memref<!tpu.dma_semaphore, #tpu.memory_space<semaphore_mem>>
      %dma_start3A_202 = arith.constant 0 : i32
      %dma_start3A_203 = tpu.memref_slice %arg3[%add3A_22, %dma_start3A_202] : memref<256x128xi32, #tpu.memory_space<hbm>> -> memref<1x128xi32, #tpu.memory_space<hbm>>
      %dma_start3A_204 = tpu.memref_squeeze %dma_start3A_203 : memref<1x128xi32, #tpu.memory_space<hbm>> -> memref<128xi32, #tpu.memory_space<hbm>>
      %dma_start3A_205 = arith.constant 0 : i32
      %dma_start3A_206 = tpu.memref_slice %arg3[%add3A_22, %dma_start3A_205] : memref<256x128xi32, #tpu.memory_space<hbm>> -> memref<1x128xi32, #tpu.memory_space<hbm>>
      %dma_start3A_207 = tpu.memref_squeeze %dma_start3A_206 : memref<1x128xi32, #tpu.memory_space<hbm>> -> memref<128xi32, #tpu.memory_space<hbm>>
      tpu.enqueue_dma source(%dma_start3A_207 : memref<128xi32, #tpu.memory_space<hbm>>) target(%arg8 : memref<128xi32, #tpu.memory_space<vmem>>) target_semaphore(%run_scoped3A : memref<!tpu.dma_semaphore, #tpu.memory_space<semaphore_mem>>)
      %dma_wait3A_208 = arith.constant 0 : i32
      %dma_wait3A_209 = tpu.memref_slice %arg3[%add3A_22, %dma_wait3A_208] : memref<256x128xi32, #tpu.memory_space<hbm>> -> memref<1x128xi32, #tpu.memory_space<hbm>>
      %dma_wait3A_210 = tpu.memref_squeeze %dma_wait3A_209 : memref<1x128xi32, #tpu.memory_space<hbm>> -> memref<128xi32, #tpu.memory_space<hbm>>
      %dma_wait3A_211 = arith.constant 0 : i32
      %dma_wait3A_212 = tpu.memref_slice %arg3[%add3A_22, %dma_wait3A_211] : memref<256x128xi32, #tpu.memory_space<hbm>> -> memref<1x128xi32, #tpu.memory_space<hbm>>
      %dma_wait3A_213 = tpu.memref_squeeze %dma_wait3A_212 : memref<1x128xi32, #tpu.memory_space<hbm>> -> memref<128xi32, #tpu.memory_space<hbm>>
      tpu.wait_dma2 semaphore(%run_scoped3A : memref<!tpu.dma_semaphore, #tpu.memory_space<semaphore_mem>>) src(%dma_wait3A_213 : memref<128xi32, #tpu.memory_space<hbm>>) dst(%arg8 : memref<128xi32, #tpu.memory_space<vmem>>)
      tpu.yield
    }) : () -> ()
    "tpu.region"() ({
      %run_scoped3A = tpu.sem_alloc : memref<!tpu.dma_semaphore, #tpu.memory_space<semaphore_mem>>
      %dma_start3A_202 = arith.constant 0 : i32
      %dma_start3A_203 = tpu.memref_slice %arg4[%add3A_4, %dma_start3A_202] : memref<16384x128xf32, #tpu.memory_space<hbm>> -> memref<128x128xf32, #tpu.memory_space<hbm>>
      %dma_start3A_204 = arith.constant 0 : i32
      %dma_start3A_205 = tpu.memref_slice %arg4[%add3A_4, %dma_start3A_204] : memref<16384x128xf32, #tpu.memory_space<hbm>> -> memref<128x128xf32, #tpu.memory_space<hbm>>
      tpu.enqueue_dma source(%dma_start3A_205 : memref<128x128xf32, #tpu.memory_space<hbm>>) target(%arg10 : memref<128x128xf32, #tpu.memory_space<vmem>>) target_semaphore(%run_scoped3A : memref<!tpu.dma_semaphore, #tpu.memory_space<semaphore_mem>>)
      %dma_wait3A_206 = arith.constant 0 : i32
      %dma_wait3A_207 = tpu.memref_slice %arg4[%add3A_4, %dma_wait3A_206] : memref<16384x128xf32, #tpu.memory_space<hbm>> -> memref<128x128xf32, #tpu.memory_space<hbm>>
      %dma_wait3A_208 = arith.constant 0 : i32
      %dma_wait3A_209 = tpu.memref_slice %arg4[%add3A_4, %dma_wait3A_208] : memref<16384x128xf32, #tpu.memory_space<hbm>> -> memref<128x128xf32, #tpu.memory_space<hbm>>
      tpu.wait_dma2 semaphore(%run_scoped3A : memref<!tpu.dma_semaphore, #tpu.memory_space<semaphore_mem>>) src(%dma_wait3A_209 : memref<128x128xf32, #tpu.memory_space<hbm>>) dst(%arg10 : memref<128x128xf32, #tpu.memory_space<vmem>>)
      tpu.yield
    }) : () -> ()
    %dma_start3A = arith.constant 0 : i32
    %dma_start3A_23 = arith.constant 0 : i32
    %dma_start3A_24 = tpu.memref_slice %arg2[%dma_start3A, %dma_start3A_23] : memref<65536x128xf32, #tpu.memory_space<hbm>> -> memref<65536x128xf32, #tpu.memory_space<hbm>>
    tpu.enqueue_indirect_dma source(%dma_start3A_24 : memref<65536x128xf32, #tpu.memory_space<hbm>>) target(%arg12 : memref<128x128xf32, #tpu.memory_space<vmem>>) offsets(%arg6 : memref<128xi32, #tpu.memory_space<vmem>>) semaphore(%arg17 : memref<!tpu.dma_semaphore, #tpu.memory_space<semaphore_mem>>)
    %dma_start3A_25 = arith.constant 0 : i32
    %dma_start3A_26 = arith.constant 0 : i32
    %dma_start3A_27 = tpu.memref_slice %arg2[%dma_start3A_25, %dma_start3A_26] : memref<65536x128xf32, #tpu.memory_space<hbm>> -> memref<65536x128xf32, #tpu.memory_space<hbm>>
    tpu.enqueue_indirect_dma source(%dma_start3A_27 : memref<65536x128xf32, #tpu.memory_space<hbm>>) target(%arg14 : memref<128x128xf32, #tpu.memory_space<vmem>>) offsets(%arg8 : memref<128xi32, #tpu.memory_space<vmem>>) semaphore(%arg19 : memref<!tpu.dma_semaphore, #tpu.memory_space<semaphore_mem>>)
    %mul3A_28 = arith.constant 512 : i32
    %mul3A_29 = arith.muli %add3A, %mul3A_28 : i32
    %add3A_30 = arith.constant 128 : i32
    %add3A_31 = arith.addi %mul3A_29, %add3A_30 : i32
    %jit3A_32 = arith.constant 128 : i32
    %div3A_33 = arith.divsi %add3A_31, %jit3A_32 : i32
    %sign3A_34 = arith.constant 0 : i32
    %sign3A_35 = arith.cmpi sgt, %add3A_31, %sign3A_34 : i32
    %sign3A_36 = arith.extui %sign3A_35 : i1 to i32
    %sign3A_37 = arith.constant 0 : i32
    %sign3A_38 = arith.cmpi slt, %add3A_31, %sign3A_37 : i32
    %sign3A_39 = arith.extui %sign3A_38 : i1 to i32
    %sign3A_40 = arith.subi %sign3A_36, %sign3A_39 : i32
    %sign3A_41 = arith.constant 0 : i32
    %sign3A_42 = arith.cmpi sgt, %jit3A_32, %sign3A_41 : i32
    %sign3A_43 = arith.extui %sign3A_42 : i1 to i32
    %sign3A_44 = arith.constant 0 : i32
    %sign3A_45 = arith.cmpi slt, %jit3A_32, %sign3A_44 : i32
    %sign3A_46 = arith.extui %sign3A_45 : i1 to i32
    %sign3A_47 = arith.subi %sign3A_43, %sign3A_46 : i32
    %ne3A_48 = arith.cmpi ne, %sign3A_40, %sign3A_47 : i32
    %rem3A_49 = arith.remsi %add3A_31, %jit3A_32 : i32
    %ne3A_50 = arith.constant 0 : i32
    %ne3A_51 = arith.cmpi ne, %rem3A_49, %ne3A_50 : i32
    %and3A_52 = arith.andi %ne3A_48, %ne3A_51 : i1
    %sub3A_53 = arith.constant 1 : i32
    %sub3A_54 = arith.subi %div3A_33, %sub3A_53 : i32
    %select_n3A_55 = arith.select %and3A_52, %sub3A_54, %div3A_33 : i32
    "tpu.region"() ({
      %run_scoped3A = tpu.sem_alloc : memref<!tpu.dma_semaphore, #tpu.memory_space<semaphore_mem>>
      %dma_start3A_202 = arith.constant 0 : i32
      %dma_start3A_203 = tpu.memref_slice %arg3[%select_n3A_55, %dma_start3A_202] : memref<256x128xi32, #tpu.memory_space<hbm>> -> memref<1x128xi32, #tpu.memory_space<hbm>>
      %dma_start3A_204 = tpu.memref_squeeze %dma_start3A_203 : memref<1x128xi32, #tpu.memory_space<hbm>> -> memref<128xi32, #tpu.memory_space<hbm>>
      %dma_start3A_205 = arith.constant 0 : i32
      %dma_start3A_206 = tpu.memref_slice %arg3[%select_n3A_55, %dma_start3A_205] : memref<256x128xi32, #tpu.memory_space<hbm>> -> memref<1x128xi32, #tpu.memory_space<hbm>>
      %dma_start3A_207 = tpu.memref_squeeze %dma_start3A_206 : memref<1x128xi32, #tpu.memory_space<hbm>> -> memref<128xi32, #tpu.memory_space<hbm>>
      tpu.enqueue_dma source(%dma_start3A_207 : memref<128xi32, #tpu.memory_space<hbm>>) target(%arg7 : memref<128xi32, #tpu.memory_space<vmem>>) target_semaphore(%run_scoped3A : memref<!tpu.dma_semaphore, #tpu.memory_space<semaphore_mem>>)
      %dma_wait3A_208 = arith.constant 0 : i32
      %dma_wait3A_209 = tpu.memref_slice %arg3[%select_n3A_55, %dma_wait3A_208] : memref<256x128xi32, #tpu.memory_space<hbm>> -> memref<1x128xi32, #tpu.memory_space<hbm>>
      %dma_wait3A_210 = tpu.memref_squeeze %dma_wait3A_209 : memref<1x128xi32, #tpu.memory_space<hbm>> -> memref<128xi32, #tpu.memory_space<hbm>>
      %dma_wait3A_211 = arith.constant 0 : i32
      %dma_wait3A_212 = tpu.memref_slice %arg3[%select_n3A_55, %dma_wait3A_211] : memref<256x128xi32, #tpu.memory_space<hbm>> -> memref<1x128xi32, #tpu.memory_space<hbm>>
      %dma_wait3A_213 = tpu.memref_squeeze %dma_wait3A_212 : memref<1x128xi32, #tpu.memory_space<hbm>> -> memref<128xi32, #tpu.memory_space<hbm>>
      tpu.wait_dma2 semaphore(%run_scoped3A : memref<!tpu.dma_semaphore, #tpu.memory_space<semaphore_mem>>) src(%dma_wait3A_213 : memref<128xi32, #tpu.memory_space<hbm>>) dst(%arg7 : memref<128xi32, #tpu.memory_space<vmem>>)
      tpu.yield
    }) : () -> ()
    %add3A_56 = arith.constant 128 : i32
    %add3A_57 = arith.addi %add3A_56, %select_n3A_55 : i32
    "tpu.region"() ({
      %run_scoped3A = tpu.sem_alloc : memref<!tpu.dma_semaphore, #tpu.memory_space<semaphore_mem>>
      %dma_start3A_202 = arith.constant 0 : i32
      %dma_start3A_203 = tpu.memref_slice %arg3[%add3A_57, %dma_start3A_202] : memref<256x128xi32, #tpu.memory_space<hbm>> -> memref<1x128xi32, #tpu.memory_space<hbm>>
      %dma_start3A_204 = tpu.memref_squeeze %dma_start3A_203 : memref<1x128xi32, #tpu.memory_space<hbm>> -> memref<128xi32, #tpu.memory_space<hbm>>
      %dma_start3A_205 = arith.constant 0 : i32
      %dma_start3A_206 = tpu.memref_slice %arg3[%add3A_57, %dma_start3A_205] : memref<256x128xi32, #tpu.memory_space<hbm>> -> memref<1x128xi32, #tpu.memory_space<hbm>>
      %dma_start3A_207 = tpu.memref_squeeze %dma_start3A_206 : memref<1x128xi32, #tpu.memory_space<hbm>> -> memref<128xi32, #tpu.memory_space<hbm>>
      tpu.enqueue_dma source(%dma_start3A_207 : memref<128xi32, #tpu.memory_space<hbm>>) target(%arg9 : memref<128xi32, #tpu.memory_space<vmem>>) target_semaphore(%run_scoped3A : memref<!tpu.dma_semaphore, #tpu.memory_space<semaphore_mem>>)
      %dma_wait3A_208 = arith.constant 0 : i32
      %dma_wait3A_209 = tpu.memref_slice %arg3[%add3A_57, %dma_wait3A_208] : memref<256x128xi32, #tpu.memory_space<hbm>> -> memref<1x128xi32, #tpu.memory_space<hbm>>
      %dma_wait3A_210 = tpu.memref_squeeze %dma_wait3A_209 : memref<1x128xi32, #tpu.memory_space<hbm>> -> memref<128xi32, #tpu.memory_space<hbm>>
      %dma_wait3A_211 = arith.constant 0 : i32
      %dma_wait3A_212 = tpu.memref_slice %arg3[%add3A_57, %dma_wait3A_211] : memref<256x128xi32, #tpu.memory_space<hbm>> -> memref<1x128xi32, #tpu.memory_space<hbm>>
      %dma_wait3A_213 = tpu.memref_squeeze %dma_wait3A_212 : memref<1x128xi32, #tpu.memory_space<hbm>> -> memref<128xi32, #tpu.memory_space<hbm>>
      tpu.wait_dma2 semaphore(%run_scoped3A : memref<!tpu.dma_semaphore, #tpu.memory_space<semaphore_mem>>) src(%dma_wait3A_213 : memref<128xi32, #tpu.memory_space<hbm>>) dst(%arg9 : memref<128xi32, #tpu.memory_space<vmem>>)
      tpu.yield
    }) : () -> ()
    "tpu.region"() ({
      %run_scoped3A = tpu.sem_alloc : memref<!tpu.dma_semaphore, #tpu.memory_space<semaphore_mem>>
      %dma_start3A_202 = arith.constant 0 : i32
      %dma_start3A_203 = tpu.memref_slice %arg4[%add3A_31, %dma_start3A_202] : memref<16384x128xf32, #tpu.memory_space<hbm>> -> memref<128x128xf32, #tpu.memory_space<hbm>>
      %dma_start3A_204 = arith.constant 0 : i32
      %dma_start3A_205 = tpu.memref_slice %arg4[%add3A_31, %dma_start3A_204] : memref<16384x128xf32, #tpu.memory_space<hbm>> -> memref<128x128xf32, #tpu.memory_space<hbm>>
      tpu.enqueue_dma source(%dma_start3A_205 : memref<128x128xf32, #tpu.memory_space<hbm>>) target(%arg11 : memref<128x128xf32, #tpu.memory_space<vmem>>) target_semaphore(%run_scoped3A : memref<!tpu.dma_semaphore, #tpu.memory_space<semaphore_mem>>)
      %dma_wait3A_206 = arith.constant 0 : i32
      %dma_wait3A_207 = tpu.memref_slice %arg4[%add3A_31, %dma_wait3A_206] : memref<16384x128xf32, #tpu.memory_space<hbm>> -> memref<128x128xf32, #tpu.memory_space<hbm>>
      %dma_wait3A_208 = arith.constant 0 : i32
      %dma_wait3A_209 = tpu.memref_slice %arg4[%add3A_31, %dma_wait3A_208] : memref<16384x128xf32, #tpu.memory_space<hbm>> -> memref<128x128xf32, #tpu.memory_space<hbm>>
      tpu.wait_dma2 semaphore(%run_scoped3A : memref<!tpu.dma_semaphore, #tpu.memory_space<semaphore_mem>>) src(%dma_wait3A_209 : memref<128x128xf32, #tpu.memory_space<hbm>>) dst(%arg11 : memref<128x128xf32, #tpu.memory_space<vmem>>)
      tpu.yield
    }) : () -> ()
    %dma_start3A_58 = arith.constant 0 : i32
    %dma_start3A_59 = arith.constant 0 : i32
    %dma_start3A_60 = tpu.memref_slice %arg2[%dma_start3A_58, %dma_start3A_59] : memref<65536x128xf32, #tpu.memory_space<hbm>> -> memref<65536x128xf32, #tpu.memory_space<hbm>>
    tpu.enqueue_indirect_dma source(%dma_start3A_60 : memref<65536x128xf32, #tpu.memory_space<hbm>>) target(%arg13 : memref<128x128xf32, #tpu.memory_space<vmem>>) offsets(%arg7 : memref<128xi32, #tpu.memory_space<vmem>>) semaphore(%arg18 : memref<!tpu.dma_semaphore, #tpu.memory_space<semaphore_mem>>)
    %dma_start3A_61 = arith.constant 0 : i32
    %dma_start3A_62 = arith.constant 0 : i32
    %dma_start3A_63 = tpu.memref_slice %arg2[%dma_start3A_61, %dma_start3A_62] : memref<65536x128xf32, #tpu.memory_space<hbm>> -> memref<65536x128xf32, #tpu.memory_space<hbm>>
    tpu.enqueue_indirect_dma source(%dma_start3A_63 : memref<65536x128xf32, #tpu.memory_space<hbm>>) target(%arg15 : memref<128x128xf32, #tpu.memory_space<vmem>>) offsets(%arg9 : memref<128xi32, #tpu.memory_space<vmem>>) semaphore(%arg20 : memref<!tpu.dma_semaphore, #tpu.memory_space<semaphore_mem>>)
    %dma_wait3A = arith.constant 0 : i32
    %dma_wait3A_64 = arith.constant 0 : i32
    %dma_wait3A_65 = tpu.memref_slice %arg2[%dma_wait3A, %dma_wait3A_64] : memref<65536x128xf32, #tpu.memory_space<hbm>> -> memref<65536x128xf32, #tpu.memory_space<hbm>>
    tpu.wait_indirect_dma semaphore(%arg17 : memref<!tpu.dma_semaphore, #tpu.memory_space<semaphore_mem>>) src(%dma_wait3A_65 : memref<65536x128xf32, #tpu.memory_space<hbm>>) dst(%arg12 : memref<128x128xf32, #tpu.memory_space<vmem>>)
    %dma_wait3A_66 = arith.constant 0 : i32
    %dma_wait3A_67 = arith.constant 0 : i32
    %dma_wait3A_68 = tpu.memref_slice %arg2[%dma_wait3A_66, %dma_wait3A_67] : memref<65536x128xf32, #tpu.memory_space<hbm>> -> memref<65536x128xf32, #tpu.memory_space<hbm>>
    tpu.wait_indirect_dma semaphore(%arg19 : memref<!tpu.dma_semaphore, #tpu.memory_space<semaphore_mem>>) src(%dma_wait3A_68 : memref<65536x128xf32, #tpu.memory_space<hbm>>) dst(%arg14 : memref<128x128xf32, #tpu.memory_space<vmem>>)
    %scan3A = arith.constant 0 : i32
    %scan3A_69 = arith.constant 0 : i32
    %scan3A_70 = arith.constant 128 : i32
    %scan3A_71 = arith.addi %scan3A_69, %scan3A_70 : i32
    %scan3A_72 = arith.constant 1 : i32
    %scan3A_73 = scf.for %scan3A_202 = %scan3A_69 to %scan3A_71 step %scan3A_72 iter_args(%scan3A_203 = %scan3A) -> (i32)  : i32 {
      %get3A = arith.index_cast %scan3A_202 : i32 to index
      %get3A_204 = arith.constant 0 : index
      %get3A_205 = tpu.vector_load %arg10[%get3A, %get3A_204] {strides = array<i32>} : memref<128x128xf32, #tpu.memory_space<vmem>>, vector<1x16xf32>,
      %get3A_206 = vector.shape_cast %get3A_205 : vector<1x16xf32> to vector<16xf32>
      %get3A_207 = arith.index_cast %scan3A_202 : i32 to index
      %get3A_208 = arith.constant 16 : index
      %get3A_209 = tpu.vector_load %arg10[%get3A_207, %get3A_208] {strides = array<i32>} : memref<128x128xf32, #tpu.memory_space<vmem>>, vector<1x16xf32>,
      %get3A_210 = vector.shape_cast %get3A_209 : vector<1x16xf32> to vector<16xf32>
      %get3A_211 = arith.index_cast %scan3A_202 : i32 to index
      %get3A_212 = arith.constant 0 : index
      %get3A_213 = tpu.vector_load %arg12[%get3A_211, %get3A_212] {strides = array<i32>} : memref<128x128xf32, #tpu.memory_space<vmem>>, vector<1x16xf32>,
      %get3A_214 = vector.shape_cast %get3A_213 : vector<1x16xf32> to vector<16xf32>
      %mul3A_215 = arith.mulf %get3A_206, %get3A_214 : vector<16xf32>
      %get3A_216 = arith.index_cast %scan3A_202 : i32 to index
      %get3A_217 = arith.constant 0 : index
      %get3A_218 = tpu.vector_load %arg14[%get3A_216, %get3A_217] {strides = array<i32>} : memref<128x128xf32, #tpu.memory_space<vmem>>, vector<1x16xf32>,
      %get3A_219 = vector.shape_cast %get3A_218 : vector<1x16xf32> to vector<16xf32>
      %mul3A_220 = arith.mulf %get3A_210, %get3A_219 : vector<16xf32>
      %add3A_221 = arith.addf %mul3A_215, %mul3A_220 : vector<16xf32>
      %swap3A = arith.index_cast %scan3A_202 : i32 to index
      %swap3A_222 = arith.constant 0 : index
      %swap3A_223 = tpu.vector_load %arg16[%swap3A, %swap3A_222] {strides = array<i32>} : memref<128x100xf32, #tpu.memory_space<vmem>>, vector<1x16xf32>,
      %swap3A_224 = vector.shape_cast %swap3A_223 : vector<1x16xf32> to vector<16xf32>
      %swap3A_225 = vector.shape_cast %add3A_221 : vector<16xf32> to vector<1x16xf32>
      tpu.vector_store %arg16[%swap3A, %swap3A_222], %swap3A_225 {strides = array<i32>} : memref<128x100xf32, #tpu.memory_space<vmem>>, vector<1x16xf32>,
      %get3A_226 = arith.index_cast %scan3A_202 : i32 to index
      %get3A_227 = arith.constant 16 : index
      %get3A_228 = tpu.vector_load %arg12[%get3A_226, %get3A_227] {strides = array<i32>} : memref<128x128xf32, #tpu.memory_space<vmem>>, vector<1x16xf32>,
      %get3A_229 = vector.shape_cast %get3A_228 : vector<1x16xf32> to vector<16xf32>
      %mul3A_230 = arith.mulf %get3A_206, %get3A_229 : vector<16xf32>
      %get3A_231 = arith.index_cast %scan3A_202 : i32 to index
      %get3A_232 = arith.constant 16 : index
      %get3A_233 = tpu.vector_load %arg14[%get3A_231, %get3A_232] {strides = array<i32>} : memref<128x128xf32, #tpu.memory_space<vmem>>, vector<1x16xf32>,
      %get3A_234 = vector.shape_cast %get3A_233 : vector<1x16xf32> to vector<16xf32>
      %mul3A_235 = arith.mulf %get3A_210, %get3A_234 : vector<16xf32>
      %add3A_236 = arith.addf %mul3A_230, %mul3A_235 : vector<16xf32>
      %swap3A_237 = arith.index_cast %scan3A_202 : i32 to index
      %swap3A_238 = arith.constant 16 : index
      %swap3A_239 = tpu.vector_load %arg16[%swap3A_237, %swap3A_238] {strides = array<i32>} : memref<128x100xf32, #tpu.memory_space<vmem>>, vector<1x16xf32>,
      %swap3A_240 = vector.shape_cast %swap3A_239 : vector<1x16xf32> to vector<16xf32>
      %swap3A_241 = vector.shape_cast %add3A_236 : vector<16xf32> to vector<1x16xf32>
      tpu.vector_store %arg16[%swap3A_237, %swap3A_238], %swap3A_241 {strides = array<i32>} : memref<128x100xf32, #tpu.memory_space<vmem>>, vector<1x16xf32>,
      %get3A_242 = arith.index_cast %scan3A_202 : i32 to index
      %get3A_243 = arith.constant 32 : index
      %get3A_244 = tpu.vector_load %arg12[%get3A_242, %get3A_243] {strides = array<i32>} : memref<128x128xf32, #tpu.memory_space<vmem>>, vector<1x16xf32>,
      %get3A_245 = vector.shape_cast %get3A_244 : vector<1x16xf32> to vector<16xf32>
      %mul3A_246 = arith.mulf %get3A_206, %get3A_245 : vector<16xf32>
      %get3A_247 = arith.index_cast %scan3A_202 : i32 to index
      %get3A_248 = arith.constant 32 : index
      %get3A_249 = tpu.vector_load %arg14[%get3A_247, %get3A_248] {strides = array<i32>} : memref<128x128xf32, #tpu.memory_space<vmem>>, vector<1x16xf32>,
      %get3A_250 = vector.shape_cast %get3A_249 : vector<1x16xf32> to vector<16xf32>
      %mul3A_251 = arith.mulf %get3A_210, %get3A_250 : vector<16xf32>
      %add3A_252 = arith.addf %mul3A_246, %mul3A_251 : vector<16xf32>
      %swap3A_253 = arith.index_cast %scan3A_202 : i32 to index
      %swap3A_254 = arith.constant 32 : index
      %swap3A_255 = tpu.vector_load %arg16[%swap3A_253, %swap3A_254] {strides = array<i32>} : memref<128x100xf32, #tpu.memory_space<vmem>>, vector<1x16xf32>,
      %swap3A_256 = vector.shape_cast %swap3A_255 : vector<1x16xf32> to vector<16xf32>
      %swap3A_257 = vector.shape_cast %add3A_252 : vector<16xf32> to vector<1x16xf32>
      tpu.vector_store %arg16[%swap3A_253, %swap3A_254], %swap3A_257 {strides = array<i32>} : memref<128x100xf32, #tpu.memory_space<vmem>>, vector<1x16xf32>,
      %get3A_258 = arith.index_cast %scan3A_202 : i32 to index
      %get3A_259 = arith.constant 48 : index
      %get3A_260 = tpu.vector_load %arg12[%get3A_258, %get3A_259] {strides = array<i32>} : memref<128x128xf32, #tpu.memory_space<vmem>>, vector<1x16xf32>,
      %get3A_261 = vector.shape_cast %get3A_260 : vector<1x16xf32> to vector<16xf32>
      %mul3A_262 = arith.mulf %get3A_206, %get3A_261 : vector<16xf32>
      %get3A_263 = arith.index_cast %scan3A_202 : i32 to index
      %get3A_264 = arith.constant 48 : index
      %get3A_265 = tpu.vector_load %arg14[%get3A_263, %get3A_264] {strides = array<i32>} : memref<128x128xf32, #tpu.memory_space<vmem>>, vector<1x16xf32>,
      %get3A_266 = vector.shape_cast %get3A_265 : vector<1x16xf32> to vector<16xf32>
      %mul3A_267 = arith.mulf %get3A_210, %get3A_266 : vector<16xf32>
      %add3A_268 = arith.addf %mul3A_262, %mul3A_267 : vector<16xf32>
      %swap3A_269 = arith.index_cast %scan3A_202 : i32 to index
      %swap3A_270 = arith.constant 48 : index
      %swap3A_271 = tpu.vector_load %arg16[%swap3A_269, %swap3A_270] {strides = array<i32>} : memref<128x100xf32, #tpu.memory_space<vmem>>, vector<1x16xf32>,
      %swap3A_272 = vector.shape_cast %swap3A_271 : vector<1x16xf32> to vector<16xf32>
      %swap3A_273 = vector.shape_cast %add3A_268 : vector<16xf32> to vector<1x16xf32>
      tpu.vector_store %arg16[%swap3A_269, %swap3A_270], %swap3A_273 {strides = array<i32>} : memref<128x100xf32, #tpu.memory_space<vmem>>, vector<1x16xf32>,
      %get3A_274 = arith.index_cast %scan3A_202 : i32 to index
      %get3A_275 = arith.constant 64 : index
      %get3A_276 = tpu.vector_load %arg12[%get3A_274, %get3A_275] {strides = array<i32>} : memref<128x128xf32, #tpu.memory_space<vmem>>, vector<1x16xf32>,
      %get3A_277 = vector.shape_cast %get3A_276 : vector<1x16xf32> to vector<16xf32>
      %mul3A_278 = arith.mulf %get3A_206, %get3A_277 : vector<16xf32>
      %get3A_279 = arith.index_cast %scan3A_202 : i32 to index
      %get3A_280 = arith.constant 64 : index
      %get3A_281 = tpu.vector_load %arg14[%get3A_279, %get3A_280] {strides = array<i32>} : memref<128x128xf32, #tpu.memory_space<vmem>>, vector<1x16xf32>,
      %get3A_282 = vector.shape_cast %get3A_281 : vector<1x16xf32> to vector<16xf32>
      %mul3A_283 = arith.mulf %get3A_210, %get3A_282 : vector<16xf32>
      %add3A_284 = arith.addf %mul3A_278, %mul3A_283 : vector<16xf32>
      %swap3A_285 = arith.index_cast %scan3A_202 : i32 to index
      %swap3A_286 = arith.constant 64 : index
      %swap3A_287 = tpu.vector_load %arg16[%swap3A_285, %swap3A_286] {strides = array<i32>} : memref<128x100xf32, #tpu.memory_space<vmem>>, vector<1x16xf32>,
      %swap3A_288 = vector.shape_cast %swap3A_287 : vector<1x16xf32> to vector<16xf32>
      %swap3A_289 = vector.shape_cast %add3A_284 : vector<16xf32> to vector<1x16xf32>
      tpu.vector_store %arg16[%swap3A_285, %swap3A_286], %swap3A_289 {strides = array<i32>} : memref<128x100xf32, #tpu.memory_space<vmem>>, vector<1x16xf32>,
      %get3A_290 = arith.index_cast %scan3A_202 : i32 to index
      %get3A_291 = arith.constant 80 : index
      %get3A_292 = tpu.vector_load %arg12[%get3A_290, %get3A_291] {strides = array<i32>} : memref<128x128xf32, #tpu.memory_space<vmem>>, vector<1x16xf32>,
      %get3A_293 = vector.shape_cast %get3A_292 : vector<1x16xf32> to vector<16xf32>
      %mul3A_294 = arith.mulf %get3A_206, %get3A_293 : vector<16xf32>
      %get3A_295 = arith.index_cast %scan3A_202 : i32 to index
      %get3A_296 = arith.constant 80 : index
      %get3A_297 = tpu.vector_load %arg14[%get3A_295, %get3A_296] {strides = array<i32>} : memref<128x128xf32, #tpu.memory_space<vmem>>, vector<1x16xf32>,
      %get3A_298 = vector.shape_cast %get3A_297 : vector<1x16xf32> to vector<16xf32>
      %mul3A_299 = arith.mulf %get3A_210, %get3A_298 : vector<16xf32>
      %add3A_300 = arith.addf %mul3A_294, %mul3A_299 : vector<16xf32>
      %swap3A_301 = arith.index_cast %scan3A_202 : i32 to index
      %swap3A_302 = arith.constant 80 : index
      %swap3A_303 = tpu.vector_load %arg16[%swap3A_301, %swap3A_302] {strides = array<i32>} : memref<128x100xf32, #tpu.memory_space<vmem>>, vector<1x16xf32>,
      %swap3A_304 = vector.shape_cast %swap3A_303 : vector<1x16xf32> to vector<16xf32>
      %swap3A_305 = vector.shape_cast %add3A_300 : vector<16xf32> to vector<1x16xf32>
      tpu.vector_store %arg16[%swap3A_301, %swap3A_302], %swap3A_305 {strides = array<i32>} : memref<128x100xf32, #tpu.memory_space<vmem>>, vector<1x16xf32>,
      %get3A_306 = arith.index_cast %scan3A_202 : i32 to index
      %get3A_307 = arith.constant 84 : index
      %get3A_308 = tpu.vector_load %arg12[%get3A_306, %get3A_307] {strides = array<i32>} : memref<128x128xf32, #tpu.memory_space<vmem>>, vector<1x16xf32>,
      %get3A_309 = vector.shape_cast %get3A_308 : vector<1x16xf32> to vector<16xf32>
      %mul3A_310 = arith.mulf %get3A_206, %get3A_309 : vector<16xf32>
      %get3A_311 = arith.index_cast %scan3A_202 : i32 to index
      %get3A_312 = arith.constant 84 : index
      %get3A_313 = tpu.vector_load %arg14[%get3A_311, %get3A_312] {strides = array<i32>} : memref<128x128xf32, #tpu.memory_space<vmem>>, vector<1x16xf32>,
      %get3A_314 = vector.shape_cast %get3A_313 : vector<1x16xf32> to vector<16xf32>
      %mul3A_315 = arith.mulf %get3A_210, %get3A_314 : vector<16xf32>
      %add3A_316 = arith.addf %mul3A_310, %mul3A_315 : vector<16xf32>
      %swap3A_317 = arith.index_cast %scan3A_202 : i32 to index
      %swap3A_318 = arith.constant 84 : index
      %swap3A_319 = tpu.vector_load %arg16[%swap3A_317, %swap3A_318] {strides = array<i32>} : memref<128x100xf32, #tpu.memory_space<vmem>>, vector<1x16xf32>,
      %swap3A_320 = vector.shape_cast %swap3A_319 : vector<1x16xf32> to vector<16xf32>
      %swap3A_321 = vector.shape_cast %add3A_316 : vector<16xf32> to vector<1x16xf32>
      tpu.vector_store %arg16[%swap3A_317, %swap3A_318], %swap3A_321 {strides = array<i32>} : memref<128x100xf32, #tpu.memory_space<vmem>>, vector<1x16xf32>,
      %scan3A_322 = arith.constant 0 : i32
      scf.yield %scan3A_322 : i32
    }
    %scan3A_74 = arith.constant 128 : i32
    %mul3A_75 = arith.constant 512 : i32
    %mul3A_76 = arith.muli %add3A, %mul3A_75 : i32
    %add3A_77 = arith.constant 0 : i32
    %add3A_78 = arith.addi %mul3A_76, %add3A_77 : i32
    "tpu.region"() ({
      %run_scoped3A = tpu.sem_alloc : memref<!tpu.dma_semaphore, #tpu.memory_space<semaphore_mem>>
      %dma_start3A_202 = arith.constant 0 : i32
      %dma_start3A_203 = tpu.memref_slice %arg5[%add3A_78, %dma_start3A_202] : memref<16384x100xf32, #tpu.memory_space<hbm>> -> memref<128x100xf32, #tpu.memory_space<hbm>>
      %dma_start3A_204 = arith.constant 0 : i32
      %dma_start3A_205 = tpu.memref_slice %arg5[%add3A_78, %dma_start3A_204] : memref<16384x100xf32, #tpu.memory_space<hbm>> -> memref<128x100xf32, #tpu.memory_space<hbm>>
      tpu.enqueue_dma source(%arg16 : memref<128x100xf32, #tpu.memory_space<vmem>>) target(%dma_start3A_205 : memref<128x100xf32, #tpu.memory_space<hbm>>) target_semaphore(%run_scoped3A : memref<!tpu.dma_semaphore, #tpu.memory_space<semaphore_mem>>)
      %dma_wait3A_206 = arith.constant 0 : i32
      %dma_wait3A_207 = tpu.memref_slice %arg5[%add3A_78, %dma_wait3A_206] : memref<16384x100xf32, #tpu.memory_space<hbm>> -> memref<128x100xf32, #tpu.memory_space<hbm>>
      %dma_wait3A_208 = arith.constant 0 : i32
      %dma_wait3A_209 = tpu.memref_slice %arg5[%add3A_78, %dma_wait3A_208] : memref<16384x100xf32, #tpu.memory_space<hbm>> -> memref<128x100xf32, #tpu.memory_space<hbm>>
      tpu.wait_dma2 semaphore(%run_scoped3A : memref<!tpu.dma_semaphore, #tpu.memory_space<semaphore_mem>>) src(%arg16 : memref<128x100xf32, #tpu.memory_space<vmem>>) dst(%dma_wait3A_209 : memref<128x100xf32, #tpu.memory_space<hbm>>)
      tpu.yield
    }) : () -> ()
    %mul3A_79 = arith.constant 512 : i32
    %mul3A_80 = arith.muli %add3A, %mul3A_79 : i32
    %add3A_81 = arith.constant 256 : i32
    %add3A_82 = arith.addi %mul3A_80, %add3A_81 : i32
    %jit3A_83 = arith.constant 128 : i32
    %div3A_84 = arith.divsi %add3A_82, %jit3A_83 : i32
    %sign3A_85 = arith.constant 0 : i32
    %sign3A_86 = arith.cmpi sgt, %add3A_82, %sign3A_85 : i32
    %sign3A_87 = arith.extui %sign3A_86 : i1 to i32
    %sign3A_88 = arith.constant 0 : i32
    %sign3A_89 = arith.cmpi slt, %add3A_82, %sign3A_88 : i32
    %sign3A_90 = arith.extui %sign3A_89 : i1 to i32
    %sign3A_91 = arith.subi %sign3A_87, %sign3A_90 : i32
    %sign3A_92 = arith.constant 0 : i32
    %sign3A_93 = arith.cmpi sgt, %jit3A_83, %sign3A_92 : i32
    %sign3A_94 = arith.extui %sign3A_93 : i1 to i32
    %sign3A_95 = arith.constant 0 : i32
    %sign3A_96 = arith.cmpi slt, %jit3A_83, %sign3A_95 : i32
    %sign3A_97 = arith.extui %sign3A_96 : i1 to i32
    %sign3A_98 = arith.subi %sign3A_94, %sign3A_97 : i32
    %ne3A_99 = arith.cmpi ne, %sign3A_91, %sign3A_98 : i32
    %rem3A_100 = arith.remsi %add3A_82, %jit3A_83 : i32
    %ne3A_101 = arith.constant 0 : i32
    %ne3A_102 = arith.cmpi ne, %rem3A_100, %ne3A_101 : i32
    %and3A_103 = arith.andi %ne3A_99, %ne3A_102 : i1
    %sub3A_104 = arith.constant 1 : i32
    %sub3A_105 = arith.subi %div3A_84, %sub3A_104 : i32
    %select_n3A_106 = arith.select %and3A_103, %sub3A_105, %div3A_84 : i32
    "tpu.region"() ({
      %run_scoped3A = tpu.sem_alloc : memref<!tpu.dma_semaphore, #tpu.memory_space<semaphore_mem>>
      %dma_start3A_202 = arith.constant 0 : i32
      %dma_start3A_203 = tpu.memref_slice %arg3[%select_n3A_106, %dma_start3A_202] : memref<256x128xi32, #tpu.memory_space<hbm>> -> memref<1x128xi32, #tpu.memory_space<hbm>>
      %dma_start3A_204 = tpu.memref_squeeze %dma_start3A_203 : memref<1x128xi32, #tpu.memory_space<hbm>> -> memref<128xi32, #tpu.memory_space<hbm>>
      %dma_start3A_205 = arith.constant 0 : i32
      %dma_start3A_206 = tpu.memref_slice %arg3[%select_n3A_106, %dma_start3A_205] : memref<256x128xi32, #tpu.memory_space<hbm>> -> memref<1x128xi32, #tpu.memory_space<hbm>>
      %dma_start3A_207 = tpu.memref_squeeze %dma_start3A_206 : memref<1x128xi32, #tpu.memory_space<hbm>> -> memref<128xi32, #tpu.memory_space<hbm>>
      tpu.enqueue_dma source(%dma_start3A_207 : memref<128xi32, #tpu.memory_space<hbm>>) target(%arg6 : memref<128xi32, #tpu.memory_space<vmem>>) target_semaphore(%run_scoped3A : memref<!tpu.dma_semaphore, #tpu.memory_space<semaphore_mem>>)
      %dma_wait3A_208 = arith.constant 0 : i32
      %dma_wait3A_209 = tpu.memref_slice %arg3[%select_n3A_106, %dma_wait3A_208] : memref<256x128xi32, #tpu.memory_space<hbm>> -> memref<1x128xi32, #tpu.memory_space<hbm>>
      %dma_wait3A_210 = tpu.memref_squeeze %dma_wait3A_209 : memref<1x128xi32, #tpu.memory_space<hbm>> -> memref<128xi32, #tpu.memory_space<hbm>>
      %dma_wait3A_211 = arith.constant 0 : i32
      %dma_wait3A_212 = tpu.memref_slice %arg3[%select_n3A_106, %dma_wait3A_211] : memref<256x128xi32, #tpu.memory_space<hbm>> -> memref<1x128xi32, #tpu.memory_space<hbm>>
      %dma_wait3A_213 = tpu.memref_squeeze %dma_wait3A_212 : memref<1x128xi32, #tpu.memory_space<hbm>> -> memref<128xi32, #tpu.memory_space<hbm>>
      tpu.wait_dma2 semaphore(%run_scoped3A : memref<!tpu.dma_semaphore, #tpu.memory_space<semaphore_mem>>) src(%dma_wait3A_213 : memref<128xi32, #tpu.memory_space<hbm>>) dst(%arg6 : memref<128xi32, #tpu.memory_space<vmem>>)
      tpu.yield
    }) : () -> ()
    %add3A_107 = arith.constant 128 : i32
    %add3A_108 = arith.addi %add3A_107, %select_n3A_106 : i32
    "tpu.region"() ({
      %run_scoped3A = tpu.sem_alloc : memref<!tpu.dma_semaphore, #tpu.memory_space<semaphore_mem>>
      %dma_start3A_202 = arith.constant 0 : i32
      %dma_start3A_203 = tpu.memref_slice %arg3[%add3A_108, %dma_start3A_202] : memref<256x128xi32, #tpu.memory_space<hbm>> -> memref<1x128xi32, #tpu.memory_space<hbm>>
      %dma_start3A_204 = tpu.memref_squeeze %dma_start3A_203 : memref<1x128xi32, #tpu.memory_space<hbm>> -> memref<128xi32, #tpu.memory_space<hbm>>
      %dma_start3A_205 = arith.constant 0 : i32
      %dma_start3A_206 = tpu.memref_slice %arg3[%add3A_108, %dma_start3A_205] : memref<256x128xi32, #tpu.memory_space<hbm>> -> memref<1x128xi32, #tpu.memory_space<hbm>>
      %dma_start3A_207 = tpu.memref_squeeze %dma_start3A_206 : memref<1x128xi32, #tpu.memory_space<hbm>> -> memref<128xi32, #tpu.memory_space<hbm>>
      tpu.enqueue_dma source(%dma_start3A_207 : memref<128xi32, #tpu.memory_space<hbm>>) target(%arg8 : memref<128xi32, #tpu.memory_space<vmem>>) target_semaphore(%run_scoped3A : memref<!tpu.dma_semaphore, #tpu.memory_space<semaphore_mem>>)
      %dma_wait3A_208 = arith.constant 0 : i32
      %dma_wait3A_209 = tpu.memref_slice %arg3[%add3A_108, %dma_wait3A_208] : memref<256x128xi32, #tpu.memory_space<hbm>> -> memref<1x128xi32, #tpu.memory_space<hbm>>
      %dma_wait3A_210 = tpu.memref_squeeze %dma_wait3A_209 : memref<1x128xi32, #tpu.memory_space<hbm>> -> memref<128xi32, #tpu.memory_space<hbm>>
      %dma_wait3A_211 = arith.constant 0 : i32
      %dma_wait3A_212 = tpu.memref_slice %arg3[%add3A_108, %dma_wait3A_211] : memref<256x128xi32, #tpu.memory_space<hbm>> -> memref<1x128xi32, #tpu.memory_space<hbm>>
      %dma_wait3A_213 = tpu.memref_squeeze %dma_wait3A_212 : memref<1x128xi32, #tpu.memory_space<hbm>> -> memref<128xi32, #tpu.memory_space<hbm>>
      tpu.wait_dma2 semaphore(%run_scoped3A : memref<!tpu.dma_semaphore, #tpu.memory_space<semaphore_mem>>) src(%dma_wait3A_213 : memref<128xi32, #tpu.memory_space<hbm>>) dst(%arg8 : memref<128xi32, #tpu.memory_space<vmem>>)
      tpu.yield
    }) : () -> ()
    "tpu.region"() ({
      %run_scoped3A = tpu.sem_alloc : memref<!tpu.dma_semaphore, #tpu.memory_space<semaphore_mem>>
      %dma_start3A_202 = arith.constant 0 : i32
      %dma_start3A_203 = tpu.memref_slice %arg4[%add3A_82, %dma_start3A_202] : memref<16384x128xf32, #tpu.memory_space<hbm>> -> memref<128x128xf32, #tpu.memory_space<hbm>>
      %dma_start3A_204 = arith.constant 0 : i32
      %dma_start3A_205 = tpu.memref_slice %arg4[%add3A_82, %dma_start3A_204] : memref<16384x128xf32, #tpu.memory_space<hbm>> -> memref<128x128xf32, #tpu.memory_space<hbm>>
      tpu.enqueue_dma source(%dma_start3A_205 : memref<128x128xf32, #tpu.memory_space<hbm>>) target(%arg10 : memref<128x128xf32, #tpu.memory_space<vmem>>) target_semaphore(%run_scoped3A : memref<!tpu.dma_semaphore, #tpu.memory_space<semaphore_mem>>)
      %dma_wait3A_206 = arith.constant 0 : i32
      %dma_wait3A_207 = tpu.memref_slice %arg4[%add3A_82, %dma_wait3A_206] : memref<16384x128xf32, #tpu.memory_space<hbm>> -> memref<128x128xf32, #tpu.memory_space<hbm>>
      %dma_wait3A_208 = arith.constant 0 : i32
      %dma_wait3A_209 = tpu.memref_slice %arg4[%add3A_82, %dma_wait3A_208] : memref<16384x128xf32, #tpu.memory_space<hbm>> -> memref<128x128xf32, #tpu.memory_space<hbm>>
      tpu.wait_dma2 semaphore(%run_scoped3A : memref<!tpu.dma_semaphore, #tpu.memory_space<semaphore_mem>>) src(%dma_wait3A_209 : memref<128x128xf32, #tpu.memory_space<hbm>>) dst(%arg10 : memref<128x128xf32, #tpu.memory_space<vmem>>)
      tpu.yield
    }) : () -> ()
    %dma_start3A_109 = arith.constant 0 : i32
    %dma_start3A_110 = arith.constant 0 : i32
    %dma_start3A_111 = tpu.memref_slice %arg2[%dma_start3A_109, %dma_start3A_110] : memref<65536x128xf32, #tpu.memory_space<hbm>> -> memref<65536x128xf32, #tpu.memory_space<hbm>>
    tpu.enqueue_indirect_dma source(%dma_start3A_111 : memref<65536x128xf32, #tpu.memory_space<hbm>>) target(%arg12 : memref<128x128xf32, #tpu.memory_space<vmem>>) offsets(%arg6 : memref<128xi32, #tpu.memory_space<vmem>>) semaphore(%arg17 : memref<!tpu.dma_semaphore, #tpu.memory_space<semaphore_mem>>)
    %dma_start3A_112 = arith.constant 0 : i32
    %dma_start3A_113 = arith.constant 0 : i32
    %dma_start3A_114 = tpu.memref_slice %arg2[%dma_start3A_112, %dma_start3A_113] : memref<65536x128xf32, #tpu.memory_space<hbm>> -> memref<65536x128xf32, #tpu.memory_space<hbm>>
    tpu.enqueue_indirect_dma source(%dma_start3A_114 : memref<65536x128xf32, #tpu.memory_space<hbm>>) target(%arg14 : memref<128x128xf32, #tpu.memory_space<vmem>>) offsets(%arg8 : memref<128xi32, #tpu.memory_space<vmem>>) semaphore(%arg19 : memref<!tpu.dma_semaphore, #tpu.memory_space<semaphore_mem>>)
    %dma_wait3A_115 = arith.constant 0 : i32
    %dma_wait3A_116 = arith.constant 0 : i32
    %dma_wait3A_117 = tpu.memref_slice %arg2[%dma_wait3A_115, %dma_wait3A_116] : memref<65536x128xf32, #tpu.memory_space<hbm>> -> memref<65536x128xf32, #tpu.memory_space<hbm>>
    tpu.wait_indirect_dma semaphore(%arg18 : memref<!tpu.dma_semaphore, #tpu.memory_space<semaphore_mem>>) src(%dma_wait3A_117 : memref<65536x128xf32, #tpu.memory_space<hbm>>) dst(%arg13 : memref<128x128xf32, #tpu.memory_space<vmem>>)
    %dma_wait3A_118 = arith.constant 0 : i32
    %dma_wait3A_119 = arith.constant 0 : i32
    %dma_wait3A_120 = tpu.memref_slice %arg2[%dma_wait3A_118, %dma_wait3A_119] : memref<65536x128xf32, #tpu.memory_space<hbm>> -> memref<65536x128xf32, #tpu.memory_space<hbm>>
    tpu.wait_indirect_dma semaphore(%arg20 : memref<!tpu.dma_semaphore, #tpu.memory_space<semaphore_mem>>) src(%dma_wait3A_120 : memref<65536x128xf32, #tpu.memory_space<hbm>>) dst(%arg15 : memref<128x128xf32, #tpu.memory_space<vmem>>)
    %scan3A_121 = arith.constant 0 : i32
    %scan3A_122 = arith.constant 0 : i32
    %scan3A_123 = arith.constant 128 : i32
    %scan3A_124 = arith.addi %scan3A_122, %scan3A_123 : i32
    %scan3A_125 = arith.constant 1 : i32
    %scan3A_126 = scf.for %scan3A_202 = %scan3A_122 to %scan3A_124 step %scan3A_125 iter_args(%scan3A_203 = %scan3A_121) -> (i32)  : i32 {
      %get3A = arith.index_cast %scan3A_202 : i32 to index
      %get3A_204 = arith.constant 0 : index
      %get3A_205 = tpu.vector_load %arg11[%get3A, %get3A_204] {strides = array<i32>} : memref<128x128xf32, #tpu.memory_space<vmem>>, vector<1x16xf32>,
      %get3A_206 = vector.shape_cast %get3A_205 : vector<1x16xf32> to vector<16xf32>
      %get3A_207 = arith.index_cast %scan3A_202 : i32 to index
      %get3A_208 = arith.constant 16 : index
      %get3A_209 = tpu.vector_load %arg11[%get3A_207, %get3A_208] {strides = array<i32>} : memref<128x128xf32, #tpu.memory_space<vmem>>, vector<1x16xf32>,
      %get3A_210 = vector.shape_cast %get3A_209 : vector<1x16xf32> to vector<16xf32>
      %get3A_211 = arith.index_cast %scan3A_202 : i32 to index
      %get3A_212 = arith.constant 0 : index
      %get3A_213 = tpu.vector_load %arg13[%get3A_211, %get3A_212] {strides = array<i32>} : memref<128x128xf32, #tpu.memory_space<vmem>>, vector<1x16xf32>,
      %get3A_214 = vector.shape_cast %get3A_213 : vector<1x16xf32> to vector<16xf32>
      %mul3A_215 = arith.mulf %get3A_206, %get3A_214 : vector<16xf32>
      %get3A_216 = arith.index_cast %scan3A_202 : i32 to index
      %get3A_217 = arith.constant 0 : index
      %get3A_218 = tpu.vector_load %arg15[%get3A_216, %get3A_217] {strides = array<i32>} : memref<128x128xf32, #tpu.memory_space<vmem>>, vector<1x16xf32>,
      %get3A_219 = vector.shape_cast %get3A_218 : vector<1x16xf32> to vector<16xf32>
      %mul3A_220 = arith.mulf %get3A_210, %get3A_219 : vector<16xf32>
      %add3A_221 = arith.addf %mul3A_215, %mul3A_220 : vector<16xf32>
      %swap3A = arith.index_cast %scan3A_202 : i32 to index
      %swap3A_222 = arith.constant 0 : index
      %swap3A_223 = tpu.vector_load %arg16[%swap3A, %swap3A_222] {strides = array<i32>} : memref<128x100xf32, #tpu.memory_space<vmem>>, vector<1x16xf32>,
      %swap3A_224 = vector.shape_cast %swap3A_223 : vector<1x16xf32> to vector<16xf32>
      %swap3A_225 = vector.shape_cast %add3A_221 : vector<16xf32> to vector<1x16xf32>
      tpu.vector_store %arg16[%swap3A, %swap3A_222], %swap3A_225 {strides = array<i32>} : memref<128x100xf32, #tpu.memory_space<vmem>>, vector<1x16xf32>,
      %get3A_226 = arith.index_cast %scan3A_202 : i32 to index
      %get3A_227 = arith.constant 16 : index
      %get3A_228 = tpu.vector_load %arg13[%get3A_226, %get3A_227] {strides = array<i32>} : memref<128x128xf32, #tpu.memory_space<vmem>>, vector<1x16xf32>,
      %get3A_229 = vector.shape_cast %get3A_228 : vector<1x16xf32> to vector<16xf32>
      %mul3A_230 = arith.mulf %get3A_206, %get3A_229 : vector<16xf32>
      %get3A_231 = arith.index_cast %scan3A_202 : i32 to index
      %get3A_232 = arith.constant 16 : index
      %get3A_233 = tpu.vector_load %arg15[%get3A_231, %get3A_232] {strides = array<i32>} : memref<128x128xf32, #tpu.memory_space<vmem>>, vector<1x16xf32>,
      %get3A_234 = vector.shape_cast %get3A_233 : vector<1x16xf32> to vector<16xf32>
      %mul3A_235 = arith.mulf %get3A_210, %get3A_234 : vector<16xf32>
      %add3A_236 = arith.addf %mul3A_230, %mul3A_235 : vector<16xf32>
      %swap3A_237 = arith.index_cast %scan3A_202 : i32 to index
      %swap3A_238 = arith.constant 16 : index
      %swap3A_239 = tpu.vector_load %arg16[%swap3A_237, %swap3A_238] {strides = array<i32>} : memref<128x100xf32, #tpu.memory_space<vmem>>, vector<1x16xf32>,
      %swap3A_240 = vector.shape_cast %swap3A_239 : vector<1x16xf32> to vector<16xf32>
      %swap3A_241 = vector.shape_cast %add3A_236 : vector<16xf32> to vector<1x16xf32>
      tpu.vector_store %arg16[%swap3A_237, %swap3A_238], %swap3A_241 {strides = array<i32>} : memref<128x100xf32, #tpu.memory_space<vmem>>, vector<1x16xf32>,
      %get3A_242 = arith.index_cast %scan3A_202 : i32 to index
      %get3A_243 = arith.constant 32 : index
      %get3A_244 = tpu.vector_load %arg13[%get3A_242, %get3A_243] {strides = array<i32>} : memref<128x128xf32, #tpu.memory_space<vmem>>, vector<1x16xf32>,
      %get3A_245 = vector.shape_cast %get3A_244 : vector<1x16xf32> to vector<16xf32>
      %mul3A_246 = arith.mulf %get3A_206, %get3A_245 : vector<16xf32>
      %get3A_247 = arith.index_cast %scan3A_202 : i32 to index
      %get3A_248 = arith.constant 32 : index
      %get3A_249 = tpu.vector_load %arg15[%get3A_247, %get3A_248] {strides = array<i32>} : memref<128x128xf32, #tpu.memory_space<vmem>>, vector<1x16xf32>,
      %get3A_250 = vector.shape_cast %get3A_249 : vector<1x16xf32> to vector<16xf32>
      %mul3A_251 = arith.mulf %get3A_210, %get3A_250 : vector<16xf32>
      %add3A_252 = arith.addf %mul3A_246, %mul3A_251 : vector<16xf32>
      %swap3A_253 = arith.index_cast %scan3A_202 : i32 to index
      %swap3A_254 = arith.constant 32 : index
      %swap3A_255 = tpu.vector_load %arg16[%swap3A_253, %swap3A_254] {strides = array<i32>} : memref<128x100xf32, #tpu.memory_space<vmem>>, vector<1x16xf32>,
      %swap3A_256 = vector.shape_cast %swap3A_255 : vector<1x16xf32> to vector<16xf32>
      %swap3A_257 = vector.shape_cast %add3A_252 : vector<16xf32> to vector<1x16xf32>
      tpu.vector_store %arg16[%swap3A_253, %swap3A_254], %swap3A_257 {strides = array<i32>} : memref<128x100xf32, #tpu.memory_space<vmem>>, vector<1x16xf32>,
      %get3A_258 = arith.index_cast %scan3A_202 : i32 to index
      %get3A_259 = arith.constant 48 : index
      %get3A_260 = tpu.vector_load %arg13[%get3A_258, %get3A_259] {strides = array<i32>} : memref<128x128xf32, #tpu.memory_space<vmem>>, vector<1x16xf32>,
      %get3A_261 = vector.shape_cast %get3A_260 : vector<1x16xf32> to vector<16xf32>
      %mul3A_262 = arith.mulf %get3A_206, %get3A_261 : vector<16xf32>
      %get3A_263 = arith.index_cast %scan3A_202 : i32 to index
      %get3A_264 = arith.constant 48 : index
      %get3A_265 = tpu.vector_load %arg15[%get3A_263, %get3A_264] {strides = array<i32>} : memref<128x128xf32, #tpu.memory_space<vmem>>, vector<1x16xf32>,
      %get3A_266 = vector.shape_cast %get3A_265 : vector<1x16xf32> to vector<16xf32>
      %mul3A_267 = arith.mulf %get3A_210, %get3A_266 : vector<16xf32>
      %add3A_268 = arith.addf %mul3A_262, %mul3A_267 : vector<16xf32>
      %swap3A_269 = arith.index_cast %scan3A_202 : i32 to index
      %swap3A_270 = arith.constant 48 : index
      %swap3A_271 = tpu.vector_load %arg16[%swap3A_269, %swap3A_270] {strides = array<i32>} : memref<128x100xf32, #tpu.memory_space<vmem>>, vector<1x16xf32>,
      %swap3A_272 = vector.shape_cast %swap3A_271 : vector<1x16xf32> to vector<16xf32>
      %swap3A_273 = vector.shape_cast %add3A_268 : vector<16xf32> to vector<1x16xf32>
      tpu.vector_store %arg16[%swap3A_269, %swap3A_270], %swap3A_273 {strides = array<i32>} : memref<128x100xf32, #tpu.memory_space<vmem>>, vector<1x16xf32>,
      %get3A_274 = arith.index_cast %scan3A_202 : i32 to index
      %get3A_275 = arith.constant 64 : index
      %get3A_276 = tpu.vector_load %arg13[%get3A_274, %get3A_275] {strides = array<i32>} : memref<128x128xf32, #tpu.memory_space<vmem>>, vector<1x16xf32>,
      %get3A_277 = vector.shape_cast %get3A_276 : vector<1x16xf32> to vector<16xf32>
      %mul3A_278 = arith.mulf %get3A_206, %get3A_277 : vector<16xf32>
      %get3A_279 = arith.index_cast %scan3A_202 : i32 to index
      %get3A_280 = arith.constant 64 : index
      %get3A_281 = tpu.vector_load %arg15[%get3A_279, %get3A_280] {strides = array<i32>} : memref<128x128xf32, #tpu.memory_space<vmem>>, vector<1x16xf32>,
      %get3A_282 = vector.shape_cast %get3A_281 : vector<1x16xf32> to vector<16xf32>
      %mul3A_283 = arith.mulf %get3A_210, %get3A_282 : vector<16xf32>
      %add3A_284 = arith.addf %mul3A_278, %mul3A_283 : vector<16xf32>
      %swap3A_285 = arith.index_cast %scan3A_202 : i32 to index
      %swap3A_286 = arith.constant 64 : index
      %swap3A_287 = tpu.vector_load %arg16[%swap3A_285, %swap3A_286] {strides = array<i32>} : memref<128x100xf32, #tpu.memory_space<vmem>>, vector<1x16xf32>,
      %swap3A_288 = vector.shape_cast %swap3A_287 : vector<1x16xf32> to vector<16xf32>
      %swap3A_289 = vector.shape_cast %add3A_284 : vector<16xf32> to vector<1x16xf32>
      tpu.vector_store %arg16[%swap3A_285, %swap3A_286], %swap3A_289 {strides = array<i32>} : memref<128x100xf32, #tpu.memory_space<vmem>>, vector<1x16xf32>,
      %get3A_290 = arith.index_cast %scan3A_202 : i32 to index
      %get3A_291 = arith.constant 80 : index
      %get3A_292 = tpu.vector_load %arg13[%get3A_290, %get3A_291] {strides = array<i32>} : memref<128x128xf32, #tpu.memory_space<vmem>>, vector<1x16xf32>,
      %get3A_293 = vector.shape_cast %get3A_292 : vector<1x16xf32> to vector<16xf32>
      %mul3A_294 = arith.mulf %get3A_206, %get3A_293 : vector<16xf32>
      %get3A_295 = arith.index_cast %scan3A_202 : i32 to index
      %get3A_296 = arith.constant 80 : index
      %get3A_297 = tpu.vector_load %arg15[%get3A_295, %get3A_296] {strides = array<i32>} : memref<128x128xf32, #tpu.memory_space<vmem>>, vector<1x16xf32>,
      %get3A_298 = vector.shape_cast %get3A_297 : vector<1x16xf32> to vector<16xf32>
      %mul3A_299 = arith.mulf %get3A_210, %get3A_298 : vector<16xf32>
      %add3A_300 = arith.addf %mul3A_294, %mul3A_299 : vector<16xf32>
      %swap3A_301 = arith.index_cast %scan3A_202 : i32 to index
      %swap3A_302 = arith.constant 80 : index
      %swap3A_303 = tpu.vector_load %arg16[%swap3A_301, %swap3A_302] {strides = array<i32>} : memref<128x100xf32, #tpu.memory_space<vmem>>, vector<1x16xf32>,
      %swap3A_304 = vector.shape_cast %swap3A_303 : vector<1x16xf32> to vector<16xf32>
      %swap3A_305 = vector.shape_cast %add3A_300 : vector<16xf32> to vector<1x16xf32>
      tpu.vector_store %arg16[%swap3A_301, %swap3A_302], %swap3A_305 {strides = array<i32>} : memref<128x100xf32, #tpu.memory_space<vmem>>, vector<1x16xf32>,
      %get3A_306 = arith.index_cast %scan3A_202 : i32 to index
      %get3A_307 = arith.constant 84 : index
      %get3A_308 = tpu.vector_load %arg13[%get3A_306, %get3A_307] {strides = array<i32>} : memref<128x128xf32, #tpu.memory_space<vmem>>, vector<1x16xf32>,
      %get3A_309 = vector.shape_cast %get3A_308 : vector<1x16xf32> to vector<16xf32>
      %mul3A_310 = arith.mulf %get3A_206, %get3A_309 : vector<16xf32>
      %get3A_311 = arith.index_cast %scan3A_202 : i32 to index
      %get3A_312 = arith.constant 84 : index
      %get3A_313 = tpu.vector_load %arg15[%get3A_311, %get3A_312] {strides = array<i32>} : memref<128x128xf32, #tpu.memory_space<vmem>>, vector<1x16xf32>,
      %get3A_314 = vector.shape_cast %get3A_313 : vector<1x16xf32> to vector<16xf32>
      %mul3A_315 = arith.mulf %get3A_210, %get3A_314 : vector<16xf32>
      %add3A_316 = arith.addf %mul3A_310, %mul3A_315 : vector<16xf32>
      %swap3A_317 = arith.index_cast %scan3A_202 : i32 to index
      %swap3A_318 = arith.constant 84 : index
      %swap3A_319 = tpu.vector_load %arg16[%swap3A_317, %swap3A_318] {strides = array<i32>} : memref<128x100xf32, #tpu.memory_space<vmem>>, vector<1x16xf32>,
      %swap3A_320 = vector.shape_cast %swap3A_319 : vector<1x16xf32> to vector<16xf32>
      %swap3A_321 = vector.shape_cast %add3A_316 : vector<16xf32> to vector<1x16xf32>
      tpu.vector_store %arg16[%swap3A_317, %swap3A_318], %swap3A_321 {strides = array<i32>} : memref<128x100xf32, #tpu.memory_space<vmem>>, vector<1x16xf32>,
      %scan3A_322 = arith.constant 0 : i32
      scf.yield %scan3A_322 : i32
    }
    %scan3A_127 = arith.constant 128 : i32
    %mul3A_128 = arith.constant 512 : i32
    %mul3A_129 = arith.muli %add3A, %mul3A_128 : i32
    %add3A_130 = arith.constant 128 : i32
    %add3A_131 = arith.addi %mul3A_129, %add3A_130 : i32
    "tpu.region"() ({
      %run_scoped3A = tpu.sem_alloc : memref<!tpu.dma_semaphore, #tpu.memory_space<semaphore_mem>>
      %dma_start3A_202 = arith.constant 0 : i32
      %dma_start3A_203 = tpu.memref_slice %arg5[%add3A_131, %dma_start3A_202] : memref<16384x100xf32, #tpu.memory_space<hbm>> -> memref<128x100xf32, #tpu.memory_space<hbm>>
      %dma_start3A_204 = arith.constant 0 : i32
      %dma_start3A_205 = tpu.memref_slice %arg5[%add3A_131, %dma_start3A_204] : memref<16384x100xf32, #tpu.memory_space<hbm>> -> memref<128x100xf32, #tpu.memory_space<hbm>>
      tpu.enqueue_dma source(%arg16 : memref<128x100xf32, #tpu.memory_space<vmem>>) target(%dma_start3A_205 : memref<128x100xf32, #tpu.memory_space<hbm>>) target_semaphore(%run_scoped3A : memref<!tpu.dma_semaphore, #tpu.memory_space<semaphore_mem>>)
      %dma_wait3A_206 = arith.constant 0 : i32
      %dma_wait3A_207 = tpu.memref_slice %arg5[%add3A_131, %dma_wait3A_206] : memref<16384x100xf32, #tpu.memory_space<hbm>> -> memref<128x100xf32, #tpu.memory_space<hbm>>
      %dma_wait3A_208 = arith.constant 0 : i32
      %dma_wait3A_209 = tpu.memref_slice %arg5[%add3A_131, %dma_wait3A_208] : memref<16384x100xf32, #tpu.memory_space<hbm>> -> memref<128x100xf32, #tpu.memory_space<hbm>>
      tpu.wait_dma2 semaphore(%run_scoped3A : memref<!tpu.dma_semaphore, #tpu.memory_space<semaphore_mem>>) src(%arg16 : memref<128x100xf32, #tpu.memory_space<vmem>>) dst(%dma_wait3A_209 : memref<128x100xf32, #tpu.memory_space<hbm>>)
      tpu.yield
    }) : () -> ()
    %mul3A_132 = arith.constant 512 : i32
    %mul3A_133 = arith.muli %add3A, %mul3A_132 : i32
    %add3A_134 = arith.constant 384 : i32
    %add3A_135 = arith.addi %mul3A_133, %add3A_134 : i32
    %jit3A_136 = arith.constant 128 : i32
    %div3A_137 = arith.divsi %add3A_135, %jit3A_136 : i32
    %sign3A_138 = arith.constant 0 : i32
    %sign3A_139 = arith.cmpi sgt, %add3A_135, %sign3A_138 : i32
    %sign3A_140 = arith.extui %sign3A_139 : i1 to i32
    %sign3A_141 = arith.constant 0 : i32
    %sign3A_142 = arith.cmpi slt, %add3A_135, %sign3A_141 : i32
    %sign3A_143 = arith.extui %sign3A_142 : i1 to i32
    %sign3A_144 = arith.subi %sign3A_140, %sign3A_143 : i32
    %sign3A_145 = arith.constant 0 : i32
    %sign3A_146 = arith.cmpi sgt, %jit3A_136, %sign3A_145 : i32
    %sign3A_147 = arith.extui %sign3A_146 : i1 to i32
    %sign3A_148 = arith.constant 0 : i32
    %sign3A_149 = arith.cmpi slt, %jit3A_136, %sign3A_148 : i32
    %sign3A_150 = arith.extui %sign3A_149 : i1 to i32
    %sign3A_151 = arith.subi %sign3A_147, %sign3A_150 : i32
    %ne3A_152 = arith.cmpi ne, %sign3A_144, %sign3A_151 : i32
    %rem3A_153 = arith.remsi %add3A_135, %jit3A_136 : i32
    %ne3A_154 = arith.constant 0 : i32
    %ne3A_155 = arith.cmpi ne, %rem3A_153, %ne3A_154 : i32
    %and3A_156 = arith.andi %ne3A_152, %ne3A_155 : i1
    %sub3A_157 = arith.constant 1 : i32
    %sub3A_158 = arith.subi %div3A_137, %sub3A_157 : i32
    %select_n3A_159 = arith.select %and3A_156, %sub3A_158, %div3A_137 : i32
    "tpu.region"() ({
      %run_scoped3A = tpu.sem_alloc : memref<!tpu.dma_semaphore, #tpu.memory_space<semaphore_mem>>
      %dma_start3A_202 = arith.constant 0 : i32
      %dma_start3A_203 = tpu.memref_slice %arg3[%select_n3A_159, %dma_start3A_202] : memref<256x128xi32, #tpu.memory_space<hbm>> -> memref<1x128xi32, #tpu.memory_space<hbm>>
      %dma_start3A_204 = tpu.memref_squeeze %dma_start3A_203 : memref<1x128xi32, #tpu.memory_space<hbm>> -> memref<128xi32, #tpu.memory_space<hbm>>
      %dma_start3A_205 = arith.constant 0 : i32
      %dma_start3A_206 = tpu.memref_slice %arg3[%select_n3A_159, %dma_start3A_205] : memref<256x128xi32, #tpu.memory_space<hbm>> -> memref<1x128xi32, #tpu.memory_space<hbm>>
      %dma_start3A_207 = tpu.memref_squeeze %dma_start3A_206 : memref<1x128xi32, #tpu.memory_space<hbm>> -> memref<128xi32, #tpu.memory_space<hbm>>
      tpu.enqueue_dma source(%dma_start3A_207 : memref<128xi32, #tpu.memory_space<hbm>>) target(%arg7 : memref<128xi32, #tpu.memory_space<vmem>>) target_semaphore(%run_scoped3A : memref<!tpu.dma_semaphore, #tpu.memory_space<semaphore_mem>>)
      %dma_wait3A_208 = arith.constant 0 : i32
      %dma_wait3A_209 = tpu.memref_slice %arg3[%select_n3A_159, %dma_wait3A_208] : memref<256x128xi32, #tpu.memory_space<hbm>> -> memref<1x128xi32, #tpu.memory_space<hbm>>
      %dma_wait3A_210 = tpu.memref_squeeze %dma_wait3A_209 : memref<1x128xi32, #tpu.memory_space<hbm>> -> memref<128xi32, #tpu.memory_space<hbm>>
      %dma_wait3A_211 = arith.constant 0 : i32
      %dma_wait3A_212 = tpu.memref_slice %arg3[%select_n3A_159, %dma_wait3A_211] : memref<256x128xi32, #tpu.memory_space<hbm>> -> memref<1x128xi32, #tpu.memory_space<hbm>>
      %dma_wait3A_213 = tpu.memref_squeeze %dma_wait3A_212 : memref<1x128xi32, #tpu.memory_space<hbm>> -> memref<128xi32, #tpu.memory_space<hbm>>
      tpu.wait_dma2 semaphore(%run_scoped3A : memref<!tpu.dma_semaphore, #tpu.memory_space<semaphore_mem>>) src(%dma_wait3A_213 : memref<128xi32, #tpu.memory_space<hbm>>) dst(%arg7 : memref<128xi32, #tpu.memory_space<vmem>>)
      tpu.yield
    }) : () -> ()
    %add3A_160 = arith.constant 128 : i32
    %add3A_161 = arith.addi %add3A_160, %select_n3A_159 : i32
    "tpu.region"() ({
      %run_scoped3A = tpu.sem_alloc : memref<!tpu.dma_semaphore, #tpu.memory_space<semaphore_mem>>
      %dma_start3A_202 = arith.constant 0 : i32
      %dma_start3A_203 = tpu.memref_slice %arg3[%add3A_161, %dma_start3A_202] : memref<256x128xi32, #tpu.memory_space<hbm>> -> memref<1x128xi32, #tpu.memory_space<hbm>>
      %dma_start3A_204 = tpu.memref_squeeze %dma_start3A_203 : memref<1x128xi32, #tpu.memory_space<hbm>> -> memref<128xi32, #tpu.memory_space<hbm>>
      %dma_start3A_205 = arith.constant 0 : i32
      %dma_start3A_206 = tpu.memref_slice %arg3[%add3A_161, %dma_start3A_205] : memref<256x128xi32, #tpu.memory_space<hbm>> -> memref<1x128xi32, #tpu.memory_space<hbm>>
      %dma_start3A_207 = tpu.memref_squeeze %dma_start3A_206 : memref<1x128xi32, #tpu.memory_space<hbm>> -> memref<128xi32, #tpu.memory_space<hbm>>
      tpu.enqueue_dma source(%dma_start3A_207 : memref<128xi32, #tpu.memory_space<hbm>>) target(%arg9 : memref<128xi32, #tpu.memory_space<vmem>>) target_semaphore(%run_scoped3A : memref<!tpu.dma_semaphore, #tpu.memory_space<semaphore_mem>>)
      %dma_wait3A_208 = arith.constant 0 : i32
      %dma_wait3A_209 = tpu.memref_slice %arg3[%add3A_161, %dma_wait3A_208] : memref<256x128xi32, #tpu.memory_space<hbm>> -> memref<1x128xi32, #tpu.memory_space<hbm>>
      %dma_wait3A_210 = tpu.memref_squeeze %dma_wait3A_209 : memref<1x128xi32, #tpu.memory_space<hbm>> -> memref<128xi32, #tpu.memory_space<hbm>>
      %dma_wait3A_211 = arith.constant 0 : i32
      %dma_wait3A_212 = tpu.memref_slice %arg3[%add3A_161, %dma_wait3A_211] : memref<256x128xi32, #tpu.memory_space<hbm>> -> memref<1x128xi32, #tpu.memory_space<hbm>>
      %dma_wait3A_213 = tpu.memref_squeeze %dma_wait3A_212 : memref<1x128xi32, #tpu.memory_space<hbm>> -> memref<128xi32, #tpu.memory_space<hbm>>
      tpu.wait_dma2 semaphore(%run_scoped3A : memref<!tpu.dma_semaphore, #tpu.memory_space<semaphore_mem>>) src(%dma_wait3A_213 : memref<128xi32, #tpu.memory_space<hbm>>) dst(%arg9 : memref<128xi32, #tpu.memory_space<vmem>>)
      tpu.yield
    }) : () -> ()
    "tpu.region"() ({
      %run_scoped3A = tpu.sem_alloc : memref<!tpu.dma_semaphore, #tpu.memory_space<semaphore_mem>>
      %dma_start3A_202 = arith.constant 0 : i32
      %dma_start3A_203 = tpu.memref_slice %arg4[%add3A_135, %dma_start3A_202] : memref<16384x128xf32, #tpu.memory_space<hbm>> -> memref<128x128xf32, #tpu.memory_space<hbm>>
      %dma_start3A_204 = arith.constant 0 : i32
      %dma_start3A_205 = tpu.memref_slice %arg4[%add3A_135, %dma_start3A_204] : memref<16384x128xf32, #tpu.memory_space<hbm>> -> memref<128x128xf32, #tpu.memory_space<hbm>>
      tpu.enqueue_dma source(%dma_start3A_205 : memref<128x128xf32, #tpu.memory_space<hbm>>) target(%arg11 : memref<128x128xf32, #tpu.memory_space<vmem>>) target_semaphore(%run_scoped3A : memref<!tpu.dma_semaphore, #tpu.memory_space<semaphore_mem>>)
      %dma_wait3A_206 = arith.constant 0 : i32
      %dma_wait3A_207 = tpu.memref_slice %arg4[%add3A_135, %dma_wait3A_206] : memref<16384x128xf32, #tpu.memory_space<hbm>> -> memref<128x128xf32, #tpu.memory_space<hbm>>
      %dma_wait3A_208 = arith.constant 0 : i32
      %dma_wait3A_209 = tpu.memref_slice %arg4[%add3A_135, %dma_wait3A_208] : memref<16384x128xf32, #tpu.memory_space<hbm>> -> memref<128x128xf32, #tpu.memory_space<hbm>>
      tpu.wait_dma2 semaphore(%run_scoped3A : memref<!tpu.dma_semaphore, #tpu.memory_space<semaphore_mem>>) src(%dma_wait3A_209 : memref<128x128xf32, #tpu.memory_space<hbm>>) dst(%arg11 : memref<128x128xf32, #tpu.memory_space<vmem>>)
      tpu.yield
    }) : () -> ()
    %dma_start3A_162 = arith.constant 0 : i32
    %dma_start3A_163 = arith.constant 0 : i32
    %dma_start3A_164 = tpu.memref_slice %arg2[%dma_start3A_162, %dma_start3A_163] : memref<65536x128xf32, #tpu.memory_space<hbm>> -> memref<65536x128xf32, #tpu.memory_space<hbm>>
    tpu.enqueue_indirect_dma source(%dma_start3A_164 : memref<65536x128xf32, #tpu.memory_space<hbm>>) target(%arg13 : memref<128x128xf32, #tpu.memory_space<vmem>>) offsets(%arg7 : memref<128xi32, #tpu.memory_space<vmem>>) semaphore(%arg18 : memref<!tpu.dma_semaphore, #tpu.memory_space<semaphore_mem>>)
    %dma_start3A_165 = arith.constant 0 : i32
    %dma_start3A_166 = arith.constant 0 : i32
    %dma_start3A_167 = tpu.memref_slice %arg2[%dma_start3A_165, %dma_start3A_166] : memref<65536x128xf32, #tpu.memory_space<hbm>> -> memref<65536x128xf32, #tpu.memory_space<hbm>>
    tpu.enqueue_indirect_dma source(%dma_start3A_167 : memref<65536x128xf32, #tpu.memory_space<hbm>>) target(%arg15 : memref<128x128xf32, #tpu.memory_space<vmem>>) offsets(%arg9 : memref<128xi32, #tpu.memory_space<vmem>>) semaphore(%arg20 : memref<!tpu.dma_semaphore, #tpu.memory_space<semaphore_mem>>)
    %dma_wait3A_168 = arith.constant 0 : i32
    %dma_wait3A_169 = arith.constant 0 : i32
    %dma_wait3A_170 = tpu.memref_slice %arg2[%dma_wait3A_168, %dma_wait3A_169] : memref<65536x128xf32, #tpu.memory_space<hbm>> -> memref<65536x128xf32, #tpu.memory_space<hbm>>
    tpu.wait_indirect_dma semaphore(%arg17 : memref<!tpu.dma_semaphore, #tpu.memory_space<semaphore_mem>>) src(%dma_wait3A_170 : memref<65536x128xf32, #tpu.memory_space<hbm>>) dst(%arg12 : memref<128x128xf32, #tpu.memory_space<vmem>>)
    %dma_wait3A_171 = arith.constant 0 : i32
    %dma_wait3A_172 = arith.constant 0 : i32
    %dma_wait3A_173 = tpu.memref_slice %arg2[%dma_wait3A_171, %dma_wait3A_172] : memref<65536x128xf32, #tpu.memory_space<hbm>> -> memref<65536x128xf32, #tpu.memory_space<hbm>>
    tpu.wait_indirect_dma semaphore(%arg19 : memref<!tpu.dma_semaphore, #tpu.memory_space<semaphore_mem>>) src(%dma_wait3A_173 : memref<65536x128xf32, #tpu.memory_space<hbm>>) dst(%arg14 : memref<128x128xf32, #tpu.memory_space<vmem>>)
    %scan3A_174 = arith.constant 0 : i32
    %scan3A_175 = arith.constant 0 : i32
    %scan3A_176 = arith.constant 128 : i32
    %scan3A_177 = arith.addi %scan3A_175, %scan3A_176 : i32
    %scan3A_178 = arith.constant 1 : i32
    %scan3A_179 = scf.for %scan3A_202 = %scan3A_175 to %scan3A_177 step %scan3A_178 iter_args(%scan3A_203 = %scan3A_174) -> (i32)  : i32 {
      %get3A = arith.index_cast %scan3A_202 : i32 to index
      %get3A_204 = arith.constant 0 : index
      %get3A_205 = tpu.vector_load %arg10[%get3A, %get3A_204] {strides = array<i32>} : memref<128x128xf32, #tpu.memory_space<vmem>>, vector<1x16xf32>,
      %get3A_206 = vector.shape_cast %get3A_205 : vector<1x16xf32> to vector<16xf32>
      %get3A_207 = arith.index_cast %scan3A_202 : i32 to index
      %get3A_208 = arith.constant 16 : index
      %get3A_209 = tpu.vector_load %arg10[%get3A_207, %get3A_208] {strides = array<i32>} : memref<128x128xf32, #tpu.memory_space<vmem>>, vector<1x16xf32>,
      %get3A_210 = vector.shape_cast %get3A_209 : vector<1x16xf32> to vector<16xf32>
      %get3A_211 = arith.index_cast %scan3A_202 : i32 to index
      %get3A_212 = arith.constant 0 : index
      %get3A_213 = tpu.vector_load %arg12[%get3A_211, %get3A_212] {strides = array<i32>} : memref<128x128xf32, #tpu.memory_space<vmem>>, vector<1x16xf32>,
      %get3A_214 = vector.shape_cast %get3A_213 : vector<1x16xf32> to vector<16xf32>
      %mul3A_215 = arith.mulf %get3A_206, %get3A_214 : vector<16xf32>
      %get3A_216 = arith.index_cast %scan3A_202 : i32 to index
      %get3A_217 = arith.constant 0 : index
      %get3A_218 = tpu.vector_load %arg14[%get3A_216, %get3A_217] {strides = array<i32>} : memref<128x128xf32, #tpu.memory_space<vmem>>, vector<1x16xf32>,
      %get3A_219 = vector.shape_cast %get3A_218 : vector<1x16xf32> to vector<16xf32>
      %mul3A_220 = arith.mulf %get3A_210, %get3A_219 : vector<16xf32>
      %add3A_221 = arith.addf %mul3A_215, %mul3A_220 : vector<16xf32>
      %swap3A = arith.index_cast %scan3A_202 : i32 to index
      %swap3A_222 = arith.constant 0 : index
      %swap3A_223 = tpu.vector_load %arg16[%swap3A, %swap3A_222] {strides = array<i32>} : memref<128x100xf32, #tpu.memory_space<vmem>>, vector<1x16xf32>,
      %swap3A_224 = vector.shape_cast %swap3A_223 : vector<1x16xf32> to vector<16xf32>
      %swap3A_225 = vector.shape_cast %add3A_221 : vector<16xf32> to vector<1x16xf32>
      tpu.vector_store %arg16[%swap3A, %swap3A_222], %swap3A_225 {strides = array<i32>} : memref<128x100xf32, #tpu.memory_space<vmem>>, vector<1x16xf32>,
      %get3A_226 = arith.index_cast %scan3A_202 : i32 to index
      %get3A_227 = arith.constant 16 : index
      %get3A_228 = tpu.vector_load %arg12[%get3A_226, %get3A_227] {strides = array<i32>} : memref<128x128xf32, #tpu.memory_space<vmem>>, vector<1x16xf32>,
      %get3A_229 = vector.shape_cast %get3A_228 : vector<1x16xf32> to vector<16xf32>
      %mul3A_230 = arith.mulf %get3A_206, %get3A_229 : vector<16xf32>
      %get3A_231 = arith.index_cast %scan3A_202 : i32 to index
      %get3A_232 = arith.constant 16 : index
      %get3A_233 = tpu.vector_load %arg14[%get3A_231, %get3A_232] {strides = array<i32>} : memref<128x128xf32, #tpu.memory_space<vmem>>, vector<1x16xf32>,
      %get3A_234 = vector.shape_cast %get3A_233 : vector<1x16xf32> to vector<16xf32>
      %mul3A_235 = arith.mulf %get3A_210, %get3A_234 : vector<16xf32>
      %add3A_236 = arith.addf %mul3A_230, %mul3A_235 : vector<16xf32>
      %swap3A_237 = arith.index_cast %scan3A_202 : i32 to index
      %swap3A_238 = arith.constant 16 : index
      %swap3A_239 = tpu.vector_load %arg16[%swap3A_237, %swap3A_238] {strides = array<i32>} : memref<128x100xf32, #tpu.memory_space<vmem>>, vector<1x16xf32>,
      %swap3A_240 = vector.shape_cast %swap3A_239 : vector<1x16xf32> to vector<16xf32>
      %swap3A_241 = vector.shape_cast %add3A_236 : vector<16xf32> to vector<1x16xf32>
      tpu.vector_store %arg16[%swap3A_237, %swap3A_238], %swap3A_241 {strides = array<i32>} : memref<128x100xf32, #tpu.memory_space<vmem>>, vector<1x16xf32>,
      %get3A_242 = arith.index_cast %scan3A_202 : i32 to index
      %get3A_243 = arith.constant 32 : index
      %get3A_244 = tpu.vector_load %arg12[%get3A_242, %get3A_243] {strides = array<i32>} : memref<128x128xf32, #tpu.memory_space<vmem>>, vector<1x16xf32>,
      %get3A_245 = vector.shape_cast %get3A_244 : vector<1x16xf32> to vector<16xf32>
      %mul3A_246 = arith.mulf %get3A_206, %get3A_245 : vector<16xf32>
      %get3A_247 = arith.index_cast %scan3A_202 : i32 to index
      %get3A_248 = arith.constant 32 : index
      %get3A_249 = tpu.vector_load %arg14[%get3A_247, %get3A_248] {strides = array<i32>} : memref<128x128xf32, #tpu.memory_space<vmem>>, vector<1x16xf32>,
      %get3A_250 = vector.shape_cast %get3A_249 : vector<1x16xf32> to vector<16xf32>
      %mul3A_251 = arith.mulf %get3A_210, %get3A_250 : vector<16xf32>
      %add3A_252 = arith.addf %mul3A_246, %mul3A_251 : vector<16xf32>
      %swap3A_253 = arith.index_cast %scan3A_202 : i32 to index
      %swap3A_254 = arith.constant 32 : index
      %swap3A_255 = tpu.vector_load %arg16[%swap3A_253, %swap3A_254] {strides = array<i32>} : memref<128x100xf32, #tpu.memory_space<vmem>>, vector<1x16xf32>,
      %swap3A_256 = vector.shape_cast %swap3A_255 : vector<1x16xf32> to vector<16xf32>
      %swap3A_257 = vector.shape_cast %add3A_252 : vector<16xf32> to vector<1x16xf32>
      tpu.vector_store %arg16[%swap3A_253, %swap3A_254], %swap3A_257 {strides = array<i32>} : memref<128x100xf32, #tpu.memory_space<vmem>>, vector<1x16xf32>,
      %get3A_258 = arith.index_cast %scan3A_202 : i32 to index
      %get3A_259 = arith.constant 48 : index
      %get3A_260 = tpu.vector_load %arg12[%get3A_258, %get3A_259] {strides = array<i32>} : memref<128x128xf32, #tpu.memory_space<vmem>>, vector<1x16xf32>,
      %get3A_261 = vector.shape_cast %get3A_260 : vector<1x16xf32> to vector<16xf32>
      %mul3A_262 = arith.mulf %get3A_206, %get3A_261 : vector<16xf32>
      %get3A_263 = arith.index_cast %scan3A_202 : i32 to index
      %get3A_264 = arith.constant 48 : index
      %get3A_265 = tpu.vector_load %arg14[%get3A_263, %get3A_264] {strides = array<i32>} : memref<128x128xf32, #tpu.memory_space<vmem>>, vector<1x16xf32>,
      %get3A_266 = vector.shape_cast %get3A_265 : vector<1x16xf32> to vector<16xf32>
      %mul3A_267 = arith.mulf %get3A_210, %get3A_266 : vector<16xf32>
      %add3A_268 = arith.addf %mul3A_262, %mul3A_267 : vector<16xf32>
      %swap3A_269 = arith.index_cast %scan3A_202 : i32 to index
      %swap3A_270 = arith.constant 48 : index
      %swap3A_271 = tpu.vector_load %arg16[%swap3A_269, %swap3A_270] {strides = array<i32>} : memref<128x100xf32, #tpu.memory_space<vmem>>, vector<1x16xf32>,
      %swap3A_272 = vector.shape_cast %swap3A_271 : vector<1x16xf32> to vector<16xf32>
      %swap3A_273 = vector.shape_cast %add3A_268 : vector<16xf32> to vector<1x16xf32>
      tpu.vector_store %arg16[%swap3A_269, %swap3A_270], %swap3A_273 {strides = array<i32>} : memref<128x100xf32, #tpu.memory_space<vmem>>, vector<1x16xf32>,
      %get3A_274 = arith.index_cast %scan3A_202 : i32 to index
      %get3A_275 = arith.constant 64 : index
      %get3A_276 = tpu.vector_load %arg12[%get3A_274, %get3A_275] {strides = array<i32>} : memref<128x128xf32, #tpu.memory_space<vmem>>, vector<1x16xf32>,
      %get3A_277 = vector.shape_cast %get3A_276 : vector<1x16xf32> to vector<16xf32>
      %mul3A_278 = arith.mulf %get3A_206, %get3A_277 : vector<16xf32>
      %get3A_279 = arith.index_cast %scan3A_202 : i32 to index
      %get3A_280 = arith.constant 64 : index
      %get3A_281 = tpu.vector_load %arg14[%get3A_279, %get3A_280] {strides = array<i32>} : memref<128x128xf32, #tpu.memory_space<vmem>>, vector<1x16xf32>,
      %get3A_282 = vector.shape_cast %get3A_281 : vector<1x16xf32> to vector<16xf32>
      %mul3A_283 = arith.mulf %get3A_210, %get3A_282 : vector<16xf32>
      %add3A_284 = arith.addf %mul3A_278, %mul3A_283 : vector<16xf32>
      %swap3A_285 = arith.index_cast %scan3A_202 : i32 to index
      %swap3A_286 = arith.constant 64 : index
      %swap3A_287 = tpu.vector_load %arg16[%swap3A_285, %swap3A_286] {strides = array<i32>} : memref<128x100xf32, #tpu.memory_space<vmem>>, vector<1x16xf32>,
      %swap3A_288 = vector.shape_cast %swap3A_287 : vector<1x16xf32> to vector<16xf32>
      %swap3A_289 = vector.shape_cast %add3A_284 : vector<16xf32> to vector<1x16xf32>
      tpu.vector_store %arg16[%swap3A_285, %swap3A_286], %swap3A_289 {strides = array<i32>} : memref<128x100xf32, #tpu.memory_space<vmem>>, vector<1x16xf32>,
      %get3A_290 = arith.index_cast %scan3A_202 : i32 to index
      %get3A_291 = arith.constant 80 : index
      %get3A_292 = tpu.vector_load %arg12[%get3A_290, %get3A_291] {strides = array<i32>} : memref<128x128xf32, #tpu.memory_space<vmem>>, vector<1x16xf32>,
      %get3A_293 = vector.shape_cast %get3A_292 : vector<1x16xf32> to vector<16xf32>
      %mul3A_294 = arith.mulf %get3A_206, %get3A_293 : vector<16xf32>
      %get3A_295 = arith.index_cast %scan3A_202 : i32 to index
      %get3A_296 = arith.constant 80 : index
      %get3A_297 = tpu.vector_load %arg14[%get3A_295, %get3A_296] {strides = array<i32>} : memref<128x128xf32, #tpu.memory_space<vmem>>, vector<1x16xf32>,
      %get3A_298 = vector.shape_cast %get3A_297 : vector<1x16xf32> to vector<16xf32>
      %mul3A_299 = arith.mulf %get3A_210, %get3A_298 : vector<16xf32>
      %add3A_300 = arith.addf %mul3A_294, %mul3A_299 : vector<16xf32>
      %swap3A_301 = arith.index_cast %scan3A_202 : i32 to index
      %swap3A_302 = arith.constant 80 : index
      %swap3A_303 = tpu.vector_load %arg16[%swap3A_301, %swap3A_302] {strides = array<i32>} : memref<128x100xf32, #tpu.memory_space<vmem>>, vector<1x16xf32>,
      %swap3A_304 = vector.shape_cast %swap3A_303 : vector<1x16xf32> to vector<16xf32>
      %swap3A_305 = vector.shape_cast %add3A_300 : vector<16xf32> to vector<1x16xf32>
      tpu.vector_store %arg16[%swap3A_301, %swap3A_302], %swap3A_305 {strides = array<i32>} : memref<128x100xf32, #tpu.memory_space<vmem>>, vector<1x16xf32>,
      %get3A_306 = arith.index_cast %scan3A_202 : i32 to index
      %get3A_307 = arith.constant 84 : index
      %get3A_308 = tpu.vector_load %arg12[%get3A_306, %get3A_307] {strides = array<i32>} : memref<128x128xf32, #tpu.memory_space<vmem>>, vector<1x16xf32>,
      %get3A_309 = vector.shape_cast %get3A_308 : vector<1x16xf32> to vector<16xf32>
      %mul3A_310 = arith.mulf %get3A_206, %get3A_309 : vector<16xf32>
      %get3A_311 = arith.index_cast %scan3A_202 : i32 to index
      %get3A_312 = arith.constant 84 : index
      %get3A_313 = tpu.vector_load %arg14[%get3A_311, %get3A_312] {strides = array<i32>} : memref<128x128xf32, #tpu.memory_space<vmem>>, vector<1x16xf32>,
      %get3A_314 = vector.shape_cast %get3A_313 : vector<1x16xf32> to vector<16xf32>
      %mul3A_315 = arith.mulf %get3A_210, %get3A_314 : vector<16xf32>
      %add3A_316 = arith.addf %mul3A_310, %mul3A_315 : vector<16xf32>
      %swap3A_317 = arith.index_cast %scan3A_202 : i32 to index
      %swap3A_318 = arith.constant 84 : index
      %swap3A_319 = tpu.vector_load %arg16[%swap3A_317, %swap3A_318] {strides = array<i32>} : memref<128x100xf32, #tpu.memory_space<vmem>>, vector<1x16xf32>,
      %swap3A_320 = vector.shape_cast %swap3A_319 : vector<1x16xf32> to vector<16xf32>
      %swap3A_321 = vector.shape_cast %add3A_316 : vector<16xf32> to vector<1x16xf32>
      tpu.vector_store %arg16[%swap3A_317, %swap3A_318], %swap3A_321 {strides = array<i32>} : memref<128x100xf32, #tpu.memory_space<vmem>>, vector<1x16xf32>,
      %scan3A_322 = arith.constant 0 : i32
      scf.yield %scan3A_322 : i32
    }
    %scan3A_180 = arith.constant 128 : i32
    %mul3A_181 = arith.constant 512 : i32
    %mul3A_182 = arith.muli %add3A, %mul3A_181 : i32
    %add3A_183 = arith.constant 256 : i32
    %add3A_184 = arith.addi %mul3A_182, %add3A_183 : i32
    "tpu.region"() ({
      %run_scoped3A = tpu.sem_alloc : memref<!tpu.dma_semaphore, #tpu.memory_space<semaphore_mem>>
      %dma_start3A_202 = arith.constant 0 : i32
      %dma_start3A_203 = tpu.memref_slice %arg5[%add3A_184, %dma_start3A_202] : memref<16384x100xf32, #tpu.memory_space<hbm>> -> memref<128x100xf32, #tpu.memory_space<hbm>>
      %dma_start3A_204 = arith.constant 0 : i32
      %dma_start3A_205 = tpu.memref_slice %arg5[%add3A_184, %dma_start3A_204] : memref<16384x100xf32, #tpu.memory_space<hbm>> -> memref<128x100xf32, #tpu.memory_space<hbm>>
      tpu.enqueue_dma source(%arg16 : memref<128x100xf32, #tpu.memory_space<vmem>>) target(%dma_start3A_205 : memref<128x100xf32, #tpu.memory_space<hbm>>) target_semaphore(%run_scoped3A : memref<!tpu.dma_semaphore, #tpu.memory_space<semaphore_mem>>)
      %dma_wait3A_206 = arith.constant 0 : i32
      %dma_wait3A_207 = tpu.memref_slice %arg5[%add3A_184, %dma_wait3A_206] : memref<16384x100xf32, #tpu.memory_space<hbm>> -> memref<128x100xf32, #tpu.memory_space<hbm>>
      %dma_wait3A_208 = arith.constant 0 : i32
      %dma_wait3A_209 = tpu.memref_slice %arg5[%add3A_184, %dma_wait3A_208] : memref<16384x100xf32, #tpu.memory_space<hbm>> -> memref<128x100xf32, #tpu.memory_space<hbm>>
      tpu.wait_dma2 semaphore(%run_scoped3A : memref<!tpu.dma_semaphore, #tpu.memory_space<semaphore_mem>>) src(%arg16 : memref<128x100xf32, #tpu.memory_space<vmem>>) dst(%dma_wait3A_209 : memref<128x100xf32, #tpu.memory_space<hbm>>)
      tpu.yield
    }) : () -> ()
    %dma_wait3A_185 = arith.constant 0 : i32
    %dma_wait3A_186 = arith.constant 0 : i32
    %dma_wait3A_187 = tpu.memref_slice %arg2[%dma_wait3A_185, %dma_wait3A_186] : memref<65536x128xf32, #tpu.memory_space<hbm>> -> memref<65536x128xf32, #tpu.memory_space<hbm>>
    tpu.wait_indirect_dma semaphore(%arg18 : memref<!tpu.dma_semaphore, #tpu.memory_space<semaphore_mem>>) src(%dma_wait3A_187 : memref<65536x128xf32, #tpu.memory_space<hbm>>) dst(%arg13 : memref<128x128xf32, #tpu.memory_space<vmem>>)
    %dma_wait3A_188 = arith.constant 0 : i32
    %dma_wait3A_189 = arith.constant 0 : i32
    %dma_wait3A_190 = tpu.memref_slice %arg2[%dma_wait3A_188, %dma_wait3A_189] : memref<65536x128xf32, #tpu.memory_space<hbm>> -> memref<65536x128xf32, #tpu.memory_space<hbm>>
    tpu.wait_indirect_dma semaphore(%arg20 : memref<!tpu.dma_semaphore, #tpu.memory_space<semaphore_mem>>) src(%dma_wait3A_190 : memref<65536x128xf32, #tpu.memory_space<hbm>>) dst(%arg15 : memref<128x128xf32, #tpu.memory_space<vmem>>)
    %scan3A_191 = arith.constant 0 : i32
    %scan3A_192 = arith.constant 0 : i32
    %scan3A_193 = arith.constant 128 : i32
    %scan3A_194 = arith.addi %scan3A_192, %scan3A_193 : i32
    %scan3A_195 = arith.constant 1 : i32
    %scan3A_196 = scf.for %scan3A_202 = %scan3A_192 to %scan3A_194 step %scan3A_195 iter_args(%scan3A_203 = %scan3A_191) -> (i32)  : i32 {
      %get3A = arith.index_cast %scan3A_202 : i32 to index
      %get3A_204 = arith.constant 0 : index
      %get3A_205 = tpu.vector_load %arg11[%get3A, %get3A_204] {strides = array<i32>} : memref<128x128xf32, #tpu.memory_space<vmem>>, vector<1x16xf32>,
      %get3A_206 = vector.shape_cast %get3A_205 : vector<1x16xf32> to vector<16xf32>
      %get3A_207 = arith.index_cast %scan3A_202 : i32 to index
      %get3A_208 = arith.constant 16 : index
      %get3A_209 = tpu.vector_load %arg11[%get3A_207, %get3A_208] {strides = array<i32>} : memref<128x128xf32, #tpu.memory_space<vmem>>, vector<1x16xf32>,
      %get3A_210 = vector.shape_cast %get3A_209 : vector<1x16xf32> to vector<16xf32>
      %get3A_211 = arith.index_cast %scan3A_202 : i32 to index
      %get3A_212 = arith.constant 0 : index
      %get3A_213 = tpu.vector_load %arg13[%get3A_211, %get3A_212] {strides = array<i32>} : memref<128x128xf32, #tpu.memory_space<vmem>>, vector<1x16xf32>,
      %get3A_214 = vector.shape_cast %get3A_213 : vector<1x16xf32> to vector<16xf32>
      %mul3A_215 = arith.mulf %get3A_206, %get3A_214 : vector<16xf32>
      %get3A_216 = arith.index_cast %scan3A_202 : i32 to index
      %get3A_217 = arith.constant 0 : index
      %get3A_218 = tpu.vector_load %arg15[%get3A_216, %get3A_217] {strides = array<i32>} : memref<128x128xf32, #tpu.memory_space<vmem>>, vector<1x16xf32>,
      %get3A_219 = vector.shape_cast %get3A_218 : vector<1x16xf32> to vector<16xf32>
      %mul3A_220 = arith.mulf %get3A_210, %get3A_219 : vector<16xf32>
      %add3A_221 = arith.addf %mul3A_215, %mul3A_220 : vector<16xf32>
      %swap3A = arith.index_cast %scan3A_202 : i32 to index
      %swap3A_222 = arith.constant 0 : index
      %swap3A_223 = tpu.vector_load %arg16[%swap3A, %swap3A_222] {strides = array<i32>} : memref<128x100xf32, #tpu.memory_space<vmem>>, vector<1x16xf32>,
      %swap3A_224 = vector.shape_cast %swap3A_223 : vector<1x16xf32> to vector<16xf32>
      %swap3A_225 = vector.shape_cast %add3A_221 : vector<16xf32> to vector<1x16xf32>
      tpu.vector_store %arg16[%swap3A, %swap3A_222], %swap3A_225 {strides = array<i32>} : memref<128x100xf32, #tpu.memory_space<vmem>>, vector<1x16xf32>,
      %get3A_226 = arith.index_cast %scan3A_202 : i32 to index
      %get3A_227 = arith.constant 16 : index
      %get3A_228 = tpu.vector_load %arg13[%get3A_226, %get3A_227] {strides = array<i32>} : memref<128x128xf32, #tpu.memory_space<vmem>>, vector<1x16xf32>,
      %get3A_229 = vector.shape_cast %get3A_228 : vector<1x16xf32> to vector<16xf32>
      %mul3A_230 = arith.mulf %get3A_206, %get3A_229 : vector<16xf32>
      %get3A_231 = arith.index_cast %scan3A_202 : i32 to index
      %get3A_232 = arith.constant 16 : index
      %get3A_233 = tpu.vector_load %arg15[%get3A_231, %get3A_232] {strides = array<i32>} : memref<128x128xf32, #tpu.memory_space<vmem>>, vector<1x16xf32>,
      %get3A_234 = vector.shape_cast %get3A_233 : vector<1x16xf32> to vector<16xf32>
      %mul3A_235 = arith.mulf %get3A_210, %get3A_234 : vector<16xf32>
      %add3A_236 = arith.addf %mul3A_230, %mul3A_235 : vector<16xf32>
      %swap3A_237 = arith.index_cast %scan3A_202 : i32 to index
      %swap3A_238 = arith.constant 16 : index
      %swap3A_239 = tpu.vector_load %arg16[%swap3A_237, %swap3A_238] {strides = array<i32>} : memref<128x100xf32, #tpu.memory_space<vmem>>, vector<1x16xf32>,
      %swap3A_240 = vector.shape_cast %swap3A_239 : vector<1x16xf32> to vector<16xf32>
      %swap3A_241 = vector.shape_cast %add3A_236 : vector<16xf32> to vector<1x16xf32>
      tpu.vector_store %arg16[%swap3A_237, %swap3A_238], %swap3A_241 {strides = array<i32>} : memref<128x100xf32, #tpu.memory_space<vmem>>, vector<1x16xf32>,
      %get3A_242 = arith.index_cast %scan3A_202 : i32 to index
      %get3A_243 = arith.constant 32 : index
      %get3A_244 = tpu.vector_load %arg13[%get3A_242, %get3A_243] {strides = array<i32>} : memref<128x128xf32, #tpu.memory_space<vmem>>, vector<1x16xf32>,
      %get3A_245 = vector.shape_cast %get3A_244 : vector<1x16xf32> to vector<16xf32>
      %mul3A_246 = arith.mulf %get3A_206, %get3A_245 : vector<16xf32>
      %get3A_247 = arith.index_cast %scan3A_202 : i32 to index
      %get3A_248 = arith.constant 32 : index
      %get3A_249 = tpu.vector_load %arg15[%get3A_247, %get3A_248] {strides = array<i32>} : memref<128x128xf32, #tpu.memory_space<vmem>>, vector<1x16xf32>,
      %get3A_250 = vector.shape_cast %get3A_249 : vector<1x16xf32> to vector<16xf32>
      %mul3A_251 = arith.mulf %get3A_210, %get3A_250 : vector<16xf32>
      %add3A_252 = arith.addf %mul3A_246, %mul3A_251 : vector<16xf32>
      %swap3A_253 = arith.index_cast %scan3A_202 : i32 to index
      %swap3A_254 = arith.constant 32 : index
      %swap3A_255 = tpu.vector_load %arg16[%swap3A_253, %swap3A_254] {strides = array<i32>} : memref<128x100xf32, #tpu.memory_space<vmem>>, vector<1x16xf32>,
      %swap3A_256 = vector.shape_cast %swap3A_255 : vector<1x16xf32> to vector<16xf32>
      %swap3A_257 = vector.shape_cast %add3A_252 : vector<16xf32> to vector<1x16xf32>
      tpu.vector_store %arg16[%swap3A_253, %swap3A_254], %swap3A_257 {strides = array<i32>} : memref<128x100xf32, #tpu.memory_space<vmem>>, vector<1x16xf32>,
      %get3A_258 = arith.index_cast %scan3A_202 : i32 to index
      %get3A_259 = arith.constant 48 : index
      %get3A_260 = tpu.vector_load %arg13[%get3A_258, %get3A_259] {strides = array<i32>} : memref<128x128xf32, #tpu.memory_space<vmem>>, vector<1x16xf32>,
      %get3A_261 = vector.shape_cast %get3A_260 : vector<1x16xf32> to vector<16xf32>
      %mul3A_262 = arith.mulf %get3A_206, %get3A_261 : vector<16xf32>
      %get3A_263 = arith.index_cast %scan3A_202 : i32 to index
      %get3A_264 = arith.constant 48 : index
      %get3A_265 = tpu.vector_load %arg15[%get3A_263, %get3A_264] {strides = array<i32>} : memref<128x128xf32, #tpu.memory_space<vmem>>, vector<1x16xf32>,
      %get3A_266 = vector.shape_cast %get3A_265 : vector<1x16xf32> to vector<16xf32>
      %mul3A_267 = arith.mulf %get3A_210, %get3A_266 : vector<16xf32>
      %add3A_268 = arith.addf %mul3A_262, %mul3A_267 : vector<16xf32>
      %swap3A_269 = arith.index_cast %scan3A_202 : i32 to index
      %swap3A_270 = arith.constant 48 : index
      %swap3A_271 = tpu.vector_load %arg16[%swap3A_269, %swap3A_270] {strides = array<i32>} : memref<128x100xf32, #tpu.memory_space<vmem>>, vector<1x16xf32>,
      %swap3A_272 = vector.shape_cast %swap3A_271 : vector<1x16xf32> to vector<16xf32>
      %swap3A_273 = vector.shape_cast %add3A_268 : vector<16xf32> to vector<1x16xf32>
      tpu.vector_store %arg16[%swap3A_269, %swap3A_270], %swap3A_273 {strides = array<i32>} : memref<128x100xf32, #tpu.memory_space<vmem>>, vector<1x16xf32>,
      %get3A_274 = arith.index_cast %scan3A_202 : i32 to index
      %get3A_275 = arith.constant 64 : index
      %get3A_276 = tpu.vector_load %arg13[%get3A_274, %get3A_275] {strides = array<i32>} : memref<128x128xf32, #tpu.memory_space<vmem>>, vector<1x16xf32>,
      %get3A_277 = vector.shape_cast %get3A_276 : vector<1x16xf32> to vector<16xf32>
      %mul3A_278 = arith.mulf %get3A_206, %get3A_277 : vector<16xf32>
      %get3A_279 = arith.index_cast %scan3A_202 : i32 to index
      %get3A_280 = arith.constant 64 : index
      %get3A_281 = tpu.vector_load %arg15[%get3A_279, %get3A_280] {strides = array<i32>} : memref<128x128xf32, #tpu.memory_space<vmem>>, vector<1x16xf32>,
      %get3A_282 = vector.shape_cast %get3A_281 : vector<1x16xf32> to vector<16xf32>
      %mul3A_283 = arith.mulf %get3A_210, %get3A_282 : vector<16xf32>
      %add3A_284 = arith.addf %mul3A_278, %mul3A_283 : vector<16xf32>
      %swap3A_285 = arith.index_cast %scan3A_202 : i32 to index
      %swap3A_286 = arith.constant 64 : index
      %swap3A_287 = tpu.vector_load %arg16[%swap3A_285, %swap3A_286] {strides = array<i32>} : memref<128x100xf32, #tpu.memory_space<vmem>>, vector<1x16xf32>,
      %swap3A_288 = vector.shape_cast %swap3A_287 : vector<1x16xf32> to vector<16xf32>
      %swap3A_289 = vector.shape_cast %add3A_284 : vector<16xf32> to vector<1x16xf32>
      tpu.vector_store %arg16[%swap3A_285, %swap3A_286], %swap3A_289 {strides = array<i32>} : memref<128x100xf32, #tpu.memory_space<vmem>>, vector<1x16xf32>,
      %get3A_290 = arith.index_cast %scan3A_202 : i32 to index
      %get3A_291 = arith.constant 80 : index
      %get3A_292 = tpu.vector_load %arg13[%get3A_290, %get3A_291] {strides = array<i32>} : memref<128x128xf32, #tpu.memory_space<vmem>>, vector<1x16xf32>,
      %get3A_293 = vector.shape_cast %get3A_292 : vector<1x16xf32> to vector<16xf32>
      %mul3A_294 = arith.mulf %get3A_206, %get3A_293 : vector<16xf32>
      %get3A_295 = arith.index_cast %scan3A_202 : i32 to index
      %get3A_296 = arith.constant 80 : index
      %get3A_297 = tpu.vector_load %arg15[%get3A_295, %get3A_296] {strides = array<i32>} : memref<128x128xf32, #tpu.memory_space<vmem>>, vector<1x16xf32>,
      %get3A_298 = vector.shape_cast %get3A_297 : vector<1x16xf32> to vector<16xf32>
      %mul3A_299 = arith.mulf %get3A_210, %get3A_298 : vector<16xf32>
      %add3A_300 = arith.addf %mul3A_294, %mul3A_299 : vector<16xf32>
      %swap3A_301 = arith.index_cast %scan3A_202 : i32 to index
      %swap3A_302 = arith.constant 80 : index
      %swap3A_303 = tpu.vector_load %arg16[%swap3A_301, %swap3A_302] {strides = array<i32>} : memref<128x100xf32, #tpu.memory_space<vmem>>, vector<1x16xf32>,
      %swap3A_304 = vector.shape_cast %swap3A_303 : vector<1x16xf32> to vector<16xf32>
      %swap3A_305 = vector.shape_cast %add3A_300 : vector<16xf32> to vector<1x16xf32>
      tpu.vector_store %arg16[%swap3A_301, %swap3A_302], %swap3A_305 {strides = array<i32>} : memref<128x100xf32, #tpu.memory_space<vmem>>, vector<1x16xf32>,
      %get3A_306 = arith.index_cast %scan3A_202 : i32 to index
      %get3A_307 = arith.constant 84 : index
      %get3A_308 = tpu.vector_load %arg13[%get3A_306, %get3A_307] {strides = array<i32>} : memref<128x128xf32, #tpu.memory_space<vmem>>, vector<1x16xf32>,
      %get3A_309 = vector.shape_cast %get3A_308 : vector<1x16xf32> to vector<16xf32>
      %mul3A_310 = arith.mulf %get3A_206, %get3A_309 : vector<16xf32>
      %get3A_311 = arith.index_cast %scan3A_202 : i32 to index
      %get3A_312 = arith.constant 84 : index
      %get3A_313 = tpu.vector_load %arg15[%get3A_311, %get3A_312] {strides = array<i32>} : memref<128x128xf32, #tpu.memory_space<vmem>>, vector<1x16xf32>,
      %get3A_314 = vector.shape_cast %get3A_313 : vector<1x16xf32> to vector<16xf32>
      %mul3A_315 = arith.mulf %get3A_210, %get3A_314 : vector<16xf32>
      %add3A_316 = arith.addf %mul3A_310, %mul3A_315 : vector<16xf32>
      %swap3A_317 = arith.index_cast %scan3A_202 : i32 to index
      %swap3A_318 = arith.constant 84 : index
      %swap3A_319 = tpu.vector_load %arg16[%swap3A_317, %swap3A_318] {strides = array<i32>} : memref<128x100xf32, #tpu.memory_space<vmem>>, vector<1x16xf32>,
      %swap3A_320 = vector.shape_cast %swap3A_319 : vector<1x16xf32> to vector<16xf32>
      %swap3A_321 = vector.shape_cast %add3A_316 : vector<16xf32> to vector<1x16xf32>
      tpu.vector_store %arg16[%swap3A_317, %swap3A_318], %swap3A_321 {strides = array<i32>} : memref<128x100xf32, #tpu.memory_space<vmem>>, vector<1x16xf32>,
      %scan3A_322 = arith.constant 0 : i32
      scf.yield %scan3A_322 : i32
    }
    %scan3A_197 = arith.constant 128 : i32
    %mul3A_198 = arith.constant 512 : i32
    %mul3A_199 = arith.muli %add3A, %mul3A_198 : i32
    %add3A_200 = arith.constant 384 : i32
    %add3A_201 = arith.addi %mul3A_199, %add3A_200 : i32
    "tpu.region"() ({
      %run_scoped3A = tpu.sem_alloc : memref<!tpu.dma_semaphore, #tpu.memory_space<semaphore_mem>>
      %dma_start3A_202 = arith.constant 0 : i32
      %dma_start3A_203 = tpu.memref_slice %arg5[%add3A_201, %dma_start3A_202] : memref<16384x100xf32, #tpu.memory_space<hbm>> -> memref<128x100xf32, #tpu.memory_space<hbm>>
      %dma_start3A_204 = arith.constant 0 : i32
      %dma_start3A_205 = tpu.memref_slice %arg5[%add3A_201, %dma_start3A_204] : memref<16384x100xf32, #tpu.memory_space<hbm>> -> memref<128x100xf32, #tpu.memory_space<hbm>>
      tpu.enqueue_dma source(%arg16 : memref<128x100xf32, #tpu.memory_space<vmem>>) target(%dma_start3A_205 : memref<128x100xf32, #tpu.memory_space<hbm>>) target_semaphore(%run_scoped3A : memref<!tpu.dma_semaphore, #tpu.memory_space<semaphore_mem>>)
      %dma_wait3A_206 = arith.constant 0 : i32
      %dma_wait3A_207 = tpu.memref_slice %arg5[%add3A_201, %dma_wait3A_206] : memref<16384x100xf32, #tpu.memory_space<hbm>> -> memref<128x100xf32, #tpu.memory_space<hbm>>
      %dma_wait3A_208 = arith.constant 0 : i32
      %dma_wait3A_209 = tpu.memref_slice %arg5[%add3A_201, %dma_wait3A_208] : memref<16384x100xf32, #tpu.memory_space<hbm>> -> memref<128x100xf32, #tpu.memory_space<hbm>>
      tpu.wait_dma2 semaphore(%run_scoped3A : memref<!tpu.dma_semaphore, #tpu.memory_space<semaphore_mem>>) src(%arg16 : memref<128x100xf32, #tpu.memory_space<vmem>>) dst(%dma_wait3A_209 : memref<128x100xf32, #tpu.memory_space<hbm>>)
      tpu.yield
    }) : () -> ()
    return
  }
}

#map = affine_map<(d0, d1) -> (0, 0)>
module attributes {stable_mosaic.version = 14 : i64} {
  func.func @k(%arg0: i32, %arg1: i32, %arg2: memref<16384x128xi32, #tpu.memory_space<hbm>>, %arg3: memref<256x128xi32, #tpu.memory_space<hbm>>, %arg4: memref<65536x128xi32, #tpu.memory_space<hbm>>, %arg5: memref<128xi32, #tpu.memory_space<vmem>>, %arg6: memref<128xi32, #tpu.memory_space<vmem>>, %arg7: memref<128xi32, #tpu.memory_space<vmem>>, %arg8: memref<128xi32, #tpu.memory_space<vmem>>, %arg9: memref<128x128xi32, #tpu.memory_space<vmem>>, %arg10: memref<128x128xi32, #tpu.memory_space<vmem>>, %arg11: memref<!tpu.dma_semaphore, #tpu.memory_space<semaphore_mem>>, %arg12: memref<!tpu.dma_semaphore, #tpu.memory_space<semaphore_mem>>, %arg13: memref<!tpu.dma_semaphore, #tpu.memory_space<semaphore_mem>>, %arg14: memref<!tpu.dma_semaphore, #tpu.memory_space<semaphore_mem>>) attributes {dimension_semantics = [#tpu.dimension_semantics<core_parallel>, #tpu.dimension_semantics<subcore_parallel>], iteration_bounds = array<i64: 2, 16>, scalar_prefetch = 0 : i64, scratch_operands = 10 : i64, tpu.core_type = #tpu.core_type<sc_vector_subcore>, window_params = [{transform_indices = #map}, {transform_indices = #map}, {transform_indices = #map}]} {
    %mul3A = arith.constant 2 : i32
    %mul3A_0 = arith.muli %arg1, %mul3A : i32
    %add3A = arith.addi %mul3A_0, %arg0 : i32
    %mul3A_1 = arith.constant 1024 : i32
    %mul3A_2 = arith.muli %add3A, %mul3A_1 : i32
    %add3A_3 = arith.constant 0 : i32
    %add3A_4 = arith.addi %mul3A_2, %add3A_3 : i32
    %jit3A = arith.constant 16384 : i32
    %eq3A = arith.constant 0 : i32
    %eq3A_5 = arith.cmpi eq, %jit3A, %eq3A : i32
    %jit3A_6 = arith.constant 1 : i32
    %select_n3A = arith.select %eq3A_5, %jit3A_6, %jit3A : i32
    %rem3A = arith.remsi %add3A_4, %select_n3A : i32
    %ne3A = arith.constant 0 : i32
    %ne3A_7 = arith.cmpi ne, %rem3A, %ne3A : i32
    %lt3A = arith.constant 0 : i32
    %lt3A_8 = arith.cmpi slt, %rem3A, %lt3A : i32
    %lt3A_9 = arith.constant 0 : i32
    %lt3A_10 = arith.cmpi slt, %select_n3A, %lt3A_9 : i32
    %ne3A_11 = arith.xori %lt3A_8, %lt3A_10 : i1
    %and3A = arith.andi %ne3A_11, %ne3A_7 : i1
    %add3A_12 = arith.addi %rem3A, %select_n3A : i32
    %select_n3A_13 = arith.select %and3A, %add3A_12, %rem3A : i32
    %scan3A = arith.constant 0 : i32
    %scan3A_14 = arith.constant 0 : i32
    %scan3A_15 = arith.constant 8 : i32
    %scan3A_16 = arith.addi %scan3A_14, %scan3A_15 : i32
    %scan3A_17 = arith.constant 1 : i32
    %scan3A_18 = scf.for %scan3A_492 = %scan3A_14 to %scan3A_16 step %scan3A_17 iter_args(%scan3A_493 = %scan3A) -> (i32)  : i32 {
      %mul3A_494 = arith.constant 16 : i32
      %mul3A_495 = arith.muli %scan3A_492, %mul3A_494 : i32
      %add3A_496 = arith.addi %select_n3A_13, %mul3A_495 : i32
      %iota3A = tpu.iota {dimensions = array<i32: 0>} : vector<16xi32>
      %add3A_497 = vector.broadcast %add3A_496 : i32 to vector<16xi32>
      %add3A_498 = arith.addi %add3A_497, %iota3A : vector<16xi32>
      %mul3A_499 = arith.constant 16 : i32
      %mul3A_500 = arith.muli %scan3A_492, %mul3A_499 : i32
      %swap3A = arith.index_cast %mul3A_500 : i32 to index
      %swap3A_501 = tpu.vector_load %arg5[%swap3A] {strides = array<i32>} : memref<128xi32, #tpu.memory_space<vmem>>, vector<16xi32>,
      %swap3A_502 = vector.shape_cast %swap3A_501 : vector<16xi32> to vector<16xi32>
      %swap3A_503 = vector.shape_cast %add3A_498 : vector<16xi32> to vector<16xi32>
      tpu.vector_store %arg5[%swap3A], %swap3A_503 {strides = array<i32>} : memref<128xi32, #tpu.memory_space<vmem>>, vector<16xi32>,
      %scan3A_504 = arith.constant 0 : i32
      scf.yield %scan3A_504 : i32
    }
    %scan3A_19 = arith.constant 8 : i32
    %jit3A_20 = arith.constant 128 : i32
    %div3A = arith.divsi %add3A_4, %jit3A_20 : i32
    %sign3A = arith.constant 0 : i32
    %sign3A_21 = arith.cmpi sgt, %add3A_4, %sign3A : i32
    %sign3A_22 = arith.extui %sign3A_21 : i1 to i32
    %sign3A_23 = arith.constant 0 : i32
    %sign3A_24 = arith.cmpi slt, %add3A_4, %sign3A_23 : i32
    %sign3A_25 = arith.extui %sign3A_24 : i1 to i32
    %sign3A_26 = arith.subi %sign3A_22, %sign3A_25 : i32
    %sign3A_27 = arith.constant 0 : i32
    %sign3A_28 = arith.cmpi sgt, %jit3A_20, %sign3A_27 : i32
    %sign3A_29 = arith.extui %sign3A_28 : i1 to i32
    %sign3A_30 = arith.constant 0 : i32
    %sign3A_31 = arith.cmpi slt, %jit3A_20, %sign3A_30 : i32
    %sign3A_32 = arith.extui %sign3A_31 : i1 to i32
    %sign3A_33 = arith.subi %sign3A_29, %sign3A_32 : i32
    %ne3A_34 = arith.cmpi ne, %sign3A_26, %sign3A_33 : i32
    %rem3A_35 = arith.remsi %add3A_4, %jit3A_20 : i32
    %ne3A_36 = arith.constant 0 : i32
    %ne3A_37 = arith.cmpi ne, %rem3A_35, %ne3A_36 : i32
    %and3A_38 = arith.andi %ne3A_34, %ne3A_37 : i1
    %sub3A = arith.constant 1 : i32
    %sub3A_39 = arith.subi %div3A, %sub3A : i32
    %select_n3A_40 = arith.select %and3A_38, %sub3A_39, %div3A : i32
    "tpu.region"() ({
      %run_scoped3A = tpu.sem_alloc : memref<!tpu.dma_semaphore, #tpu.memory_space<semaphore_mem>>
      %dma_start3A_492 = arith.constant 0 : i32
      %dma_start3A_493 = tpu.memref_slice %arg3[%select_n3A_40, %dma_start3A_492] : memref<256x128xi32, #tpu.memory_space<hbm>> -> memref<1x128xi32, #tpu.memory_space<hbm>>
      %dma_start3A_494 = tpu.memref_squeeze %dma_start3A_493 : memref<1x128xi32, #tpu.memory_space<hbm>> -> memref<128xi32, #tpu.memory_space<hbm>>
      %dma_start3A_495 = arith.constant 0 : i32
      %dma_start3A_496 = tpu.memref_slice %arg3[%select_n3A_40, %dma_start3A_495] : memref<256x128xi32, #tpu.memory_space<hbm>> -> memref<1x128xi32, #tpu.memory_space<hbm>>
      %dma_start3A_497 = tpu.memref_squeeze %dma_start3A_496 : memref<1x128xi32, #tpu.memory_space<hbm>> -> memref<128xi32, #tpu.memory_space<hbm>>
      tpu.enqueue_dma source(%dma_start3A_497 : memref<128xi32, #tpu.memory_space<hbm>>) target(%arg7 : memref<128xi32, #tpu.memory_space<vmem>>) target_semaphore(%run_scoped3A : memref<!tpu.dma_semaphore, #tpu.memory_space<semaphore_mem>>)
      %dma_wait3A_498 = arith.constant 0 : i32
      %dma_wait3A_499 = tpu.memref_slice %arg3[%select_n3A_40, %dma_wait3A_498] : memref<256x128xi32, #tpu.memory_space<hbm>> -> memref<1x128xi32, #tpu.memory_space<hbm>>
      %dma_wait3A_500 = tpu.memref_squeeze %dma_wait3A_499 : memref<1x128xi32, #tpu.memory_space<hbm>> -> memref<128xi32, #tpu.memory_space<hbm>>
      %dma_wait3A_501 = arith.constant 0 : i32
      %dma_wait3A_502 = tpu.memref_slice %arg3[%select_n3A_40, %dma_wait3A_501] : memref<256x128xi32, #tpu.memory_space<hbm>> -> memref<1x128xi32, #tpu.memory_space<hbm>>
      %dma_wait3A_503 = tpu.memref_squeeze %dma_wait3A_502 : memref<1x128xi32, #tpu.memory_space<hbm>> -> memref<128xi32, #tpu.memory_space<hbm>>
      tpu.wait_dma2 semaphore(%run_scoped3A : memref<!tpu.dma_semaphore, #tpu.memory_space<semaphore_mem>>) src(%dma_wait3A_503 : memref<128xi32, #tpu.memory_space<hbm>>) dst(%arg7 : memref<128xi32, #tpu.memory_space<vmem>>)
      tpu.yield
    }) : () -> ()
    %dma_start3A = arith.constant 0 : i32
    %dma_start3A_41 = arith.constant 0 : i32
    %dma_start3A_42 = tpu.memref_slice %arg2[%dma_start3A, %dma_start3A_41] : memref<16384x128xi32, #tpu.memory_space<hbm>> -> memref<16384x128xi32, #tpu.memory_space<hbm>>
    tpu.enqueue_indirect_dma source(%dma_start3A_42 : memref<16384x128xi32, #tpu.memory_space<hbm>>) target(%arg9 : memref<128x128xi32, #tpu.memory_space<vmem>>) offsets(%arg5 : memref<128xi32, #tpu.memory_space<vmem>>) semaphore(%arg11 : memref<!tpu.dma_semaphore, #tpu.memory_space<semaphore_mem>>)
    %mul3A_43 = arith.constant 1024 : i32
    %mul3A_44 = arith.muli %add3A, %mul3A_43 : i32
    %add3A_45 = arith.constant 128 : i32
    %add3A_46 = arith.addi %mul3A_44, %add3A_45 : i32
    %jit3A_47 = arith.constant 16384 : i32
    %eq3A_48 = arith.constant 0 : i32
    %eq3A_49 = arith.cmpi eq, %jit3A_47, %eq3A_48 : i32
    %jit3A_50 = arith.constant 1 : i32
    %select_n3A_51 = arith.select %eq3A_49, %jit3A_50, %jit3A_47 : i32
    %rem3A_52 = arith.remsi %add3A_46, %select_n3A_51 : i32
    %ne3A_53 = arith.constant 0 : i32
    %ne3A_54 = arith.cmpi ne, %rem3A_52, %ne3A_53 : i32
    %lt3A_55 = arith.constant 0 : i32
    %lt3A_56 = arith.cmpi slt, %rem3A_52, %lt3A_55 : i32
    %lt3A_57 = arith.constant 0 : i32
    %lt3A_58 = arith.cmpi slt, %select_n3A_51, %lt3A_57 : i32
    %ne3A_59 = arith.xori %lt3A_56, %lt3A_58 : i1
    %and3A_60 = arith.andi %ne3A_59, %ne3A_54 : i1
    %add3A_61 = arith.addi %rem3A_52, %select_n3A_51 : i32
    %select_n3A_62 = arith.select %and3A_60, %add3A_61, %rem3A_52 : i32
    %scan3A_63 = arith.constant 0 : i32
    %scan3A_64 = arith.constant 0 : i32
    %scan3A_65 = arith.constant 8 : i32
    %scan3A_66 = arith.addi %scan3A_64, %scan3A_65 : i32
    %scan3A_67 = arith.constant 1 : i32
    %scan3A_68 = scf.for %scan3A_492 = %scan3A_64 to %scan3A_66 step %scan3A_67 iter_args(%scan3A_493 = %scan3A_63) -> (i32)  : i32 {
      %mul3A_494 = arith.constant 16 : i32
      %mul3A_495 = arith.muli %scan3A_492, %mul3A_494 : i32
      %add3A_496 = arith.addi %select_n3A_62, %mul3A_495 : i32
      %iota3A = tpu.iota {dimensions = array<i32: 0>} : vector<16xi32>
      %add3A_497 = vector.broadcast %add3A_496 : i32 to vector<16xi32>
      %add3A_498 = arith.addi %add3A_497, %iota3A : vector<16xi32>
      %mul3A_499 = arith.constant 16 : i32
      %mul3A_500 = arith.muli %scan3A_492, %mul3A_499 : i32
      %swap3A = arith.index_cast %mul3A_500 : i32 to index
      %swap3A_501 = tpu.vector_load %arg6[%swap3A] {strides = array<i32>} : memref<128xi32, #tpu.memory_space<vmem>>, vector<16xi32>,
      %swap3A_502 = vector.shape_cast %swap3A_501 : vector<16xi32> to vector<16xi32>
      %swap3A_503 = vector.shape_cast %add3A_498 : vector<16xi32> to vector<16xi32>
      tpu.vector_store %arg6[%swap3A], %swap3A_503 {strides = array<i32>} : memref<128xi32, #tpu.memory_space<vmem>>, vector<16xi32>,
      %scan3A_504 = arith.constant 0 : i32
      scf.yield %scan3A_504 : i32
    }
    %scan3A_69 = arith.constant 8 : i32
    %jit3A_70 = arith.constant 128 : i32
    %div3A_71 = arith.divsi %add3A_46, %jit3A_70 : i32
    %sign3A_72 = arith.constant 0 : i32
    %sign3A_73 = arith.cmpi sgt, %add3A_46, %sign3A_72 : i32
    %sign3A_74 = arith.extui %sign3A_73 : i1 to i32
    %sign3A_75 = arith.constant 0 : i32
    %sign3A_76 = arith.cmpi slt, %add3A_46, %sign3A_75 : i32
    %sign3A_77 = arith.extui %sign3A_76 : i1 to i32
    %sign3A_78 = arith.subi %sign3A_74, %sign3A_77 : i32
    %sign3A_79 = arith.constant 0 : i32
    %sign3A_80 = arith.cmpi sgt, %jit3A_70, %sign3A_79 : i32
    %sign3A_81 = arith.extui %sign3A_80 : i1 to i32
    %sign3A_82 = arith.constant 0 : i32
    %sign3A_83 = arith.cmpi slt, %jit3A_70, %sign3A_82 : i32
    %sign3A_84 = arith.extui %sign3A_83 : i1 to i32
    %sign3A_85 = arith.subi %sign3A_81, %sign3A_84 : i32
    %ne3A_86 = arith.cmpi ne, %sign3A_78, %sign3A_85 : i32
    %rem3A_87 = arith.remsi %add3A_46, %jit3A_70 : i32
    %ne3A_88 = arith.constant 0 : i32
    %ne3A_89 = arith.cmpi ne, %rem3A_87, %ne3A_88 : i32
    %and3A_90 = arith.andi %ne3A_86, %ne3A_89 : i1
    %sub3A_91 = arith.constant 1 : i32
    %sub3A_92 = arith.subi %div3A_71, %sub3A_91 : i32
    %select_n3A_93 = arith.select %and3A_90, %sub3A_92, %div3A_71 : i32
    "tpu.region"() ({
      %run_scoped3A = tpu.sem_alloc : memref<!tpu.dma_semaphore, #tpu.memory_space<semaphore_mem>>
      %dma_start3A_492 = arith.constant 0 : i32
      %dma_start3A_493 = tpu.memref_slice %arg3[%select_n3A_93, %dma_start3A_492] : memref<256x128xi32, #tpu.memory_space<hbm>> -> memref<1x128xi32, #tpu.memory_space<hbm>>
      %dma_start3A_494 = tpu.memref_squeeze %dma_start3A_493 : memref<1x128xi32, #tpu.memory_space<hbm>> -> memref<128xi32, #tpu.memory_space<hbm>>
      %dma_start3A_495 = arith.constant 0 : i32
      %dma_start3A_496 = tpu.memref_slice %arg3[%select_n3A_93, %dma_start3A_495] : memref<256x128xi32, #tpu.memory_space<hbm>> -> memref<1x128xi32, #tpu.memory_space<hbm>>
      %dma_start3A_497 = tpu.memref_squeeze %dma_start3A_496 : memref<1x128xi32, #tpu.memory_space<hbm>> -> memref<128xi32, #tpu.memory_space<hbm>>
      tpu.enqueue_dma source(%dma_start3A_497 : memref<128xi32, #tpu.memory_space<hbm>>) target(%arg8 : memref<128xi32, #tpu.memory_space<vmem>>) target_semaphore(%run_scoped3A : memref<!tpu.dma_semaphore, #tpu.memory_space<semaphore_mem>>)
      %dma_wait3A_498 = arith.constant 0 : i32
      %dma_wait3A_499 = tpu.memref_slice %arg3[%select_n3A_93, %dma_wait3A_498] : memref<256x128xi32, #tpu.memory_space<hbm>> -> memref<1x128xi32, #tpu.memory_space<hbm>>
      %dma_wait3A_500 = tpu.memref_squeeze %dma_wait3A_499 : memref<1x128xi32, #tpu.memory_space<hbm>> -> memref<128xi32, #tpu.memory_space<hbm>>
      %dma_wait3A_501 = arith.constant 0 : i32
      %dma_wait3A_502 = tpu.memref_slice %arg3[%select_n3A_93, %dma_wait3A_501] : memref<256x128xi32, #tpu.memory_space<hbm>> -> memref<1x128xi32, #tpu.memory_space<hbm>>
      %dma_wait3A_503 = tpu.memref_squeeze %dma_wait3A_502 : memref<1x128xi32, #tpu.memory_space<hbm>> -> memref<128xi32, #tpu.memory_space<hbm>>
      tpu.wait_dma2 semaphore(%run_scoped3A : memref<!tpu.dma_semaphore, #tpu.memory_space<semaphore_mem>>) src(%dma_wait3A_503 : memref<128xi32, #tpu.memory_space<hbm>>) dst(%arg8 : memref<128xi32, #tpu.memory_space<vmem>>)
      tpu.yield
    }) : () -> ()
    %dma_start3A_94 = arith.constant 0 : i32
    %dma_start3A_95 = arith.constant 0 : i32
    %dma_start3A_96 = tpu.memref_slice %arg2[%dma_start3A_94, %dma_start3A_95] : memref<16384x128xi32, #tpu.memory_space<hbm>> -> memref<16384x128xi32, #tpu.memory_space<hbm>>
    tpu.enqueue_indirect_dma source(%dma_start3A_96 : memref<16384x128xi32, #tpu.memory_space<hbm>>) target(%arg10 : memref<128x128xi32, #tpu.memory_space<vmem>>) offsets(%arg6 : memref<128xi32, #tpu.memory_space<vmem>>) semaphore(%arg12 : memref<!tpu.dma_semaphore, #tpu.memory_space<semaphore_mem>>)
    %dma_wait3A = arith.constant 0 : i32
    %dma_wait3A_97 = arith.constant 0 : i32
    %dma_wait3A_98 = tpu.memref_slice %arg2[%dma_wait3A, %dma_wait3A_97] : memref<16384x128xi32, #tpu.memory_space<hbm>> -> memref<16384x128xi32, #tpu.memory_space<hbm>>
    tpu.wait_indirect_dma semaphore(%arg11 : memref<!tpu.dma_semaphore, #tpu.memory_space<semaphore_mem>>) src(%dma_wait3A_98 : memref<16384x128xi32, #tpu.memory_space<hbm>>) dst(%arg9 : memref<128x128xi32, #tpu.memory_space<vmem>>)
    %dma_start3A_99 = arith.constant 0 : i32
    %dma_start3A_100 = arith.constant 0 : i32
    %dma_start3A_101 = tpu.memref_slice %arg4[%dma_start3A_99, %dma_start3A_100] : memref<65536x128xi32, #tpu.memory_space<hbm>> -> memref<65536x128xi32, #tpu.memory_space<hbm>>
    tpu.enqueue_indirect_dma source(%arg9 : memref<128x128xi32, #tpu.memory_space<vmem>>) target(%dma_start3A_101 : memref<65536x128xi32, #tpu.memory_space<hbm>>) offsets(%arg7 : memref<128xi32, #tpu.memory_space<vmem>>) semaphore(%arg13 : memref<!tpu.dma_semaphore, #tpu.memory_space<semaphore_mem>>)
    %dma_wait3A_102 = arith.constant 0 : i32
    %dma_wait3A_103 = arith.constant 0 : i32
    %dma_wait3A_104 = tpu.memref_slice %arg4[%dma_wait3A_102, %dma_wait3A_103] : memref<65536x128xi32, #tpu.memory_space<hbm>> -> memref<65536x128xi32, #tpu.memory_space<hbm>>
    tpu.wait_indirect_dma semaphore(%arg13 : memref<!tpu.dma_semaphore, #tpu.memory_space<semaphore_mem>>) src(%arg9 : memref<128x128xi32, #tpu.memory_space<vmem>>) dst(%dma_wait3A_104 : memref<65536x128xi32, #tpu.memory_space<hbm>>)
    %mul3A_105 = arith.constant 1024 : i32
    %mul3A_106 = arith.muli %add3A, %mul3A_105 : i32
    %add3A_107 = arith.constant 256 : i32
    %add3A_108 = arith.addi %mul3A_106, %add3A_107 : i32
    %jit3A_109 = arith.constant 16384 : i32
    %eq3A_110 = arith.constant 0 : i32
    %eq3A_111 = arith.cmpi eq, %jit3A_109, %eq3A_110 : i32
    %jit3A_112 = arith.constant 1 : i32
    %select_n3A_113 = arith.select %eq3A_111, %jit3A_112, %jit3A_109 : i32
    %rem3A_114 = arith.remsi %add3A_108, %select_n3A_113 : i32
    %ne3A_115 = arith.constant 0 : i32
    %ne3A_116 = arith.cmpi ne, %rem3A_114, %ne3A_115 : i32
    %lt3A_117 = arith.constant 0 : i32
    %lt3A_118 = arith.cmpi slt, %rem3A_114, %lt3A_117 : i32
    %lt3A_119 = arith.constant 0 : i32
    %lt3A_120 = arith.cmpi slt, %select_n3A_113, %lt3A_119 : i32
    %ne3A_121 = arith.xori %lt3A_118, %lt3A_120 : i1
    %and3A_122 = arith.andi %ne3A_121, %ne3A_116 : i1
    %add3A_123 = arith.addi %rem3A_114, %select_n3A_113 : i32
    %select_n3A_124 = arith.select %and3A_122, %add3A_123, %rem3A_114 : i32
    %scan3A_125 = arith.constant 0 : i32
    %scan3A_126 = arith.constant 0 : i32
    %scan3A_127 = arith.constant 8 : i32
    %scan3A_128 = arith.addi %scan3A_126, %scan3A_127 : i32
    %scan3A_129 = arith.constant 1 : i32
    %scan3A_130 = scf.for %scan3A_492 = %scan3A_126 to %scan3A_128 step %scan3A_129 iter_args(%scan3A_493 = %scan3A_125) -> (i32)  : i32 {
      %mul3A_494 = arith.constant 16 : i32
      %mul3A_495 = arith.muli %scan3A_492, %mul3A_494 : i32
      %add3A_496 = arith.addi %select_n3A_124, %mul3A_495 : i32
      %iota3A = tpu.iota {dimensions = array<i32: 0>} : vector<16xi32>
      %add3A_497 = vector.broadcast %add3A_496 : i32 to vector<16xi32>
      %add3A_498 = arith.addi %add3A_497, %iota3A : vector<16xi32>
      %mul3A_499 = arith.constant 16 : i32
      %mul3A_500 = arith.muli %scan3A_492, %mul3A_499 : i32
      %swap3A = arith.index_cast %mul3A_500 : i32 to index
      %swap3A_501 = tpu.vector_load %arg5[%swap3A] {strides = array<i32>} : memref<128xi32, #tpu.memory_space<vmem>>, vector<16xi32>,
      %swap3A_502 = vector.shape_cast %swap3A_501 : vector<16xi32> to vector<16xi32>
      %swap3A_503 = vector.shape_cast %add3A_498 : vector<16xi32> to vector<16xi32>
      tpu.vector_store %arg5[%swap3A], %swap3A_503 {strides = array<i32>} : memref<128xi32, #tpu.memory_space<vmem>>, vector<16xi32>,
      %scan3A_504 = arith.constant 0 : i32
      scf.yield %scan3A_504 : i32
    }
    %scan3A_131 = arith.constant 8 : i32
    %jit3A_132 = arith.constant 128 : i32
    %div3A_133 = arith.divsi %add3A_108, %jit3A_132 : i32
    %sign3A_134 = arith.constant 0 : i32
    %sign3A_135 = arith.cmpi sgt, %add3A_108, %sign3A_134 : i32
    %sign3A_136 = arith.extui %sign3A_135 : i1 to i32
    %sign3A_137 = arith.constant 0 : i32
    %sign3A_138 = arith.cmpi slt, %add3A_108, %sign3A_137 : i32
    %sign3A_139 = arith.extui %sign3A_138 : i1 to i32
    %sign3A_140 = arith.subi %sign3A_136, %sign3A_139 : i32
    %sign3A_141 = arith.constant 0 : i32
    %sign3A_142 = arith.cmpi sgt, %jit3A_132, %sign3A_141 : i32
    %sign3A_143 = arith.extui %sign3A_142 : i1 to i32
    %sign3A_144 = arith.constant 0 : i32
    %sign3A_145 = arith.cmpi slt, %jit3A_132, %sign3A_144 : i32
    %sign3A_146 = arith.extui %sign3A_145 : i1 to i32
    %sign3A_147 = arith.subi %sign3A_143, %sign3A_146 : i32
    %ne3A_148 = arith.cmpi ne, %sign3A_140, %sign3A_147 : i32
    %rem3A_149 = arith.remsi %add3A_108, %jit3A_132 : i32
    %ne3A_150 = arith.constant 0 : i32
    %ne3A_151 = arith.cmpi ne, %rem3A_149, %ne3A_150 : i32
    %and3A_152 = arith.andi %ne3A_148, %ne3A_151 : i1
    %sub3A_153 = arith.constant 1 : i32
    %sub3A_154 = arith.subi %div3A_133, %sub3A_153 : i32
    %select_n3A_155 = arith.select %and3A_152, %sub3A_154, %div3A_133 : i32
    "tpu.region"() ({
      %run_scoped3A = tpu.sem_alloc : memref<!tpu.dma_semaphore, #tpu.memory_space<semaphore_mem>>
      %dma_start3A_492 = arith.constant 0 : i32
      %dma_start3A_493 = tpu.memref_slice %arg3[%select_n3A_155, %dma_start3A_492] : memref<256x128xi32, #tpu.memory_space<hbm>> -> memref<1x128xi32, #tpu.memory_space<hbm>>
      %dma_start3A_494 = tpu.memref_squeeze %dma_start3A_493 : memref<1x128xi32, #tpu.memory_space<hbm>> -> memref<128xi32, #tpu.memory_space<hbm>>
      %dma_start3A_495 = arith.constant 0 : i32
      %dma_start3A_496 = tpu.memref_slice %arg3[%select_n3A_155, %dma_start3A_495] : memref<256x128xi32, #tpu.memory_space<hbm>> -> memref<1x128xi32, #tpu.memory_space<hbm>>
      %dma_start3A_497 = tpu.memref_squeeze %dma_start3A_496 : memref<1x128xi32, #tpu.memory_space<hbm>> -> memref<128xi32, #tpu.memory_space<hbm>>
      tpu.enqueue_dma source(%dma_start3A_497 : memref<128xi32, #tpu.memory_space<hbm>>) target(%arg7 : memref<128xi32, #tpu.memory_space<vmem>>) target_semaphore(%run_scoped3A : memref<!tpu.dma_semaphore, #tpu.memory_space<semaphore_mem>>)
      %dma_wait3A_498 = arith.constant 0 : i32
      %dma_wait3A_499 = tpu.memref_slice %arg3[%select_n3A_155, %dma_wait3A_498] : memref<256x128xi32, #tpu.memory_space<hbm>> -> memref<1x128xi32, #tpu.memory_space<hbm>>
      %dma_wait3A_500 = tpu.memref_squeeze %dma_wait3A_499 : memref<1x128xi32, #tpu.memory_space<hbm>> -> memref<128xi32, #tpu.memory_space<hbm>>
      %dma_wait3A_501 = arith.constant 0 : i32
      %dma_wait3A_502 = tpu.memref_slice %arg3[%select_n3A_155, %dma_wait3A_501] : memref<256x128xi32, #tpu.memory_space<hbm>> -> memref<1x128xi32, #tpu.memory_space<hbm>>
      %dma_wait3A_503 = tpu.memref_squeeze %dma_wait3A_502 : memref<1x128xi32, #tpu.memory_space<hbm>> -> memref<128xi32, #tpu.memory_space<hbm>>
      tpu.wait_dma2 semaphore(%run_scoped3A : memref<!tpu.dma_semaphore, #tpu.memory_space<semaphore_mem>>) src(%dma_wait3A_503 : memref<128xi32, #tpu.memory_space<hbm>>) dst(%arg7 : memref<128xi32, #tpu.memory_space<vmem>>)
      tpu.yield
    }) : () -> ()
    %dma_start3A_156 = arith.constant 0 : i32
    %dma_start3A_157 = arith.constant 0 : i32
    %dma_start3A_158 = tpu.memref_slice %arg2[%dma_start3A_156, %dma_start3A_157] : memref<16384x128xi32, #tpu.memory_space<hbm>> -> memref<16384x128xi32, #tpu.memory_space<hbm>>
    tpu.enqueue_indirect_dma source(%dma_start3A_158 : memref<16384x128xi32, #tpu.memory_space<hbm>>) target(%arg9 : memref<128x128xi32, #tpu.memory_space<vmem>>) offsets(%arg5 : memref<128xi32, #tpu.memory_space<vmem>>) semaphore(%arg11 : memref<!tpu.dma_semaphore, #tpu.memory_space<semaphore_mem>>)
    %dma_wait3A_159 = arith.constant 0 : i32
    %dma_wait3A_160 = arith.constant 0 : i32
    %dma_wait3A_161 = tpu.memref_slice %arg2[%dma_wait3A_159, %dma_wait3A_160] : memref<16384x128xi32, #tpu.memory_space<hbm>> -> memref<16384x128xi32, #tpu.memory_space<hbm>>
    tpu.wait_indirect_dma semaphore(%arg12 : memref<!tpu.dma_semaphore, #tpu.memory_space<semaphore_mem>>) src(%dma_wait3A_161 : memref<16384x128xi32, #tpu.memory_space<hbm>>) dst(%arg10 : memref<128x128xi32, #tpu.memory_space<vmem>>)
    %dma_start3A_162 = arith.constant 0 : i32
    %dma_start3A_163 = arith.constant 0 : i32
    %dma_start3A_164 = tpu.memref_slice %arg4[%dma_start3A_162, %dma_start3A_163] : memref<65536x128xi32, #tpu.memory_space<hbm>> -> memref<65536x128xi32, #tpu.memory_space<hbm>>
    tpu.enqueue_indirect_dma source(%arg10 : memref<128x128xi32, #tpu.memory_space<vmem>>) target(%dma_start3A_164 : memref<65536x128xi32, #tpu.memory_space<hbm>>) offsets(%arg8 : memref<128xi32, #tpu.memory_space<vmem>>) semaphore(%arg14 : memref<!tpu.dma_semaphore, #tpu.memory_space<semaphore_mem>>)
    %dma_wait3A_165 = arith.constant 0 : i32
    %dma_wait3A_166 = arith.constant 0 : i32
    %dma_wait3A_167 = tpu.memref_slice %arg4[%dma_wait3A_165, %dma_wait3A_166] : memref<65536x128xi32, #tpu.memory_space<hbm>> -> memref<65536x128xi32, #tpu.memory_space<hbm>>
    tpu.wait_indirect_dma semaphore(%arg14 : memref<!tpu.dma_semaphore, #tpu.memory_space<semaphore_mem>>) src(%arg10 : memref<128x128xi32, #tpu.memory_space<vmem>>) dst(%dma_wait3A_167 : memref<65536x128xi32, #tpu.memory_space<hbm>>)
    %mul3A_168 = arith.constant 1024 : i32
    %mul3A_169 = arith.muli %add3A, %mul3A_168 : i32
    %add3A_170 = arith.constant 384 : i32
    %add3A_171 = arith.addi %mul3A_169, %add3A_170 : i32
    %jit3A_172 = arith.constant 16384 : i32
    %eq3A_173 = arith.constant 0 : i32
    %eq3A_174 = arith.cmpi eq, %jit3A_172, %eq3A_173 : i32
    %jit3A_175 = arith.constant 1 : i32
    %select_n3A_176 = arith.select %eq3A_174, %jit3A_175, %jit3A_172 : i32
    %rem3A_177 = arith.remsi %add3A_171, %select_n3A_176 : i32
    %ne3A_178 = arith.constant 0 : i32
    %ne3A_179 = arith.cmpi ne, %rem3A_177, %ne3A_178 : i32
    %lt3A_180 = arith.constant 0 : i32
    %lt3A_181 = arith.cmpi slt, %rem3A_177, %lt3A_180 : i32
    %lt3A_182 = arith.constant 0 : i32
    %lt3A_183 = arith.cmpi slt, %select_n3A_176, %lt3A_182 : i32
    %ne3A_184 = arith.xori %lt3A_181, %lt3A_183 : i1
    %and3A_185 = arith.andi %ne3A_184, %ne3A_179 : i1
    %add3A_186 = arith.addi %rem3A_177, %select_n3A_176 : i32
    %select_n3A_187 = arith.select %and3A_185, %add3A_186, %rem3A_177 : i32
    %scan3A_188 = arith.constant 0 : i32
    %scan3A_189 = arith.constant 0 : i32
    %scan3A_190 = arith.constant 8 : i32
    %scan3A_191 = arith.addi %scan3A_189, %scan3A_190 : i32
    %scan3A_192 = arith.constant 1 : i32
    %scan3A_193 = scf.for %scan3A_492 = %scan3A_189 to %scan3A_191 step %scan3A_192 iter_args(%scan3A_493 = %scan3A_188) -> (i32)  : i32 {
      %mul3A_494 = arith.constant 16 : i32
      %mul3A_495 = arith.muli %scan3A_492, %mul3A_494 : i32
      %add3A_496 = arith.addi %select_n3A_187, %mul3A_495 : i32
      %iota3A = tpu.iota {dimensions = array<i32: 0>} : vector<16xi32>
      %add3A_497 = vector.broadcast %add3A_496 : i32 to vector<16xi32>
      %add3A_498 = arith.addi %add3A_497, %iota3A : vector<16xi32>
      %mul3A_499 = arith.constant 16 : i32
      %mul3A_500 = arith.muli %scan3A_492, %mul3A_499 : i32
      %swap3A = arith.index_cast %mul3A_500 : i32 to index
      %swap3A_501 = tpu.vector_load %arg6[%swap3A] {strides = array<i32>} : memref<128xi32, #tpu.memory_space<vmem>>, vector<16xi32>,
      %swap3A_502 = vector.shape_cast %swap3A_501 : vector<16xi32> to vector<16xi32>
      %swap3A_503 = vector.shape_cast %add3A_498 : vector<16xi32> to vector<16xi32>
      tpu.vector_store %arg6[%swap3A], %swap3A_503 {strides = array<i32>} : memref<128xi32, #tpu.memory_space<vmem>>, vector<16xi32>,
      %scan3A_504 = arith.constant 0 : i32
      scf.yield %scan3A_504 : i32
    }
    %scan3A_194 = arith.constant 8 : i32
    %jit3A_195 = arith.constant 128 : i32
    %div3A_196 = arith.divsi %add3A_171, %jit3A_195 : i32
    %sign3A_197 = arith.constant 0 : i32
    %sign3A_198 = arith.cmpi sgt, %add3A_171, %sign3A_197 : i32
    %sign3A_199 = arith.extui %sign3A_198 : i1 to i32
    %sign3A_200 = arith.constant 0 : i32
    %sign3A_201 = arith.cmpi slt, %add3A_171, %sign3A_200 : i32
    %sign3A_202 = arith.extui %sign3A_201 : i1 to i32
    %sign3A_203 = arith.subi %sign3A_199, %sign3A_202 : i32
    %sign3A_204 = arith.constant 0 : i32
    %sign3A_205 = arith.cmpi sgt, %jit3A_195, %sign3A_204 : i32
    %sign3A_206 = arith.extui %sign3A_205 : i1 to i32
    %sign3A_207 = arith.constant 0 : i32
    %sign3A_208 = arith.cmpi slt, %jit3A_195, %sign3A_207 : i32
    %sign3A_209 = arith.extui %sign3A_208 : i1 to i32
    %sign3A_210 = arith.subi %sign3A_206, %sign3A_209 : i32
    %ne3A_211 = arith.cmpi ne, %sign3A_203, %sign3A_210 : i32
    %rem3A_212 = arith.remsi %add3A_171, %jit3A_195 : i32
    %ne3A_213 = arith.constant 0 : i32
    %ne3A_214 = arith.cmpi ne, %rem3A_212, %ne3A_213 : i32
    %and3A_215 = arith.andi %ne3A_211, %ne3A_214 : i1
    %sub3A_216 = arith.constant 1 : i32
    %sub3A_217 = arith.subi %div3A_196, %sub3A_216 : i32
    %select_n3A_218 = arith.select %and3A_215, %sub3A_217, %div3A_196 : i32
    "tpu.region"() ({
      %run_scoped3A = tpu.sem_alloc : memref<!tpu.dma_semaphore, #tpu.memory_space<semaphore_mem>>
      %dma_start3A_492 = arith.constant 0 : i32
      %dma_start3A_493 = tpu.memref_slice %arg3[%select_n3A_218, %dma_start3A_492] : memref<256x128xi32, #tpu.memory_space<hbm>> -> memref<1x128xi32, #tpu.memory_space<hbm>>
      %dma_start3A_494 = tpu.memref_squeeze %dma_start3A_493 : memref<1x128xi32, #tpu.memory_space<hbm>> -> memref<128xi32, #tpu.memory_space<hbm>>
      %dma_start3A_495 = arith.constant 0 : i32
      %dma_start3A_496 = tpu.memref_slice %arg3[%select_n3A_218, %dma_start3A_495] : memref<256x128xi32, #tpu.memory_space<hbm>> -> memref<1x128xi32, #tpu.memory_space<hbm>>
      %dma_start3A_497 = tpu.memref_squeeze %dma_start3A_496 : memref<1x128xi32, #tpu.memory_space<hbm>> -> memref<128xi32, #tpu.memory_space<hbm>>
      tpu.enqueue_dma source(%dma_start3A_497 : memref<128xi32, #tpu.memory_space<hbm>>) target(%arg8 : memref<128xi32, #tpu.memory_space<vmem>>) target_semaphore(%run_scoped3A : memref<!tpu.dma_semaphore, #tpu.memory_space<semaphore_mem>>)
      %dma_wait3A_498 = arith.constant 0 : i32
      %dma_wait3A_499 = tpu.memref_slice %arg3[%select_n3A_218, %dma_wait3A_498] : memref<256x128xi32, #tpu.memory_space<hbm>> -> memref<1x128xi32, #tpu.memory_space<hbm>>
      %dma_wait3A_500 = tpu.memref_squeeze %dma_wait3A_499 : memref<1x128xi32, #tpu.memory_space<hbm>> -> memref<128xi32, #tpu.memory_space<hbm>>
      %dma_wait3A_501 = arith.constant 0 : i32
      %dma_wait3A_502 = tpu.memref_slice %arg3[%select_n3A_218, %dma_wait3A_501] : memref<256x128xi32, #tpu.memory_space<hbm>> -> memref<1x128xi32, #tpu.memory_space<hbm>>
      %dma_wait3A_503 = tpu.memref_squeeze %dma_wait3A_502 : memref<1x128xi32, #tpu.memory_space<hbm>> -> memref<128xi32, #tpu.memory_space<hbm>>
      tpu.wait_dma2 semaphore(%run_scoped3A : memref<!tpu.dma_semaphore, #tpu.memory_space<semaphore_mem>>) src(%dma_wait3A_503 : memref<128xi32, #tpu.memory_space<hbm>>) dst(%arg8 : memref<128xi32, #tpu.memory_space<vmem>>)
      tpu.yield
    }) : () -> ()
    %dma_start3A_219 = arith.constant 0 : i32
    %dma_start3A_220 = arith.constant 0 : i32
    %dma_start3A_221 = tpu.memref_slice %arg2[%dma_start3A_219, %dma_start3A_220] : memref<16384x128xi32, #tpu.memory_space<hbm>> -> memref<16384x128xi32, #tpu.memory_space<hbm>>
    tpu.enqueue_indirect_dma source(%dma_start3A_221 : memref<16384x128xi32, #tpu.memory_space<hbm>>) target(%arg10 : memref<128x128xi32, #tpu.memory_space<vmem>>) offsets(%arg6 : memref<128xi32, #tpu.memory_space<vmem>>) semaphore(%arg12 : memref<!tpu.dma_semaphore, #tpu.memory_space<semaphore_mem>>)
    %dma_wait3A_222 = arith.constant 0 : i32
    %dma_wait3A_223 = arith.constant 0 : i32
    %dma_wait3A_224 = tpu.memref_slice %arg2[%dma_wait3A_222, %dma_wait3A_223] : memref<16384x128xi32, #tpu.memory_space<hbm>> -> memref<16384x128xi32, #tpu.memory_space<hbm>>
    tpu.wait_indirect_dma semaphore(%arg11 : memref<!tpu.dma_semaphore, #tpu.memory_space<semaphore_mem>>) src(%dma_wait3A_224 : memref<16384x128xi32, #tpu.memory_space<hbm>>) dst(%arg9 : memref<128x128xi32, #tpu.memory_space<vmem>>)
    %dma_start3A_225 = arith.constant 0 : i32
    %dma_start3A_226 = arith.constant 0 : i32
    %dma_start3A_227 = tpu.memref_slice %arg4[%dma_start3A_225, %dma_start3A_226] : memref<65536x128xi32, #tpu.memory_space<hbm>> -> memref<65536x128xi32, #tpu.memory_space<hbm>>
    tpu.enqueue_indirect_dma source(%arg9 : memref<128x128xi32, #tpu.memory_space<vmem>>) target(%dma_start3A_227 : memref<65536x128xi32, #tpu.memory_space<hbm>>) offsets(%arg7 : memref<128xi32, #tpu.memory_space<vmem>>) semaphore(%arg13 : memref<!tpu.dma_semaphore, #tpu.memory_space<semaphore_mem>>)
    %dma_wait3A_228 = arith.constant 0 : i32
    %dma_wait3A_229 = arith.constant 0 : i32
    %dma_wait3A_230 = tpu.memref_slice %arg4[%dma_wait3A_228, %dma_wait3A_229] : memref<65536x128xi32, #tpu.memory_space<hbm>> -> memref<65536x128xi32, #tpu.memory_space<hbm>>
    tpu.wait_indirect_dma semaphore(%arg13 : memref<!tpu.dma_semaphore, #tpu.memory_space<semaphore_mem>>) src(%arg9 : memref<128x128xi32, #tpu.memory_space<vmem>>) dst(%dma_wait3A_230 : memref<65536x128xi32, #tpu.memory_space<hbm>>)
    %mul3A_231 = arith.constant 1024 : i32
    %mul3A_232 = arith.muli %add3A, %mul3A_231 : i32
    %add3A_233 = arith.constant 512 : i32
    %add3A_234 = arith.addi %mul3A_232, %add3A_233 : i32
    %jit3A_235 = arith.constant 16384 : i32
    %eq3A_236 = arith.constant 0 : i32
    %eq3A_237 = arith.cmpi eq, %jit3A_235, %eq3A_236 : i32
    %jit3A_238 = arith.constant 1 : i32
    %select_n3A_239 = arith.select %eq3A_237, %jit3A_238, %jit3A_235 : i32
    %rem3A_240 = arith.remsi %add3A_234, %select_n3A_239 : i32
    %ne3A_241 = arith.constant 0 : i32
    %ne3A_242 = arith.cmpi ne, %rem3A_240, %ne3A_241 : i32
    %lt3A_243 = arith.constant 0 : i32
    %lt3A_244 = arith.cmpi slt, %rem3A_240, %lt3A_243 : i32
    %lt3A_245 = arith.constant 0 : i32
    %lt3A_246 = arith.cmpi slt, %select_n3A_239, %lt3A_245 : i32
    %ne3A_247 = arith.xori %lt3A_244, %lt3A_246 : i1
    %and3A_248 = arith.andi %ne3A_247, %ne3A_242 : i1
    %add3A_249 = arith.addi %rem3A_240, %select_n3A_239 : i32
    %select_n3A_250 = arith.select %and3A_248, %add3A_249, %rem3A_240 : i32
    %scan3A_251 = arith.constant 0 : i32
    %scan3A_252 = arith.constant 0 : i32
    %scan3A_253 = arith.constant 8 : i32
    %scan3A_254 = arith.addi %scan3A_252, %scan3A_253 : i32
    %scan3A_255 = arith.constant 1 : i32
    %scan3A_256 = scf.for %scan3A_492 = %scan3A_252 to %scan3A_254 step %scan3A_255 iter_args(%scan3A_493 = %scan3A_251) -> (i32)  : i32 {
      %mul3A_494 = arith.constant 16 : i32
      %mul3A_495 = arith.muli %scan3A_492, %mul3A_494 : i32
      %add3A_496 = arith.addi %select_n3A_250, %mul3A_495 : i32
      %iota3A = tpu.iota {dimensions = array<i32: 0>} : vector<16xi32>
      %add3A_497 = vector.broadcast %add3A_496 : i32 to vector<16xi32>
      %add3A_498 = arith.addi %add3A_497, %iota3A : vector<16xi32>
      %mul3A_499 = arith.constant 16 : i32
      %mul3A_500 = arith.muli %scan3A_492, %mul3A_499 : i32
      %swap3A = arith.index_cast %mul3A_500 : i32 to index
      %swap3A_501 = tpu.vector_load %arg5[%swap3A] {strides = array<i32>} : memref<128xi32, #tpu.memory_space<vmem>>, vector<16xi32>,
      %swap3A_502 = vector.shape_cast %swap3A_501 : vector<16xi32> to vector<16xi32>
      %swap3A_503 = vector.shape_cast %add3A_498 : vector<16xi32> to vector<16xi32>
      tpu.vector_store %arg5[%swap3A], %swap3A_503 {strides = array<i32>} : memref<128xi32, #tpu.memory_space<vmem>>, vector<16xi32>,
      %scan3A_504 = arith.constant 0 : i32
      scf.yield %scan3A_504 : i32
    }
    %scan3A_257 = arith.constant 8 : i32
    %jit3A_258 = arith.constant 128 : i32
    %div3A_259 = arith.divsi %add3A_234, %jit3A_258 : i32
    %sign3A_260 = arith.constant 0 : i32
    %sign3A_261 = arith.cmpi sgt, %add3A_234, %sign3A_260 : i32
    %sign3A_262 = arith.extui %sign3A_261 : i1 to i32
    %sign3A_263 = arith.constant 0 : i32
    %sign3A_264 = arith.cmpi slt, %add3A_234, %sign3A_263 : i32
    %sign3A_265 = arith.extui %sign3A_264 : i1 to i32
    %sign3A_266 = arith.subi %sign3A_262, %sign3A_265 : i32
    %sign3A_267 = arith.constant 0 : i32
    %sign3A_268 = arith.cmpi sgt, %jit3A_258, %sign3A_267 : i32
    %sign3A_269 = arith.extui %sign3A_268 : i1 to i32
    %sign3A_270 = arith.constant 0 : i32
    %sign3A_271 = arith.cmpi slt, %jit3A_258, %sign3A_270 : i32
    %sign3A_272 = arith.extui %sign3A_271 : i1 to i32
    %sign3A_273 = arith.subi %sign3A_269, %sign3A_272 : i32
    %ne3A_274 = arith.cmpi ne, %sign3A_266, %sign3A_273 : i32
    %rem3A_275 = arith.remsi %add3A_234, %jit3A_258 : i32
    %ne3A_276 = arith.constant 0 : i32
    %ne3A_277 = arith.cmpi ne, %rem3A_275, %ne3A_276 : i32
    %and3A_278 = arith.andi %ne3A_274, %ne3A_277 : i1
    %sub3A_279 = arith.constant 1 : i32
    %sub3A_280 = arith.subi %div3A_259, %sub3A_279 : i32
    %select_n3A_281 = arith.select %and3A_278, %sub3A_280, %div3A_259 : i32
    "tpu.region"() ({
      %run_scoped3A = tpu.sem_alloc : memref<!tpu.dma_semaphore, #tpu.memory_space<semaphore_mem>>
      %dma_start3A_492 = arith.constant 0 : i32
      %dma_start3A_493 = tpu.memref_slice %arg3[%select_n3A_281, %dma_start3A_492] : memref<256x128xi32, #tpu.memory_space<hbm>> -> memref<1x128xi32, #tpu.memory_space<hbm>>
      %dma_start3A_494 = tpu.memref_squeeze %dma_start3A_493 : memref<1x128xi32, #tpu.memory_space<hbm>> -> memref<128xi32, #tpu.memory_space<hbm>>
      %dma_start3A_495 = arith.constant 0 : i32
      %dma_start3A_496 = tpu.memref_slice %arg3[%select_n3A_281, %dma_start3A_495] : memref<256x128xi32, #tpu.memory_space<hbm>> -> memref<1x128xi32, #tpu.memory_space<hbm>>
      %dma_start3A_497 = tpu.memref_squeeze %dma_start3A_496 : memref<1x128xi32, #tpu.memory_space<hbm>> -> memref<128xi32, #tpu.memory_space<hbm>>
      tpu.enqueue_dma source(%dma_start3A_497 : memref<128xi32, #tpu.memory_space<hbm>>) target(%arg7 : memref<128xi32, #tpu.memory_space<vmem>>) target_semaphore(%run_scoped3A : memref<!tpu.dma_semaphore, #tpu.memory_space<semaphore_mem>>)
      %dma_wait3A_498 = arith.constant 0 : i32
      %dma_wait3A_499 = tpu.memref_slice %arg3[%select_n3A_281, %dma_wait3A_498] : memref<256x128xi32, #tpu.memory_space<hbm>> -> memref<1x128xi32, #tpu.memory_space<hbm>>
      %dma_wait3A_500 = tpu.memref_squeeze %dma_wait3A_499 : memref<1x128xi32, #tpu.memory_space<hbm>> -> memref<128xi32, #tpu.memory_space<hbm>>
      %dma_wait3A_501 = arith.constant 0 : i32
      %dma_wait3A_502 = tpu.memref_slice %arg3[%select_n3A_281, %dma_wait3A_501] : memref<256x128xi32, #tpu.memory_space<hbm>> -> memref<1x128xi32, #tpu.memory_space<hbm>>
      %dma_wait3A_503 = tpu.memref_squeeze %dma_wait3A_502 : memref<1x128xi32, #tpu.memory_space<hbm>> -> memref<128xi32, #tpu.memory_space<hbm>>
      tpu.wait_dma2 semaphore(%run_scoped3A : memref<!tpu.dma_semaphore, #tpu.memory_space<semaphore_mem>>) src(%dma_wait3A_503 : memref<128xi32, #tpu.memory_space<hbm>>) dst(%arg7 : memref<128xi32, #tpu.memory_space<vmem>>)
      tpu.yield
    }) : () -> ()
    %dma_start3A_282 = arith.constant 0 : i32
    %dma_start3A_283 = arith.constant 0 : i32
    %dma_start3A_284 = tpu.memref_slice %arg2[%dma_start3A_282, %dma_start3A_283] : memref<16384x128xi32, #tpu.memory_space<hbm>> -> memref<16384x128xi32, #tpu.memory_space<hbm>>
    tpu.enqueue_indirect_dma source(%dma_start3A_284 : memref<16384x128xi32, #tpu.memory_space<hbm>>) target(%arg9 : memref<128x128xi32, #tpu.memory_space<vmem>>) offsets(%arg5 : memref<128xi32, #tpu.memory_space<vmem>>) semaphore(%arg11 : memref<!tpu.dma_semaphore, #tpu.memory_space<semaphore_mem>>)
    %dma_wait3A_285 = arith.constant 0 : i32
    %dma_wait3A_286 = arith.constant 0 : i32
    %dma_wait3A_287 = tpu.memref_slice %arg2[%dma_wait3A_285, %dma_wait3A_286] : memref<16384x128xi32, #tpu.memory_space<hbm>> -> memref<16384x128xi32, #tpu.memory_space<hbm>>
    tpu.wait_indirect_dma semaphore(%arg12 : memref<!tpu.dma_semaphore, #tpu.memory_space<semaphore_mem>>) src(%dma_wait3A_287 : memref<16384x128xi32, #tpu.memory_space<hbm>>) dst(%arg10 : memref<128x128xi32, #tpu.memory_space<vmem>>)
    %dma_start3A_288 = arith.constant 0 : i32
    %dma_start3A_289 = arith.constant 0 : i32
    %dma_start3A_290 = tpu.memref_slice %arg4[%dma_start3A_288, %dma_start3A_289] : memref<65536x128xi32, #tpu.memory_space<hbm>> -> memref<65536x128xi32, #tpu.memory_space<hbm>>
    tpu.enqueue_indirect_dma source(%arg10 : memref<128x128xi32, #tpu.memory_space<vmem>>) target(%dma_start3A_290 : memref<65536x128xi32, #tpu.memory_space<hbm>>) offsets(%arg8 : memref<128xi32, #tpu.memory_space<vmem>>) semaphore(%arg14 : memref<!tpu.dma_semaphore, #tpu.memory_space<semaphore_mem>>)
    %dma_wait3A_291 = arith.constant 0 : i32
    %dma_wait3A_292 = arith.constant 0 : i32
    %dma_wait3A_293 = tpu.memref_slice %arg4[%dma_wait3A_291, %dma_wait3A_292] : memref<65536x128xi32, #tpu.memory_space<hbm>> -> memref<65536x128xi32, #tpu.memory_space<hbm>>
    tpu.wait_indirect_dma semaphore(%arg14 : memref<!tpu.dma_semaphore, #tpu.memory_space<semaphore_mem>>) src(%arg10 : memref<128x128xi32, #tpu.memory_space<vmem>>) dst(%dma_wait3A_293 : memref<65536x128xi32, #tpu.memory_space<hbm>>)
    %mul3A_294 = arith.constant 1024 : i32
    %mul3A_295 = arith.muli %add3A, %mul3A_294 : i32
    %add3A_296 = arith.constant 640 : i32
    %add3A_297 = arith.addi %mul3A_295, %add3A_296 : i32
    %jit3A_298 = arith.constant 16384 : i32
    %eq3A_299 = arith.constant 0 : i32
    %eq3A_300 = arith.cmpi eq, %jit3A_298, %eq3A_299 : i32
    %jit3A_301 = arith.constant 1 : i32
    %select_n3A_302 = arith.select %eq3A_300, %jit3A_301, %jit3A_298 : i32
    %rem3A_303 = arith.remsi %add3A_297, %select_n3A_302 : i32
    %ne3A_304 = arith.constant 0 : i32
    %ne3A_305 = arith.cmpi ne, %rem3A_303, %ne3A_304 : i32
    %lt3A_306 = arith.constant 0 : i32
    %lt3A_307 = arith.cmpi slt, %rem3A_303, %lt3A_306 : i32
    %lt3A_308 = arith.constant 0 : i32
    %lt3A_309 = arith.cmpi slt, %select_n3A_302, %lt3A_308 : i32
    %ne3A_310 = arith.xori %lt3A_307, %lt3A_309 : i1
    %and3A_311 = arith.andi %ne3A_310, %ne3A_305 : i1
    %add3A_312 = arith.addi %rem3A_303, %select_n3A_302 : i32
    %select_n3A_313 = arith.select %and3A_311, %add3A_312, %rem3A_303 : i32
    %scan3A_314 = arith.constant 0 : i32
    %scan3A_315 = arith.constant 0 : i32
    %scan3A_316 = arith.constant 8 : i32
    %scan3A_317 = arith.addi %scan3A_315, %scan3A_316 : i32
    %scan3A_318 = arith.constant 1 : i32
    %scan3A_319 = scf.for %scan3A_492 = %scan3A_315 to %scan3A_317 step %scan3A_318 iter_args(%scan3A_493 = %scan3A_314) -> (i32)  : i32 {
      %mul3A_494 = arith.constant 16 : i32
      %mul3A_495 = arith.muli %scan3A_492, %mul3A_494 : i32
      %add3A_496 = arith.addi %select_n3A_313, %mul3A_495 : i32
      %iota3A = tpu.iota {dimensions = array<i32: 0>} : vector<16xi32>
      %add3A_497 = vector.broadcast %add3A_496 : i32 to vector<16xi32>
      %add3A_498 = arith.addi %add3A_497, %iota3A : vector<16xi32>
      %mul3A_499 = arith.constant 16 : i32
      %mul3A_500 = arith.muli %scan3A_492, %mul3A_499 : i32
      %swap3A = arith.index_cast %mul3A_500 : i32 to index
      %swap3A_501 = tpu.vector_load %arg6[%swap3A] {strides = array<i32>} : memref<128xi32, #tpu.memory_space<vmem>>, vector<16xi32>,
      %swap3A_502 = vector.shape_cast %swap3A_501 : vector<16xi32> to vector<16xi32>
      %swap3A_503 = vector.shape_cast %add3A_498 : vector<16xi32> to vector<16xi32>
      tpu.vector_store %arg6[%swap3A], %swap3A_503 {strides = array<i32>} : memref<128xi32, #tpu.memory_space<vmem>>, vector<16xi32>,
      %scan3A_504 = arith.constant 0 : i32
      scf.yield %scan3A_504 : i32
    }
    %scan3A_320 = arith.constant 8 : i32
    %jit3A_321 = arith.constant 128 : i32
    %div3A_322 = arith.divsi %add3A_297, %jit3A_321 : i32
    %sign3A_323 = arith.constant 0 : i32
    %sign3A_324 = arith.cmpi sgt, %add3A_297, %sign3A_323 : i32
    %sign3A_325 = arith.extui %sign3A_324 : i1 to i32
    %sign3A_326 = arith.constant 0 : i32
    %sign3A_327 = arith.cmpi slt, %add3A_297, %sign3A_326 : i32
    %sign3A_328 = arith.extui %sign3A_327 : i1 to i32
    %sign3A_329 = arith.subi %sign3A_325, %sign3A_328 : i32
    %sign3A_330 = arith.constant 0 : i32
    %sign3A_331 = arith.cmpi sgt, %jit3A_321, %sign3A_330 : i32
    %sign3A_332 = arith.extui %sign3A_331 : i1 to i32
    %sign3A_333 = arith.constant 0 : i32
    %sign3A_334 = arith.cmpi slt, %jit3A_321, %sign3A_333 : i32
    %sign3A_335 = arith.extui %sign3A_334 : i1 to i32
    %sign3A_336 = arith.subi %sign3A_332, %sign3A_335 : i32
    %ne3A_337 = arith.cmpi ne, %sign3A_329, %sign3A_336 : i32
    %rem3A_338 = arith.remsi %add3A_297, %jit3A_321 : i32
    %ne3A_339 = arith.constant 0 : i32
    %ne3A_340 = arith.cmpi ne, %rem3A_338, %ne3A_339 : i32
    %and3A_341 = arith.andi %ne3A_337, %ne3A_340 : i1
    %sub3A_342 = arith.constant 1 : i32
    %sub3A_343 = arith.subi %div3A_322, %sub3A_342 : i32
    %select_n3A_344 = arith.select %and3A_341, %sub3A_343, %div3A_322 : i32
    "tpu.region"() ({
      %run_scoped3A = tpu.sem_alloc : memref<!tpu.dma_semaphore, #tpu.memory_space<semaphore_mem>>
      %dma_start3A_492 = arith.constant 0 : i32
      %dma_start3A_493 = tpu.memref_slice %arg3[%select_n3A_344, %dma_start3A_492] : memref<256x128xi32, #tpu.memory_space<hbm>> -> memref<1x128xi32, #tpu.memory_space<hbm>>
      %dma_start3A_494 = tpu.memref_squeeze %dma_start3A_493 : memref<1x128xi32, #tpu.memory_space<hbm>> -> memref<128xi32, #tpu.memory_space<hbm>>
      %dma_start3A_495 = arith.constant 0 : i32
      %dma_start3A_496 = tpu.memref_slice %arg3[%select_n3A_344, %dma_start3A_495] : memref<256x128xi32, #tpu.memory_space<hbm>> -> memref<1x128xi32, #tpu.memory_space<hbm>>
      %dma_start3A_497 = tpu.memref_squeeze %dma_start3A_496 : memref<1x128xi32, #tpu.memory_space<hbm>> -> memref<128xi32, #tpu.memory_space<hbm>>
      tpu.enqueue_dma source(%dma_start3A_497 : memref<128xi32, #tpu.memory_space<hbm>>) target(%arg8 : memref<128xi32, #tpu.memory_space<vmem>>) target_semaphore(%run_scoped3A : memref<!tpu.dma_semaphore, #tpu.memory_space<semaphore_mem>>)
      %dma_wait3A_498 = arith.constant 0 : i32
      %dma_wait3A_499 = tpu.memref_slice %arg3[%select_n3A_344, %dma_wait3A_498] : memref<256x128xi32, #tpu.memory_space<hbm>> -> memref<1x128xi32, #tpu.memory_space<hbm>>
      %dma_wait3A_500 = tpu.memref_squeeze %dma_wait3A_499 : memref<1x128xi32, #tpu.memory_space<hbm>> -> memref<128xi32, #tpu.memory_space<hbm>>
      %dma_wait3A_501 = arith.constant 0 : i32
      %dma_wait3A_502 = tpu.memref_slice %arg3[%select_n3A_344, %dma_wait3A_501] : memref<256x128xi32, #tpu.memory_space<hbm>> -> memref<1x128xi32, #tpu.memory_space<hbm>>
      %dma_wait3A_503 = tpu.memref_squeeze %dma_wait3A_502 : memref<1x128xi32, #tpu.memory_space<hbm>> -> memref<128xi32, #tpu.memory_space<hbm>>
      tpu.wait_dma2 semaphore(%run_scoped3A : memref<!tpu.dma_semaphore, #tpu.memory_space<semaphore_mem>>) src(%dma_wait3A_503 : memref<128xi32, #tpu.memory_space<hbm>>) dst(%arg8 : memref<128xi32, #tpu.memory_space<vmem>>)
      tpu.yield
    }) : () -> ()
    %dma_start3A_345 = arith.constant 0 : i32
    %dma_start3A_346 = arith.constant 0 : i32
    %dma_start3A_347 = tpu.memref_slice %arg2[%dma_start3A_345, %dma_start3A_346] : memref<16384x128xi32, #tpu.memory_space<hbm>> -> memref<16384x128xi32, #tpu.memory_space<hbm>>
    tpu.enqueue_indirect_dma source(%dma_start3A_347 : memref<16384x128xi32, #tpu.memory_space<hbm>>) target(%arg10 : memref<128x128xi32, #tpu.memory_space<vmem>>) offsets(%arg6 : memref<128xi32, #tpu.memory_space<vmem>>) semaphore(%arg12 : memref<!tpu.dma_semaphore, #tpu.memory_space<semaphore_mem>>)
    %dma_wait3A_348 = arith.constant 0 : i32
    %dma_wait3A_349 = arith.constant 0 : i32
    %dma_wait3A_350 = tpu.memref_slice %arg2[%dma_wait3A_348, %dma_wait3A_349] : memref<16384x128xi32, #tpu.memory_space<hbm>> -> memref<16384x128xi32, #tpu.memory_space<hbm>>
    tpu.wait_indirect_dma semaphore(%arg11 : memref<!tpu.dma_semaphore, #tpu.memory_space<semaphore_mem>>) src(%dma_wait3A_350 : memref<16384x128xi32, #tpu.memory_space<hbm>>) dst(%arg9 : memref<128x128xi32, #tpu.memory_space<vmem>>)
    %dma_start3A_351 = arith.constant 0 : i32
    %dma_start3A_352 = arith.constant 0 : i32
    %dma_start3A_353 = tpu.memref_slice %arg4[%dma_start3A_351, %dma_start3A_352] : memref<65536x128xi32, #tpu.memory_space<hbm>> -> memref<65536x128xi32, #tpu.memory_space<hbm>>
    tpu.enqueue_indirect_dma source(%arg9 : memref<128x128xi32, #tpu.memory_space<vmem>>) target(%dma_start3A_353 : memref<65536x128xi32, #tpu.memory_space<hbm>>) offsets(%arg7 : memref<128xi32, #tpu.memory_space<vmem>>) semaphore(%arg13 : memref<!tpu.dma_semaphore, #tpu.memory_space<semaphore_mem>>)
    %dma_wait3A_354 = arith.constant 0 : i32
    %dma_wait3A_355 = arith.constant 0 : i32
    %dma_wait3A_356 = tpu.memref_slice %arg4[%dma_wait3A_354, %dma_wait3A_355] : memref<65536x128xi32, #tpu.memory_space<hbm>> -> memref<65536x128xi32, #tpu.memory_space<hbm>>
    tpu.wait_indirect_dma semaphore(%arg13 : memref<!tpu.dma_semaphore, #tpu.memory_space<semaphore_mem>>) src(%arg9 : memref<128x128xi32, #tpu.memory_space<vmem>>) dst(%dma_wait3A_356 : memref<65536x128xi32, #tpu.memory_space<hbm>>)
    %mul3A_357 = arith.constant 1024 : i32
    %mul3A_358 = arith.muli %add3A, %mul3A_357 : i32
    %add3A_359 = arith.constant 768 : i32
    %add3A_360 = arith.addi %mul3A_358, %add3A_359 : i32
    %jit3A_361 = arith.constant 16384 : i32
    %eq3A_362 = arith.constant 0 : i32
    %eq3A_363 = arith.cmpi eq, %jit3A_361, %eq3A_362 : i32
    %jit3A_364 = arith.constant 1 : i32
    %select_n3A_365 = arith.select %eq3A_363, %jit3A_364, %jit3A_361 : i32
    %rem3A_366 = arith.remsi %add3A_360, %select_n3A_365 : i32
    %ne3A_367 = arith.constant 0 : i32
    %ne3A_368 = arith.cmpi ne, %rem3A_366, %ne3A_367 : i32
    %lt3A_369 = arith.constant 0 : i32
    %lt3A_370 = arith.cmpi slt, %rem3A_366, %lt3A_369 : i32
    %lt3A_371 = arith.constant 0 : i32
    %lt3A_372 = arith.cmpi slt, %select_n3A_365, %lt3A_371 : i32
    %ne3A_373 = arith.xori %lt3A_370, %lt3A_372 : i1
    %and3A_374 = arith.andi %ne3A_373, %ne3A_368 : i1
    %add3A_375 = arith.addi %rem3A_366, %select_n3A_365 : i32
    %select_n3A_376 = arith.select %and3A_374, %add3A_375, %rem3A_366 : i32
    %scan3A_377 = arith.constant 0 : i32
    %scan3A_378 = arith.constant 0 : i32
    %scan3A_379 = arith.constant 8 : i32
    %scan3A_380 = arith.addi %scan3A_378, %scan3A_379 : i32
    %scan3A_381 = arith.constant 1 : i32
    %scan3A_382 = scf.for %scan3A_492 = %scan3A_378 to %scan3A_380 step %scan3A_381 iter_args(%scan3A_493 = %scan3A_377) -> (i32)  : i32 {
      %mul3A_494 = arith.constant 16 : i32
      %mul3A_495 = arith.muli %scan3A_492, %mul3A_494 : i32
      %add3A_496 = arith.addi %select_n3A_376, %mul3A_495 : i32
      %iota3A = tpu.iota {dimensions = array<i32: 0>} : vector<16xi32>
      %add3A_497 = vector.broadcast %add3A_496 : i32 to vector<16xi32>
      %add3A_498 = arith.addi %add3A_497, %iota3A : vector<16xi32>
      %mul3A_499 = arith.constant 16 : i32
      %mul3A_500 = arith.muli %scan3A_492, %mul3A_499 : i32
      %swap3A = arith.index_cast %mul3A_500 : i32 to index
      %swap3A_501 = tpu.vector_load %arg5[%swap3A] {strides = array<i32>} : memref<128xi32, #tpu.memory_space<vmem>>, vector<16xi32>,
      %swap3A_502 = vector.shape_cast %swap3A_501 : vector<16xi32> to vector<16xi32>
      %swap3A_503 = vector.shape_cast %add3A_498 : vector<16xi32> to vector<16xi32>
      tpu.vector_store %arg5[%swap3A], %swap3A_503 {strides = array<i32>} : memref<128xi32, #tpu.memory_space<vmem>>, vector<16xi32>,
      %scan3A_504 = arith.constant 0 : i32
      scf.yield %scan3A_504 : i32
    }
    %scan3A_383 = arith.constant 8 : i32
    %jit3A_384 = arith.constant 128 : i32
    %div3A_385 = arith.divsi %add3A_360, %jit3A_384 : i32
    %sign3A_386 = arith.constant 0 : i32
    %sign3A_387 = arith.cmpi sgt, %add3A_360, %sign3A_386 : i32
    %sign3A_388 = arith.extui %sign3A_387 : i1 to i32
    %sign3A_389 = arith.constant 0 : i32
    %sign3A_390 = arith.cmpi slt, %add3A_360, %sign3A_389 : i32
    %sign3A_391 = arith.extui %sign3A_390 : i1 to i32
    %sign3A_392 = arith.subi %sign3A_388, %sign3A_391 : i32
    %sign3A_393 = arith.constant 0 : i32
    %sign3A_394 = arith.cmpi sgt, %jit3A_384, %sign3A_393 : i32
    %sign3A_395 = arith.extui %sign3A_394 : i1 to i32
    %sign3A_396 = arith.constant 0 : i32
    %sign3A_397 = arith.cmpi slt, %jit3A_384, %sign3A_396 : i32
    %sign3A_398 = arith.extui %sign3A_397 : i1 to i32
    %sign3A_399 = arith.subi %sign3A_395, %sign3A_398 : i32
    %ne3A_400 = arith.cmpi ne, %sign3A_392, %sign3A_399 : i32
    %rem3A_401 = arith.remsi %add3A_360, %jit3A_384 : i32
    %ne3A_402 = arith.constant 0 : i32
    %ne3A_403 = arith.cmpi ne, %rem3A_401, %ne3A_402 : i32
    %and3A_404 = arith.andi %ne3A_400, %ne3A_403 : i1
    %sub3A_405 = arith.constant 1 : i32
    %sub3A_406 = arith.subi %div3A_385, %sub3A_405 : i32
    %select_n3A_407 = arith.select %and3A_404, %sub3A_406, %div3A_385 : i32
    "tpu.region"() ({
      %run_scoped3A = tpu.sem_alloc : memref<!tpu.dma_semaphore, #tpu.memory_space<semaphore_mem>>
      %dma_start3A_492 = arith.constant 0 : i32
      %dma_start3A_493 = tpu.memref_slice %arg3[%select_n3A_407, %dma_start3A_492] : memref<256x128xi32, #tpu.memory_space<hbm>> -> memref<1x128xi32, #tpu.memory_space<hbm>>
      %dma_start3A_494 = tpu.memref_squeeze %dma_start3A_493 : memref<1x128xi32, #tpu.memory_space<hbm>> -> memref<128xi32, #tpu.memory_space<hbm>>
      %dma_start3A_495 = arith.constant 0 : i32
      %dma_start3A_496 = tpu.memref_slice %arg3[%select_n3A_407, %dma_start3A_495] : memref<256x128xi32, #tpu.memory_space<hbm>> -> memref<1x128xi32, #tpu.memory_space<hbm>>
      %dma_start3A_497 = tpu.memref_squeeze %dma_start3A_496 : memref<1x128xi32, #tpu.memory_space<hbm>> -> memref<128xi32, #tpu.memory_space<hbm>>
      tpu.enqueue_dma source(%dma_start3A_497 : memref<128xi32, #tpu.memory_space<hbm>>) target(%arg7 : memref<128xi32, #tpu.memory_space<vmem>>) target_semaphore(%run_scoped3A : memref<!tpu.dma_semaphore, #tpu.memory_space<semaphore_mem>>)
      %dma_wait3A_498 = arith.constant 0 : i32
      %dma_wait3A_499 = tpu.memref_slice %arg3[%select_n3A_407, %dma_wait3A_498] : memref<256x128xi32, #tpu.memory_space<hbm>> -> memref<1x128xi32, #tpu.memory_space<hbm>>
      %dma_wait3A_500 = tpu.memref_squeeze %dma_wait3A_499 : memref<1x128xi32, #tpu.memory_space<hbm>> -> memref<128xi32, #tpu.memory_space<hbm>>
      %dma_wait3A_501 = arith.constant 0 : i32
      %dma_wait3A_502 = tpu.memref_slice %arg3[%select_n3A_407, %dma_wait3A_501] : memref<256x128xi32, #tpu.memory_space<hbm>> -> memref<1x128xi32, #tpu.memory_space<hbm>>
      %dma_wait3A_503 = tpu.memref_squeeze %dma_wait3A_502 : memref<1x128xi32, #tpu.memory_space<hbm>> -> memref<128xi32, #tpu.memory_space<hbm>>
      tpu.wait_dma2 semaphore(%run_scoped3A : memref<!tpu.dma_semaphore, #tpu.memory_space<semaphore_mem>>) src(%dma_wait3A_503 : memref<128xi32, #tpu.memory_space<hbm>>) dst(%arg7 : memref<128xi32, #tpu.memory_space<vmem>>)
      tpu.yield
    }) : () -> ()
    %dma_start3A_408 = arith.constant 0 : i32
    %dma_start3A_409 = arith.constant 0 : i32
    %dma_start3A_410 = tpu.memref_slice %arg2[%dma_start3A_408, %dma_start3A_409] : memref<16384x128xi32, #tpu.memory_space<hbm>> -> memref<16384x128xi32, #tpu.memory_space<hbm>>
    tpu.enqueue_indirect_dma source(%dma_start3A_410 : memref<16384x128xi32, #tpu.memory_space<hbm>>) target(%arg9 : memref<128x128xi32, #tpu.memory_space<vmem>>) offsets(%arg5 : memref<128xi32, #tpu.memory_space<vmem>>) semaphore(%arg11 : memref<!tpu.dma_semaphore, #tpu.memory_space<semaphore_mem>>)
    %dma_wait3A_411 = arith.constant 0 : i32
    %dma_wait3A_412 = arith.constant 0 : i32
    %dma_wait3A_413 = tpu.memref_slice %arg2[%dma_wait3A_411, %dma_wait3A_412] : memref<16384x128xi32, #tpu.memory_space<hbm>> -> memref<16384x128xi32, #tpu.memory_space<hbm>>
    tpu.wait_indirect_dma semaphore(%arg12 : memref<!tpu.dma_semaphore, #tpu.memory_space<semaphore_mem>>) src(%dma_wait3A_413 : memref<16384x128xi32, #tpu.memory_space<hbm>>) dst(%arg10 : memref<128x128xi32, #tpu.memory_space<vmem>>)
    %dma_start3A_414 = arith.constant 0 : i32
    %dma_start3A_415 = arith.constant 0 : i32
    %dma_start3A_416 = tpu.memref_slice %arg4[%dma_start3A_414, %dma_start3A_415] : memref<65536x128xi32, #tpu.memory_space<hbm>> -> memref<65536x128xi32, #tpu.memory_space<hbm>>
    tpu.enqueue_indirect_dma source(%arg10 : memref<128x128xi32, #tpu.memory_space<vmem>>) target(%dma_start3A_416 : memref<65536x128xi32, #tpu.memory_space<hbm>>) offsets(%arg8 : memref<128xi32, #tpu.memory_space<vmem>>) semaphore(%arg14 : memref<!tpu.dma_semaphore, #tpu.memory_space<semaphore_mem>>)
    %dma_wait3A_417 = arith.constant 0 : i32
    %dma_wait3A_418 = arith.constant 0 : i32
    %dma_wait3A_419 = tpu.memref_slice %arg4[%dma_wait3A_417, %dma_wait3A_418] : memref<65536x128xi32, #tpu.memory_space<hbm>> -> memref<65536x128xi32, #tpu.memory_space<hbm>>
    tpu.wait_indirect_dma semaphore(%arg14 : memref<!tpu.dma_semaphore, #tpu.memory_space<semaphore_mem>>) src(%arg10 : memref<128x128xi32, #tpu.memory_space<vmem>>) dst(%dma_wait3A_419 : memref<65536x128xi32, #tpu.memory_space<hbm>>)
    %mul3A_420 = arith.constant 1024 : i32
    %mul3A_421 = arith.muli %add3A, %mul3A_420 : i32
    %add3A_422 = arith.constant 896 : i32
    %add3A_423 = arith.addi %mul3A_421, %add3A_422 : i32
    %jit3A_424 = arith.constant 16384 : i32
    %eq3A_425 = arith.constant 0 : i32
    %eq3A_426 = arith.cmpi eq, %jit3A_424, %eq3A_425 : i32
    %jit3A_427 = arith.constant 1 : i32
    %select_n3A_428 = arith.select %eq3A_426, %jit3A_427, %jit3A_424 : i32
    %rem3A_429 = arith.remsi %add3A_423, %select_n3A_428 : i32
    %ne3A_430 = arith.constant 0 : i32
    %ne3A_431 = arith.cmpi ne, %rem3A_429, %ne3A_430 : i32
    %lt3A_432 = arith.constant 0 : i32
    %lt3A_433 = arith.cmpi slt, %rem3A_429, %lt3A_432 : i32
    %lt3A_434 = arith.constant 0 : i32
    %lt3A_435 = arith.cmpi slt, %select_n3A_428, %lt3A_434 : i32
    %ne3A_436 = arith.xori %lt3A_433, %lt3A_435 : i1
    %and3A_437 = arith.andi %ne3A_436, %ne3A_431 : i1
    %add3A_438 = arith.addi %rem3A_429, %select_n3A_428 : i32
    %select_n3A_439 = arith.select %and3A_437, %add3A_438, %rem3A_429 : i32
    %scan3A_440 = arith.constant 0 : i32
    %scan3A_441 = arith.constant 0 : i32
    %scan3A_442 = arith.constant 8 : i32
    %scan3A_443 = arith.addi %scan3A_441, %scan3A_442 : i32
    %scan3A_444 = arith.constant 1 : i32
    %scan3A_445 = scf.for %scan3A_492 = %scan3A_441 to %scan3A_443 step %scan3A_444 iter_args(%scan3A_493 = %scan3A_440) -> (i32)  : i32 {
      %mul3A_494 = arith.constant 16 : i32
      %mul3A_495 = arith.muli %scan3A_492, %mul3A_494 : i32
      %add3A_496 = arith.addi %select_n3A_439, %mul3A_495 : i32
      %iota3A = tpu.iota {dimensions = array<i32: 0>} : vector<16xi32>
      %add3A_497 = vector.broadcast %add3A_496 : i32 to vector<16xi32>
      %add3A_498 = arith.addi %add3A_497, %iota3A : vector<16xi32>
      %mul3A_499 = arith.constant 16 : i32
      %mul3A_500 = arith.muli %scan3A_492, %mul3A_499 : i32
      %swap3A = arith.index_cast %mul3A_500 : i32 to index
      %swap3A_501 = tpu.vector_load %arg6[%swap3A] {strides = array<i32>} : memref<128xi32, #tpu.memory_space<vmem>>, vector<16xi32>,
      %swap3A_502 = vector.shape_cast %swap3A_501 : vector<16xi32> to vector<16xi32>
      %swap3A_503 = vector.shape_cast %add3A_498 : vector<16xi32> to vector<16xi32>
      tpu.vector_store %arg6[%swap3A], %swap3A_503 {strides = array<i32>} : memref<128xi32, #tpu.memory_space<vmem>>, vector<16xi32>,
      %scan3A_504 = arith.constant 0 : i32
      scf.yield %scan3A_504 : i32
    }
    %scan3A_446 = arith.constant 8 : i32
    %jit3A_447 = arith.constant 128 : i32
    %div3A_448 = arith.divsi %add3A_423, %jit3A_447 : i32
    %sign3A_449 = arith.constant 0 : i32
    %sign3A_450 = arith.cmpi sgt, %add3A_423, %sign3A_449 : i32
    %sign3A_451 = arith.extui %sign3A_450 : i1 to i32
    %sign3A_452 = arith.constant 0 : i32
    %sign3A_453 = arith.cmpi slt, %add3A_423, %sign3A_452 : i32
    %sign3A_454 = arith.extui %sign3A_453 : i1 to i32
    %sign3A_455 = arith.subi %sign3A_451, %sign3A_454 : i32
    %sign3A_456 = arith.constant 0 : i32
    %sign3A_457 = arith.cmpi sgt, %jit3A_447, %sign3A_456 : i32
    %sign3A_458 = arith.extui %sign3A_457 : i1 to i32
    %sign3A_459 = arith.constant 0 : i32
    %sign3A_460 = arith.cmpi slt, %jit3A_447, %sign3A_459 : i32
    %sign3A_461 = arith.extui %sign3A_460 : i1 to i32
    %sign3A_462 = arith.subi %sign3A_458, %sign3A_461 : i32
    %ne3A_463 = arith.cmpi ne, %sign3A_455, %sign3A_462 : i32
    %rem3A_464 = arith.remsi %add3A_423, %jit3A_447 : i32
    %ne3A_465 = arith.constant 0 : i32
    %ne3A_466 = arith.cmpi ne, %rem3A_464, %ne3A_465 : i32
    %and3A_467 = arith.andi %ne3A_463, %ne3A_466 : i1
    %sub3A_468 = arith.constant 1 : i32
    %sub3A_469 = arith.subi %div3A_448, %sub3A_468 : i32
    %select_n3A_470 = arith.select %and3A_467, %sub3A_469, %div3A_448 : i32
    "tpu.region"() ({
      %run_scoped3A = tpu.sem_alloc : memref<!tpu.dma_semaphore, #tpu.memory_space<semaphore_mem>>
      %dma_start3A_492 = arith.constant 0 : i32
      %dma_start3A_493 = tpu.memref_slice %arg3[%select_n3A_470, %dma_start3A_492] : memref<256x128xi32, #tpu.memory_space<hbm>> -> memref<1x128xi32, #tpu.memory_space<hbm>>
      %dma_start3A_494 = tpu.memref_squeeze %dma_start3A_493 : memref<1x128xi32, #tpu.memory_space<hbm>> -> memref<128xi32, #tpu.memory_space<hbm>>
      %dma_start3A_495 = arith.constant 0 : i32
      %dma_start3A_496 = tpu.memref_slice %arg3[%select_n3A_470, %dma_start3A_495] : memref<256x128xi32, #tpu.memory_space<hbm>> -> memref<1x128xi32, #tpu.memory_space<hbm>>
      %dma_start3A_497 = tpu.memref_squeeze %dma_start3A_496 : memref<1x128xi32, #tpu.memory_space<hbm>> -> memref<128xi32, #tpu.memory_space<hbm>>
      tpu.enqueue_dma source(%dma_start3A_497 : memref<128xi32, #tpu.memory_space<hbm>>) target(%arg8 : memref<128xi32, #tpu.memory_space<vmem>>) target_semaphore(%run_scoped3A : memref<!tpu.dma_semaphore, #tpu.memory_space<semaphore_mem>>)
      %dma_wait3A_498 = arith.constant 0 : i32
      %dma_wait3A_499 = tpu.memref_slice %arg3[%select_n3A_470, %dma_wait3A_498] : memref<256x128xi32, #tpu.memory_space<hbm>> -> memref<1x128xi32, #tpu.memory_space<hbm>>
      %dma_wait3A_500 = tpu.memref_squeeze %dma_wait3A_499 : memref<1x128xi32, #tpu.memory_space<hbm>> -> memref<128xi32, #tpu.memory_space<hbm>>
      %dma_wait3A_501 = arith.constant 0 : i32
      %dma_wait3A_502 = tpu.memref_slice %arg3[%select_n3A_470, %dma_wait3A_501] : memref<256x128xi32, #tpu.memory_space<hbm>> -> memref<1x128xi32, #tpu.memory_space<hbm>>
      %dma_wait3A_503 = tpu.memref_squeeze %dma_wait3A_502 : memref<1x128xi32, #tpu.memory_space<hbm>> -> memref<128xi32, #tpu.memory_space<hbm>>
      tpu.wait_dma2 semaphore(%run_scoped3A : memref<!tpu.dma_semaphore, #tpu.memory_space<semaphore_mem>>) src(%dma_wait3A_503 : memref<128xi32, #tpu.memory_space<hbm>>) dst(%arg8 : memref<128xi32, #tpu.memory_space<vmem>>)
      tpu.yield
    }) : () -> ()
    %dma_start3A_471 = arith.constant 0 : i32
    %dma_start3A_472 = arith.constant 0 : i32
    %dma_start3A_473 = tpu.memref_slice %arg2[%dma_start3A_471, %dma_start3A_472] : memref<16384x128xi32, #tpu.memory_space<hbm>> -> memref<16384x128xi32, #tpu.memory_space<hbm>>
    tpu.enqueue_indirect_dma source(%dma_start3A_473 : memref<16384x128xi32, #tpu.memory_space<hbm>>) target(%arg10 : memref<128x128xi32, #tpu.memory_space<vmem>>) offsets(%arg6 : memref<128xi32, #tpu.memory_space<vmem>>) semaphore(%arg12 : memref<!tpu.dma_semaphore, #tpu.memory_space<semaphore_mem>>)
    %dma_wait3A_474 = arith.constant 0 : i32
    %dma_wait3A_475 = arith.constant 0 : i32
    %dma_wait3A_476 = tpu.memref_slice %arg2[%dma_wait3A_474, %dma_wait3A_475] : memref<16384x128xi32, #tpu.memory_space<hbm>> -> memref<16384x128xi32, #tpu.memory_space<hbm>>
    tpu.wait_indirect_dma semaphore(%arg11 : memref<!tpu.dma_semaphore, #tpu.memory_space<semaphore_mem>>) src(%dma_wait3A_476 : memref<16384x128xi32, #tpu.memory_space<hbm>>) dst(%arg9 : memref<128x128xi32, #tpu.memory_space<vmem>>)
    %dma_start3A_477 = arith.constant 0 : i32
    %dma_start3A_478 = arith.constant 0 : i32
    %dma_start3A_479 = tpu.memref_slice %arg4[%dma_start3A_477, %dma_start3A_478] : memref<65536x128xi32, #tpu.memory_space<hbm>> -> memref<65536x128xi32, #tpu.memory_space<hbm>>
    tpu.enqueue_indirect_dma source(%arg9 : memref<128x128xi32, #tpu.memory_space<vmem>>) target(%dma_start3A_479 : memref<65536x128xi32, #tpu.memory_space<hbm>>) offsets(%arg7 : memref<128xi32, #tpu.memory_space<vmem>>) semaphore(%arg13 : memref<!tpu.dma_semaphore, #tpu.memory_space<semaphore_mem>>)
    %dma_wait3A_480 = arith.constant 0 : i32
    %dma_wait3A_481 = arith.constant 0 : i32
    %dma_wait3A_482 = tpu.memref_slice %arg2[%dma_wait3A_480, %dma_wait3A_481] : memref<16384x128xi32, #tpu.memory_space<hbm>> -> memref<16384x128xi32, #tpu.memory_space<hbm>>
    tpu.wait_indirect_dma semaphore(%arg12 : memref<!tpu.dma_semaphore, #tpu.memory_space<semaphore_mem>>) src(%dma_wait3A_482 : memref<16384x128xi32, #tpu.memory_space<hbm>>) dst(%arg10 : memref<128x128xi32, #tpu.memory_space<vmem>>)
    %dma_start3A_483 = arith.constant 0 : i32
    %dma_start3A_484 = arith.constant 0 : i32
    %dma_start3A_485 = tpu.memref_slice %arg4[%dma_start3A_483, %dma_start3A_484] : memref<65536x128xi32, #tpu.memory_space<hbm>> -> memref<65536x128xi32, #tpu.memory_space<hbm>>
    tpu.enqueue_indirect_dma source(%arg10 : memref<128x128xi32, #tpu.memory_space<vmem>>) target(%dma_start3A_485 : memref<65536x128xi32, #tpu.memory_space<hbm>>) offsets(%arg8 : memref<128xi32, #tpu.memory_space<vmem>>) semaphore(%arg14 : memref<!tpu.dma_semaphore, #tpu.memory_space<semaphore_mem>>)
    %dma_wait3A_486 = arith.constant 0 : i32
    %dma_wait3A_487 = arith.constant 0 : i32
    %dma_wait3A_488 = tpu.memref_slice %arg4[%dma_wait3A_486, %dma_wait3A_487] : memref<65536x128xi32, #tpu.memory_space<hbm>> -> memref<65536x128xi32, #tpu.memory_space<hbm>>
    tpu.wait_indirect_dma semaphore(%arg13 : memref<!tpu.dma_semaphore, #tpu.memory_space<semaphore_mem>>) src(%arg9 : memref<128x128xi32, #tpu.memory_space<vmem>>) dst(%dma_wait3A_488 : memref<65536x128xi32, #tpu.memory_space<hbm>>)
    %dma_wait3A_489 = arith.constant 0 : i32
    %dma_wait3A_490 = arith.constant 0 : i32
    %dma_wait3A_491 = tpu.memref_slice %arg4[%dma_wait3A_489, %dma_wait3A_490] : memref<65536x128xi32, #tpu.memory_space<hbm>> -> memref<65536x128xi32, #tpu.memory_space<hbm>>
    tpu.wait_indirect_dma semaphore(%arg14 : memref<!tpu.dma_semaphore, #tpu.memory_space<semaphore_mem>>) src(%arg10 : memref<128x128xi32, #tpu.memory_space<vmem>>) dst(%dma_wait3A_491 : memref<65536x128xi32, #tpu.memory_space<hbm>>)
    return
  }
}

#map = affine_map<(d0, d1) -> (0, 0)>
#map1 = affine_map<(d0, d1) -> (0)>
module attributes {stable_mosaic.version = 14 : i64} {
  func.func @k(%arg0: i32, %arg1: i32, %arg2: memref<100000x128xf32, #tpu.memory_space<hbm>>, %arg3: memref<16384xi32, #tpu.memory_space<hbm>>, %arg4: memref<16384x128xf32, #tpu.memory_space<hbm>>, %arg5: memref<512xi32, #tpu.memory_space<vmem>>, %arg6: memref<512x128xf32, #tpu.memory_space<vmem>>, %arg7: memref<!tpu.dma_semaphore, #tpu.memory_space<semaphore_mem>>) attributes {dimension_semantics = [#tpu.dimension_semantics<core_parallel>, #tpu.dimension_semantics<subcore_parallel>], iteration_bounds = array<i64: 2, 16>, scalar_prefetch = 0 : i64, scratch_operands = 3 : i64, tpu.core_type = #tpu.core_type<sc_vector_subcore>, window_params = [{transform_indices = #map}, {transform_indices = #map1}, {transform_indices = #map}]} {
    %mul3A = arith.constant 2 : i32
    %mul3A_0 = arith.muli %arg1, %mul3A : i32
    %add3A = arith.addi %mul3A_0, %arg0 : i32
    %mul3A_1 = arith.constant 512 : i32
    %mul3A_2 = arith.muli %add3A, %mul3A_1 : i32
    "tpu.region"() ({
      %run_scoped3A = tpu.sem_alloc : memref<!tpu.dma_semaphore, #tpu.memory_space<semaphore_mem>>
      %dma_start3A_7 = tpu.memref_slice %arg3[%mul3A_2] : memref<16384xi32, #tpu.memory_space<hbm>> -> memref<512xi32, #tpu.memory_space<hbm>>
      %dma_start3A_8 = tpu.memref_slice %arg3[%mul3A_2] : memref<16384xi32, #tpu.memory_space<hbm>> -> memref<512xi32, #tpu.memory_space<hbm>>
      tpu.enqueue_dma source(%dma_start3A_8 : memref<512xi32, #tpu.memory_space<hbm>>) target(%arg5 : memref<512xi32, #tpu.memory_space<vmem>>) target_semaphore(%run_scoped3A : memref<!tpu.dma_semaphore, #tpu.memory_space<semaphore_mem>>)
      %dma_wait3A_9 = tpu.memref_slice %arg3[%mul3A_2] : memref<16384xi32, #tpu.memory_space<hbm>> -> memref<512xi32, #tpu.memory_space<hbm>>
      %dma_wait3A_10 = tpu.memref_slice %arg3[%mul3A_2] : memref<16384xi32, #tpu.memory_space<hbm>> -> memref<512xi32, #tpu.memory_space<hbm>>
      tpu.wait_dma2 semaphore(%run_scoped3A : memref<!tpu.dma_semaphore, #tpu.memory_space<semaphore_mem>>) src(%dma_wait3A_10 : memref<512xi32, #tpu.memory_space<hbm>>) dst(%arg5 : memref<512xi32, #tpu.memory_space<vmem>>)
      tpu.yield
    }) : () -> ()
    %dma_start3A = arith.constant 0 : i32
    %dma_start3A_3 = arith.constant 0 : i32
    %dma_start3A_4 = tpu.memref_slice %arg2[%dma_start3A, %dma_start3A_3] : memref<100000x128xf32, #tpu.memory_space<hbm>> -> memref<100000x128xf32, #tpu.memory_space<hbm>>
    tpu.enqueue_indirect_dma source(%dma_start3A_4 : memref<100000x128xf32, #tpu.memory_space<hbm>>) target(%arg6 : memref<512x128xf32, #tpu.memory_space<vmem>>) offsets(%arg5 : memref<512xi32, #tpu.memory_space<vmem>>) semaphore(%arg7 : memref<!tpu.dma_semaphore, #tpu.memory_space<semaphore_mem>>)
    %dma_wait3A = arith.constant 0 : i32
    %dma_wait3A_5 = arith.constant 0 : i32
    %dma_wait3A_6 = tpu.memref_slice %arg2[%dma_wait3A, %dma_wait3A_5] : memref<100000x128xf32, #tpu.memory_space<hbm>> -> memref<100000x128xf32, #tpu.memory_space<hbm>>
    tpu.wait_indirect_dma semaphore(%arg7 : memref<!tpu.dma_semaphore, #tpu.memory_space<semaphore_mem>>) src(%dma_wait3A_6 : memref<100000x128xf32, #tpu.memory_space<hbm>>) dst(%arg6 : memref<512x128xf32, #tpu.memory_space<vmem>>)
    "tpu.region"() ({
      %run_scoped3A = tpu.sem_alloc : memref<!tpu.dma_semaphore, #tpu.memory_space<semaphore_mem>>
      %dma_start3A_7 = arith.constant 0 : i32
      %dma_start3A_8 = tpu.memref_slice %arg4[%mul3A_2, %dma_start3A_7] : memref<16384x128xf32, #tpu.memory_space<hbm>> -> memref<512x128xf32, #tpu.memory_space<hbm>>
      %dma_start3A_9 = arith.constant 0 : i32
      %dma_start3A_10 = tpu.memref_slice %arg4[%mul3A_2, %dma_start3A_9] : memref<16384x128xf32, #tpu.memory_space<hbm>> -> memref<512x128xf32, #tpu.memory_space<hbm>>
      tpu.enqueue_dma source(%arg6 : memref<512x128xf32, #tpu.memory_space<vmem>>) target(%dma_start3A_10 : memref<512x128xf32, #tpu.memory_space<hbm>>) target_semaphore(%run_scoped3A : memref<!tpu.dma_semaphore, #tpu.memory_space<semaphore_mem>>)
      %dma_wait3A_11 = arith.constant 0 : i32
      %dma_wait3A_12 = tpu.memref_slice %arg4[%mul3A_2, %dma_wait3A_11] : memref<16384x128xf32, #tpu.memory_space<hbm>> -> memref<512x128xf32, #tpu.memory_space<hbm>>
      %dma_wait3A_13 = arith.constant 0 : i32
      %dma_wait3A_14 = tpu.memref_slice %arg4[%mul3A_2, %dma_wait3A_13] : memref<16384x128xf32, #tpu.memory_space<hbm>> -> memref<512x128xf32, #tpu.memory_space<hbm>>
      tpu.wait_dma2 semaphore(%run_scoped3A : memref<!tpu.dma_semaphore, #tpu.memory_space<semaphore_mem>>) src(%arg6 : memref<512x128xf32, #tpu.memory_space<vmem>>) dst(%dma_wait3A_14 : memref<512x128xf32, #tpu.memory_space<hbm>>)
      tpu.yield
    }) : () -> ()
    return
  }
}

module attributes {stable_mosaic.version = 14 : i64} {
  func.func @_fwd_body(%arg0: i32, %arg1: memref<1024x80xf32, #tpu.memory_space<vmem>>, %arg2: memref<1024x128xf32, #tpu.memory_space<vmem>>, %arg3: memref<80x64xf32, #tpu.memory_space<vmem>>, %arg4: memref<1x64xf32, #tpu.memory_space<vmem>>, %arg5: memref<64x256xf32, #tpu.memory_space<vmem>>, %arg6: memref<1x256xf32, #tpu.memory_space<vmem>>, %arg7: memref<1x256xf32, #tpu.memory_space<vmem>>, %arg8: memref<1x256xf32, #tpu.memory_space<vmem>>, %arg9: memref<256x16xf32, #tpu.memory_space<vmem>>, %arg10: memref<128x16xf32, #tpu.memory_space<vmem>>, %arg11: memref<1x16xf32, #tpu.memory_space<vmem>>, %arg12: memref<1024x128xi32, #tpu.memory_space<vmem>>, %arg13: memref<8x128xf32, #tpu.memory_space<vmem>>, %arg14: memref<8x128xf32, #tpu.memory_space<vmem>>, %arg15: memref<1024x128xf32, #tpu.memory_space<vmem>>) attributes {dimension_semantics = [#tpu.dimension_semantics<parallel>], iteration_bounds = array<i64: 16>, scalar_prefetch = 0 : i64, scratch_operands = 0 : i64, tpu.core_type = #tpu.core_type<tc>, window_params = [{transform_indices = @transform_0, window_bounds = array<i64: 1024, 80>}, {transform_indices = @transform_1, window_bounds = array<i64: 1024, 128>}, {pipeline_mode = #tpu.pipeline_mode<synchronous>, transform_indices = @transform_2, window_bounds = array<i64: 80, 64>}, {pipeline_mode = #tpu.pipeline_mode<synchronous>, transform_indices = @transform_3, window_bounds = array<i64: 1, 64>}, {pipeline_mode = #tpu.pipeline_mode<synchronous>, transform_indices = @transform_4, window_bounds = array<i64: 64, 256>}, {pipeline_mode = #tpu.pipeline_mode<synchronous>, transform_indices = @transform_5, window_bounds = array<i64: 1, 256>}, {pipeline_mode = #tpu.pipeline_mode<synchronous>, transform_indices = @transform_6, window_bounds = array<i64: 1, 256>}, {pipeline_mode = #tpu.pipeline_mode<synchronous>, transform_indices = @transform_7, window_bounds = array<i64: 1, 256>}, {pipeline_mode = #tpu.pipeline_mode<synchronous>, transform_indices = @transform_8, window_bounds = array<i64: 256, 16>}, {pipeline_mode = #tpu.pipeline_mode<synchronous>, transform_indices = @transform_9, window_bounds = array<i64: 128, 16>}, {pipeline_mode = #tpu.pipeline_mode<synchronous>, transform_indices = @transform_10, window_bounds = array<i64: 1, 16>}, {transform_indices = @transform_11, window_bounds = array<i64: 1024, 128>}, {transform_indices = @transform_12, window_bounds = array<i64: 8, 128>}, {transform_indices = @transform_13, window_bounds = array<i64: 8, 128>}, {transform_indices = @transform_14, window_bounds = array<i64: 1024, 128>}]} {
    %get3A = arith.constant 0 : index
    %get3A_0 = arith.constant 0 : index
    %get3A_1 = vector.load %arg1[%get3A, %get3A_0] : memref<1024x80xf32, #tpu.memory_space<vmem>>, vector<1024x80xf32>
    %get3A_2 = arith.constant 0 : index
    %get3A_3 = arith.constant 0 : index
    %get3A_4 = vector.load %arg3[%get3A_2, %get3A_3] : memref<80x64xf32, #tpu.memory_space<vmem>>, vector<80x64xf32>
    %dot_general3A = arith.constant dense<0.000000e+00> : vector<1024x64xf32>
    %dot_general3A_5 = tpu.matmul %get3A_1, %get3A_4, %dot_general3A {dimension_numbers = #tpu.dot_dimension_numbers<[1], [0], [0], [1], [0, 0, 1, 1], [], []>, transpose_lhs_hint = false} : vector<1024x80xf32>, vector<80x64xf32>, vector<1024x64xf32> -> vector<1024x64xf32>
    %get3A_6 = arith.constant 0 : index
    %get3A_7 = arith.constant 0 : index
    %get3A_8 = vector.load %arg4[%get3A_6, %get3A_7] : memref<1x64xf32, #tpu.memory_space<vmem>>, vector<1x64xf32>
    %add3A = vector.broadcast %get3A_8 : vector<1x64xf32> to vector<1024x64xf32>
    %add3A_9 = arith.addf %dot_general3A_5, %add3A : vector<1024x64xf32>
    %mul3A = arith.constant 5.000000e-01 : f32
    %mul3A_10 = vector.broadcast %mul3A : f32 to vector<1024x64xf32>
    %mul3A_11 = arith.mulf %mul3A_10, %add3A_9 : vector<1024x64xf32>
    %mul3A_12 = arith.constant 0.707106769 : f32
    %mul3A_13 = vector.broadcast %mul3A_12 : f32 to vector<1024x64xf32>
    %mul3A_14 = arith.mulf %add3A_9, %mul3A_13 : vector<1024x64xf32>
    %erf3A = math.erf %mul3A_14 : vector<1024x64xf32>
    %add3A_15 = arith.constant 1.000000e+00 : f32
    %add3A_16 = vector.broadcast %add3A_15 : f32 to vector<1024x64xf32>
    %add3A_17 = arith.addf %add3A_16, %erf3A : vector<1024x64xf32>
    %mul3A_18 = arith.mulf %mul3A_11, %add3A_17 : vector<1024x64xf32>
    %get3A_19 = arith.constant 0 : index
    %get3A_20 = arith.constant 0 : index
    %get3A_21 = vector.load %arg5[%get3A_19, %get3A_20] : memref<64x256xf32, #tpu.memory_space<vmem>>, vector<64x256xf32>
    %dot_general3A_22 = arith.constant dense<0.000000e+00> : vector<1024x256xf32>
    %dot_general3A_23 = tpu.matmul %mul3A_18, %get3A_21, %dot_general3A_22 {dimension_numbers = #tpu.dot_dimension_numbers<[1], [0], [0], [1], [0, 0, 1, 1], [], []>, transpose_lhs_hint = false} : vector<1024x64xf32>, vector<64x256xf32>, vector<1024x256xf32> -> vector<1024x256xf32>
    %get3A_24 = arith.constant 0 : index
    %get3A_25 = arith.constant 0 : index
    %get3A_26 = vector.load %arg6[%get3A_24, %get3A_25] : memref<1x256xf32, #tpu.memory_space<vmem>>, vector<1x256xf32>
    %add3A_27 = vector.broadcast %get3A_26 : vector<1x256xf32> to vector<1024x256xf32>
    %add3A_28 = arith.addf %dot_general3A_23, %add3A_27 : vector<1024x256xf32>
    %mul3A_29 = arith.constant 5.000000e-01 : f32
    %mul3A_30 = vector.broadcast %mul3A_29 : f32 to vector<1024x256xf32>
    %mul3A_31 = arith.mulf %mul3A_30, %add3A_28 : vector<1024x256xf32>
    %mul3A_32 = arith.constant 0.707106769 : f32
    %mul3A_33 = vector.broadcast %mul3A_32 : f32 to vector<1024x256xf32>
    %mul3A_34 = arith.mulf %add3A_28, %mul3A_33 : vector<1024x256xf32>
    %erf3A_35 = math.erf %mul3A_34 : vector<1024x256xf32>
    %add3A_36 = arith.constant 1.000000e+00 : f32
    %add3A_37 = vector.broadcast %add3A_36 : f32 to vector<1024x256xf32>
    %add3A_38 = arith.addf %add3A_37, %erf3A_35 : vector<1024x256xf32>
    %mul3A_39 = arith.mulf %mul3A_31, %add3A_38 : vector<1024x256xf32>
    %get3A_40 = arith.constant 0 : index
    %get3A_41 = arith.constant 0 : index
    %get3A_42 = vector.load %arg7[%get3A_40, %get3A_41] : memref<1x256xf32, #tpu.memory_space<vmem>>, vector<1x256xf32>
    %get3A_43 = arith.constant 0 : index
    %get3A_44 = arith.constant 0 : index
    %get3A_45 = vector.load %arg8[%get3A_43, %get3A_44] : memref<1x256xf32, #tpu.memory_space<vmem>>, vector<1x256xf32>
    %reduce_sum3A = arith.constant dense<0.000000e+00> : vector<1024xf32>
    %reduce_sum3A_46 = vector.multi_reduction <add>, %mul3A_39, %reduce_sum3A [1] : vector<1024x256xf32> to vector<1024xf32>
    %broadcast_in_dim3A = vector.shape_cast %reduce_sum3A_46 : vector<1024xf32> to vector<1024x1xf32>
    %div3A = arith.constant 2.560000e+02 : f32
    %div3A_47 = vector.broadcast %div3A : f32 to vector<1024x1xf32>
    %div3A_48 = arith.divf %broadcast_in_dim3A, %div3A_47 : vector<1024x1xf32>
    %sub3A = vector.broadcast %div3A_48 : vector<1024x1xf32> to vector<1024x256xf32>
    %sub3A_49 = arith.subf %mul3A_39, %sub3A : vector<1024x256xf32>
    %mul3A_50 = arith.mulf %sub3A_49, %sub3A_49 : vector<1024x256xf32>
    %reduce_sum3A_51 = arith.constant dense<0.000000e+00> : vector<1024xf32>
    %reduce_sum3A_52 = vector.multi_reduction <add>, %mul3A_50, %reduce_sum3A_51 [1] : vector<1024x256xf32> to vector<1024xf32>
    %broadcast_in_dim3A_53 = vector.shape_cast %reduce_sum3A_52 : vector<1024xf32> to vector<1024x1xf32>
    %div3A_54 = arith.constant 2.560000e+02 : f32
    %div3A_55 = vector.broadcast %div3A_54 : f32 to vector<1024x1xf32>
    %div3A_56 = arith.divf %broadcast_in_dim3A_53, %div3A_55 : vector<1024x1xf32>
    %add3A_57 = arith.constant 9.99999974E-6 : f32
    %add3A_58 = vector.broadcast %add3A_57 : f32 to vector<1024x1xf32>
    %add3A_59 = arith.addf %div3A_56, %add3A_58 : vector<1024x1xf32>
    %rsqrt3A = math.rsqrt %add3A_59 : vector<1024x1xf32>
    %mul3A_60 = vector.broadcast %rsqrt3A : vector<1024x1xf32> to vector<1024x256xf32>
    %mul3A_61 = arith.mulf %sub3A_49, %mul3A_60 : vector<1024x256xf32>
    %mul3A_62 = vector.broadcast %get3A_42 : vector<1x256xf32> to vector<1024x256xf32>
    %mul3A_63 = arith.mulf %mul3A_61, %mul3A_62 : vector<1024x256xf32>
    %add3A_64 = vector.broadcast %get3A_45 : vector<1x256xf32> to vector<1024x256xf32>
    %add3A_65 = arith.addf %mul3A_63, %add3A_64 : vector<1024x256xf32>
    %slice3A = vector.extract_strided_slice %add3A_65 {offsets = [0, 0], sizes = [1024, 128], strides = [1, 1]} : vector<1024x256xf32> to vector<1024x128xf32>
    %slice3A_66 = vector.extract_strided_slice %add3A_65 {offsets = [0, 128], sizes = [1024, 128], strides = [1, 1]} : vector<1024x256xf32> to vector<1024x128xf32>
    %convert_element_type3A = arith.truncf %slice3A : vector<1024x128xf32> to vector<1024x128xbf16>
    %convert_element_type3A_67 = arith.extf %convert_element_type3A : vector<1024x128xbf16> to vector<1024x128xf32>
    %bitcast_convert_type3A = tpu.bitcast %convert_element_type3A_67 : vector<1024x128xf32> -> vector<1024x128xi32>
    %convert_element_type3A_68 = arith.truncf %slice3A_66 : vector<1024x128xf32> to vector<1024x128xbf16>
    %convert_element_type3A_69 = arith.extf %convert_element_type3A_68 : vector<1024x128xbf16> to vector<1024x128xf32>
    %bitcast_convert_type3A_70 = tpu.bitcast %convert_element_type3A_69 : vector<1024x128xf32> -> vector<1024x128xi32>
    %broadcast_in_dim3A_71 = arith.constant -65536 : i32
    %broadcast_in_dim3A_72 = vector.broadcast %broadcast_in_dim3A_71 : i32 to vector<1024x128xi32>
    %and3A = arith.andi %bitcast_convert_type3A_70, %broadcast_in_dim3A_72 : vector<1024x128xi32>
    %shift_right_logical3A = arith.constant 16 : i32
    %shift_right_logical3A_73 = vector.broadcast %shift_right_logical3A : i32 to vector<1024x128xi32>
    %shift_right_logical3A_74 = arith.shrui %bitcast_convert_type3A, %shift_right_logical3A_73 : vector<1024x128xi32>
    %or3A = arith.ori %and3A, %shift_right_logical3A_74 : vector<1024x128xi32>
    %swap3A = arith.constant 0 : index
    %swap3A_75 = arith.constant 0 : index
    %swap3A_76 = vector.load %arg12[%swap3A, %swap3A_75] : memref<1024x128xi32, #tpu.memory_space<vmem>>, vector<1024x128xi32>
    tpu.vector_store %arg12[%swap3A, %swap3A_75], %or3A {strides = array<i32>} : memref<1024x128xi32, #tpu.memory_space<vmem>>, vector<1024x128xi32>,
    %get3A_77 = arith.constant 0 : index
    %get3A_78 = arith.constant 0 : index
    %get3A_79 = vector.load %arg2[%get3A_77, %get3A_78] : memref<1024x128xf32, #tpu.memory_space<vmem>>, vector<1024x128xf32>
    %get3A_80 = arith.constant 0 : index
    %get3A_81 = arith.constant 0 : index
    %get3A_82 = vector.load %arg9[%get3A_80, %get3A_81] : memref<256x16xf32, #tpu.memory_space<vmem>>, vector<256x16xf32>
    %dot_general3A_83 = arith.constant dense<0.000000e+00> : vector<1024x16xf32>
    %dot_general3A_84 = tpu.matmul %add3A_65, %get3A_82, %dot_general3A_83 {dimension_numbers = #tpu.dot_dimension_numbers<[1], [0], [0], [1], [0, 0, 1, 1], [], []>, transpose_lhs_hint = false} : vector<1024x256xf32>, vector<256x16xf32>, vector<1024x16xf32> -> vector<1024x16xf32>
    %get3A_85 = arith.constant 0 : index
    %get3A_86 = arith.constant 0 : index
    %get3A_87 = vector.load %arg10[%get3A_85, %get3A_86] : memref<128x16xf32, #tpu.memory_space<vmem>>, vector<128x16xf32>
    %dot_general3A_88 = arith.constant dense<0.000000e+00> : vector<1024x16xf32>
    %dot_general3A_89 = tpu.matmul %get3A_79, %get3A_87, %dot_general3A_88 {dimension_numbers = #tpu.dot_dimension_numbers<[1], [0], [0], [1], [0, 0, 1, 1], [], []>, transpose_lhs_hint = false} : vector<1024x128xf32>, vector<128x16xf32>, vector<1024x16xf32> -> vector<1024x16xf32>
    %add3A_90 = arith.addf %dot_general3A_84, %dot_general3A_89 : vector<1024x16xf32>
    %get3A_91 = arith.constant 0 : index
    %get3A_92 = arith.constant 0 : index
    %get3A_93 = vector.load %arg11[%get3A_91, %get3A_92] : memref<1x16xf32, #tpu.memory_space<vmem>>, vector<1x16xf32>
    %add3A_94 = vector.broadcast %get3A_93 : vector<1x16xf32> to vector<1024x16xf32>
    %add3A_95 = arith.addf %add3A_90, %add3A_94 : vector<1024x16xf32>
    %iota3A = tpu.iota {dimensions = array<i32: 1>} : vector<1024x16xi32>
    %reduce_max3A = arith.constant dense<0xFF800000> : vector<1024xf32>
    %reduce_max3A_96 = vector.multi_reduction <maximumf>, %add3A_95, %reduce_max3A [1] : vector<1024x16xf32> to vector<1024xf32>
    %broadcast_in_dim3A_97 = vector.shape_cast %reduce_max3A_96 : vector<1024xf32> to vector<1024x1xf32>
    %ge3A = vector.broadcast %broadcast_in_dim3A_97 : vector<1024x1xf32> to vector<1024x16xf32>
    %ge3A_98 = arith.cmpf oge, %add3A_95, %ge3A : vector<1024x16xf32>
    %jit3A = arith.constant 999 : i32
    %broadcast_in_dim3A_99 = vector.broadcast %jit3A : i32 to vector<1024x16xi32>
    %select_n3A = arith.select %ge3A_98, %iota3A, %broadcast_in_dim3A_99 : vector<1024x16xi1>, vector<1024x16xi32>
    %reduce_min3A = arith.constant dense<2147483647> : vector<1024xi32>
    %reduce_min3A_100 = vector.multi_reduction <minsi>, %select_n3A, %reduce_min3A [1] : vector<1024x16xi32> to vector<1024xi32>
    %broadcast_in_dim3A_101 = vector.shape_cast %reduce_min3A_100 : vector<1024xi32> to vector<1024x1xi32>
    %eq3A = vector.broadcast %broadcast_in_dim3A_101 : vector<1024x1xi32> to vector<1024x16xi32>
    %eq3A_102 = arith.cmpi eq, %iota3A, %eq3A : vector<1024x16xi32>
    %jit3A_103 = arith.constant -1.000000e+30 : f32
    %broadcast_in_dim3A_104 = vector.broadcast %jit3A_103 : f32 to vector<1024x16xf32>
    %select_n3A_105 = arith.select %eq3A_102, %broadcast_in_dim3A_104, %add3A_95 : vector<1024x16xi1>, vector<1024x16xf32>
    %reduce_max3A_106 = arith.constant dense<0xFF800000> : vector<1024xf32>
    %reduce_max3A_107 = vector.multi_reduction <maximumf>, %select_n3A_105, %reduce_max3A_106 [1] : vector<1024x16xf32> to vector<1024xf32>
    %broadcast_in_dim3A_108 = vector.shape_cast %reduce_max3A_107 : vector<1024xf32> to vector<1024x1xf32>
    %ge3A_109 = vector.broadcast %broadcast_in_dim3A_108 : vector<1024x1xf32> to vector<1024x16xf32>
    %ge3A_110 = arith.cmpf oge, %select_n3A_105, %ge3A_109 : vector<1024x16xf32>
    %jit3A_111 = arith.constant 999 : i32
    %broadcast_in_dim3A_112 = vector.broadcast %jit3A_111 : i32 to vector<1024x16xi32>
    %select_n3A_113 = arith.select %ge3A_110, %iota3A, %broadcast_in_dim3A_112 : vector<1024x16xi1>, vector<1024x16xi32>
    %reduce_min3A_114 = arith.constant dense<2147483647> : vector<1024xi32>
    %reduce_min3A_115 = vector.multi_reduction <minsi>, %select_n3A_113, %reduce_min3A_114 [1] : vector<1024x16xi32> to vector<1024xi32>
    %broadcast_in_dim3A_116 = vector.shape_cast %reduce_min3A_115 : vector<1024xi32> to vector<1024x1xi32>
    %sub3A_117 = arith.subf %broadcast_in_dim3A_108, %broadcast_in_dim3A_97 : vector<1024x1xf32>
    %exp3A = math.exp %sub3A_117 : vector<1024x1xf32>
    %add3A_118 = arith.constant 1.000000e+00 : f32
    %add3A_119 = vector.broadcast %add3A_118 : f32 to vector<1024x1xf32>
    %add3A_120 = arith.addf %add3A_119, %exp3A : vector<1024x1xf32>
    %div3A_121 = arith.constant 1.000000e+00 : f32
    %div3A_122 = vector.broadcast %div3A_121 : f32 to vector<1024x1xf32>
    %div3A_123 = arith.divf %div3A_122, %add3A_120 : vector<1024x1xf32>
    %sub3A_124 = arith.constant 1.000000e+00 : f32
    %sub3A_125 = vector.broadcast %sub3A_124 : f32 to vector<1024x1xf32>
    %sub3A_126 = arith.subf %sub3A_125, %div3A_123 : vector<1024x1xf32>
    %convert_element_type3A_127 = arith.sitofp %broadcast_in_dim3A_101 : vector<1024x1xi32> to vector<1024x1xf32>
    %convert_element_type3A_128 = arith.sitofp %broadcast_in_dim3A_116 : vector<1024x1xi32> to vector<1024x1xf32>
    %concatenate3A = tpu.concatenate %convert_element_type3A_127, %convert_element_type3A_128 in 1 : vector<1024x1xf32>, vector<1024x1xf32> -> vector<1024x2xf32>
    %iota3A_129 = tpu.iota {dimensions = array<i32: 0>} : vector<128x128xi32>
    %iota3A_130 = tpu.iota {dimensions = array<i32: 1>} : vector<128x128xi32>
    %eq3A_131 = arith.cmpi eq, %iota3A_129, %iota3A_130 : vector<128x128xi32>
    %convert_element_type3A_132 = arith.extui %eq3A_131 : vector<128x128xi1> to vector<128x128xi32>
    %convert_element_type3A_133 = arith.sitofp %convert_element_type3A_132 : vector<128x128xi32> to vector<128x128xf32>
    %slice3A_134 = vector.extract_strided_slice %concatenate3A {offsets = [0, 0], sizes = [128, 2], strides = [1, 1]} : vector<1024x2xf32> to vector<128x2xf32>
    %dot_general3A_135 = arith.constant dense<0.000000e+00> : vector<2x128xf32>
    %dot_general3A_136 = tpu.matmul %slice3A_134, %convert_element_type3A_133, %dot_general3A_135 {dimension_numbers = #tpu.dot_dimension_numbers<[0], [0], [1], [1], [0, 1, 1, 1], [], []>, transpose_lhs_hint = false} : vector<128x2xf32>, vector<128x128xf32>, vector<2x128xf32> -> vector<2x128xf32>
    %slice3A_137 = vector.extract_strided_slice %dot_general3A_136 {offsets = [0, 0], sizes = [1, 128], strides = [1, 1]} : vector<2x128xf32> to vector<1x128xf32>
    %slice3A_138 = vector.extract_strided_slice %dot_general3A_136 {offsets = [1, 0], sizes = [1, 128], strides = [1, 1]} : vector<2x128xf32> to vector<1x128xf32>
    %slice3A_139 = vector.extract_strided_slice %concatenate3A {offsets = [128, 0], sizes = [128, 2], strides = [1, 1]} : vector<1024x2xf32> to vector<128x2xf32>
    %dot_general3A_140 = arith.constant dense<0.000000e+00> : vector<2x128xf32>
    %dot_general3A_141 = tpu.matmul %slice3A_139, %convert_element_type3A_133, %dot_general3A_140 {dimension_numbers = #tpu.dot_dimension_numbers<[0], [0], [1], [1], [0, 1, 1, 1], [], []>, transpose_lhs_hint = false} : vector<128x2xf32>, vector<128x128xf32>, vector<2x128xf32> -> vector<2x128xf32>
    %slice3A_142 = vector.extract_strided_slice %dot_general3A_141 {offsets = [0, 0], sizes = [1, 128], strides = [1, 1]} : vector<2x128xf32> to vector<1x128xf32>
    %slice3A_143 = vector.extract_strided_slice %dot_general3A_141 {offsets = [1, 0], sizes = [1, 128], strides = [1, 1]} : vector<2x128xf32> to vector<1x128xf32>
    %slice3A_144 = vector.extract_strided_slice %concatenate3A {offsets = [256, 0], sizes = [128, 2], strides = [1, 1]} : vector<1024x2xf32> to vector<128x2xf32>
    %dot_general3A_145 = arith.constant dense<0.000000e+00> : vector<2x128xf32>
    %dot_general3A_146 = tpu.matmul %slice3A_144, %convert_element_type3A_133, %dot_general3A_145 {dimension_numbers = #tpu.dot_dimension_numbers<[0], [0], [1], [1], [0, 1, 1, 1], [], []>, transpose_lhs_hint = false} : vector<128x2xf32>, vector<128x128xf32>, vector<2x128xf32> -> vector<2x128xf32>
    %slice3A_147 = vector.extract_strided_slice %dot_general3A_146 {offsets = [0, 0], sizes = [1, 128], strides = [1, 1]} : vector<2x128xf32> to vector<1x128xf32>
    %slice3A_148 = vector.extract_strided_slice %dot_general3A_146 {offsets = [1, 0], sizes = [1, 128], strides = [1, 1]} : vector<2x128xf32> to vector<1x128xf32>
    %slice3A_149 = vector.extract_strided_slice %concatenate3A {offsets = [384, 0], sizes = [128, 2], strides = [1, 1]} : vector<1024x2xf32> to vector<128x2xf32>
    %dot_general3A_150 = arith.constant dense<0.000000e+00> : vector<2x128xf32>
    %dot_general3A_151 = tpu.matmul %slice3A_149, %convert_element_type3A_133, %dot_general3A_150 {dimension_numbers = #tpu.dot_dimension_numbers<[0], [0], [1], [1], [0, 1, 1, 1], [], []>, transpose_lhs_hint = false} : vector<128x2xf32>, vector<128x128xf32>, vector<2x128xf32> -> vector<2x128xf32>
    %slice3A_152 = vector.extract_strided_slice %dot_general3A_151 {offsets = [0, 0], sizes = [1, 128], strides = [1, 1]} : vector<2x128xf32> to vector<1x128xf32>
    %slice3A_153 = vector.extract_strided_slice %dot_general3A_151 {offsets = [1, 0], sizes = [1, 128], strides = [1, 1]} : vector<2x128xf32> to vector<1x128xf32>
    %slice3A_154 = vector.extract_strided_slice %concatenate3A {offsets = [512, 0], sizes = [128, 2], strides = [1, 1]} : vector<1024x2xf32> to vector<128x2xf32>
    %dot_general3A_155 = arith.constant dense<0.000000e+00> : vector<2x128xf32>
    %dot_general3A_156 = tpu.matmul %slice3A_154, %convert_element_type3A_133, %dot_general3A_155 {dimension_numbers = #tpu.dot_dimension_numbers<[0], [0], [1], [1], [0, 1, 1, 1], [], []>, transpose_lhs_hint = false} : vector<128x2xf32>, vector<128x128xf32>, vector<2x128xf32> -> vector<2x128xf32>
    %slice3A_157 = vector.extract_strided_slice %dot_general3A_156 {offsets = [0, 0], sizes = [1, 128], strides = [1, 1]} : vector<2x128xf32> to vector<1x128xf32>
    %slice3A_158 = vector.extract_strided_slice %dot_general3A_156 {offsets = [1, 0], sizes = [1, 128], strides = [1, 1]} : vector<2x128xf32> to vector<1x128xf32>
    %slice3A_159 = vector.extract_strided_slice %concatenate3A {offsets = [640, 0], sizes = [128, 2], strides = [1, 1]} : vector<1024x2xf32> to vector<128x2xf32>
    %dot_general3A_160 = arith.constant dense<0.000000e+00> : vector<2x128xf32>
    %dot_general3A_161 = tpu.matmul %slice3A_159, %convert_element_type3A_133, %dot_general3A_160 {dimension_numbers = #tpu.dot_dimension_numbers<[0], [0], [1], [1], [0, 1, 1, 1], [], []>, transpose_lhs_hint = false} : vector<128x2xf32>, vector<128x128xf32>, vector<2x128xf32> -> vector<2x128xf32>
    %slice3A_162 = vector.extract_strided_slice %dot_general3A_161 {offsets = [0, 0], sizes = [1, 128], strides = [1, 1]} : vector<2x128xf32> to vector<1x128xf32>
    %slice3A_163 = vector.extract_strided_slice %dot_general3A_161 {offsets = [1, 0], sizes = [1, 128], strides = [1, 1]} : vector<2x128xf32> to vector<1x128xf32>
    %slice3A_164 = vector.extract_strided_slice %concatenate3A {offsets = [768, 0], sizes = [128, 2], strides = [1, 1]} : vector<1024x2xf32> to vector<128x2xf32>
    %dot_general3A_165 = arith.constant dense<0.000000e+00> : vector<2x128xf32>
    %dot_general3A_166 = tpu.matmul %slice3A_164, %convert_element_type3A_133, %dot_general3A_165 {dimension_numbers = #tpu.dot_dimension_numbers<[0], [0], [1], [1], [0, 1, 1, 1], [], []>, transpose_lhs_hint = false} : vector<128x2xf32>, vector<128x128xf32>, vector<2x128xf32> -> vector<2x128xf32>
    %slice3A_167 = vector.extract_strided_slice %dot_general3A_166 {offsets = [0, 0], sizes = [1, 128], strides = [1, 1]} : vector<2x128xf32> to vector<1x128xf32>
    %slice3A_168 = vector.extract_strided_slice %dot_general3A_166 {offsets = [1, 0], sizes = [1, 128], strides = [1, 1]} : vector<2x128xf32> to vector<1x128xf32>
    %slice3A_169 = vector.extract_strided_slice %concatenate3A {offsets = [896, 0], sizes = [128, 2], strides = [1, 1]} : vector<1024x2xf32> to vector<128x2xf32>
    %dot_general3A_170 = arith.constant dense<0.000000e+00> : vector<2x128xf32>
    %dot_general3A_171 = tpu.matmul %slice3A_169, %convert_element_type3A_133, %dot_general3A_170 {dimension_numbers = #tpu.dot_dimension_numbers<[0], [0], [1], [1], [0, 1, 1, 1], [], []>, transpose_lhs_hint = false} : vector<128x2xf32>, vector<128x128xf32>, vector<2x128xf32> -> vector<2x128xf32>
    %slice3A_172 = vector.extract_strided_slice %dot_general3A_171 {offsets = [0, 0], sizes = [1, 128], strides = [1, 1]} : vector<2x128xf32> to vector<1x128xf32>
    %slice3A_173 = vector.extract_strided_slice %dot_general3A_171 {offsets = [1, 0], sizes = [1, 128], strides = [1, 1]} : vector<2x128xf32> to vector<1x128xf32>
    %concatenate3A_174 = tpu.concatenate %slice3A_137, %slice3A_142, %slice3A_147, %slice3A_152, %slice3A_157, %slice3A_162, %slice3A_167, %slice3A_172 in 0 : vector<1x128xf32>, vector<1x128xf32>, vector<1x128xf32>, vector<1x128xf32>, vector<1x128xf32>, vector<1x128xf32>, vector<1x128xf32>, vector<1x128xf32> -> vector<8x128xf32>
    %swap3A_175 = arith.constant 0 : index
    %swap3A_176 = arith.constant 0 : index
    %swap3A_177 = vector.load %arg13[%swap3A_175, %swap3A_176] : memref<8x128xf32, #tpu.memory_space<vmem>>, vector<8x128xf32>
    tpu.vector_store %arg13[%swap3A_175, %swap3A_176], %concatenate3A_174 {strides = array<i32>} : memref<8x128xf32, #tpu.memory_space<vmem>>, vector<8x128xf32>,
    %concatenate3A_178 = tpu.concatenate %slice3A_138, %slice3A_143, %slice3A_148, %slice3A_153, %slice3A_158, %slice3A_163, %slice3A_168, %slice3A_173 in 0 : vector<1x128xf32>, vector<1x128xf32>, vector<1x128xf32>, vector<1x128xf32>, vector<1x128xf32>, vector<1x128xf32>, vector<1x128xf32>, vector<1x128xf32> -> vector<8x128xf32>
    %swap3A_179 = arith.constant 0 : index
    %swap3A_180 = arith.constant 0 : index
    %swap3A_181 = vector.load %arg14[%swap3A_179, %swap3A_180] : memref<8x128xf32, #tpu.memory_space<vmem>>, vector<8x128xf32>
    tpu.vector_store %arg14[%swap3A_179, %swap3A_180], %concatenate3A_178 {strides = array<i32>} : memref<8x128xf32, #tpu.memory_space<vmem>>, vector<8x128xf32>,
    %broadcast_in_dim3A_182 = vector.shape_cast %div3A_123 : vector<1024x1xf32> to vector<1024x1xf32>
    %broadcast_in_dim3A_183 = vector.broadcast %broadcast_in_dim3A_182 : vector<1024x1xf32> to vector<1024x16xf32>
    %broadcast_in_dim3A_184 = vector.shape_cast %sub3A_126 : vector<1024x1xf32> to vector<1024x1xf32>
    %broadcast_in_dim3A_185 = vector.broadcast %broadcast_in_dim3A_184 : vector<1024x1xf32> to vector<1024x16xf32>
    %broadcast_in_dim3A_186 = arith.constant 0.000000e+00 : f32
    %broadcast_in_dim3A_187 = vector.broadcast %broadcast_in_dim3A_186 : f32 to vector<1024x96xf32>
    %concatenate3A_188 = tpu.concatenate %broadcast_in_dim3A_183, %broadcast_in_dim3A_185, %broadcast_in_dim3A_187 in 1 : vector<1024x16xf32>, vector<1024x16xf32>, vector<1024x96xf32> -> vector<1024x128xf32>
    %swap3A_189 = arith.constant 0 : index
    %swap3A_190 = arith.constant 0 : index
    %swap3A_191 = vector.load %arg15[%swap3A_189, %swap3A_190] : memref<1024x128xf32, #tpu.memory_space<vmem>>, vector<1024x128xf32>
    tpu.vector_store %arg15[%swap3A_189, %swap3A_190], %concatenate3A_188 {strides = array<i32>} : memref<1024x128xf32, #tpu.memory_space<vmem>>, vector<1024x128xf32>,
    return
  }
  func.func @transform_0(%arg0: i32) -> (i32, i32) {
    %c0_i32 = arith.constant 0 : i32
    %c0_i32_0 = arith.constant 0 : i32
    return %arg0, %c0_i32 : i32, i32
  }
  func.func @transform_1(%arg0: i32) -> (i32, i32) {
    %c0_i32 = arith.constant 0 : i32
    %c0_i32_0 = arith.constant 0 : i32
    return %arg0, %c0_i32 : i32, i32
  }
  func.func @transform_2(%arg0: i32) -> (i32, i32) {
    %c0_i32 = arith.constant 0 : i32
    %c0_i32_0 = arith.constant 0 : i32
    %c0_i32_1 = arith.constant 0 : i32
    return %c0_i32, %c0_i32_0 : i32, i32
  }
  func.func @transform_3(%arg0: i32) -> (i32, i32) {
    %c0_i32 = arith.constant 0 : i32
    %c0_i32_0 = arith.constant 0 : i32
    %c0_i32_1 = arith.constant 0 : i32
    return %c0_i32, %c0_i32_0 : i32, i32
  }
  func.func @transform_4(%arg0: i32) -> (i32, i32) {
    %c0_i32 = arith.constant 0 : i32
    %c0_i32_0 = arith.constant 0 : i32
    %c0_i32_1 = arith.constant 0 : i32
    return %c0_i32, %c0_i32_0 : i32, i32
  }
  func.func @transform_5(%arg0: i32) -> (i32, i32) {
    %c0_i32 = arith.constant 0 : i32
    %c0_i32_0 = arith.constant 0 : i32
    %c0_i32_1 = arith.constant 0 : i32
    return %c0_i32, %c0_i32_0 : i32, i32
  }
  func.func @transform_6(%arg0: i32) -> (i32, i32) {
    %c0_i32 = arith.constant 0 : i32
    %c0_i32_0 = arith.constant 0 : i32
    %c0_i32_1 = arith.constant 0 : i32
    return %c0_i32, %c0_i32_0 : i32, i32
  }
  func.func @transform_7(%arg0: i32) -> (i32, i32) {
    %c0_i32 = arith.constant 0 : i32
    %c0_i32_0 = arith.constant 0 : i32
    %c0_i32_1 = arith.constant 0 : i32
    return %c0_i32, %c0_i32_0 : i32, i32
  }
  func.func @transform_8(%arg0: i32) -> (i32, i32) {
    %c0_i32 = arith.constant 0 : i32
    %c0_i32_0 = arith.constant 0 : i32
    %c0_i32_1 = arith.constant 0 : i32
    return %c0_i32, %c0_i32_0 : i32, i32
  }
  func.func @transform_9(%arg0: i32) -> (i32, i32) {
    %c0_i32 = arith.constant 0 : i32
    %c0_i32_0 = arith.constant 0 : i32
    %c0_i32_1 = arith.constant 0 : i32
    return %c0_i32, %c0_i32_0 : i32, i32
  }
  func.func @transform_10(%arg0: i32) -> (i32, i32) {
    %c0_i32 = arith.constant 0 : i32
    %c0_i32_0 = arith.constant 0 : i32
    %c0_i32_1 = arith.constant 0 : i32
    return %c0_i32, %c0_i32_0 : i32, i32
  }
  func.func @transform_11(%arg0: i32) -> (i32, i32) {
    %c0_i32 = arith.constant 0 : i32
    %c0_i32_0 = arith.constant 0 : i32
    return %arg0, %c0_i32 : i32, i32
  }
  func.func @transform_12(%arg0: i32) -> (i32, i32) {
    %c0_i32 = arith.constant 0 : i32
    %c0_i32_0 = arith.constant 0 : i32
    return %arg0, %c0_i32 : i32, i32
  }
  func.func @transform_13(%arg0: i32) -> (i32, i32) {
    %c0_i32 = arith.constant 0 : i32
    %c0_i32_0 = arith.constant 0 : i32
    return %arg0, %c0_i32 : i32, i32
  }
  func.func @transform_14(%arg0: i32) -> (i32, i32) {
    %c0_i32 = arith.constant 0 : i32
    %c0_i32_0 = arith.constant 0 : i32
    return %arg0, %c0_i32 : i32, i32
  }
}

module attributes {stable_mosaic.version = 14 : i64} {
  func.func @_route_body(%arg0: memref<128x128xf32, #tpu.memory_space<vmem>>, %arg1: memref<128x128xf32, #tpu.memory_space<vmem>>, %arg2: memref<256x128xi32, #tpu.memory_space<vmem>>, %arg3: memref<8x32xi32, #tpu.memory_space<vmem>>) attributes {dimension_semantics = [], scalar_prefetch = 0 : i64, scratch_operands = 0 : i64, tpu.core_type = #tpu.core_type<tc>} {
    %get3A = arith.constant 0 : index
    %get3A_0 = arith.constant 0 : index
    %get3A_1 = vector.load %arg0[%get3A, %get3A_0] : memref<128x128xf32, #tpu.memory_space<vmem>>, vector<128x128xf32>
    %get3A_2 = arith.constant 0 : index
    %get3A_3 = arith.constant 0 : index
    %get3A_4 = vector.load %arg1[%get3A_2, %get3A_3] : memref<128x128xf32, #tpu.memory_space<vmem>>, vector<128x128xf32>
    %concatenate3A = tpu.concatenate %get3A_1, %get3A_4 in 0 : vector<128x128xf32>, vector<128x128xf32> -> vector<256x128xf32>
    %convert_element_type3A = arith.fptosi %concatenate3A : vector<256x128xf32> to vector<256x128xi32>
    %iota3A = tpu.iota {dimensions = array<i32: 0>} : vector<128x128xi32>
    %iota3A_5 = tpu.iota {dimensions = array<i32: 1>} : vector<128x128xi32>
    %lt3A = arith.cmpi slt, %iota3A, %iota3A_5 : vector<128x128xi32>
    %convert_element_type3A_6 = arith.extui %lt3A : vector<128x128xi1> to vector<128x128xi32>
    %convert_element_type3A_7 = arith.sitofp %convert_element_type3A_6 : vector<128x128xi32> to vector<128x128xf32>
    %iota3A_8 = tpu.iota {dimensions = array<i32: 0>} : vector<256x256xi32>
    %iota3A_9 = tpu.iota {dimensions = array<i32: 1>} : vector<256x256xi32>
    %lt3A_10 = arith.cmpi slt, %iota3A_9, %iota3A_8 : vector<256x256xi32>
    %convert_element_type3A_11 = arith.extui %lt3A_10 : vector<256x256xi1> to vector<256x256xi32>
    %convert_element_type3A_12 = arith.sitofp %convert_element_type3A_11 : vector<256x256xi32> to vector<256x256xf32>
    %eq3A = arith.constant 0 : i32
    %eq3A_13 = vector.broadcast %eq3A : i32 to vector<256x128xi32>
    %eq3A_14 = arith.cmpi eq, %convert_element_type3A, %eq3A_13 : vector<256x128xi32>
    %convert_element_type3A_15 = arith.extui %eq3A_14 : vector<256x128xi1> to vector<256x128xi32>
    %convert_element_type3A_16 = arith.sitofp %convert_element_type3A_15 : vector<256x128xi32> to vector<256x128xf32>
    %dot_general3A = arith.constant dense<0.000000e+00> : vector<256x128xf32>
    %dot_general3A_17 = tpu.matmul %convert_element_type3A_16, %convert_element_type3A_7, %dot_general3A {dimension_numbers = #tpu.dot_dimension_numbers<[1], [0], [0], [1], [0, 0, 1, 1], [], []>, transpose_lhs_hint = false} : vector<256x128xf32>, vector<128x128xf32>, vector<256x128xf32> -> vector<256x128xf32>
    %reduce_sum3A = arith.constant dense<0.000000e+00> : vector<256xf32>
    %reduce_sum3A_18 = vector.multi_reduction <add>, %convert_element_type3A_16, %reduce_sum3A [1] : vector<256x128xf32> to vector<256xf32>
    %broadcast_in_dim3A = vector.shape_cast %reduce_sum3A_18 : vector<256xf32> to vector<256x1xf32>
    %eq3A_19 = arith.constant 1 : i32
    %eq3A_20 = vector.broadcast %eq3A_19 : i32 to vector<256x128xi32>
    %eq3A_21 = arith.cmpi eq, %convert_element_type3A, %eq3A_20 : vector<256x128xi32>
    %convert_element_type3A_22 = arith.extui %eq3A_21 : vector<256x128xi1> to vector<256x128xi32>
    %convert_element_type3A_23 = arith.sitofp %convert_element_type3A_22 : vector<256x128xi32> to vector<256x128xf32>
    %dot_general3A_24 = arith.constant dense<0.000000e+00> : vector<256x128xf32>
    %dot_general3A_25 = tpu.matmul %convert_element_type3A_23, %convert_element_type3A_7, %dot_general3A_24 {dimension_numbers = #tpu.dot_dimension_numbers<[1], [0], [0], [1], [0, 0, 1, 1], [], []>, transpose_lhs_hint = false} : vector<256x128xf32>, vector<128x128xf32>, vector<256x128xf32> -> vector<256x128xf32>
    %reduce_sum3A_26 = arith.constant dense<0.000000e+00> : vector<256xf32>
    %reduce_sum3A_27 = vector.multi_reduction <add>, %convert_element_type3A_23, %reduce_sum3A_26 [1] : vector<256x128xf32> to vector<256xf32>
    %broadcast_in_dim3A_28 = vector.shape_cast %reduce_sum3A_27 : vector<256xf32> to vector<256x1xf32>
    %eq3A_29 = arith.constant 2 : i32
    %eq3A_30 = vector.broadcast %eq3A_29 : i32 to vector<256x128xi32>
    %eq3A_31 = arith.cmpi eq, %convert_element_type3A, %eq3A_30 : vector<256x128xi32>
    %convert_element_type3A_32 = arith.extui %eq3A_31 : vector<256x128xi1> to vector<256x128xi32>
    %convert_element_type3A_33 = arith.sitofp %convert_element_type3A_32 : vector<256x128xi32> to vector<256x128xf32>
    %dot_general3A_34 = arith.constant dense<0.000000e+00> : vector<256x128xf32>
    %dot_general3A_35 = tpu.matmul %convert_element_type3A_33, %convert_element_type3A_7, %dot_general3A_34 {dimension_numbers = #tpu.dot_dimension_numbers<[1], [0], [0], [1], [0, 0, 1, 1], [], []>, transpose_lhs_hint = false} : vector<256x128xf32>, vector<128x128xf32>, vector<256x128xf32> -> vector<256x128xf32>
    %reduce_sum3A_36 = arith.constant dense<0.000000e+00> : vector<256xf32>
    %reduce_sum3A_37 = vector.multi_reduction <add>, %convert_element_type3A_33, %reduce_sum3A_36 [1] : vector<256x128xf32> to vector<256xf32>
    %broadcast_in_dim3A_38 = vector.shape_cast %reduce_sum3A_37 : vector<256xf32> to vector<256x1xf32>
    %eq3A_39 = arith.constant 3 : i32
    %eq3A_40 = vector.broadcast %eq3A_39 : i32 to vector<256x128xi32>
    %eq3A_41 = arith.cmpi eq, %convert_element_type3A, %eq3A_40 : vector<256x128xi32>
    %convert_element_type3A_42 = arith.extui %eq3A_41 : vector<256x128xi1> to vector<256x128xi32>
    %convert_element_type3A_43 = arith.sitofp %convert_element_type3A_42 : vector<256x128xi32> to vector<256x128xf32>
    %dot_general3A_44 = arith.constant dense<0.000000e+00> : vector<256x128xf32>
    %dot_general3A_45 = tpu.matmul %convert_element_type3A_43, %convert_element_type3A_7, %dot_general3A_44 {dimension_numbers = #tpu.dot_dimension_numbers<[1], [0], [0], [1], [0, 0, 1, 1], [], []>, transpose_lhs_hint = false} : vector<256x128xf32>, vector<128x128xf32>, vector<256x128xf32> -> vector<256x128xf32>
    %reduce_sum3A_46 = arith.constant dense<0.000000e+00> : vector<256xf32>
    %reduce_sum3A_47 = vector.multi_reduction <add>, %convert_element_type3A_43, %reduce_sum3A_46 [1] : vector<256x128xf32> to vector<256xf32>
    %broadcast_in_dim3A_48 = vector.shape_cast %reduce_sum3A_47 : vector<256xf32> to vector<256x1xf32>
    %eq3A_49 = arith.constant 4 : i32
    %eq3A_50 = vector.broadcast %eq3A_49 : i32 to vector<256x128xi32>
    %eq3A_51 = arith.cmpi eq, %convert_element_type3A, %eq3A_50 : vector<256x128xi32>
    %convert_element_type3A_52 = arith.extui %eq3A_51 : vector<256x128xi1> to vector<256x128xi32>
    %convert_element_type3A_53 = arith.sitofp %convert_element_type3A_52 : vector<256x128xi32> to vector<256x128xf32>
    %dot_general3A_54 = arith.constant dense<0.000000e+00> : vector<256x128xf32>
    %dot_general3A_55 = tpu.matmul %convert_element_type3A_53, %convert_element_type3A_7, %dot_general3A_54 {dimension_numbers = #tpu.dot_dimension_numbers<[1], [0], [0], [1], [0, 0, 1, 1], [], []>, transpose_lhs_hint = false} : vector<256x128xf32>, vector<128x128xf32>, vector<256x128xf32> -> vector<256x128xf32>
    %reduce_sum3A_56 = arith.constant dense<0.000000e+00> : vector<256xf32>
    %reduce_sum3A_57 = vector.multi_reduction <add>, %convert_element_type3A_53, %reduce_sum3A_56 [1] : vector<256x128xf32> to vector<256xf32>
    %broadcast_in_dim3A_58 = vector.shape_cast %reduce_sum3A_57 : vector<256xf32> to vector<256x1xf32>
    %eq3A_59 = arith.constant 5 : i32
    %eq3A_60 = vector.broadcast %eq3A_59 : i32 to vector<256x128xi32>
    %eq3A_61 = arith.cmpi eq, %convert_element_type3A, %eq3A_60 : vector<256x128xi32>
    %convert_element_type3A_62 = arith.extui %eq3A_61 : vector<256x128xi1> to vector<256x128xi32>
    %convert_element_type3A_63 = arith.sitofp %convert_element_type3A_62 : vector<256x128xi32> to vector<256x128xf32>
    %dot_general3A_64 = arith.constant dense<0.000000e+00> : vector<256x128xf32>
    %dot_general3A_65 = tpu.matmul %convert_element_type3A_63, %convert_element_type3A_7, %dot_general3A_64 {dimension_numbers = #tpu.dot_dimension_numbers<[1], [0], [0], [1], [0, 0, 1, 1], [], []>, transpose_lhs_hint = false} : vector<256x128xf32>, vector<128x128xf32>, vector<256x128xf32> -> vector<256x128xf32>
    %reduce_sum3A_66 = arith.constant dense<0.000000e+00> : vector<256xf32>
    %reduce_sum3A_67 = vector.multi_reduction <add>, %convert_element_type3A_63, %reduce_sum3A_66 [1] : vector<256x128xf32> to vector<256xf32>
    %broadcast_in_dim3A_68 = vector.shape_cast %reduce_sum3A_67 : vector<256xf32> to vector<256x1xf32>
    %eq3A_69 = arith.constant 6 : i32
    %eq3A_70 = vector.broadcast %eq3A_69 : i32 to vector<256x128xi32>
    %eq3A_71 = arith.cmpi eq, %convert_element_type3A, %eq3A_70 : vector<256x128xi32>
    %convert_element_type3A_72 = arith.extui %eq3A_71 : vector<256x128xi1> to vector<256x128xi32>
    %convert_element_type3A_73 = arith.sitofp %convert_element_type3A_72 : vector<256x128xi32> to vector<256x128xf32>
    %dot_general3A_74 = arith.constant dense<0.000000e+00> : vector<256x128xf32>
    %dot_general3A_75 = tpu.matmul %convert_element_type3A_73, %convert_element_type3A_7, %dot_general3A_74 {dimension_numbers = #tpu.dot_dimension_numbers<[1], [0], [0], [1], [0, 0, 1, 1], [], []>, transpose_lhs_hint = false} : vector<256x128xf32>, vector<128x128xf32>, vector<256x128xf32> -> vector<256x128xf32>
    %reduce_sum3A_76 = arith.constant dense<0.000000e+00> : vector<256xf32>
    %reduce_sum3A_77 = vector.multi_reduction <add>, %convert_element_type3A_73, %reduce_sum3A_76 [1] : vector<256x128xf32> to vector<256xf32>
    %broadcast_in_dim3A_78 = vector.shape_cast %reduce_sum3A_77 : vector<256xf32> to vector<256x1xf32>
    %eq3A_79 = arith.constant 7 : i32
    %eq3A_80 = vector.broadcast %eq3A_79 : i32 to vector<256x128xi32>
    %eq3A_81 = arith.cmpi eq, %convert_element_type3A, %eq3A_80 : vector<256x128xi32>
    %convert_element_type3A_82 = arith.extui %eq3A_81 : vector<256x128xi1> to vector<256x128xi32>
    %convert_element_type3A_83 = arith.sitofp %convert_element_type3A_82 : vector<256x128xi32> to vector<256x128xf32>
    %dot_general3A_84 = arith.constant dense<0.000000e+00> : vector<256x128xf32>
    %dot_general3A_85 = tpu.matmul %convert_element_type3A_83, %convert_element_type3A_7, %dot_general3A_84 {dimension_numbers = #tpu.dot_dimension_numbers<[1], [0], [0], [1], [0, 0, 1, 1], [], []>, transpose_lhs_hint = false} : vector<256x128xf32>, vector<128x128xf32>, vector<256x128xf32> -> vector<256x128xf32>
    %reduce_sum3A_86 = arith.constant dense<0.000000e+00> : vector<256xf32>
    %reduce_sum3A_87 = vector.multi_reduction <add>, %convert_element_type3A_83, %reduce_sum3A_86 [1] : vector<256x128xf32> to vector<256xf32>
    %broadcast_in_dim3A_88 = vector.shape_cast %reduce_sum3A_87 : vector<256xf32> to vector<256x1xf32>
    %eq3A_89 = arith.constant 8 : i32
    %eq3A_90 = vector.broadcast %eq3A_89 : i32 to vector<256x128xi32>
    %eq3A_91 = arith.cmpi eq, %convert_element_type3A, %eq3A_90 : vector<256x128xi32>
    %convert_element_type3A_92 = arith.extui %eq3A_91 : vector<256x128xi1> to vector<256x128xi32>
    %convert_element_type3A_93 = arith.sitofp %convert_element_type3A_92 : vector<256x128xi32> to vector<256x128xf32>
    %dot_general3A_94 = arith.constant dense<0.000000e+00> : vector<256x128xf32>
    %dot_general3A_95 = tpu.matmul %convert_element_type3A_93, %convert_element_type3A_7, %dot_general3A_94 {dimension_numbers = #tpu.dot_dimension_numbers<[1], [0], [0], [1], [0, 0, 1, 1], [], []>, transpose_lhs_hint = false} : vector<256x128xf32>, vector<128x128xf32>, vector<256x128xf32> -> vector<256x128xf32>
    %reduce_sum3A_96 = arith.constant dense<0.000000e+00> : vector<256xf32>
    %reduce_sum3A_97 = vector.multi_reduction <add>, %convert_element_type3A_93, %reduce_sum3A_96 [1] : vector<256x128xf32> to vector<256xf32>
    %broadcast_in_dim3A_98 = vector.shape_cast %reduce_sum3A_97 : vector<256xf32> to vector<256x1xf32>
    %eq3A_99 = arith.constant 9 : i32
    %eq3A_100 = vector.broadcast %eq3A_99 : i32 to vector<256x128xi32>
    %eq3A_101 = arith.cmpi eq, %convert_element_type3A, %eq3A_100 : vector<256x128xi32>
    %convert_element_type3A_102 = arith.extui %eq3A_101 : vector<256x128xi1> to vector<256x128xi32>
    %convert_element_type3A_103 = arith.sitofp %convert_element_type3A_102 : vector<256x128xi32> to vector<256x128xf32>
    %dot_general3A_104 = arith.constant dense<0.000000e+00> : vector<256x128xf32>
    %dot_general3A_105 = tpu.matmul %convert_element_type3A_103, %convert_element_type3A_7, %dot_general3A_104 {dimension_numbers = #tpu.dot_dimension_numbers<[1], [0], [0], [1], [0, 0, 1, 1], [], []>, transpose_lhs_hint = false} : vector<256x128xf32>, vector<128x128xf32>, vector<256x128xf32> -> vector<256x128xf32>
    %reduce_sum3A_106 = arith.constant dense<0.000000e+00> : vector<256xf32>
    %reduce_sum3A_107 = vector.multi_reduction <add>, %convert_element_type3A_103, %reduce_sum3A_106 [1] : vector<256x128xf32> to vector<256xf32>
    %broadcast_in_dim3A_108 = vector.shape_cast %reduce_sum3A_107 : vector<256xf32> to vector<256x1xf32>
    %eq3A_109 = arith.constant 10 : i32
    %eq3A_110 = vector.broadcast %eq3A_109 : i32 to vector<256x128xi32>
    %eq3A_111 = arith.cmpi eq, %convert_element_type3A, %eq3A_110 : vector<256x128xi32>
    %convert_element_type3A_112 = arith.extui %eq3A_111 : vector<256x128xi1> to vector<256x128xi32>
    %convert_element_type3A_113 = arith.sitofp %convert_element_type3A_112 : vector<256x128xi32> to vector<256x128xf32>
    %dot_general3A_114 = arith.constant dense<0.000000e+00> : vector<256x128xf32>
    %dot_general3A_115 = tpu.matmul %convert_element_type3A_113, %convert_element_type3A_7, %dot_general3A_114 {dimension_numbers = #tpu.dot_dimension_numbers<[1], [0], [0], [1], [0, 0, 1, 1], [], []>, transpose_lhs_hint = false} : vector<256x128xf32>, vector<128x128xf32>, vector<256x128xf32> -> vector<256x128xf32>
    %reduce_sum3A_116 = arith.constant dense<0.000000e+00> : vector<256xf32>
    %reduce_sum3A_117 = vector.multi_reduction <add>, %convert_element_type3A_113, %reduce_sum3A_116 [1] : vector<256x128xf32> to vector<256xf32>
    %broadcast_in_dim3A_118 = vector.shape_cast %reduce_sum3A_117 : vector<256xf32> to vector<256x1xf32>
    %eq3A_119 = arith.constant 11 : i32
    %eq3A_120 = vector.broadcast %eq3A_119 : i32 to vector<256x128xi32>
    %eq3A_121 = arith.cmpi eq, %convert_element_type3A, %eq3A_120 : vector<256x128xi32>
    %convert_element_type3A_122 = arith.extui %eq3A_121 : vector<256x128xi1> to vector<256x128xi32>
    %convert_element_type3A_123 = arith.sitofp %convert_element_type3A_122 : vector<256x128xi32> to vector<256x128xf32>
    %dot_general3A_124 = arith.constant dense<0.000000e+00> : vector<256x128xf32>
    %dot_general3A_125 = tpu.matmul %convert_element_type3A_123, %convert_element_type3A_7, %dot_general3A_124 {dimension_numbers = #tpu.dot_dimension_numbers<[1], [0], [0], [1], [0, 0, 1, 1], [], []>, transpose_lhs_hint = false} : vector<256x128xf32>, vector<128x128xf32>, vector<256x128xf32> -> vector<256x128xf32>
    %reduce_sum3A_126 = arith.constant dense<0.000000e+00> : vector<256xf32>
    %reduce_sum3A_127 = vector.multi_reduction <add>, %convert_element_type3A_123, %reduce_sum3A_126 [1] : vector<256x128xf32> to vector<256xf32>
    %broadcast_in_dim3A_128 = vector.shape_cast %reduce_sum3A_127 : vector<256xf32> to vector<256x1xf32>
    %eq3A_129 = arith.constant 12 : i32
    %eq3A_130 = vector.broadcast %eq3A_129 : i32 to vector<256x128xi32>
    %eq3A_131 = arith.cmpi eq, %convert_element_type3A, %eq3A_130 : vector<256x128xi32>
    %convert_element_type3A_132 = arith.extui %eq3A_131 : vector<256x128xi1> to vector<256x128xi32>
    %convert_element_type3A_133 = arith.sitofp %convert_element_type3A_132 : vector<256x128xi32> to vector<256x128xf32>
    %dot_general3A_134 = arith.constant dense<0.000000e+00> : vector<256x128xf32>
    %dot_general3A_135 = tpu.matmul %convert_element_type3A_133, %convert_element_type3A_7, %dot_general3A_134 {dimension_numbers = #tpu.dot_dimension_numbers<[1], [0], [0], [1], [0, 0, 1, 1], [], []>, transpose_lhs_hint = false} : vector<256x128xf32>, vector<128x128xf32>, vector<256x128xf32> -> vector<256x128xf32>
    %reduce_sum3A_136 = arith.constant dense<0.000000e+00> : vector<256xf32>
    %reduce_sum3A_137 = vector.multi_reduction <add>, %convert_element_type3A_133, %reduce_sum3A_136 [1] : vector<256x128xf32> to vector<256xf32>
    %broadcast_in_dim3A_138 = vector.shape_cast %reduce_sum3A_137 : vector<256xf32> to vector<256x1xf32>
    %eq3A_139 = arith.constant 13 : i32
    %eq3A_140 = vector.broadcast %eq3A_139 : i32 to vector<256x128xi32>
    %eq3A_141 = arith.cmpi eq, %convert_element_type3A, %eq3A_140 : vector<256x128xi32>
    %convert_element_type3A_142 = arith.extui %eq3A_141 : vector<256x128xi1> to vector<256x128xi32>
    %convert_element_type3A_143 = arith.sitofp %convert_element_type3A_142 : vector<256x128xi32> to vector<256x128xf32>
    %dot_general3A_144 = arith.constant dense<0.000000e+00> : vector<256x128xf32>
    %dot_general3A_145 = tpu.matmul %convert_element_type3A_143, %convert_element_type3A_7, %dot_general3A_144 {dimension_numbers = #tpu.dot_dimension_numbers<[1], [0], [0], [1], [0, 0, 1, 1], [], []>, transpose_lhs_hint = false} : vector<256x128xf32>, vector<128x128xf32>, vector<256x128xf32> -> vector<256x128xf32>
    %reduce_sum3A_146 = arith.constant dense<0.000000e+00> : vector<256xf32>
    %reduce_sum3A_147 = vector.multi_reduction <add>, %convert_element_type3A_143, %reduce_sum3A_146 [1] : vector<256x128xf32> to vector<256xf32>
    %broadcast_in_dim3A_148 = vector.shape_cast %reduce_sum3A_147 : vector<256xf32> to vector<256x1xf32>
    %eq3A_149 = arith.constant 14 : i32
    %eq3A_150 = vector.broadcast %eq3A_149 : i32 to vector<256x128xi32>
    %eq3A_151 = arith.cmpi eq, %convert_element_type3A, %eq3A_150 : vector<256x128xi32>
    %convert_element_type3A_152 = arith.extui %eq3A_151 : vector<256x128xi1> to vector<256x128xi32>
    %convert_element_type3A_153 = arith.sitofp %convert_element_type3A_152 : vector<256x128xi32> to vector<256x128xf32>
    %dot_general3A_154 = arith.constant dense<0.000000e+00> : vector<256x128xf32>
    %dot_general3A_155 = tpu.matmul %convert_element_type3A_153, %convert_element_type3A_7, %dot_general3A_154 {dimension_numbers = #tpu.dot_dimension_numbers<[1], [0], [0], [1], [0, 0, 1, 1], [], []>, transpose_lhs_hint = false} : vector<256x128xf32>, vector<128x128xf32>, vector<256x128xf32> -> vector<256x128xf32>
    %reduce_sum3A_156 = arith.constant dense<0.000000e+00> : vector<256xf32>
    %reduce_sum3A_157 = vector.multi_reduction <add>, %convert_element_type3A_153, %reduce_sum3A_156 [1] : vector<256x128xf32> to vector<256xf32>
    %broadcast_in_dim3A_158 = vector.shape_cast %reduce_sum3A_157 : vector<256xf32> to vector<256x1xf32>
    %eq3A_159 = arith.constant 15 : i32
    %eq3A_160 = vector.broadcast %eq3A_159 : i32 to vector<256x128xi32>
    %eq3A_161 = arith.cmpi eq, %convert_element_type3A, %eq3A_160 : vector<256x128xi32>
    %convert_element_type3A_162 = arith.extui %eq3A_161 : vector<256x128xi1> to vector<256x128xi32>
    %convert_element_type3A_163 = arith.sitofp %convert_element_type3A_162 : vector<256x128xi32> to vector<256x128xf32>
    %dot_general3A_164 = arith.constant dense<0.000000e+00> : vector<256x128xf32>
    %dot_general3A_165 = tpu.matmul %convert_element_type3A_163, %convert_element_type3A_7, %dot_general3A_164 {dimension_numbers = #tpu.dot_dimension_numbers<[1], [0], [0], [1], [0, 0, 1, 1], [], []>, transpose_lhs_hint = false} : vector<256x128xf32>, vector<128x128xf32>, vector<256x128xf32> -> vector<256x128xf32>
    %reduce_sum3A_166 = arith.constant dense<0.000000e+00> : vector<256xf32>
    %reduce_sum3A_167 = vector.multi_reduction <add>, %convert_element_type3A_163, %reduce_sum3A_166 [1] : vector<256x128xf32> to vector<256xf32>
    %broadcast_in_dim3A_168 = vector.shape_cast %reduce_sum3A_167 : vector<256xf32> to vector<256x1xf32>
    %concatenate3A_169 = tpu.concatenate %broadcast_in_dim3A, %broadcast_in_dim3A_28, %broadcast_in_dim3A_38, %broadcast_in_dim3A_48, %broadcast_in_dim3A_58, %broadcast_in_dim3A_68, %broadcast_in_dim3A_78, %broadcast_in_dim3A_88, %broadcast_in_dim3A_98, %broadcast_in_dim3A_108, %broadcast_in_dim3A_118, %broadcast_in_dim3A_128, %broadcast_in_dim3A_138, %broadcast_in_dim3A_148, %broadcast_in_dim3A_158, %broadcast_in_dim3A_168 in 1 : vector<256x1xf32>, vector<256x1xf32>, vector<256x1xf32>, vector<256x1xf32>, vector<256x1xf32>, vector<256x1xf32>, vector<256x1xf32>, vector<256x1xf32>, vector<256x1xf32>, vector<256x1xf32>, vector<256x1xf32>, vector<256x1xf32>, vector<256x1xf32>, vector<256x1xf32>, vector<256x1xf32>, vector<256x1xf32> -> vector<256x16xf32>
    %dot_general3A_170 = arith.constant dense<0.000000e+00> : vector<256x16xf32>
    %dot_general3A_171 = tpu.matmul %convert_element_type3A_12, %concatenate3A_169, %dot_general3A_170 {dimension_numbers = #tpu.dot_dimension_numbers<[1], [0], [0], [1], [0, 0, 1, 1], [], []>, transpose_lhs_hint = false} : vector<256x256xf32>, vector<256x16xf32>, vector<256x16xf32> -> vector<256x16xf32>
    %broadcast_in_dim3A_172 = arith.constant 1.000000e+00 : f32
    %broadcast_in_dim3A_173 = vector.broadcast %broadcast_in_dim3A_172 : f32 to vector<256x1xf32>
    %dot_general3A_174 = arith.constant dense<0.000000e+00> : vector<16x1xf32>
    %dot_general3A_175 = tpu.matmul %concatenate3A_169, %broadcast_in_dim3A_173, %dot_general3A_174 {dimension_numbers = #tpu.dot_dimension_numbers<[0], [0], [1], [1], [0, 1, 1, 1], [], []>, transpose_lhs_hint = false} : vector<256x16xf32>, vector<256x1xf32>, vector<16x1xf32> -> vector<16x1xf32>
    %convert_element_type3A_176 = arith.fptosi %dot_general3A_175 : vector<16x1xf32> to vector<16x1xi32>
    %add3A = arith.constant 2047 : i32
    %add3A_177 = vector.broadcast %add3A : i32 to vector<16x1xi32>
    %add3A_178 = arith.addi %convert_element_type3A_176, %add3A_177 : vector<16x1xi32>
    %jit3A = arith.constant 2048 : i32
    %div3A = vector.broadcast %jit3A : i32 to vector<16x1xi32>
    %div3A_179 = arith.divsi %add3A_178, %div3A : vector<16x1xi32>
    %sign3A = arith.constant 0 : i32
    %sign3A_180 = vector.broadcast %sign3A : i32 to vector<16x1xi32>
    %sign3A_181 = arith.cmpi sgt, %add3A_178, %sign3A_180 : vector<16x1xi32>
    %sign3A_182 = arith.extui %sign3A_181 : vector<16x1xi1> to vector<16x1xi32>
    %sign3A_183 = arith.constant 0 : i32
    %sign3A_184 = vector.broadcast %sign3A_183 : i32 to vector<16x1xi32>
    %sign3A_185 = arith.cmpi slt, %add3A_178, %sign3A_184 : vector<16x1xi32>
    %sign3A_186 = arith.extui %sign3A_185 : vector<16x1xi1> to vector<16x1xi32>
    %sign3A_187 = arith.subi %sign3A_182, %sign3A_186 : vector<16x1xi32>
    %sign3A_188 = arith.constant 0 : i32
    %sign3A_189 = arith.cmpi sgt, %jit3A, %sign3A_188 : i32
    %sign3A_190 = arith.extui %sign3A_189 : i1 to i32
    %sign3A_191 = arith.constant 0 : i32
    %sign3A_192 = arith.cmpi slt, %jit3A, %sign3A_191 : i32
    %sign3A_193 = arith.extui %sign3A_192 : i1 to i32
    %sign3A_194 = arith.subi %sign3A_190, %sign3A_193 : i32
    %ne3A = vector.broadcast %sign3A_194 : i32 to vector<16x1xi32>
    %ne3A_195 = arith.cmpi ne, %sign3A_187, %ne3A : vector<16x1xi32>
    %rem3A = vector.broadcast %jit3A : i32 to vector<16x1xi32>
    %rem3A_196 = arith.remsi %add3A_178, %rem3A : vector<16x1xi32>
    %ne3A_197 = arith.constant 0 : i32
    %ne3A_198 = vector.broadcast %ne3A_197 : i32 to vector<16x1xi32>
    %ne3A_199 = arith.cmpi ne, %rem3A_196, %ne3A_198 : vector<16x1xi32>
    %and3A = arith.andi %ne3A_195, %ne3A_199 : vector<16x1xi1>
    %sub3A = arith.constant 1 : i32
    %sub3A_200 = vector.broadcast %sub3A : i32 to vector<16x1xi32>
    %sub3A_201 = arith.subi %div3A_179, %sub3A_200 : vector<16x1xi32>
    %select_n3A = arith.select %and3A, %sub3A_201, %div3A_179 : vector<16x1xi1>, vector<16x1xi32>
    %mul3A = arith.constant 2048 : i32
    %mul3A_202 = vector.broadcast %mul3A : i32 to vector<16x1xi32>
    %mul3A_203 = arith.muli %select_n3A, %mul3A_202 : vector<16x1xi32>
    %iota3A_204 = tpu.iota {dimensions = array<i32: 0>} : vector<16x16xi32>
    %iota3A_205 = tpu.iota {dimensions = array<i32: 1>} : vector<16x16xi32>
    %lt3A_206 = arith.cmpi slt, %iota3A_205, %iota3A_204 : vector<16x16xi32>
    %convert_element_type3A_207 = arith.extui %lt3A_206 : vector<16x16xi1> to vector<16x16xi32>
    %convert_element_type3A_208 = arith.sitofp %convert_element_type3A_207 : vector<16x16xi32> to vector<16x16xf32>
    %convert_element_type3A_209 = arith.sitofp %mul3A_203 : vector<16x1xi32> to vector<16x1xf32>
    %dot_general3A_210 = arith.constant dense<0.000000e+00> : vector<16x1xf32>
    %dot_general3A_211 = tpu.matmul %convert_element_type3A_208, %convert_element_type3A_209, %dot_general3A_210 {dimension_numbers = #tpu.dot_dimension_numbers<[1], [0], [0], [1], [0, 0, 1, 1], [], []>, transpose_lhs_hint = false} : vector<16x16xf32>, vector<16x1xf32>, vector<16x1xf32> -> vector<16x1xf32>
    %broadcast_in_dim3A_212 = arith.constant 0.000000e+00 : f32
    %broadcast_in_dim3A_213 = vector.broadcast %broadcast_in_dim3A_212 : f32 to vector<256x128xf32>
    %slice3A = vector.extract_strided_slice %dot_general3A_211 {offsets = [0, 0], sizes = [1, 1], strides = [1, 1]} : vector<16x1xf32> to vector<1x1xf32>
    %slice3A_214 = vector.extract_strided_slice %dot_general3A_171 {offsets = [0, 0], sizes = [256, 1], strides = [1, 1]} : vector<256x16xf32> to vector<256x1xf32>
    %add3A_215 = vector.broadcast %slice3A : vector<1x1xf32> to vector<256x1xf32>
    %add3A_216 = arith.addf %add3A_215, %slice3A_214 : vector<256x1xf32>
    %add3A_217 = vector.broadcast %add3A_216 : vector<256x1xf32> to vector<256x128xf32>
    %add3A_218 = arith.addf %add3A_217, %dot_general3A_17 : vector<256x128xf32>
    %mul3A_219 = arith.mulf %convert_element_type3A_16, %add3A_218 : vector<256x128xf32>
    %add3A_220 = arith.addf %broadcast_in_dim3A_213, %mul3A_219 : vector<256x128xf32>
    %slice3A_221 = vector.extract_strided_slice %dot_general3A_211 {offsets = [1, 0], sizes = [1, 1], strides = [1, 1]} : vector<16x1xf32> to vector<1x1xf32>
    %slice3A_222 = vector.extract_strided_slice %dot_general3A_171 {offsets = [0, 1], sizes = [256, 1], strides = [1, 1]} : vector<256x16xf32> to vector<256x1xf32>
    %add3A_223 = vector.broadcast %slice3A_221 : vector<1x1xf32> to vector<256x1xf32>
    %add3A_224 = arith.addf %add3A_223, %slice3A_222 : vector<256x1xf32>
    %add3A_225 = vector.broadcast %add3A_224 : vector<256x1xf32> to vector<256x128xf32>
    %add3A_226 = arith.addf %add3A_225, %dot_general3A_25 : vector<256x128xf32>
    %mul3A_227 = arith.mulf %convert_element_type3A_23, %add3A_226 : vector<256x128xf32>
    %add3A_228 = arith.addf %add3A_220, %mul3A_227 : vector<256x128xf32>
    %slice3A_229 = vector.extract_strided_slice %dot_general3A_211 {offsets = [2, 0], sizes = [1, 1], strides = [1, 1]} : vector<16x1xf32> to vector<1x1xf32>
    %slice3A_230 = vector.extract_strided_slice %dot_general3A_171 {offsets = [0, 2], sizes = [256, 1], strides = [1, 1]} : vector<256x16xf32> to vector<256x1xf32>
    %add3A_231 = vector.broadcast %slice3A_229 : vector<1x1xf32> to vector<256x1xf32>
    %add3A_232 = arith.addf %add3A_231, %slice3A_230 : vector<256x1xf32>
    %add3A_233 = vector.broadcast %add3A_232 : vector<256x1xf32> to vector<256x128xf32>
    %add3A_234 = arith.addf %add3A_233, %dot_general3A_35 : vector<256x128xf32>
    %mul3A_235 = arith.mulf %convert_element_type3A_33, %add3A_234 : vector<256x128xf32>
    %add3A_236 = arith.addf %add3A_228, %mul3A_235 : vector<256x128xf32>
    %slice3A_237 = vector.extract_strided_slice %dot_general3A_211 {offsets = [3, 0], sizes = [1, 1], strides = [1, 1]} : vector<16x1xf32> to vector<1x1xf32>
    %slice3A_238 = vector.extract_strided_slice %dot_general3A_171 {offsets = [0, 3], sizes = [256, 1], strides = [1, 1]} : vector<256x16xf32> to vector<256x1xf32>
    %add3A_239 = vector.broadcast %slice3A_237 : vector<1x1xf32> to vector<256x1xf32>
    %add3A_240 = arith.addf %add3A_239, %slice3A_238 : vector<256x1xf32>
    %add3A_241 = vector.broadcast %add3A_240 : vector<256x1xf32> to vector<256x128xf32>
    %add3A_242 = arith.addf %add3A_241, %dot_general3A_45 : vector<256x128xf32>
    %mul3A_243 = arith.mulf %convert_element_type3A_43, %add3A_242 : vector<256x128xf32>
    %add3A_244 = arith.addf %add3A_236, %mul3A_243 : vector<256x128xf32>
    %slice3A_245 = vector.extract_strided_slice %dot_general3A_211 {offsets = [4, 0], sizes = [1, 1], strides = [1, 1]} : vector<16x1xf32> to vector<1x1xf32>
    %slice3A_246 = vector.extract_strided_slice %dot_general3A_171 {offsets = [0, 4], sizes = [256, 1], strides = [1, 1]} : vector<256x16xf32> to vector<256x1xf32>
    %add3A_247 = vector.broadcast %slice3A_245 : vector<1x1xf32> to vector<256x1xf32>
    %add3A_248 = arith.addf %add3A_247, %slice3A_246 : vector<256x1xf32>
    %add3A_249 = vector.broadcast %add3A_248 : vector<256x1xf32> to vector<256x128xf32>
    %add3A_250 = arith.addf %add3A_249, %dot_general3A_55 : vector<256x128xf32>
    %mul3A_251 = arith.mulf %convert_element_type3A_53, %add3A_250 : vector<256x128xf32>
    %add3A_252 = arith.addf %add3A_244, %mul3A_251 : vector<256x128xf32>
    %slice3A_253 = vector.extract_strided_slice %dot_general3A_211 {offsets = [5, 0], sizes = [1, 1], strides = [1, 1]} : vector<16x1xf32> to vector<1x1xf32>
    %slice3A_254 = vector.extract_strided_slice %dot_general3A_171 {offsets = [0, 5], sizes = [256, 1], strides = [1, 1]} : vector<256x16xf32> to vector<256x1xf32>
    %add3A_255 = vector.broadcast %slice3A_253 : vector<1x1xf32> to vector<256x1xf32>
    %add3A_256 = arith.addf %add3A_255, %slice3A_254 : vector<256x1xf32>
    %add3A_257 = vector.broadcast %add3A_256 : vector<256x1xf32> to vector<256x128xf32>
    %add3A_258 = arith.addf %add3A_257, %dot_general3A_65 : vector<256x128xf32>
    %mul3A_259 = arith.mulf %convert_element_type3A_63, %add3A_258 : vector<256x128xf32>
    %add3A_260 = arith.addf %add3A_252, %mul3A_259 : vector<256x128xf32>
    %slice3A_261 = vector.extract_strided_slice %dot_general3A_211 {offsets = [6, 0], sizes = [1, 1], strides = [1, 1]} : vector<16x1xf32> to vector<1x1xf32>
    %slice3A_262 = vector.extract_strided_slice %dot_general3A_171 {offsets = [0, 6], sizes = [256, 1], strides = [1, 1]} : vector<256x16xf32> to vector<256x1xf32>
    %add3A_263 = vector.broadcast %slice3A_261 : vector<1x1xf32> to vector<256x1xf32>
    %add3A_264 = arith.addf %add3A_263, %slice3A_262 : vector<256x1xf32>
    %add3A_265 = vector.broadcast %add3A_264 : vector<256x1xf32> to vector<256x128xf32>
    %add3A_266 = arith.addf %add3A_265, %dot_general3A_75 : vector<256x128xf32>
    %mul3A_267 = arith.mulf %convert_element_type3A_73, %add3A_266 : vector<256x128xf32>
    %add3A_268 = arith.addf %add3A_260, %mul3A_267 : vector<256x128xf32>
    %slice3A_269 = vector.extract_strided_slice %dot_general3A_211 {offsets = [7, 0], sizes = [1, 1], strides = [1, 1]} : vector<16x1xf32> to vector<1x1xf32>
    %slice3A_270 = vector.extract_strided_slice %dot_general3A_171 {offsets = [0, 7], sizes = [256, 1], strides = [1, 1]} : vector<256x16xf32> to vector<256x1xf32>
    %add3A_271 = vector.broadcast %slice3A_269 : vector<1x1xf32> to vector<256x1xf32>
    %add3A_272 = arith.addf %add3A_271, %slice3A_270 : vector<256x1xf32>
    %add3A_273 = vector.broadcast %add3A_272 : vector<256x1xf32> to vector<256x128xf32>
    %add3A_274 = arith.addf %add3A_273, %dot_general3A_85 : vector<256x128xf32>
    %mul3A_275 = arith.mulf %convert_element_type3A_83, %add3A_274 : vector<256x128xf32>
    %add3A_276 = arith.addf %add3A_268, %mul3A_275 : vector<256x128xf32>
    %slice3A_277 = vector.extract_strided_slice %dot_general3A_211 {offsets = [8, 0], sizes = [1, 1], strides = [1, 1]} : vector<16x1xf32> to vector<1x1xf32>
    %slice3A_278 = vector.extract_strided_slice %dot_general3A_171 {offsets = [0, 8], sizes = [256, 1], strides = [1, 1]} : vector<256x16xf32> to vector<256x1xf32>
    %add3A_279 = vector.broadcast %slice3A_277 : vector<1x1xf32> to vector<256x1xf32>
    %add3A_280 = arith.addf %add3A_279, %slice3A_278 : vector<256x1xf32>
    %add3A_281 = vector.broadcast %add3A_280 : vector<256x1xf32> to vector<256x128xf32>
    %add3A_282 = arith.addf %add3A_281, %dot_general3A_95 : vector<256x128xf32>
    %mul3A_283 = arith.mulf %convert_element_type3A_93, %add3A_282 : vector<256x128xf32>
    %add3A_284 = arith.addf %add3A_276, %mul3A_283 : vector<256x128xf32>
    %slice3A_285 = vector.extract_strided_slice %dot_general3A_211 {offsets = [9, 0], sizes = [1, 1], strides = [1, 1]} : vector<16x1xf32> to vector<1x1xf32>
    %slice3A_286 = vector.extract_strided_slice %dot_general3A_171 {offsets = [0, 9], sizes = [256, 1], strides = [1, 1]} : vector<256x16xf32> to vector<256x1xf32>
    %add3A_287 = vector.broadcast %slice3A_285 : vector<1x1xf32> to vector<256x1xf32>
    %add3A_288 = arith.addf %add3A_287, %slice3A_286 : vector<256x1xf32>
    %add3A_289 = vector.broadcast %add3A_288 : vector<256x1xf32> to vector<256x128xf32>
    %add3A_290 = arith.addf %add3A_289, %dot_general3A_105 : vector<256x128xf32>
    %mul3A_291 = arith.mulf %convert_element_type3A_103, %add3A_290 : vector<256x128xf32>
    %add3A_292 = arith.addf %add3A_284, %mul3A_291 : vector<256x128xf32>
    %slice3A_293 = vector.extract_strided_slice %dot_general3A_211 {offsets = [10, 0], sizes = [1, 1], strides = [1, 1]} : vector<16x1xf32> to vector<1x1xf32>
    %slice3A_294 = vector.extract_strided_slice %dot_general3A_171 {offsets = [0, 10], sizes = [256, 1], strides = [1, 1]} : vector<256x16xf32> to vector<256x1xf32>
    %add3A_295 = vector.broadcast %slice3A_293 : vector<1x1xf32> to vector<256x1xf32>
    %add3A_296 = arith.addf %add3A_295, %slice3A_294 : vector<256x1xf32>
    %add3A_297 = vector.broadcast %add3A_296 : vector<256x1xf32> to vector<256x128xf32>
    %add3A_298 = arith.addf %add3A_297, %dot_general3A_115 : vector<256x128xf32>
    %mul3A_299 = arith.mulf %convert_element_type3A_113, %add3A_298 : vector<256x128xf32>
    %add3A_300 = arith.addf %add3A_292, %mul3A_299 : vector<256x128xf32>
    %slice3A_301 = vector.extract_strided_slice %dot_general3A_211 {offsets = [11, 0], sizes = [1, 1], strides = [1, 1]} : vector<16x1xf32> to vector<1x1xf32>
    %slice3A_302 = vector.extract_strided_slice %dot_general3A_171 {offsets = [0, 11], sizes = [256, 1], strides = [1, 1]} : vector<256x16xf32> to vector<256x1xf32>
    %add3A_303 = vector.broadcast %slice3A_301 : vector<1x1xf32> to vector<256x1xf32>
    %add3A_304 = arith.addf %add3A_303, %slice3A_302 : vector<256x1xf32>
    %add3A_305 = vector.broadcast %add3A_304 : vector<256x1xf32> to vector<256x128xf32>
    %add3A_306 = arith.addf %add3A_305, %dot_general3A_125 : vector<256x128xf32>
    %mul3A_307 = arith.mulf %convert_element_type3A_123, %add3A_306 : vector<256x128xf32>
    %add3A_308 = arith.addf %add3A_300, %mul3A_307 : vector<256x128xf32>
    %slice3A_309 = vector.extract_strided_slice %dot_general3A_211 {offsets = [12, 0], sizes = [1, 1], strides = [1, 1]} : vector<16x1xf32> to vector<1x1xf32>
    %slice3A_310 = vector.extract_strided_slice %dot_general3A_171 {offsets = [0, 12], sizes = [256, 1], strides = [1, 1]} : vector<256x16xf32> to vector<256x1xf32>
    %add3A_311 = vector.broadcast %slice3A_309 : vector<1x1xf32> to vector<256x1xf32>
    %add3A_312 = arith.addf %add3A_311, %slice3A_310 : vector<256x1xf32>
    %add3A_313 = vector.broadcast %add3A_312 : vector<256x1xf32> to vector<256x128xf32>
    %add3A_314 = arith.addf %add3A_313, %dot_general3A_135 : vector<256x128xf32>
    %mul3A_315 = arith.mulf %convert_element_type3A_133, %add3A_314 : vector<256x128xf32>
    %add3A_316 = arith.addf %add3A_308, %mul3A_315 : vector<256x128xf32>
    %slice3A_317 = vector.extract_strided_slice %dot_general3A_211 {offsets = [13, 0], sizes = [1, 1], strides = [1, 1]} : vector<16x1xf32> to vector<1x1xf32>
    %slice3A_318 = vector.extract_strided_slice %dot_general3A_171 {offsets = [0, 13], sizes = [256, 1], strides = [1, 1]} : vector<256x16xf32> to vector<256x1xf32>
    %add3A_319 = vector.broadcast %slice3A_317 : vector<1x1xf32> to vector<256x1xf32>
    %add3A_320 = arith.addf %add3A_319, %slice3A_318 : vector<256x1xf32>
    %add3A_321 = vector.broadcast %add3A_320 : vector<256x1xf32> to vector<256x128xf32>
    %add3A_322 = arith.addf %add3A_321, %dot_general3A_145 : vector<256x128xf32>
    %mul3A_323 = arith.mulf %convert_element_type3A_143, %add3A_322 : vector<256x128xf32>
    %add3A_324 = arith.addf %add3A_316, %mul3A_323 : vector<256x128xf32>
    %slice3A_325 = vector.extract_strided_slice %dot_general3A_211 {offsets = [14, 0], sizes = [1, 1], strides = [1, 1]} : vector<16x1xf32> to vector<1x1xf32>
    %slice3A_326 = vector.extract_strided_slice %dot_general3A_171 {offsets = [0, 14], sizes = [256, 1], strides = [1, 1]} : vector<256x16xf32> to vector<256x1xf32>
    %add3A_327 = vector.broadcast %slice3A_325 : vector<1x1xf32> to vector<256x1xf32>
    %add3A_328 = arith.addf %add3A_327, %slice3A_326 : vector<256x1xf32>
    %add3A_329 = vector.broadcast %add3A_328 : vector<256x1xf32> to vector<256x128xf32>
    %add3A_330 = arith.addf %add3A_329, %dot_general3A_155 : vector<256x128xf32>
    %mul3A_331 = arith.mulf %convert_element_type3A_153, %add3A_330 : vector<256x128xf32>
    %add3A_332 = arith.addf %add3A_324, %mul3A_331 : vector<256x128xf32>
    %slice3A_333 = vector.extract_strided_slice %dot_general3A_211 {offsets = [15, 0], sizes = [1, 1], strides = [1, 1]} : vector<16x1xf32> to vector<1x1xf32>
    %slice3A_334 = vector.extract_strided_slice %dot_general3A_171 {offsets = [0, 15], sizes = [256, 1], strides = [1, 1]} : vector<256x16xf32> to vector<256x1xf32>
    %add3A_335 = vector.broadcast %slice3A_333 : vector<1x1xf32> to vector<256x1xf32>
    %add3A_336 = arith.addf %add3A_335, %slice3A_334 : vector<256x1xf32>
    %add3A_337 = vector.broadcast %add3A_336 : vector<256x1xf32> to vector<256x128xf32>
    %add3A_338 = arith.addf %add3A_337, %dot_general3A_165 : vector<256x128xf32>
    %mul3A_339 = arith.mulf %convert_element_type3A_163, %add3A_338 : vector<256x128xf32>
    %add3A_340 = arith.addf %add3A_332, %mul3A_339 : vector<256x128xf32>
    %convert_element_type3A_341 = arith.fptosi %add3A_340 : vector<256x128xf32> to vector<256x128xi32>
    %swap3A = arith.constant 0 : index
    %swap3A_342 = arith.constant 0 : index
    %swap3A_343 = vector.load %arg2[%swap3A, %swap3A_342] : memref<256x128xi32, #tpu.memory_space<vmem>>, vector<256x128xi32>
    tpu.vector_store %arg2[%swap3A, %swap3A_342], %convert_element_type3A_341 {strides = array<i32>} : memref<256x128xi32, #tpu.memory_space<vmem>>, vector<256x128xi32>,
    %iota3A_344 = tpu.iota {dimensions = array<i32: 1>} : vector<16x32xi32>
    %mul3A_345 = arith.constant 2048 : i32
    %mul3A_346 = vector.broadcast %mul3A_345 : i32 to vector<16x32xi32>
    %mul3A_347 = arith.muli %iota3A_344, %mul3A_346 : vector<16x32xi32>
    %convert_element_type3A_348 = arith.fptosi %dot_general3A_211 : vector<16x1xf32> to vector<16x1xi32>
    %le3A = vector.broadcast %convert_element_type3A_348 : vector<16x1xi32> to vector<16x32xi32>
    %le3A_349 = arith.cmpi sle, %le3A, %mul3A_347 : vector<16x32xi32>
    %convert_element_type3A_350 = arith.extui %le3A_349 : vector<16x32xi1> to vector<16x32xi32>
    %reduce_sum3A_351 = arith.constant dense<0> : vector<32xi32>
    %reduce_sum3A_352 = vector.multi_reduction <add>, %convert_element_type3A_350, %reduce_sum3A_351 [0] : vector<16x32xi32> to vector<32xi32>
    %broadcast_in_dim3A_353 = vector.shape_cast %reduce_sum3A_352 : vector<32xi32> to vector<1x32xi32>
    %sub3A_354 = arith.constant 1 : i32
    %sub3A_355 = vector.broadcast %sub3A_354 : i32 to vector<1x32xi32>
    %sub3A_356 = arith.subi %broadcast_in_dim3A_353, %sub3A_355 : vector<1x32xi32>
    %broadcast_in_dim3A_357 = vector.shape_cast %sub3A_356 : vector<1x32xi32> to vector<1x32xi32>
    %broadcast_in_dim3A_358 = vector.broadcast %broadcast_in_dim3A_357 : vector<1x32xi32> to vector<8x32xi32>
    %swap3A_359 = arith.constant 0 : index
    %swap3A_360 = arith.constant 0 : index
    %swap3A_361 = vector.load %arg3[%swap3A_359, %swap3A_360] : memref<8x32xi32, #tpu.memory_space<vmem>>, vector<8x32xi32>
    tpu.vector_store %arg3[%swap3A_359, %swap3A_360], %broadcast_in_dim3A_358 {strides = array<i32>} : memref<8x32xi32, #tpu.memory_space<vmem>>, vector<8x32xi32>,
    return
  }
}

module attributes {stable_mosaic.version = 14 : i64} {
  func.func @_expert_body(%arg0: i32, %arg1: memref<32xi32, #tpu.memory_space<smem>>, %arg2: memref<2048x128xi32, #tpu.memory_space<vmem>>, %arg3: memref<1x256x256xbf16, #tpu.memory_space<vmem>>, %arg4: memref<1x1x256xf32, #tpu.memory_space<vmem>>, %arg5: memref<1x1x256xf32, #tpu.memory_space<vmem>>, %arg6: memref<1x1x256xf32, #tpu.memory_space<vmem>>, %arg7: memref<1x256x128xbf16, #tpu.memory_space<vmem>>, %arg8: memref<1x1x128xf32, #tpu.memory_space<vmem>>, %arg9: memref<2048x128xf32, #tpu.memory_space<vmem>>) attributes {dimension_semantics = [#tpu.dimension_semantics<arbitrary>], iteration_bounds = array<i64: 32>, scalar_prefetch = 1 : i64, scratch_operands = 0 : i64, tpu.core_type = #tpu.core_type<tc>, window_params = [{transform_indices = @transform_0, window_bounds = array<i64: 2048, 128>}, {transform_indices = @transform_1, window_bounds = array<i64: 1, 256, 256>}, {transform_indices = @transform_2, window_bounds = array<i64: 1, 1, 256>}, {transform_indices = @transform_3, window_bounds = array<i64: 1, 1, 256>}, {transform_indices = @transform_4, window_bounds = array<i64: 1, 1, 256>}, {transform_indices = @transform_5, window_bounds = array<i64: 1, 256, 128>}, {transform_indices = @transform_6, window_bounds = array<i64: 1, 1, 128>}, {transform_indices = @transform_7, window_bounds = array<i64: 2048, 128>}]} {
    %get3A = arith.constant 0 : index
    %get3A_0 = arith.constant 0 : index
    %get3A_1 = vector.load %arg2[%get3A, %get3A_0] : memref<2048x128xi32, #tpu.memory_space<vmem>>, vector<2048x128xi32>
    %get3A_2 = arith.constant 0 : index
    %get3A_3 = arith.constant 0 : index
    %get3A_4 = arith.constant 0 : index
    %get3A_5 = vector.load %arg3[%get3A_2, %get3A_3, %get3A_4] : memref<1x256x256xbf16, #tpu.memory_space<vmem>>, vector<1x256x256xbf16>
    %get3A_6 = vector.shape_cast %get3A_5 : vector<1x256x256xbf16> to vector<256x256xbf16>
    %shift_left3A = arith.constant 16 : i32
    %shift_left3A_7 = vector.broadcast %shift_left3A : i32 to vector<2048x128xi32>
    %shift_left3A_8 = arith.shli %get3A_1, %shift_left3A_7 : vector<2048x128xi32>
    %bitcast_convert_type3A = tpu.bitcast %shift_left3A_8 : vector<2048x128xi32> -> vector<2048x128xf32>
    %convert_element_type3A = arith.truncf %bitcast_convert_type3A : vector<2048x128xf32> to vector<2048x128xbf16>
    %slice3A = vector.extract_strided_slice %get3A_6 {offsets = [0, 0], sizes = [128, 256], strides = [1, 1]} : vector<256x256xbf16> to vector<128x256xbf16>
    %dot_general3A = arith.constant dense<0.000000e+00> : vector<2048x256xf32>
    %dot_general3A_9 = tpu.matmul %convert_element_type3A, %slice3A, %dot_general3A {dimension_numbers = #tpu.dot_dimension_numbers<[1], [0], [0], [1], [0, 0, 1, 1], [], []>, transpose_lhs_hint = false} : vector<2048x128xbf16>, vector<128x256xbf16>, vector<2048x256xf32> -> vector<2048x256xf32>
    %broadcast_in_dim3A = arith.constant -65536 : i32
    %broadcast_in_dim3A_10 = vector.broadcast %broadcast_in_dim3A : i32 to vector<2048x128xi32>
    %and3A = arith.andi %get3A_1, %broadcast_in_dim3A_10 : vector<2048x128xi32>
    %bitcast_convert_type3A_11 = tpu.bitcast %and3A : vector<2048x128xi32> -> vector<2048x128xf32>
    %convert_element_type3A_12 = arith.truncf %bitcast_convert_type3A_11 : vector<2048x128xf32> to vector<2048x128xbf16>
    %slice3A_13 = vector.extract_strided_slice %get3A_6 {offsets = [128, 0], sizes = [128, 256], strides = [1, 1]} : vector<256x256xbf16> to vector<128x256xbf16>
    %dot_general3A_14 = arith.constant dense<0.000000e+00> : vector<2048x256xf32>
    %dot_general3A_15 = tpu.matmul %convert_element_type3A_12, %slice3A_13, %dot_general3A_14 {dimension_numbers = #tpu.dot_dimension_numbers<[1], [0], [0], [1], [0, 0, 1, 1], [], []>, transpose_lhs_hint = false} : vector<2048x128xbf16>, vector<128x256xbf16>, vector<2048x256xf32> -> vector<2048x256xf32>
    %add3A = arith.addf %dot_general3A_9, %dot_general3A_15 : vector<2048x256xf32>
    %get3A_16 = arith.constant 0 : index
    %get3A_17 = arith.constant 0 : index
    %get3A_18 = arith.constant 0 : index
    %get3A_19 = vector.load %arg4[%get3A_16, %get3A_17, %get3A_18] : memref<1x1x256xf32, #tpu.memory_space<vmem>>, vector<1x1x256xf32>
    %get3A_20 = vector.shape_cast %get3A_19 : vector<1x1x256xf32> to vector<1x256xf32>
    %add3A_21 = vector.broadcast %get3A_20 : vector<1x256xf32> to vector<2048x256xf32>
    %add3A_22 = arith.addf %add3A, %add3A_21 : vector<2048x256xf32>
    %mul3A = arith.constant 5.000000e-01 : f32
    %mul3A_23 = vector.broadcast %mul3A : f32 to vector<2048x256xf32>
    %mul3A_24 = arith.mulf %mul3A_23, %add3A_22 : vector<2048x256xf32>
    %mul3A_25 = arith.constant 0.707106769 : f32
    %mul3A_26 = vector.broadcast %mul3A_25 : f32 to vector<2048x256xf32>
    %mul3A_27 = arith.mulf %add3A_22, %mul3A_26 : vector<2048x256xf32>
    %erf3A = math.erf %mul3A_27 : vector<2048x256xf32>
    %add3A_28 = arith.constant 1.000000e+00 : f32
    %add3A_29 = vector.broadcast %add3A_28 : f32 to vector<2048x256xf32>
    %add3A_30 = arith.addf %add3A_29, %erf3A : vector<2048x256xf32>
    %mul3A_31 = arith.mulf %mul3A_24, %add3A_30 : vector<2048x256xf32>
    %get3A_32 = arith.constant 0 : index
    %get3A_33 = arith.constant 0 : index
    %get3A_34 = arith.constant 0 : index
    %get3A_35 = vector.load %arg5[%get3A_32, %get3A_33, %get3A_34] : memref<1x1x256xf32, #tpu.memory_space<vmem>>, vector<1x1x256xf32>
    %get3A_36 = vector.shape_cast %get3A_35 : vector<1x1x256xf32> to vector<1x256xf32>
    %get3A_37 = arith.constant 0 : index
    %get3A_38 = arith.constant 0 : index
    %get3A_39 = arith.constant 0 : index
    %get3A_40 = vector.load %arg6[%get3A_37, %get3A_38, %get3A_39] : memref<1x1x256xf32, #tpu.memory_space<vmem>>, vector<1x1x256xf32>
    %get3A_41 = vector.shape_cast %get3A_40 : vector<1x1x256xf32> to vector<1x256xf32>
    %reduce_sum3A = arith.constant dense<0.000000e+00> : vector<2048xf32>
    %reduce_sum3A_42 = vector.multi_reduction <add>, %mul3A_31, %reduce_sum3A [1] : vector<2048x256xf32> to vector<2048xf32>
    %broadcast_in_dim3A_43 = vector.shape_cast %reduce_sum3A_42 : vector<2048xf32> to vector<2048x1xf32>
    %div3A = arith.constant 2.560000e+02 : f32
    %div3A_44 = vector.broadcast %div3A : f32 to vector<2048x1xf32>
    %div3A_45 = arith.divf %broadcast_in_dim3A_43, %div3A_44 : vector<2048x1xf32>
    %sub3A = vector.broadcast %div3A_45 : vector<2048x1xf32> to vector<2048x256xf32>
    %sub3A_46 = arith.subf %mul3A_31, %sub3A : vector<2048x256xf32>
    %mul3A_47 = arith.mulf %sub3A_46, %sub3A_46 : vector<2048x256xf32>
    %reduce_sum3A_48 = arith.constant dense<0.000000e+00> : vector<2048xf32>
    %reduce_sum3A_49 = vector.multi_reduction <add>, %mul3A_47, %reduce_sum3A_48 [1] : vector<2048x256xf32> to vector<2048xf32>
    %broadcast_in_dim3A_50 = vector.shape_cast %reduce_sum3A_49 : vector<2048xf32> to vector<2048x1xf32>
    %div3A_51 = arith.constant 2.560000e+02 : f32
    %div3A_52 = vector.broadcast %div3A_51 : f32 to vector<2048x1xf32>
    %div3A_53 = arith.divf %broadcast_in_dim3A_50, %div3A_52 : vector<2048x1xf32>
    %add3A_54 = arith.constant 9.99999974E-6 : f32
    %add3A_55 = vector.broadcast %add3A_54 : f32 to vector<2048x1xf32>
    %add3A_56 = arith.addf %div3A_53, %add3A_55 : vector<2048x1xf32>
    %rsqrt3A = math.rsqrt %add3A_56 : vector<2048x1xf32>
    %mul3A_57 = vector.broadcast %rsqrt3A : vector<2048x1xf32> to vector<2048x256xf32>
    %mul3A_58 = arith.mulf %sub3A_46, %mul3A_57 : vector<2048x256xf32>
    %mul3A_59 = vector.broadcast %get3A_36 : vector<1x256xf32> to vector<2048x256xf32>
    %mul3A_60 = arith.mulf %mul3A_58, %mul3A_59 : vector<2048x256xf32>
    %add3A_61 = vector.broadcast %get3A_41 : vector<1x256xf32> to vector<2048x256xf32>
    %add3A_62 = arith.addf %mul3A_60, %add3A_61 : vector<2048x256xf32>
    %convert_element_type3A_63 = arith.truncf %add3A_62 : vector<2048x256xf32> to vector<2048x256xbf16>
    %get3A_64 = arith.constant 0 : index
    %get3A_65 = arith.constant 0 : index
    %get3A_66 = arith.constant 0 : index
    %get3A_67 = vector.load %arg7[%get3A_64, %get3A_65, %get3A_66] : memref<1x256x128xbf16, #tpu.memory_space<vmem>>, vector<1x256x128xbf16>
    %get3A_68 = vector.shape_cast %get3A_67 : vector<1x256x128xbf16> to vector<256x128xbf16>
    %dot_general3A_69 = arith.constant dense<0.000000e+00> : vector<2048x128xf32>
    %dot_general3A_70 = tpu.matmul %convert_element_type3A_63, %get3A_68, %dot_general3A_69 {dimension_numbers = #tpu.dot_dimension_numbers<[1], [0], [0], [1], [0, 0, 1, 1], [], []>, transpose_lhs_hint = false} : vector<2048x256xbf16>, vector<256x128xbf16>, vector<2048x128xf32> -> vector<2048x128xf32>
    %get3A_71 = arith.constant 0 : index
    %get3A_72 = arith.constant 0 : index
    %get3A_73 = arith.constant 0 : index
    %get3A_74 = vector.load %arg8[%get3A_71, %get3A_72, %get3A_73] : memref<1x1x128xf32, #tpu.memory_space<vmem>>, vector<1x1x128xf32>
    %get3A_75 = vector.shape_cast %get3A_74 : vector<1x1x128xf32> to vector<1x128xf32>
    %add3A_76 = vector.broadcast %get3A_75 : vector<1x128xf32> to vector<2048x128xf32>
    %add3A_77 = arith.addf %dot_general3A_70, %add3A_76 : vector<2048x128xf32>
    %swap3A = arith.constant 0 : index
    %swap3A_78 = arith.constant 0 : index
    %swap3A_79 = vector.load %arg9[%swap3A, %swap3A_78] : memref<2048x128xf32, #tpu.memory_space<vmem>>, vector<2048x128xf32>
    tpu.vector_store %arg9[%swap3A, %swap3A_78], %add3A_77 {strides = array<i32>} : memref<2048x128xf32, #tpu.memory_space<vmem>>, vector<2048x128xf32>,
    return
  }
  func.func @transform_0(%arg0: i32, %arg1: memref<32xi32, #tpu.memory_space<smem>>) -> (i32, i32) {
    %c0_i32 = arith.constant 0 : i32
    %c0_i32_0 = arith.constant 0 : i32
    return %arg0, %c0_i32 : i32, i32
  }
  func.func @transform_1(%arg0: i32, %arg1: memref<32xi32, #tpu.memory_space<smem>>) -> (i32, i32, i32) {
    %get3A = arith.index_cast %arg0 : i32 to index
    %get3A_0 = memref.load %arg1[%get3A] : memref<32xi32, #tpu.memory_space<smem>>
    %c0_i32 = arith.constant 0 : i32
    %c0_i32_1 = arith.constant 0 : i32
    %c0_i32_2 = arith.constant 0 : i32
    return %get3A_0, %c0_i32, %c0_i32_1 : i32, i32, i32
  }
  func.func @transform_2(%arg0: i32, %arg1: memref<32xi32, #tpu.memory_space<smem>>) -> (i32, i32, i32) {
    %get3A = arith.index_cast %arg0 : i32 to index
    %get3A_0 = memref.load %arg1[%get3A] : memref<32xi32, #tpu.memory_space<smem>>
    %c0_i32 = arith.constant 0 : i32
    %c0_i32_1 = arith.constant 0 : i32
    %c0_i32_2 = arith.constant 0 : i32
    return %get3A_0, %c0_i32, %c0_i32_1 : i32, i32, i32
  }
  func.func @transform_3(%arg0: i32, %arg1: memref<32xi32, #tpu.memory_space<smem>>) -> (i32, i32, i32) {
    %get3A = arith.index_cast %arg0 : i32 to index
    %get3A_0 = memref.load %arg1[%get3A] : memref<32xi32, #tpu.memory_space<smem>>
    %c0_i32 = arith.constant 0 : i32
    %c0_i32_1 = arith.constant 0 : i32
    %c0_i32_2 = arith.constant 0 : i32
    return %get3A_0, %c0_i32, %c0_i32_1 : i32, i32, i32
  }
  func.func @transform_4(%arg0: i32, %arg1: memref<32xi32, #tpu.memory_space<smem>>) -> (i32, i32, i32) {
    %get3A = arith.index_cast %arg0 : i32 to index
    %get3A_0 = memref.load %arg1[%get3A] : memref<32xi32, #tpu.memory_space<smem>>
    %c0_i32 = arith.constant 0 : i32
    %c0_i32_1 = arith.constant 0 : i32
    %c0_i32_2 = arith.constant 0 : i32
    return %get3A_0, %c0_i32, %c0_i32_1 : i32, i32, i32
  }
  func.func @transform_5(%arg0: i32, %arg1: memref<32xi32, #tpu.memory_space<smem>>) -> (i32, i32, i32) {
    %get3A = arith.index_cast %arg0 : i32 to index
    %get3A_0 = memref.load %arg1[%get3A] : memref<32xi32, #tpu.memory_space<smem>>
    %c0_i32 = arith.constant 0 : i32
    %c0_i32_1 = arith.constant 0 : i32
    %c0_i32_2 = arith.constant 0 : i32
    return %get3A_0, %c0_i32, %c0_i32_1 : i32, i32, i32
  }
  func.func @transform_6(%arg0: i32, %arg1: memref<32xi32, #tpu.memory_space<smem>>) -> (i32, i32, i32) {
    %get3A = arith.index_cast %arg0 : i32 to index
    %get3A_0 = memref.load %arg1[%get3A] : memref<32xi32, #tpu.memory_space<smem>>
    %c0_i32 = arith.constant 0 : i32
    %c0_i32_1 = arith.constant 0 : i32
    %c0_i32_2 = arith.constant 0 : i32
    return %get3A_0, %c0_i32, %c0_i32_1 : i32, i32, i32
  }
  func.func @transform_7(%arg0: i32, %arg1: memref<32xi32, #tpu.memory_space<smem>>) -> (i32, i32) {
    %c0_i32 = arith.constant 0 : i32
    %c0_i32_0 = arith.constant 0 : i32
    return %arg0, %c0_i32 : i32, i32
  }
}

</mosaic_0001>

<sc_bundles>
// kernel: kernel.11.cloned.1.call-start
scs
__scs_entry_jumppad:
0x0: {  	(pc) =	sbr.rel $0x88, $3  }
0x1: {  	(tag) =	ssettag $0x0;
	lr =	simm.s32 $0x1  }
0x2: {  	[smem:$0x3F90] =	sst lr;
	_ =	strace $0xD0000000  }
0x3: {  	_ = 	snop  }
0x4: {  	_ = 	snop  }
0x5: {  	_ = 	snop  }
0x6: {  	_ = 	snop  }
0x7: {  	_ = 	snop  }
__scs_overlays_trampoline_lowered:
0x8: {  	[smem:$0x3F9F] =	sst s0  }
0x9: {  	[smem:$0x3FA0] =	sst s1  }
0xa: {  	[smem:$0x3FA1] =	sst s2  }
0xb: {  	[smem:$0x3FA2] =	sst s3  }
0xc: {  	[smem:$0x3FA3] =	sst s4  }
0xd: {  	[smem:$0x3FA4] =	sst s5  }
0xe: {  	[smem:$0x3FA5] =	sst s6  }
0xf: {  	[smem:$0x3FA6] =	sst s7  }
0x10: {  	[smem:$0x3FA7] =	sst s8  }
0x11: {  	[smem:$0x3FA8] =	sst s9;
	s0 =	simm.s32 @!p0 $0x0  }
0x12: {  	s1 =	sld [smem:$0x3F8E];
	s0 =	simm.s32 @p0 $0x1  }
0x13: {  	[smem:$0x3FA9] =	sst s0;
	s0 =	simm.s32 @!p1 $0x0  }
0x14: {  	s2 =	sld [smem:$0x3F8D];
	s0 =	simm.s32 @p1 $0x1  }
0x15: {  	[smem:$0x3FAA] =	sst s0;
	s0 =	simm.s32 @!p2 $0x0  }
0x16: {  	s3 =	sld [smem:$0x3FDB];
	s0 =	simm.s32 @p2 $0x1  }
0x17: {  	s4 =	simm.s32 $0x1BF5;
	[smem:$0x3FAC] =	sst s0  }
0x18: {  	s0 =	sld [smem:$0x3F8F];
	_ =	swait.ge [sflag:s4], $0x0  }
0x19: {  	s7 =	sld [smem:$0x3F90]  }
0x1a: {  	s8 =	sadd.s32 $0xFFFFE003, lr  }
0x1b: {  	s9 =	sadd.s32 $0xFFFFFEF7, lr;
	s5 =	simm.s32 $0xFFFFFFFF;
	p2 =	slt.u32 s8, $0xFFFFF086  }
0x1c: {  	p1 =	slt.u32 s9, $0xF7A;
	s5 =	simm.s32 @!p2 $0x0  }
0x1d: {  	s5 =	simm.s32 @p1 $0x1;
	p0 =	seq.s32 s7, s2  }
0x1e: {  	s7 =	smul.u32 @!p0 $0xF7A, s2;
	p2 =	seq.s32 @!p0 s5, $0x0  }
0x1f: {  	s9 =	smul.u32 $0xF7A, s1;
	s8 =	simm.s32 @!p0 $0x1BF5;
	p2 =	por !p2, p0  }
0x20: {  	[sflag:s8] =	ssyncset.s32 @!p0 $0xFFFFF086;
	s6 =	sadd.s32 @!p0 s3, s7;
	s7 =	simm.s32 @!p0 $0x108  }
0x21: {  	s3 =	sadd.s32 s3, s9;
	s6 =	sadd.s32 @!p0 $0x88, s6;
	s7 =	simm.s32 @p2 $0x1082  }
0x22: {  	[simem:s7], [sflag:s8] =	dma.local @!p0 [hbm:s6], $0xF7A  }
0x23: {  	s9 =	sor.u32 $0xD0000000, s2;
	s6 =	simm.s32 $0x108;
	_ =	swait.ge @!p0 [sflag:s8], $0x0  }
0x24: {  	s3 =	sadd.s32 $0x88, s3;
	s6 =	simm.s32 @!p1 $0x1082;
	[sflag:s4] =	ssyncset.s32 $0xFFFFF086  }
0x25: {  	[simem:s6], [sflag:s4] =	dma.local [hbm:s3], $0xF7A  }
0x26: {  	[smem:$0x3F90] =	sst s1;
	(tag) =	ssettag s2;
	_ =	strace s9  }
0x27: {  	s1 =	sld [smem:$0x3FA0]  }
0x28: {  	s2 =	sld [smem:$0x3FA1]  }
0x29: {  	s4 =	sld [smem:$0x3FA3]  }
0x2a: {  	p0 =	seq.s32 s5, $0x0;
	s5 =	sld [smem:$0x3FA4]  }
0x2b: {  	s6 =	sld [smem:$0x3FA5]  }
0x2c: {  	s7 =	sld [smem:$0x3FA6]  }
0x2d: {  	s3 =	simm.s32 $0x108;
	s8 =	sld [smem:$0x3FA7]  }
0x2e: {  	s3 =	simm.s32 @!p0 $0x1082;
	s9 =	sld [smem:$0x3FA8]  }
0x2f: {  	lr =	sadd.s32 s0, s3;
	s0 =	sld [smem:$0x3F9F]  }
0x30: {  	s3 =	sld [smem:$0x3FA2]  }
0x31: {  	[smem:$0x3FAB] =	sst s10  }
0x32: {  	s10 =	sld [smem:$0x3FA9];
	_ =	sdelay $0x3  }
0x33: {  	p0 =	seq.s32 s10, $0x1;
	s10 =	sld [smem:$0x3FAB];
	_ =	sdelay $0x3  }
0x34: {  	[smem:$0x3FAB] =	sst s10  }
0x35: {  	s10 =	sld [smem:$0x3FAA];
	_ =	sdelay $0x3  }
0x36: {  	p1 =	seq.s32 s10, $0x1;
	s10 =	sld [smem:$0x3FAB];
	_ =	sdelay $0x3  }
0x37: {  	[smem:$0x3FAB] =	sst s10  }
0x38: {  	s10 =	sld [smem:$0x3FAC]  }
0x39: {  	_ = 	snop;
	(pc) =	sbr.ind lr, $3  }
0x3a: {  	_ = 	snop  }
0x3b: {  	_ = 	snop  }
0x3c: {  	p2 =	seq.s32 s10, $0x1;
	s10 =	sld [smem:$0x3FAB]  }
0x3d: {  	_ =	shalt  }
0x3e: {  	_ =	shalt  }
0x3f: {  	_ =	shalt  }
0x40: {  	_ =	shalt  }
0x41: {  	_ =	shalt  }
0x42: {  	_ =	shalt  }
0x43: {  	_ =	shalt  }
0x44: {  	_ =	shalt  }
0x45: {  	_ =	shalt  }
0x46: {  	_ =	shalt  }
0x47: {  	_ =	shalt  }
0x48: {  	_ =	shalt  }
0x49: {  	_ =	shalt  }
0x4a: {  	_ =	shalt  }
0x4b: {  	_ =	shalt  }
0x4c: {  	_ =	shalt  }
0x4d: {  	_ =	shalt  }
0x4e: {  	_ =	shalt  }
0x4f: {  	_ =	shalt  }
0x50: {  	_ =	shalt  }
0x51: {  	_ =	shalt  }
0x52: {  	_ =	shalt  }
0x53: {  	_ =	shalt  }
0x54: {  	_ =	shalt  }
0x55: {  	_ =	shalt  }
0x56: {  	_ =	shalt  }
0x57: {  	_ =	shalt  }
0x58: {  	_ =	shalt  }
0x59: {  	_ =	shalt  }
0x5a: {  	_ =	shalt  }
0x5b: {  	_ =	shalt  }
0x5c: {  	_ =	shalt  }
0x5d: {  	_ =	shalt  }
0x5e: {  	_ =	shalt  }
0x5f: {  	_ =	shalt  }
0x60: {  	_ =	shalt  }
0x61: {  	_ =	shalt  }
0x62: {  	_ =	shalt  }
0x63: {  	_ =	shalt  }
0x64: {  	_ =	shalt  }
0x65: {  	_ =	shalt  }
0x66: {  	_ =	shalt  }
0x67: {  	_ =	shalt  }
0x68: {  	_ =	shalt  }
0x69: {  	_ =	shalt  }
0x6a: {  	_ =	shalt  }
0x6b: {  	_ =	shalt  }
0x6c: {  	_ =	shalt  }
0x6d: {  	_ =	shalt  }
0x6e: {  	_ =	shalt  }
0x6f: {  	_ =	shalt  }
0x70: {  	_ =	shalt  }
0x71: {  	_ =	shalt  }
0x72: {  	_ =	shalt  }
0x73: {  	_ =	shalt  }
0x74: {  	_ =	shalt  }
0x75: {  	_ =	shalt  }
0x76: {  	_ =	shalt  }
0x77: {  	_ =	shalt  }
0x78: {  	_ =	shalt  }
0x79: {  	_ =	shalt  }
0x7a: {  	_ =	shalt  }
0x7b: {  	_ =	shalt  }
0x7c: {  	_ =	shalt  }
0x7d: {  	_ =	shalt  }
0x7e: {  	_ =	shalt  }
0x7f: {  	_ =	shalt  }
0x80: {  	_ =	shalt  }
0x81: {  	_ =	shalt  }
0x82: {  	_ =	shalt  }
0x83: {  	_ =	shalt  }
0x84: {  	_ =	shalt  }
0x85: {  	_ =	shalt  }
0x86: {  	_ =	shalt  }
0x87: {  	_ =	shalt  }
.Lfunc_end0:
.L_simem_size_0:
called_computation.1_lowered:
.L_overlay_start_0:
0x88: {  	s2 =	sld [smem:$0x3FD9]  }
0x89: {  	s3 =	sld [smem:$0x3FFE];
	_ =	sdelay $0x1  }
0x8a: {  	s1 =	srdreg.scid  }
0x8b: {  	s0 =	sand.u32 $0x1, s1  }
0x8c: {  	s17 =	sshll.u32 s0, $0xA;
	s2 =	sadd.s32 s3, s2  }
0x8d: {  	s2 =	sadd.s32 s2, s17  }
0x8e: {  	[smem:$0x3FB7] =	sst s2  }
0x8f: {  	_ = 	snop  }
0x90: {  	s2 =	sld [smem:$0x3FD0];
	(tm) =	ssettm $0x1  }
0x91: {  	s18 =	sld [smem:$0x3FFB];
	_ =	sdelay $0x3  }
0x92: {  	_ =	strace s18  }
0x93: {  	s3 =	sld [smem:$0x3FFC];
	_ =	sdelay $0x3  }
0x94: {  	_ =	strace s3  }
0x95: {  	s3 =	sld [smem:$0x3FFD];
	_ =	sdelay $0x3  }
0x96: {  	_ =	strace s3  }
0x97: {  	_ =	strace $0x8FFFFFFF  }
0x98: {  	s19 =	sld [smem:$0x3FDB];
	_ =	sdelay $0x1  }
0x99: {  	s4 =	simm.s32 $_scs_section_size  }
0x9a: {  	s5 =	simm.s32 $_size__tile_overlayer_lowered;
	s6 =	simm.s32 $_tile_overlayer_lowered  }
0x9b: {  	s22 =	simm.s32 $0x1BFF;
	s21 =	sshll.u32 s6, $0x1;
	s3 =	sadd.s32 s4, s19  }
0x9c: {  	s7 =	simm.s32 $0x0;
	s20 =	sshll.u32 s5, $0x1;
	s5 =	sadd.s32 s21, s3  }
0x9d: {  	[timem:s7], [sflag:s22] =	dma.local [hbm:s5], s20  }
0x9e: {  	_ =	swait.ge [sflag:s22], s20  }
0x9f: {  	s4 =	ssub.s32 $0x0, s20;
	[sflag:s22] =	ssyncset.done $0x0  }
0xa0: {  	[sflag:s22] =	ssyncadd.s32 s4;
	_ =	sdelay $0x1  }
0xa1: {  	s23 =	simm.s32 $0x1B8B  }
0xa2: {  	_ =	swait.ge [sflag:s23], $0x1  }
0xa3: {  	[sflag:s23] =	ssyncset.done $0x0  }
0xa4: {  	s25 =	simm.s32 $0x1B8E;
	s24 =	sld [smem:$0x3FFE];
	[sflag:s23] =	ssyncadd.s32 $0xFFFFFFFF  }
0xa5: {  	s26 =	simm.s32 $execute0_lowered;
	[smem:$0x3FD2] =	sst s25  }
0xa6: {  	s5 =	sshll.u32 s26, $0x1;
	_ =	strace $0x80000049;
	[dreg:$0x1] =	wrdreg $0xFFFFFFFF  }
0xa7: {  	s28 =	simm.s32 $_size_execute0_lowered;
	s3 =	sadd.s32 s3, s5;
	[dreg:$0x0] =	wrdreg $0x0  }
0xa8: {  	s5 =	sshll.u32 s28, $0x1;
	[dreg:$0x2] =	wrdreg s3  }
0xa9: {  	[dreg:$0x3] =	wrdreg s5  }
0xaa: {  	[dreg:$0x4] =	wrdreg $0xC0  }
0xab: {  	_ =	task [dreg:s7], $0x5FFFF  }
0xac: {  	[dreg:$0x1] =	wrdreg $0xFFFFFFFF  }
0xad: {  	[dreg:$0x0] =	wrdreg $0x60  }
0xae: {  	[dreg:$0x2] =	wrdreg s24  }
0xaf: {  	[dreg:$0x3] =	wrdreg s2  }
0xb0: {  	[dreg:$0x4] =	wrdreg $0x9  }
0xb1: {  	_ =	task.clear_ibuf [dreg:s7], $0x5FFFF;
	_ =	strace $0x90000049  }
0xb2: {  	s29 =	simm.s32 $0x9;
	_ =	strace $0x8000004B  }
0xb3: {  	_ =	swait.ge [sflag:s29], $0x1  }
0xb4: {  	[sflag:s29] =	ssyncadd.s32 $0xFFFFFFFF  }
0xb5: {  	_ =	strace $0x9000004B  }
0xb6: {  	_ =	sfence  }
0xb7: {  	s30 =	sld [smem:$0x0];
	_ =	sdelay $0x2  }
0xb8: {  	s31 =	sshll.u32 s1, $0xD;
	s1 =	sshrl.u32 s1, $0x2  }
0xb9: {  	s3 =	sand.u32 $0x4000, s31;
	s1 =	sadd.s32 s1, s30  }
0xba: {  	s0 =	sor.u32 s3, s0;
	s1 =	sshll.u32 s1, $0x11  }
0xbb: {  	s0 =	sor.u32 s1, s0  }
0xbc: {  	s0 =	sadd.s32 $0x8F2B, s0  }
0xbd: {  	[sflag:s0] =	ssyncadd.remote.s32 $0x1  }
0xbe: {  	_ =	sfence.sel $0xFFFF  }
0xbf: {  	[dreg:$0x0] =	wrdreg $0xFFFFFFFF;
	(pc) =	sbr.abs _section_cstart, $3  }
0xc0: {  	[dreg:$0x1] =	wrdreg $0xFFFFFFFF  }
0xc1: {  	_ =	task.clear_ibuf [dreg:s7], $0x2FFFF;
	_ =	strace $0x9FFFFFFF  }
0xc2: {  	(tm) =	ssettm $0x7FFFFFFF  }
0xc3: {  	_ =	shalt  }
tec
execute0_lowered:
.L_overlay_start_1:
0x0: {  	(tag) =	ssettag $0x1  }
0x1: {  	s4 =	rddreg [dreg:$0x0]  }
0x2: {  	s5 =	rddreg [dreg:$0x1]  }
0x3: {  	s0 =	rddreg [dreg:$0x2];
	s2 =	simm.s32 $0x0;
	s3 =	srdreg.scid  }
0x4: {  	s1 =	stileid.u32;
	[smem:$0x7FF] =	sst s2;
	s6 =	sand.u32 $0x1, s3  }
0x5: {  	s7 =	sshll.u32 s1, $0xB;
	s3 =	sadd.s32 $0x4000, s4;
	s8 =	sshll.u32 s6, $0xA  }
0x6: {  	s4 =	sadd.s32 $0x84000, s4;
	s6 =	ssub.s32 $0x2, s6;
	s7 =	sor.u32 s8, s7  }
0x7: {  	_ =	strace $0x8000004A;
	s30 =	sshrl.u32 s6, $0x1;
	s9 =	sshrl.u32 s7, $0x3  }
0x8: {  	s13 =	ssub.s32 s6, s30;
	s14 =	sand.u32 $0x3C00, s7;
	s5 =	sadd.s32 s5, s9  }
0x9: {  	s15 =	sor.u32 $0x380, s14;
	s13 =	smax.u32 s13, $0x1;
	s16 =	sor.u32 $0x10, s14  }
0xa: {  	s17 =	sor.u32 $0x20, s14;
	s18 =	sor.u32 $0x30, s14;
	s19 =	sor.u32 $0x40, s14  }
0xb: {  	s20 =	sor.u32 $0x50, s14;
	s21 =	sor.u32 $0x60, s14;
	s31 =	sor.u32 $0x70, s14  }
0xc: {  	s22 =	sor.u32 $0x80, s14;
	s23 =	sor.u32 $0x90, s14;
	s25 =	sor.u32 $0xB0, s14  }
0xd: {  	v63 =	vlaneseq.u32;
	s26 =	sor.u32 $0xC0, s14;
	s28 =	sor.u32 $0xD0, s14;
	s29 =	sor.u32 $0xE0, s14  }
0xe: {  	s30 =	sor.u32 $0xF0, s14;
	s24 =	sor.u32 $0x110, s14;
	v52 =	vor.u32 s14, v63;
	s6 =	sadd.s32 $0x10, s5  }
0xf: {  	s7 =	sadd.s32 $0x20, s5;
	s8 =	sadd.s32 $0x30, s5;
	s9 =	sadd.s32 $0x40, s5;
	v0 =	vor.u32 s15, v63;
	v1 =	vor.u32 s16, v63;
	v2 =	vor.u32 s17, v63  }
0x10: {  	s10 =	sadd.s32 $0x50, s5;
	s11 =	sadd.s32 $0x60, s5;
	s12 =	sadd.s32 $0x70, s5;
	v3 =	vor.u32 s18, v63;
	v4 =	vor.u32 s19, v63;
	v5 =	vor.u32 s20, v63  }
0x11: {  	s18 =	sor.u32 $0xA0, s14;
	v6 =	vor.u32 s21, v63;
	v7 =	vor.u32 s31, v63;
	v9 =	vor.u32 s23, v63;
	s23 =	sor.u32 $0x100, s14;
	s31 =	sor.u32 $0x120, s14  }
0x12: {  	v11 =	vor.u32 s25, v63;
	v12 =	vor.u32 s26, v63;
	s25 =	sor.u32 $0x140, s14;
	s26 =	sor.u32 $0x150, s14;
	v13 =	vor.u32 s28, v63;
	s28 =	sor.u32 $0x160, s14  }
0x13: {  	v14 =	vor.u32 s29, v63;
	v15 =	vor.u32 s30, v63;
	s29 =	sor.u32 $0x170, s14;
	s30 =	sor.u32 $0x180, s14;
	v17 =	vor.u32 s24, v63;
	s24 =	sor.u32 $0x1A0, s14  }
0x14: {  	v8 =	vor.u32 s22, v63;
	s15 =	simm.s32 $0x5;
	s16 =	simm.s32 $0x80;
	s17 =	simm.s32 $0x200;
	v10 =	vor.u32 s18, v63;
	v16 =	vor.u32 s23, v63  }
0x15: {  	s19 =	simm.s32 $0x4200;
	s20 =	simm.s32 $0x1;
	s21 =	simm.s32 $0x3;
	v18 =	vor.u32 s31, v63;
	v20 =	vor.u32 s25, v63;
	v21 =	vor.u32 s26, v63  }
0x16: {  	s22 =	simm.s32 $0x2;
	s18 =	sor.u32 $0x130, s14;
	s23 =	sor.u32 $0x190, s14;
	v22 =	vor.u32 s28, v63;
	v23 =	vor.u32 s29, v63;
	v24 =	vor.u32 s30, v63  }
0x17: {  	s31 =	sor.u32 $0x1B0, s14;
	s25 =	sor.u32 $0x1D0, s14;
	s26 =	sor.u32 $0x1E0, s14;
	v26 =	vor.u32 s24, v63;
	v19 =	vor.u32 s18, v63;
	v25 =	vor.u32 s23, v63  }
0x18: {  	s28 =	sor.u32 $0x1F0, s14;
	s29 =	sor.u32 $0x200, s14;
	s30 =	sor.u32 $0x210, s14;
	v27 =	vor.u32 s31, v63;
	v29 =	vor.u32 s25, v63;
	v30 =	vor.u32 s26, v63  }
0x19: {  	s24 =	sor.u32 $0x230, s14;
	s18 =	sor.u32 $0x1C0, s14;
	s23 =	sor.u32 $0x220, s14;
	v31 =	vor.u32 s28, v63;
	v32 =	vor.u32 s29, v63;
	v33 =	vor.u32 s30, v63  }
0x1a: {  	s31 =	sor.u32 $0x240, s14;
	s25 =	sor.u32 $0x260, s14;
	s26 =	sor.u32 $0x270, s14;
	v35 =	vor.u32 s24, v63;
	v28 =	vor.u32 s18, v63;
	v34 =	vor.u32 s23, v63  }
0x1b: {  	s28 =	sor.u32 $0x280, s14;
	s29 =	sor.u32 $0x290, s14;
	s30 =	sor.u32 $0x2A0, s14;
	v36 =	vor.u32 s31, v63;
	v38 =	vor.u32 s25, v63;
	v39 =	vor.u32 s26, v63  }
0x1c: {  	s24 =	sor.u32 $0x2C0, s14;
	s18 =	sor.u32 $0x250, s14;
	s23 =	sor.u32 $0x2B0, s14;
	v40 =	vor.u32 s28, v63;
	v41 =	vor.u32 s29, v63;
	v42 =	vor.u32 s30, v63  }
0x1d: {  	s31 =	sor.u32 $0x2D0, s14;
	s25 =	sor.u32 $0x2F0, s14;
	s26 =	sor.u32 $0x300, s14;
	v44 =	vor.u32 s24, v63;
	v37 =	vor.u32 s18, v63;
	v43 =	vor.u32 s23, v63  }
0x1e: {  	s28 =	sor.u32 $0x310, s14;
	s29 =	sor.u32 $0x320, s14;
	s30 =	sor.u32 $0x330, s14;
	v45 =	vor.u32 s31, v63;
	v47 =	vor.u32 s25, v63;
	v48 =	vor.u32 s26, v63  }
0x1f: {  	s24 =	sor.u32 $0x340, s14;
	s18 =	sor.u32 $0x2E0, s14;
	s31 =	sor.u32 $0x350, s14;
	v49 =	vor.u32 s28, v63;
	v50 =	vor.u32 s29, v63;
	v51 =	vor.u32 s30, v63  }
0x20: {  	s23 =	sor.u32 $0x360, s14;
	s25 =	sor.u32 $0x390, s14;
	s26 =	sor.u32 $0x3A0, s14;
	v53 =	vor.u32 s24, v63;
	v46 =	vor.u32 s18, v63;
	v54 =	vor.u32 s31, v63  }
0x21: {  	s28 =	sor.u32 $0x3B0, s14;
	s29 =	sor.u32 $0x3C0, s14;
	s30 =	sor.u32 $0x3D0, s14;
	v55 =	vor.u32 s23, v63;
	v57 =	vor.u32 s25, v63;
	v58 =	vor.u32 s26, v63  }
0x22: {  	s24 =	sor.u32 $0x3F0, s14;
	s18 =	sor.u32 $0x370, s14;
	s31 =	sor.u32 $0x3E0, s14;
	v59 =	vor.u32 s28, v63;
	v60 =	vor.u32 s29, v63;
	v61 =	vor.u32 s30, v63  }
0x23: {  	s14 =	simm.s32 $0x100;
	s23 =	simm.s32 $0x4;
	v56 =	vor.u32 s18, v63;
	s18 =	simm.s32 $0x180;
	v62 =	vor.u32 s31, v63;
	v63 =	vor.u32 s24, v63  }
.LBB2_1:
0x24: {  	[tilespmem:$0x0] =	vst v52  }
0x25: {  	[tilespmem:$0x10] =	vst v1  }
0x26: {  	[tilespmem:$0x20] =	vst v2  }
0x27: {  	[tilespmem:$0x30] =	vst v3  }
0x28: {  	[tilespmem:$0x40] =	vst v4  }
0x29: {  	[tilespmem:$0x50] =	vst v5  }
0x2a: {  	[tilespmem:$0x60] =	vst v6  }
0x2b: {  	[tilespmem:$0x70] =	vst v7  }
0x2c: {  	[tilespmem:s14], [sflag:$0x5] =	stream.linear.gather [hbm4b:s5+s2], $0x80, $0x38;
	[tilespmem:$0x8200] =	vst v63  }
0x2d: {  	_ =	swait.ge [sflag:s15], $0x80  }
0x2e: {  	[sflag:s15] =	ssyncset.done $0x0  }
0x2f: {  	[sflag:s15] =	ssyncadd.s32 $0xFFFFFF80  }
0x30: {  	[tilespmem:s17], [sflag:$0x1] =	stream.indirect.gather [hbm4b:s3+s16], $0x80, s2, s16, $0xb8;
	[tilespmem:$0x8200] =	vst v63  }
0x31: {  	[tilespmem:$0x80] =	vst v8  }
0x32: {  	[tilespmem:$0x90] =	vst v9  }
0x33: {  	[tilespmem:$0xA0] =	vst v10  }
0x34: {  	[tilespmem:$0xB0] =	vst v11  }
0x35: {  	[tilespmem:$0xC0] =	vst v12  }
0x36: {  	[tilespmem:$0xD0] =	vst v13  }
0x37: {  	[tilespmem:$0xE0] =	vst v14  }
0x38: {  	[tilespmem:$0xF0] =	vst v15  }
0x39: {  	[tilespmem:s18], [sflag:$0x5] =	stream.linear.gather [hbm4b:s6+s2], $0x80, $0x38;
	[tilespmem:$0x8200] =	vst v63  }
0x3a: {  	_ =	swait.ge [sflag:s15], $0x80  }
0x3b: {  	[sflag:s15] =	ssyncset.done $0x0  }
0x3c: {  	[sflag:s15] =	ssyncadd.s32 $0xFFFFFF80  }
0x3d: {  	[tilespmem:s19], [sflag:$0x2] =	stream.indirect.gather [hbm4b:s3+s16], $0x80, s16, s16, $0xb8;
	[tilespmem:$0x8200] =	vst v63  }
0x3e: {  	_ =	swait.ge [sflag:s20], $0x4000  }
0x3f: {  	[sflag:s20] =	ssyncset.done $0x0  }
0x40: {  	[sflag:s20] =	ssyncadd.s32 $0xFFFFC000  }
0x41: {  	[hbm4b:s4+s16] =	stream.indirect.scatter [tilespmem:s17], [sflag:$0x3], $0x80, s14, s16, $0xb8;
	[tilespmem:$0x8200] =	vst v63  }
0x42: {  	_ =	swait.ge [sflag:s21], $0x4000  }
0x43: {  	[sflag:s21] =	ssyncset.done $0x0  }
0x44: {  	[sflag:s21] =	ssyncadd.s32 $0xFFFFC000  }
0x45: {  	[tilespmem:$0x0] =	vst v16  }
0x46: {  	[tilespmem:$0x10] =	vst v17  }
0x47: {  	[tilespmem:$0x20] =	vst v18  }
0x48: {  	[tilespmem:$0x30] =	vst v19  }
0x49: {  	[tilespmem:$0x40] =	vst v20  }
0x4a: {  	[tilespmem:$0x50] =	vst v21  }
0x4b: {  	[tilespmem:$0x60] =	vst v22  }
0x4c: {  	[tilespmem:$0x70] =	vst v23  }
0x4d: {  	[tilespmem:s14], [sflag:$0x5] =	stream.linear.gather [hbm4b:s7+s2], $0x80, $0x38;
	[tilespmem:$0x8200] =	vst v63  }
0x4e: {  	_ =	swait.ge [sflag:s15], $0x80  }
0x4f: {  	[sflag:s15] =	ssyncset.done $0x0  }
0x50: {  	[sflag:s15] =	ssyncadd.s32 $0xFFFFFF80  }
0x51: {  	[tilespmem:s17], [sflag:$0x1] =	stream.indirect.gather [hbm4b:s3+s16], $0x80, s2, s16, $0xb8;
	[tilespmem:$0x8200] =	vst v63  }
0x52: {  	_ =	swait.ge [sflag:s22], $0x4000  }
0x53: {  	[sflag:s22] =	ssyncset.done $0x0  }
0x54: {  	[sflag:s22] =	ssyncadd.s32 $0xFFFFC000  }
0x55: {  	[hbm4b:s4+s16] =	stream.indirect.scatter [tilespmem:s19], [sflag:$0x4], $0x80, s18, s16, $0xb8;
	[tilespmem:$0x8200] =	vst v63  }
0x56: {  	_ =	swait.ge [sflag:s23], $0x4000  }
0x57: {  	[sflag:s23] =	ssyncset.done $0x0  }
0x58: {  	[sflag:s23] =	ssyncadd.s32 $0xFFFFC000  }
0x59: {  	[tilespmem:$0x80] =	vst v24  }
0x5a: {  	[tilespmem:$0x90] =	vst v25  }
0x5b: {  	[tilespmem:$0xA0] =	vst v26  }
0x5c: {  	[tilespmem:$0xB0] =	vst v27  }
0x5d: {  	[tilespmem:$0xC0] =	vst v28  }
0x5e: {  	[tilespmem:$0xD0] =	vst v29  }
0x5f: {  	[tilespmem:$0xE0] =	vst v30  }
0x60: {  	[tilespmem:$0xF0] =	vst v31  }
0x61: {  	[tilespmem:s18], [sflag:$0x5] =	stream.linear.gather [hbm4b:s8+s2], $0x80, $0x38;
	[tilespmem:$0x8200] =	vst v63  }
0x62: {  	_ =	swait.ge [sflag:s15], $0x80  }
0x63: {  	[sflag:s15] =	ssyncset.done $0x0  }
0x64: {  	[sflag:s15] =	ssyncadd.s32 $0xFFFFFF80  }
0x65: {  	[tilespmem:s19], [sflag:$0x2] =	stream.indirect.gather [hbm4b:s3+s16], $0x80, s16, s16, $0xb8;
	[tilespmem:$0x8200] =	vst v63  }
0x66: {  	_ =	swait.ge [sflag:s20], $0x4000  }
0x67: {  	[sflag:s20] =	ssyncset.done $0x0  }
0x68: {  	[sflag:s20] =	ssyncadd.s32 $0xFFFFC000  }
0x69: {  	[hbm4b:s4+s16] =	stream.indirect.scatter [tilespmem:s17], [sflag:$0x3], $0x80, s14, s16, $0xb8;
	[tilespmem:$0x8200] =	vst v63  }
0x6a: {  	_ =	swait.ge [sflag:s21], $0x4000  }
0x6b: {  	[sflag:s21] =	ssyncset.done $0x0  }
0x6c: {  	[sflag:s21] =	ssyncadd.s32 $0xFFFFC000  }
0x6d: {  	[tilespmem:$0x0] =	vst v32  }
0x6e: {  	[tilespmem:$0x10] =	vst v33  }
0x6f: {  	[tilespmem:$0x20] =	vst v34  }
0x70: {  	[tilespmem:$0x30] =	vst v35  }
0x71: {  	[tilespmem:$0x40] =	vst v36  }
0x72: {  	[tilespmem:$0x50] =	vst v37  }
0x73: {  	[tilespmem:$0x60] =	vst v38  }
0x74: {  	[tilespmem:$0x70] =	vst v39  }
0x75: {  	[tilespmem:s14], [sflag:$0x5] =	stream.linear.gather [hbm4b:s9+s2], $0x80, $0x38;
	[tilespmem:$0x8200] =	vst v63  }
0x76: {  	_ =	swait.ge [sflag:s15], $0x80  }
0x77: {  	[sflag:s15] =	ssyncset.done $0x0  }
0x78: {  	[sflag:s15] =	ssyncadd.s32 $0xFFFFFF80  }
0x79: {  	[tilespmem:s17], [sflag:$0x1] =	stream.indirect.gather [hbm4b:s3+s16], $0x80, s2, s16, $0xb8;
	[tilespmem:$0x8200] =	vst v63  }
0x7a: {  	_ =	swait.ge [sflag:s22], $0x4000  }
0x7b: {  	[sflag:s22] =	ssyncset.done $0x0  }
0x7c: {  	[sflag:s22] =	ssyncadd.s32 $0xFFFFC000  }
0x7d: {  	[hbm4b:s4+s16] =	stream.indirect.scatter [tilespmem:s19], [sflag:$0x4], $0x80, s18, s16, $0xb8;
	[tilespmem:$0x8200] =	vst v63  }
0x7e: {  	_ =	swait.ge [sflag:s23], $0x4000  }
0x7f: {  	[sflag:s23] =	ssyncset.done $0x0  }
0x80: {  	[sflag:s23] =	ssyncadd.s32 $0xFFFFC000  }
0x81: {  	[tilespmem:$0x80] =	vst v40  }
0x82: {  	[tilespmem:$0x90] =	vst v41  }
0x83: {  	[tilespmem:$0xA0] =	vst v42  }
0x84: {  	[tilespmem:$0xB0] =	vst v43  }
0x85: {  	[tilespmem:$0xC0] =	vst v44  }
0x86: {  	[tilespmem:$0xD0] =	vst v45  }
0x87: {  	[tilespmem:$0xE0] =	vst v46  }
0x88: {  	[tilespmem:$0xF0] =	vst v47  }
0x89: {  	[tilespmem:s18], [sflag:$0x5] =	stream.linear.gather [hbm4b:s10+s2], $0x80, $0x38;
	[tilespmem:$0x8200] =	vst v63  }
0x8a: {  	_ =	swait.ge [sflag:s15], $0x80  }
0x8b: {  	[sflag:s15] =	ssyncset.done $0x0  }
0x8c: {  	[sflag:s15] =	ssyncadd.s32 $0xFFFFFF80  }
0x8d: {  	[tilespmem:s19], [sflag:$0x2] =	stream.indirect.gather [hbm4b:s3+s16], $0x80, s16, s16, $0xb8;
	[tilespmem:$0x8200] =	vst v63  }
0x8e: {  	_ =	swait.ge [sflag:s20], $0x4000  }
0x8f: {  	[sflag:s20] =	ssyncset.done $0x0  }
0x90: {  	[sflag:s20] =	ssyncadd.s32 $0xFFFFC000  }
0x91: {  	[hbm4b:s4+s16] =	stream.indirect.scatter [tilespmem:s17], [sflag:$0x3], $0x80, s14, s16, $0xb8;
	[tilespmem:$0x8200] =	vst v63  }
0x92: {  	_ =	swait.ge [sflag:s21], $0x4000  }
0x93: {  	[sflag:s21] =	ssyncset.done $0x0  }
0x94: {  	[sflag:s21] =	ssyncadd.s32 $0xFFFFC000  }
0x95: {  	[tilespmem:$0x0] =	vst v48  }
0x96: {  	[tilespmem:$0x10] =	vst v49  }
0x97: {  	[tilespmem:$0x20] =	vst v50  }
0x98: {  	[tilespmem:$0x30] =	vst v51  }
0x99: {  	[tilespmem:$0x40] =	vst v53  }
0x9a: {  	[tilespmem:$0x50] =	vst v54  }
0x9b: {  	[tilespmem:$0x60] =	vst v55  }
0x9c: {  	[tilespmem:$0x70] =	vst v56  }
0x9d: {  	[tilespmem:s14], [sflag:$0x5] =	stream.linear.gather [hbm4b:s11+s2], $0x80, $0x38;
	[tilespmem:$0x8200] =	vst v63  }
0x9e: {  	_ =	swait.ge [sflag:s15], $0x80  }
0x9f: {  	[sflag:s15] =	ssyncset.done $0x0  }
0xa0: {  	[sflag:s15] =	ssyncadd.s32 $0xFFFFFF80  }
0xa1: {  	[tilespmem:s17], [sflag:$0x1] =	stream.indirect.gather [hbm4b:s3+s16], $0x80, s2, s16, $0xb8;
	[tilespmem:$0x8200] =	vst v63  }
0xa2: {  	_ =	swait.ge [sflag:s22], $0x4000  }
0xa3: {  	[sflag:s22] =	ssyncset.done $0x0  }
0xa4: {  	[sflag:s22] =	ssyncadd.s32 $0xFFFFC000  }
0xa5: {  	[hbm4b:s4+s16] =	stream.indirect.scatter [tilespmem:s19], [sflag:$0x4], $0x80, s18, s16, $0xb8;
	[tilespmem:$0x8200] =	vst v63  }
0xa6: {  	_ =	swait.ge [sflag:s23], $0x4000  }
0xa7: {  	[sflag:s23] =	ssyncset.done $0x0  }
0xa8: {  	[sflag:s23] =	ssyncadd.s32 $0xFFFFC000  }
0xa9: {  	[tilespmem:$0x80] =	vst v0  }
0xaa: {  	[tilespmem:$0x90] =	vst v57  }
0xab: {  	[tilespmem:$0xA0] =	vst v58  }
0xac: {  	[tilespmem:$0xB0] =	vst v59  }
0xad: {  	[tilespmem:$0xC0] =	vst v60  }
0xae: {  	[tilespmem:$0xD0] =	vst v61  }
0xaf: {  	[tilespmem:$0xE0] =	vst v62  }
0xb0: {  	[tilespmem:$0xF0] =	vst v63  }
0xb1: {  	[tilespmem:s18], [sflag:$0x5] =	stream.linear.gather [hbm4b:s12+s2], $0x80, $0x38;
	[tilespmem:$0x8200] =	vst v63  }
0xb2: {  	_ =	swait.ge [sflag:s15], $0x80  }
0xb3: {  	[sflag:s15] =	ssyncset.done $0x0  }
0xb4: {  	[sflag:s15] =	ssyncadd.s32 $0xFFFFFF80  }
0xb5: {  	[tilespmem:s19], [sflag:$0x2] =	stream.indirect.gather [hbm4b:s3+s16], $0x80, s16, s16, $0xb8;
	[tilespmem:$0x8200] =	vst v63  }
0xb6: {  	_ =	swait.ge [sflag:s20], $0x4000  }
0xb7: {  	[sflag:s20] =	ssyncset.done $0x0  }
0xb8: {  	[sflag:s20] =	ssyncadd.s32 $0xFFFFC000  }
0xb9: {  	[hbm4b:s4+s16] =	stream.indirect.scatter [tilespmem:s17], [sflag:$0x3], $0x80, s14, s16, $0xb8;
	[tilespmem:$0x8200] =	vst v63  }
0xba: {  	_ =	swait.ge [sflag:s22], $0x4000  }
0xbb: {  	[sflag:s22] =	ssyncset.done $0x0  }
0xbc: {  	[sflag:s22] =	ssyncadd.s32 $0xFFFFC000  }
0xbd: {  	[hbm4b:s4+s16] =	stream.indirect.scatter [tilespmem:s19], [sflag:$0x4], $0x80, s18, s16, $0xb8;
	[tilespmem:$0x8200] =	vst v63  }
0xbe: {  	p0 =	sne.s32 s13, $0x1;
	_ =	swait.ge [sflag:s21], $0x4000  }
.Ltmp0:
0xbf: {  	[sflag:s21] =	ssyncset.done $0x0;
	(pc) =	sbr.rel @p0 .LBB2_1-.Ltmp0, $4  }
0xc0: {  	[sflag:s21] =	ssyncadd.s32 $0xFFFFC000  }
0xc1: {  	_ =	swait.ge [sflag:s23], $0x4000  }
0xc2: {  	[sflag:s23] =	ssyncset.done $0x0  }
0xc3: {  	s13 =	sadd.s32 $0xFFFFFFFF, s13;
	[sflag:s23] =	ssyncadd.s32 $0xFFFFC000  }
0xc4: {  	_ =	sfence.sel $0x180000  }
0xc5: {  	[bflag:$0x0] =	sbarrier.arrive $0xFFFF  }
0xc6: {  	p0 =	sne.s32 s1, $0x0;
	_ =	strace $0x9000004A  }
0xc7: {  	s0 =	sadd.s32 @!p0 $0x100000, s0;
	[bflag:$0x2] =	sbarrier.arrive $0xFFFF  }
0xc8: {  	[sflag:s0] =	ssyncadd.tile.s32 @!p0 $0x1;
	_ =	shalt  }
.Lfunc_end2:
_tile_overlayer_lowered:
.L_overlay_start_2:
0xc9: {  	(tag) =	ssettag $0x2  }
0xca: {  	s0 =	rddreg [dreg:$0x0];
	s2 =	stileid.u32  }
0xcb: {  	s1 =	rddreg [dreg:$0x1];
	p0 =	sne.s32 s2, $0x0  }
0xcc: {  	s3 =	rddreg [dreg:$0x2];
	[bflag:$0x3] =	sbarrier.arrive $0xFFFF;
	s2 =	simm.s32 @!p0 $0x1C05  }
0xcd: {  	[timem:s3], [sflag:s2] =	dma.local @!p0 [hbm:s0], s1  }
0xce: {  	s0 =	simm.s32 @!p0 $0x5  }
0xcf: {  	_ =	swait.ge @!p0 [sflag:s0], s1  }
0xd0: {  	s1 =	ssub.s32 @!p0 $0x0, s1;
	[sflag:s0] =	ssyncset.done @!p0 $0x0  }
0xd1: {  	[sflag:s0] =	ssyncadd.s32 @!p0 s1  }
0xd2: {  	[bflag:$0x3] =	sbarrier.arrive $0xFFFF  }
0xd3: {  	_ =	shalt  }

// kernel: kernel.14.cloned.1.call-start
scs
__scs_entry_jumppad:
0x0: {  	(pc) =	sbr.rel $0x88, $3  }
0x1: {  	(tag) =	ssettag $0x0;
	lr =	simm.s32 $0x1  }
0x2: {  	[smem:$0x3F90] =	sst lr;
	_ =	strace $0xD0000000  }
0x3: {  	_ = 	snop  }
0x4: {  	_ = 	snop  }
0x5: {  	_ = 	snop  }
0x6: {  	_ = 	snop  }
0x7: {  	_ = 	snop  }
__scs_overlays_trampoline_lowered:
0x8: {  	[smem:$0x3F9F] =	sst s0  }
0x9: {  	[smem:$0x3FA0] =	sst s1  }
0xa: {  	[smem:$0x3FA1] =	sst s2  }
0xb: {  	[smem:$0x3FA2] =	sst s3  }
0xc: {  	[smem:$0x3FA3] =	sst s4  }
0xd: {  	[smem:$0x3FA4] =	sst s5  }
0xe: {  	[smem:$0x3FA5] =	sst s6  }
0xf: {  	[smem:$0x3FA6] =	sst s7  }
0x10: {  	[smem:$0x3FA7] =	sst s8  }
0x11: {  	[smem:$0x3FA8] =	sst s9;
	s0 =	simm.s32 @!p0 $0x0  }
0x12: {  	s1 =	sld [smem:$0x3F8E];
	s0 =	simm.s32 @p0 $0x1  }
0x13: {  	[smem:$0x3FA9] =	sst s0;
	s0 =	simm.s32 @!p1 $0x0  }
0x14: {  	s2 =	sld [smem:$0x3F8D];
	s0 =	simm.s32 @p1 $0x1  }
0x15: {  	[smem:$0x3FAA] =	sst s0;
	s0 =	simm.s32 @!p2 $0x0  }
0x16: {  	s3 =	sld [smem:$0x3FDB];
	s0 =	simm.s32 @p2 $0x1  }
0x17: {  	s4 =	simm.s32 $0x1BF5;
	[smem:$0x3FAC] =	sst s0  }
0x18: {  	s0 =	sld [smem:$0x3F8F];
	_ =	swait.ge [sflag:s4], $0x0  }
0x19: {  	s7 =	sld [smem:$0x3F90]  }
0x1a: {  	s8 =	sadd.s32 $0xFFFFE003, lr  }
0x1b: {  	s9 =	sadd.s32 $0xFFFFFEF7, lr;
	s5 =	simm.s32 $0xFFFFFFFF;
	p2 =	slt.u32 s8, $0xFFFFF086  }
0x1c: {  	p1 =	slt.u32 s9, $0xF7A;
	s5 =	simm.s32 @!p2 $0x0  }
0x1d: {  	s5 =	simm.s32 @p1 $0x1;
	p0 =	seq.s32 s7, s2  }
0x1e: {  	s7 =	smul.u32 @!p0 $0xF7A, s2;
	p2 =	seq.s32 @!p0 s5, $0x0  }
0x1f: {  	s9 =	smul.u32 $0xF7A, s1;
	s8 =	simm.s32 @!p0 $0x1BF5;
	p2 =	por !p2, p0  }
0x20: {  	[sflag:s8] =	ssyncset.s32 @!p0 $0xFFFFF086;
	s6 =	sadd.s32 @!p0 s3, s7;
	s7 =	simm.s32 @!p0 $0x108  }
0x21: {  	s3 =	sadd.s32 s3, s9;
	s6 =	sadd.s32 @!p0 $0x88, s6;
	s7 =	simm.s32 @p2 $0x1082  }
0x22: {  	[simem:s7], [sflag:s8] =	dma.local @!p0 [hbm:s6], $0xF7A  }
0x23: {  	s9 =	sor.u32 $0xD0000000, s2;
	s6 =	simm.s32 $0x108;
	_ =	swait.ge @!p0 [sflag:s8], $0x0  }
0x24: {  	s3 =	sadd.s32 $0x88, s3;
	s6 =	simm.s32 @!p1 $0x1082;
	[sflag:s4] =	ssyncset.s32 $0xFFFFF086  }
0x25: {  	[simem:s6], [sflag:s4] =	dma.local [hbm:s3], $0xF7A  }
0x26: {  	[smem:$0x3F90] =	sst s1;
	(tag) =	ssettag s2;
	_ =	strace s9  }
0x27: {  	s1 =	sld [smem:$0x3FA0]  }
0x28: {  	s2 =	sld [smem:$0x3FA1]  }
0x29: {  	s4 =	sld [smem:$0x3FA3]  }
0x2a: {  	p0 =	seq.s32 s5, $0x0;
	s5 =	sld [smem:$0x3FA4]  }
0x2b: {  	s6 =	sld [smem:$0x3FA5]  }
0x2c: {  	s7 =	sld [smem:$0x3FA6]  }
0x2d: {  	s3 =	simm.s32 $0x108;
	s8 =	sld [smem:$0x3FA7]  }
0x2e: {  	s3 =	simm.s32 @!p0 $0x1082;
	s9 =	sld [smem:$0x3FA8]  }
0x2f: {  	lr =	sadd.s32 s0, s3;
	s0 =	sld [smem:$0x3F9F]  }
0x30: {  	s3 =	sld [smem:$0x3FA2]  }
0x31: {  	[smem:$0x3FAB] =	sst s10  }
0x32: {  	s10 =	sld [smem:$0x3FA9];
	_ =	sdelay $0x3  }
0x33: {  	p0 =	seq.s32 s10, $0x1;
	s10 =	sld [smem:$0x3FAB];
	_ =	sdelay $0x3  }
0x34: {  	[smem:$0x3FAB] =	sst s10  }
0x35: {  	s10 =	sld [smem:$0x3FAA];
	_ =	sdelay $0x3  }
0x36: {  	p1 =	seq.s32 s10, $0x1;
	s10 =	sld [smem:$0x3FAB];
	_ =	sdelay $0x3  }
0x37: {  	[smem:$0x3FAB] =	sst s10  }
0x38: {  	s10 =	sld [smem:$0x3FAC]  }
0x39: {  	_ = 	snop;
	(pc) =	sbr.ind lr, $3  }
0x3a: {  	_ = 	snop  }
0x3b: {  	_ = 	snop  }
0x3c: {  	p2 =	seq.s32 s10, $0x1;
	s10 =	sld [smem:$0x3FAB]  }
0x3d: {  	_ =	shalt  }
0x3e: {  	_ =	shalt  }
0x3f: {  	_ =	shalt  }
0x40: {  	_ =	shalt  }
0x41: {  	_ =	shalt  }
0x42: {  	_ =	shalt  }
0x43: {  	_ =	shalt  }
0x44: {  	_ =	shalt  }
0x45: {  	_ =	shalt  }
0x46: {  	_ =	shalt  }
0x47: {  	_ =	shalt  }
0x48: {  	_ =	shalt  }
0x49: {  	_ =	shalt  }
0x4a: {  	_ =	shalt  }
0x4b: {  	_ =	shalt  }
0x4c: {  	_ =	shalt  }
0x4d: {  	_ =	shalt  }
0x4e: {  	_ =	shalt  }
0x4f: {  	_ =	shalt  }
0x50: {  	_ =	shalt  }
0x51: {  	_ =	shalt  }
0x52: {  	_ =	shalt  }
0x53: {  	_ =	shalt  }
0x54: {  	_ =	shalt  }
0x55: {  	_ =	shalt  }
0x56: {  	_ =	shalt  }
0x57: {  	_ =	shalt  }
0x58: {  	_ =	shalt  }
0x59: {  	_ =	shalt  }
0x5a: {  	_ =	shalt  }
0x5b: {  	_ =	shalt  }
0x5c: {  	_ =	shalt  }
0x5d: {  	_ =	shalt  }
0x5e: {  	_ =	shalt  }
0x5f: {  	_ =	shalt  }
0x60: {  	_ =	shalt  }
0x61: {  	_ =	shalt  }
0x62: {  	_ =	shalt  }
0x63: {  	_ =	shalt  }
0x64: {  	_ =	shalt  }
0x65: {  	_ =	shalt  }
0x66: {  	_ =	shalt  }
0x67: {  	_ =	shalt  }
0x68: {  	_ =	shalt  }
0x69: {  	_ =	shalt  }
0x6a: {  	_ =	shalt  }
0x6b: {  	_ =	shalt  }
0x6c: {  	_ =	shalt  }
0x6d: {  	_ =	shalt  }
0x6e: {  	_ =	shalt  }
0x6f: {  	_ =	shalt  }
0x70: {  	_ =	shalt  }
0x71: {  	_ =	shalt  }
0x72: {  	_ =	shalt  }
0x73: {  	_ =	shalt  }
0x74: {  	_ =	shalt  }
0x75: {  	_ =	shalt  }
0x76: {  	_ =	shalt  }
0x77: {  	_ =	shalt  }
0x78: {  	_ =	shalt  }
0x79: {  	_ =	shalt  }
0x7a: {  	_ =	shalt  }
0x7b: {  	_ =	shalt  }
0x7c: {  	_ =	shalt  }
0x7d: {  	_ =	shalt  }
0x7e: {  	_ =	shalt  }
0x7f: {  	_ =	shalt  }
0x80: {  	_ =	shalt  }
0x81: {  	_ =	shalt  }
0x82: {  	_ =	shalt  }
0x83: {  	_ =	shalt  }
0x84: {  	_ =	shalt  }
0x85: {  	_ =	shalt  }
0x86: {  	_ =	shalt  }
0x87: {  	_ =	shalt  }
.Lfunc_end0:
.L_simem_size_0:
called_computation.2_lowered:
.L_overlay_start_0:
0x88: {  	s2 =	sld [smem:$0x3FD9]  }
0x89: {  	s3 =	sld [smem:$0x3FFE];
	_ =	sdelay $0x1  }
0x8a: {  	s1 =	srdreg.scid  }
0x8b: {  	s0 =	sand.u32 $0x1, s1  }
0x8c: {  	s17 =	sshll.u32 s0, $0xA;
	s2 =	sadd.s32 s3, s2  }
0x8d: {  	s2 =	sadd.s32 s2, s17  }
0x8e: {  	[smem:$0x3FB7] =	sst s2  }
0x8f: {  	_ = 	snop  }
0x90: {  	s2 =	sld [smem:$0x3FD0];
	(tm) =	ssettm $0x1  }
0x91: {  	s18 =	sld [smem:$0x3FFB];
	_ =	sdelay $0x3  }
0x92: {  	_ =	strace s18  }
0x93: {  	s3 =	sld [smem:$0x3FFC];
	_ =	sdelay $0x3  }
0x94: {  	_ =	strace s3  }
0x95: {  	s3 =	sld [smem:$0x3FFD];
	_ =	sdelay $0x3  }
0x96: {  	_ =	strace s3  }
0x97: {  	_ =	strace $0x8FFFFFFF  }
0x98: {  	s19 =	sld [smem:$0x3FDB];
	_ =	sdelay $0x1  }
0x99: {  	s4 =	simm.s32 $_scs_section_size  }
0x9a: {  	s5 =	simm.s32 $_size__tile_overlayer_lowered;
	s6 =	simm.s32 $_tile_overlayer_lowered  }
0x9b: {  	s22 =	simm.s32 $0x1BFF;
	s21 =	sshll.u32 s6, $0x1;
	s3 =	sadd.s32 s4, s19  }
0x9c: {  	s7 =	simm.s32 $0x0;
	s20 =	sshll.u32 s5, $0x1;
	s5 =	sadd.s32 s21, s3  }
0x9d: {  	[timem:s7], [sflag:s22] =	dma.local [hbm:s5], s20  }
0x9e: {  	_ =	swait.ge [sflag:s22], s20  }
0x9f: {  	s4 =	ssub.s32 $0x0, s20;
	[sflag:s22] =	ssyncset.done $0x0  }
0xa0: {  	[sflag:s22] =	ssyncadd.s32 s4;
	_ =	sdelay $0x1  }
0xa1: {  	s23 =	simm.s32 $0x1B8B  }
0xa2: {  	_ =	swait.ge [sflag:s23], $0x1  }
0xa3: {  	[sflag:s23] =	ssyncset.done $0x0  }
0xa4: {  	s25 =	simm.s32 $0x1B8E;
	s24 =	sld [smem:$0x3FFE];
	[sflag:s23] =	ssyncadd.s32 $0xFFFFFFFF  }
0xa5: {  	s26 =	simm.s32 $execute0_lowered;
	[smem:$0x3FD2] =	sst s25  }
0xa6: {  	s5 =	sshll.u32 s26, $0x1;
	_ =	strace $0x8000004C;
	[dreg:$0x1] =	wrdreg $0xFFFFFFFF  }
0xa7: {  	s28 =	simm.s32 $_size_execute0_lowered;
	s3 =	sadd.s32 s3, s5;
	[dreg:$0x0] =	wrdreg $0x0  }
0xa8: {  	s5 =	sshll.u32 s28, $0x1;
	[dreg:$0x2] =	wrdreg s3  }
0xa9: {  	[dreg:$0x3] =	wrdreg s5  }
0xaa: {  	[dreg:$0x4] =	wrdreg $0xC0  }
0xab: {  	_ =	task [dreg:s7], $0x5FFFF  }
0xac: {  	[dreg:$0x1] =	wrdreg $0xFFFFFFFF  }
0xad: {  	[dreg:$0x0] =	wrdreg $0x60  }
0xae: {  	[dreg:$0x2] =	wrdreg s24  }
0xaf: {  	[dreg:$0x3] =	wrdreg s2  }
0xb0: {  	[dreg:$0x4] =	wrdreg $0x9  }
0xb1: {  	_ =	task.clear_ibuf [dreg:s7], $0x5FFFF;
	_ =	strace $0x9000004C  }
0xb2: {  	s29 =	simm.s32 $0x9;
	_ =	strace $0x8000004E  }
0xb3: {  	_ =	swait.ge [sflag:s29], $0x1  }
0xb4: {  	[sflag:s29] =	ssyncadd.s32 $0xFFFFFFFF  }
0xb5: {  	_ =	strace $0x9000004E  }
0xb6: {  	_ =	sfence  }
0xb7: {  	s30 =	sld [smem:$0x0];
	_ =	sdelay $0x2  }
0xb8: {  	s31 =	sshll.u32 s1, $0xD;
	s1 =	sshrl.u32 s1, $0x2  }
0xb9: {  	s3 =	sand.u32 $0x4000, s31;
	s1 =	sadd.s32 s1, s30  }
0xba: {  	s0 =	sor.u32 s3, s0;
	s1 =	sshll.u32 s1, $0x11  }
0xbb: {  	s0 =	sor.u32 s1, s0  }
0xbc: {  	s0 =	sadd.s32 $0x8F2B, s0  }
0xbd: {  	[sflag:s0] =	ssyncadd.remote.s32 $0x1  }
0xbe: {  	_ =	sfence.sel $0xFFFF  }
0xbf: {  	[dreg:$0x0] =	wrdreg $0xFFFFFFFF;
	(pc) =	sbr.abs _section_cstart, $3  }
0xc0: {  	[dreg:$0x1] =	wrdreg $0xFFFFFFFF  }
0xc1: {  	_ =	task.clear_ibuf [dreg:s7], $0x2FFFF;
	_ =	strace $0x9FFFFFFF  }
0xc2: {  	(tm) =	ssettm $0x7FFFFFFF  }
0xc3: {  	_ =	shalt  }
tec
execute0_lowered:
.L_overlay_start_1:
0x0: {  	(tag) =	ssettag $0x1  }
0x1: {  	s0 =	rddreg [dreg:$0x0]  }
0x2: {  	s2 =	rddreg [dreg:$0x1]  }
0x3: {  	s1 =	simm.s32 $0x0;
	s4 =	srdreg.scid;
	s7 =	stileid.u32  }
0x4: {  	s28 =	simm.s32 $0x180;
	s29 =	simm.s32 $0x4200;
	s30 =	simm.s32 $0xC200  }
0x5: {  	s31 =	simm.s32 $0x14200;
	[smem:$0x7FF] =	sst s1;
	s3 =	sadd.s32 $0x184000, s0  }
0x6: {  	s5 =	sadd.s32 $0x44000, s0;
	s4 =	sand.u32 $0x1, s4;
	s0 =	sadd.s32 $0x4000, s0  }
0x7: {  	s7 =	sshll.u32 s7, $0xA;
	_ =	strace $0x8000004D;
	s6 =	ssub.s32 $0x2, s4  }
0x8: {  	s4 =	sshll.u32 s4, $0x9;
	s9 =	sor.u32 $0x4000, s7;
	s8 =	sshrl.u32 s6, $0x1  }
0x9: {  	s7 =	sor.u32 s4, s7;
	s4 =	sor.u32 s4, s9;
	s6 =	ssub.s32 s6, s8  }
0xa: {  	s15 =	sshrl.u32 s7, $0x3;
	s4 =	sshrl.u32 s4, $0x3;
	s10 =	sor.u32 $0x80, s7  }
0xb: {  	s17 =	sshll.u32 s7, $0x4;
	s19 =	sor.u32 $0x100, s7;
	s7 =	sor.u32 $0x180, s7  }
0xc: {  	s8 =	sadd.s32 s2, s15;
	s4 =	sadd.s32 s2, s4;
	s16 =	sand.u32 $0x280, s10  }
0xd: {  	s11 =	sshrl.u32 s10, $0x3;
	s12 =	sadd.s32 s5, s17;
	s18 =	sshll.u32 s10, $0x4  }
0xe: {  	s21 =	sshrl.u32 s19, $0x3;
	s22 =	sand.u32 $0x300, s19;
	s10 =	sshll.u32 s19, $0x4  }
0xf: {  	s24 =	sand.u32 $0x380, s7;
	s25 =	sshrl.u32 s7, $0x3;
	[dreg:$0x3] =	wrdreg s8  }
0x10: {  	s7 =	sshll.u32 s7, $0x4;
	[dreg:$0x4] =	wrdreg s4;
	s4 =	sor.u32 s9, s16  }
0x11: {  	[dreg:$0x5] =	wrdreg s12;
	s11 =	sadd.s32 s2, s11;
	s20 =	sadd.s32 s5, s18  }
0x12: {  	s8 =	sadd.s32 s0, s17;
	s23 =	sor.u32 s9, s22;
	s13 =	sadd.s32 s5, s10  }
0x13: {  	s14 =	sadd.s32 s0, s18;
	s15 =	sadd.s32 s2, s25;
	s17 =	sadd.s32 s5, s7  }
0x14: {  	s18 =	sadd.s32 s0, s10;
	s19 =	sadd.s32 s0, s7;
	s22 =	simm.s32 $0x100  }
0x15: {  	s25 =	simm.s32 $0x8200;
	s0 =	simm.s32 $0x1;
	[dreg:$0x6] =	wrdreg s11  }
0x16: {  	s5 =	simm.s32 $0x2;
	s7 =	simm.s32 $0x0;
	[dreg:$0x8] =	wrdreg s20  }
0x17: {  	s4 =	sshrl.u32 s4, $0x3;
	[dreg:$0x9] =	wrdreg s8;
	s11 =	sadd.s32 s2, s21  }
0x18: {  	s8 =	sshrl.u32 s23, $0x3;
	s20 =	smax.u32 s6, $0x1;
	s21 =	simm.s32 $0x5  }
0x19: {  	s23 =	simm.s32 $0x200;
	s6 =	simm.s32 $0x4;
	s4 =	sadd.s32 s2, s4  }
0x1a: {  	s12 =	sadd.s32 s2, s8;
	s8 =	sor.u32 s9, s24;
	s24 =	simm.s32 $0x80  }
0x1b: {  	[dreg:$0x7] =	wrdreg s4;
	s26 =	sshrl.u32 s8, $0x3;
	s4 =	simm.s32 $0x18200  }
0x1c: {  	s16 =	sadd.s32 s2, s26;
	s26 =	simm.s32 $0x10200;
	s2 =	simm.s32 $0x3  }
.LBB2_1:
0x1d: {  	s8 =	rddreg [dreg:$0x3]  }
0x1e: {  	[tilespmem:s1], [sflag:$0x5] =	stream.linear.gather [hbm4b:s8+s1], $0x80, $0x38;
	[tilespmem:$0x1C200] =	vst v63  }
0x1f: {  	_ =	swait.ge [sflag:s21], $0x80  }
0x20: {  	[sflag:s21] =	ssyncset.done $0x0  }
0x21: {  	s10 =	rddreg [dreg:$0x4];
	[sflag:s21] =	ssyncadd.s32 $0xFFFFFF80  }
0x22: {  	[tilespmem:s22], [sflag:$0x5] =	stream.linear.gather [hbm4b:s10+s1], $0x80, $0x38;
	[tilespmem:$0x1C200] =	vst v63  }
0x23: {  	_ =	swait.ge [sflag:s21], $0x80  }
0x24: {  	[sflag:s21] =	ssyncset.done $0x0  }
0x25: {  	s9 =	rddreg [dreg:$0x5];
	[sflag:s21] =	ssyncadd.s32 $0xFFFFFF80  }
0x26: {  	[tilespmem:s23], [sflag:$0x5] =	stream.linear.gather [hbm4b:s9+s1], $0x4000, $0x38;
	[tilespmem:$0x1C200] =	vst v63  }
0x27: {  	_ =	swait.ge [sflag:s21], $0x4000  }
0x28: {  	[sflag:s21] =	ssyncset.done $0x0  }
0x29: {  	[sflag:s21] =	ssyncadd.s32 $0xFFFFC000  }
0x2a: {  	[tilespmem:s25], [sflag:$0x1] =	stream.indirect.gather [hbm4b:s3+s24], $0x80, s1, s24, $0xb8;
	[tilespmem:$0x1C200] =	vst v63  }
0x2b: {  	_ = 	snop  }
0x2c: {  	[tilespmem:s26], [sflag:$0x3] =	stream.indirect.gather [hbm4b:s3+s24], $0x80, s22, s24, $0xb8;
	[tilespmem:$0x1C200] =	vst v63  }
0x2d: {  	s10 =	rddreg [dreg:$0x6]  }
0x2e: {  	[tilespmem:s24], [sflag:$0x5] =	stream.linear.gather [hbm4b:s10+s1], $0x80, $0x38;
	[tilespmem:$0x1C200] =	vst v63  }
0x2f: {  	_ =	swait.ge [sflag:s21], $0x80  }
0x30: {  	[sflag:s21] =	ssyncset.done $0x0  }
0x31: {  	s9 =	rddreg [dreg:$0x7];
	[sflag:s21] =	ssyncadd.s32 $0xFFFFFF80  }
0x32: {  	[tilespmem:s28], [sflag:$0x5] =	stream.linear.gather [hbm4b:s9+s1], $0x80, $0x38;
	[tilespmem:$0x1C200] =	vst v63  }
0x33: {  	_ =	swait.ge [sflag:s21], $0x80  }
0x34: {  	[sflag:s21] =	ssyncset.done $0x0  }
0x35: {  	s10 =	rddreg [dreg:$0x8];
	[sflag:s21] =	ssyncadd.s32 $0xFFFFFF80  }
0x36: {  	[tilespmem:s29], [sflag:$0x5] =	stream.linear.gather [hbm4b:s10+s1], $0x4000, $0x38;
	[tilespmem:$0x1C200] =	vst v63  }
0x37: {  	_ =	swait.ge [sflag:s21], $0x4000  }
0x38: {  	[sflag:s21] =	ssyncset.done $0x0  }
0x39: {  	[sflag:s21] =	ssyncadd.s32 $0xFFFFC000  }
0x3a: {  	[tilespmem:s30], [sflag:$0x2] =	stream.indirect.gather [hbm4b:s3+s24], $0x80, s24, s24, $0xb8;
	[tilespmem:$0x1C200] =	vst v63  }
0x3b: {  	_ = 	snop  }
0x3c: {  	[tilespmem:s31], [sflag:$0x4] =	stream.indirect.gather [hbm4b:s3+s24], $0x80, s28, s24, $0xb8;
	[tilespmem:$0x1C200] =	vst v63  }
0x3d: {  	_ =	swait.ge [sflag:s0], $0x4000  }
0x3e: {  	[sflag:s0] =	ssyncset.done $0x0  }
0x3f: {  	[sflag:s0] =	ssyncadd.s32 $0xFFFFC000  }
0x40: {  	_ =	swait.ge [sflag:s2], $0x4000  }
0x41: {  	[sflag:s2] =	ssyncset.done $0x0  }
0x42: {  	s8 =	simm.s32 $0x0;
	[sflag:s2] =	ssyncadd.s32 $0xFFFFC000  }
0x43: {  	v5 =	vld [tilespmem:s8+$0x200]  }
0x44: {  	v7 =	vld [tilespmem:s8+$0x210]  }
0x45: {  	v0 =	vld [tilespmem:s8+$0x8250]  }
0x46: {  	v1 =	vld [tilespmem:s8+$0x10250]  }
0x47: {  	v2 =	vld [tilespmem:s8+$0x8254]  }
0x48: {  	v3 =	vld [tilespmem:s8+$0x10254]  }
0x49: {  	v4 =	vld [tilespmem:s8+$0x8200]  }
0x4a: {  	v6 =	vld [tilespmem:s8+$0x10200]  }
0x4b: {  	v8 =	vld [tilespmem:s8+$0x8210];
	v0 =	vmul.f32 v0, v5;
	v1 =	vmul.f32 v1, v7  }
0x4c: {  	v9 =	vld [tilespmem:s8+$0x10210]  }
0x4d: {  	v10 =	vld [tilespmem:s8+$0x8220];
	v2 =	vmul.f32 v2, v5;
	v3 =	vmul.f32 v3, v7;
	v0 =	vadd.f32 v1, v0  }
0x4e: {  	v11 =	vld [tilespmem:s8+$0x10220]  }
0x4f: {  	v12 =	vld [tilespmem:s8+$0x8230];
	v1 =	vadd.f32 v3, v2;
	v2 =	vmul.f32 v6, v7;
	[tilespmem:s8+$0x18250] =	vst v0;
	v0 =	vmul.f32 v4, v5  }
0x50: {  	v13 =	vld [tilespmem:s8+$0x10230]  }
0x51: {  	v14 =	vld [tilespmem:s8+$0x10240];
	v3 =	vmul.f32 v9, v7;
	[tilespmem:s8+$0x18254] =	vst v1;
	v1 =	vadd.f32 v2, v0;
	v2 =	vmul.f32 v8, v5  }
0x52: {  	s9 =	simm.s32 $0x80;
	v6 =	vld [tilespmem:s8+$0x8240]  }
0x53: {  	v4 =	vmul.f32 v10, v5;
	v0 =	vld [tilespmem:s9+$0x200];
	v8 =	vmul.f32 v11, v7;
	[tilespmem:s8+$0x18200] =	vst v1;
	v3 =	vadd.f32 v3, v2  }
0x54: {  	v1 =	vld [tilespmem:s9+$0x210]  }
0x55: {  	v62 =	vmul.f32 v12, v5;
	v63 =	vmul.f32 v13, v7;
	v8 =	vadd.f32 v8, v4;
	v2 =	vld [tilespmem:s9+$0x8250];
	[tilespmem:s8+$0x18210] =	vst v3  }
0x56: {  	v4 =	vld [tilespmem:s9+$0x10250]  }
0x57: {  	s10 =	simm.s32 $0x400;
	v7 =	vmul.f32 v14, v7;
	v5 =	vmul.f32 v6, v5;
	v6 =	vadd.f32 v63, v62;
	v3 =	vld [tilespmem:s9+$0x8254];
	[tilespmem:s8+$0x18220] =	vst v8  }
.LBB2_2:
0x58: {  	p0 =	sne.s32 s10, $0xFE00;
	v8 =	vld [tilespmem:s9+$0x10254];
	v9 =	vmov v0  }
0x59: {  	v0 =	vld [tilespmem:s9+$0x8200];
	[tilespmem:s8+$0x18230] =	vst v6;
	v5 =	vadd.f32 v7, v5;
	v7 =	vmov v1  }
0x5a: {  	v1 =	vld [tilespmem:s9+$0x10200]  }
0x5b: {  	v6 =	vld [tilespmem:s9+$0x8210];
	[tilespmem:s8+$0x18240] =	vst v5;
	s8 =	smov.u32 s9  }
0x5c: {  	v2 =	vmul.f32 v2, v9;
	v4 =	vmul.f32 v4, v7;
	v5 =	vld [tilespmem:s8+$0x10210]  }
0x5d: {  	v3 =	vmul.f32 v3, v9;
	v10 =	vld [tilespmem:s8+$0x8220];
	v8 =	vmul.f32 v8, v7  }
0x5e: {  	v2 =	vadd.f32 v4, v2;
	v0 =	vmul.f32 v0, v9;
	v11 =	vld [tilespmem:s8+$0x10220]  }
0x5f: {  	v1 =	vmul.f32 v1, v7;
	v4 =	vld [tilespmem:s8+$0x8230];
	v3 =	vadd.f32 v8, v3  }
0x60: {  	v6 =	vmul.f32 v6, v9;
	v8 =	vld [tilespmem:s8+$0x10230];
	[tilespmem:s8+$0x18250] =	vst v2  }
0x61: {  	v1 =	vadd.f32 v1, v0;
	v2 =	vmul.f32 v5, v7;
	v5 =	vld [tilespmem:s8+$0x8240];
	[tilespmem:s8+$0x18254] =	vst v3  }
0x62: {  	s9 =	sshra.s32 s10, $0x2;
	v3 =	vmul.f32 v10, v9;
	v10 =	vld [tilespmem:s8+$0x10240]  }
.Ltmp0:
0x63: {  	v0 =	vld [tilespmem:s9+$0x200];
	[tilespmem:s8+$0x18200] =	vst v1;
	v6 =	vadd.f32 v2, v6;
	v11 =	vmul.f32 v11, v7;
	(pc) =	sbr.rel @p0 .LBB2_2-.Ltmp0, $4  }
0x64: {  	v1 =	vld [tilespmem:s9+$0x210];
	v12 =	vmul.f32 v4, v9  }
0x65: {  	v2 =	vld [tilespmem:s9+$0x8250];
	[tilespmem:s8+$0x18210] =	vst v6;
	v6 =	vadd.f32 v11, v3;
	v8 =	vmul.f32 v8, v7  }
0x66: {  	v4 =	vld [tilespmem:s9+$0x10250];
	v5 =	vmul.f32 v5, v9  }
0x67: {  	s10 =	sadd.s32 $0x200, s10;
	v3 =	vld [tilespmem:s9+$0x8254];
	[tilespmem:s8+$0x18220] =	vst v6;
	v6 =	vadd.f32 v8, v12;
	v7 =	vmul.f32 v10, v7  }
0x68: {  	v8 =	vld [tilespmem:s9+$0x10254]  }
0x69: {  	v9 =	vld [tilespmem:s9+$0x8200];
	[tilespmem:s8+$0x18230] =	vst v6;
	v5 =	vadd.f32 v7, v5  }
0x6a: {  	v6 =	vld [tilespmem:s9+$0x10200]  }
0x6b: {  	v7 =	vld [tilespmem:s9+$0x8210];
	[tilespmem:s8+$0x18240] =	vst v5  }
0x6c: {  	v5 =	vld [tilespmem:s9+$0x10210]  }
0x6d: {  	v2 =	vmul.f32 v2, v0;
	v4 =	vmul.f32 v4, v1;
	v10 =	vld [tilespmem:s9+$0x8220]  }
0x6e: {  	v11 =	vld [tilespmem:s9+$0x10220];
	v3 =	vmul.f32 v3, v0;
	v8 =	vmul.f32 v8, v1  }
0x6f: {  	v12 =	vld [tilespmem:s9+$0x10230];
	v2 =	vadd.f32 v4, v2  }
0x70: {  	v4 =	vld [tilespmem:s9+$0x8230];
	v3 =	vadd.f32 v8, v3  }
0x71: {  	[tilespmem:s9+$0x18250] =	vst v2;
	v2 =	vld [tilespmem:s9+$0x8240]  }
0x72: {  	[tilespmem:s9+$0x18254] =	vst v3;
	v3 =	vld [tilespmem:s9+$0x10240]  }
0x73: {  	v8 =	vmul.f32 v9, v0;
	v6 =	vmul.f32 v6, v1  }
0x74: {  	v7 =	vmul.f32 v7, v0;
	v5 =	vmul.f32 v5, v1  }
0x75: {  	v6 =	vadd.f32 v6, v8;
	v8 =	vmul.f32 v10, v0;
	v57 =	vmul.f32 v11, v1  }
0x76: {  	v4 =	vmul.f32 v4, v0;
	v5 =	vadd.f32 v5, v7;
	v7 =	vmul.f32 v12, v1  }
0x77: {  	[tilespmem:s9+$0x18200] =	vst v6;
	v6 =	vadd.f32 v57, v8;
	v0 =	vmul.f32 v2, v0;
	v1 =	vmul.f32 v3, v1  }
0x78: {  	[tilespmem:s9+$0x18210] =	vst v5;
	v2 =	vadd.f32 v7, v4  }
0x79: {  	[tilespmem:s9+$0x18220] =	vst v6;
	v0 =	vadd.f32 v1, v0  }
0x7a: {  	[tilespmem:s9+$0x18230] =	vst v2  }
0x7b: {  	s10 =	rddreg [dreg:$0x9];
	s8 =	simm.s32 $0x0;
	[tilespmem:s9+$0x18240] =	vst v0  }
0x7c: {  	[hbm4b:s10+s8] =	stream.linear.scatter [tilespmem:s4], [sflag:$0x5], $0x4000, $0x38;
	[tilespmem:$0x1C200] =	vst v63  }
0x7d: {  	_ =	swait.ge [sflag:s21], $0x4000  }
0x7e: {  	[sflag:s21] =	ssyncset.done $0x0  }
0x7f: {  	[sflag:s21] =	ssyncadd.s32 $0xFFFFC000  }
0x80: {  	[tilespmem:s8], [sflag:$0x5] =	stream.linear.gather [hbm4b:s11+s8], $0x80, $0x38;
	[tilespmem:$0x1C200] =	vst v63  }
0x81: {  	_ =	swait.ge [sflag:s21], $0x80  }
0x82: {  	[sflag:s21] =	ssyncset.done $0x0  }
0x83: {  	[sflag:s21] =	ssyncadd.s32 $0xFFFFFF80  }
0x84: {  	[tilespmem:s22], [sflag:$0x5] =	stream.linear.gather [hbm4b:s12+s8], $0x80, $0x38;
	[tilespmem:$0x1C200] =	vst v63  }
0x85: {  	_ =	swait.ge [sflag:s21], $0x80  }
0x86: {  	[sflag:s21] =	ssyncset.done $0x0  }
0x87: {  	[sflag:s21] =	ssyncadd.s32 $0xFFFFFF80  }
0x88: {  	[tilespmem:s23], [sflag:$0x5] =	stream.linear.gather [hbm4b:s13+s8], $0x4000, $0x38;
	[tilespmem:$0x1C200] =	vst v63  }
0x89: {  	_ =	swait.ge [sflag:s21], $0x4000  }
0x8a: {  	[sflag:s21] =	ssyncset.done $0x0  }
0x8b: {  	[sflag:s21] =	ssyncadd.s32 $0xFFFFC000  }
0x8c: {  	[tilespmem:s25], [sflag:$0x1] =	stream.indirect.gather [hbm4b:s3+s24], $0x80, s8, s24, $0xb8;
	[tilespmem:$0x1C200] =	vst v63  }
0x8d: {  	_ = 	snop  }
0x8e: {  	[tilespmem:s26], [sflag:$0x3] =	stream.indirect.gather [hbm4b:s3+s24], $0x80, s22, s24, $0xb8;
	[tilespmem:$0x1C200] =	vst v63  }
0x8f: {  	_ =	swait.ge [sflag:s5], $0x4000  }
0x90: {  	[sflag:s5] =	ssyncset.done $0x0  }
0x91: {  	[sflag:s5] =	ssyncadd.s32 $0xFFFFC000  }
0x92: {  	_ =	swait.ge [sflag:s6], $0x4000  }
0x93: {  	[sflag:s6] =	ssyncset.done $0x0  }
0x94: {  	s8 =	simm.s32 $0x0;
	[sflag:s6] =	ssyncadd.s32 $0xFFFFC000  }
0x95: {  	v5 =	vld [tilespmem:s8+$0x4200]  }
0x96: {  	v7 =	vld [tilespmem:s8+$0x4210]  }
0x97: {  	v0 =	vld [tilespmem:s8+$0xC250]  }
0x98: {  	v1 =	vld [tilespmem:s8+$0x14250]  }
0x99: {  	v2 =	vld [tilespmem:s8+$0xC254]  }
0x9a: {  	v3 =	vld [tilespmem:s8+$0x14254]  }
0x9b: {  	v4 =	vld [tilespmem:s8+$0xC200]  }
0x9c: {  	v6 =	vld [tilespmem:s8+$0x14200]  }
0x9d: {  	v8 =	vld [tilespmem:s8+$0xC210];
	v0 =	vmul.f32 v0, v5;
	v1 =	vmul.f32 v1, v7  }
0x9e: {  	v58 =	vld [tilespmem:s8+$0x14210]  }
0x9f: {  	v59 =	vld [tilespmem:s8+$0xC220];
	v2 =	vmul.f32 v2, v5;
	v3 =	vmul.f32 v3, v7;
	v0 =	vadd.f32 v1, v0  }
0xa0: {  	v60 =	vld [tilespmem:s8+$0x14220]  }
0xa1: {  	v61 =	vld [tilespmem:s8+$0xC230];
	v1 =	vadd.f32 v3, v2;
	v2 =	vmul.f32 v6, v7;
	[tilespmem:s8+$0x18250] =	vst v0;
	v0 =	vmul.f32 v4, v5  }
0xa2: {  	v13 =	vld [tilespmem:s8+$0x14230]  }
0xa3: {  	v14 =	vld [tilespmem:s8+$0x14240];
	v3 =	vmul.f32 v58, v7;
	[tilespmem:s8+$0x18254] =	vst v1;
	v1 =	vadd.f32 v2, v0;
	v2 =	vmul.f32 v8, v5  }
0xa4: {  	s9 =	simm.s32 $0x80;
	v6 =	vld [tilespmem:s8+$0xC240]  }
0xa5: {  	v4 =	vmul.f32 v59, v5;
	v0 =	vld [tilespmem:s9+$0x4200];
	v8 =	vmul.f32 v60, v7;
	[tilespmem:s8+$0x18200] =	vst v1;
	v3 =	vadd.f32 v3, v2  }
0xa6: {  	v1 =	vld [tilespmem:s9+$0x4210]  }
0xa7: {  	v62 =	vmul.f32 v61, v5;
	v63 =	vmul.f32 v13, v7;
	v8 =	vadd.f32 v8, v4;
	v2 =	vld [tilespmem:s9+$0xC250];
	[tilespmem:s8+$0x18210] =	vst v3  }
0xa8: {  	v4 =	vld [tilespmem:s9+$0x14250]  }
0xa9: {  	s10 =	simm.s32 $0x400;
	v7 =	vmul.f32 v14, v7;
	v5 =	vmul.f32 v6, v5;
	v6 =	vadd.f32 v63, v62;
	v3 =	vld [tilespmem:s9+$0xC254];
	[tilespmem:s8+$0x18220] =	vst v8  }
.LBB2_4:
0xaa: {  	p0 =	sne.s32 s10, $0xFE00;
	v8 =	vld [tilespmem:s9+$0x14254];
	v9 =	vmov v0  }
0xab: {  	v0 =	vld [tilespmem:s9+$0xC200];
	[tilespmem:s8+$0x18230] =	vst v6;
	v5 =	vadd.f32 v7, v5;
	v7 =	vmov v1  }
0xac: {  	v1 =	vld [tilespmem:s9+$0x14200]  }
0xad: {  	v6 =	vld [tilespmem:s9+$0xC210];
	[tilespmem:s8+$0x18240] =	vst v5;
	s8 =	smov.u32 s9  }
0xae: {  	v2 =	vmul.f32 v2, v9;
	v4 =	vmul.f32 v4, v7;
	v5 =	vld [tilespmem:s8+$0x14210]  }
0xaf: {  	v3 =	vmul.f32 v3, v9;
	v10 =	vld [tilespmem:s8+$0xC220];
	v8 =	vmul.f32 v8, v7  }
0xb0: {  	v2 =	vadd.f32 v4, v2;
	v0 =	vmul.f32 v0, v9;
	v11 =	vld [tilespmem:s8+$0x14220]  }
0xb1: {  	v1 =	vmul.f32 v1, v7;
	v4 =	vld [tilespmem:s8+$0xC230];
	v3 =	vadd.f32 v8, v3  }
0xb2: {  	v6 =	vmul.f32 v6, v9;
	v8 =	vld [tilespmem:s8+$0x14230];
	[tilespmem:s8+$0x18250] =	vst v2  }
0xb3: {  	v1 =	vadd.f32 v1, v0;
	v2 =	vmul.f32 v5, v7;
	v5 =	vld [tilespmem:s8+$0xC240];
	[tilespmem:s8+$0x18254] =	vst v3  }
0xb4: {  	s9 =	sshra.s32 s10, $0x2;
	v3 =	vmul.f32 v10, v9;
	v10 =	vld [tilespmem:s8+$0x14240]  }
.Ltmp1:
0xb5: {  	v0 =	vld [tilespmem:s9+$0x4200];
	[tilespmem:s8+$0x18200] =	vst v1;
	v6 =	vadd.f32 v2, v6;
	v11 =	vmul.f32 v11, v7;
	(pc) =	sbr.rel @p0 .LBB2_4-.Ltmp1, $4  }
0xb6: {  	v1 =	vld [tilespmem:s9+$0x4210];
	v12 =	vmul.f32 v4, v9  }
0xb7: {  	v2 =	vld [tilespmem:s9+$0xC250];
	[tilespmem:s8+$0x18210] =	vst v6;
	v6 =	vadd.f32 v11, v3;
	v8 =	vmul.f32 v8, v7  }
0xb8: {  	v4 =	vld [tilespmem:s9+$0x14250];
	v5 =	vmul.f32 v5, v9  }
0xb9: {  	s10 =	sadd.s32 $0x200, s10;
	v3 =	vld [tilespmem:s9+$0xC254];
	[tilespmem:s8+$0x18220] =	vst v6;
	v6 =	vadd.f32 v8, v12;
	v7 =	vmul.f32 v10, v7  }
0xba: {  	v8 =	vld [tilespmem:s9+$0x14254]  }
0xbb: {  	v9 =	vld [tilespmem:s9+$0xC200];
	[tilespmem:s8+$0x18230] =	vst v6;
	v5 =	vadd.f32 v7, v5  }
0xbc: {  	v6 =	vld [tilespmem:s9+$0x14200]  }
0xbd: {  	v7 =	vld [tilespmem:s9+$0xC210];
	[tilespmem:s8+$0x18240] =	vst v5  }
0xbe: {  	v5 =	vld [tilespmem:s9+$0x14210]  }
0xbf: {  	v2 =	vmul.f32 v2, v0;
	v4 =	vmul.f32 v4, v1;
	v10 =	vld [tilespmem:s9+$0xC220]  }
0xc0: {  	v11 =	vld [tilespmem:s9+$0x14220];
	v3 =	vmul.f32 v3, v0;
	v8 =	vmul.f32 v8, v1  }
0xc1: {  	v12 =	vld [tilespmem:s9+$0x14230];
	v2 =	vadd.f32 v4, v2  }
0xc2: {  	v4 =	vld [tilespmem:s9+$0xC230];
	v3 =	vadd.f32 v8, v3  }
0xc3: {  	[tilespmem:s9+$0x18250] =	vst v2;
	v2 =	vld [tilespmem:s9+$0xC240]  }
0xc4: {  	[tilespmem:s9+$0x18254] =	vst v3;
	v3 =	vld [tilespmem:s9+$0x14240]  }
0xc5: {  	v8 =	vmul.f32 v9, v0;
	v6 =	vmul.f32 v6, v1  }
0xc6: {  	v7 =	vmul.f32 v7, v0;
	v5 =	vmul.f32 v5, v1  }
0xc7: {  	v6 =	vadd.f32 v6, v8;
	v8 =	vmul.f32 v10, v0;
	v57 =	vmul.f32 v11, v1  }
0xc8: {  	v4 =	vmul.f32 v4, v0;
	v5 =	vadd.f32 v5, v7;
	v7 =	vmul.f32 v12, v1  }
0xc9: {  	[tilespmem:s9+$0x18200] =	vst v6;
	v6 =	vadd.f32 v57, v8;
	v0 =	vmul.f32 v2, v0;
	v1 =	vmul.f32 v3, v1  }
0xca: {  	[tilespmem:s9+$0x18210] =	vst v5;
	v2 =	vadd.f32 v7, v4  }
0xcb: {  	[tilespmem:s9+$0x18220] =	vst v6;
	v0 =	vadd.f32 v1, v0  }
0xcc: {  	[tilespmem:s9+$0x18230] =	vst v2  }
0xcd: {  	s10 =	simm.s32 $0x0;
	[tilespmem:s9+$0x18240] =	vst v0  }
0xce: {  	[hbm4b:s14+s10] =	stream.linear.scatter [tilespmem:s4], [sflag:$0x5], $0x4000, $0x38;
	[tilespmem:$0x1C200] =	vst v63  }
0xcf: {  	_ =	swait.ge [sflag:s21], $0x4000  }
0xd0: {  	[sflag:s21] =	ssyncset.done $0x0  }
0xd1: {  	[sflag:s21] =	ssyncadd.s32 $0xFFFFC000  }
0xd2: {  	[tilespmem:s24], [sflag:$0x5] =	stream.linear.gather [hbm4b:s15+s10], $0x80, $0x38;
	[tilespmem:$0x1C200] =	vst v63  }
0xd3: {  	_ =	swait.ge [sflag:s21], $0x80  }
0xd4: {  	[sflag:s21] =	ssyncset.done $0x0  }
0xd5: {  	[sflag:s21] =	ssyncadd.s32 $0xFFFFFF80  }
0xd6: {  	[tilespmem:s28], [sflag:$0x5] =	stream.linear.gather [hbm4b:s16+s10], $0x80, $0x38;
	[tilespmem:$0x1C200] =	vst v63  }
0xd7: {  	_ =	swait.ge [sflag:s21], $0x80  }
0xd8: {  	[sflag:s21] =	ssyncset.done $0x0  }
0xd9: {  	[sflag:s21] =	ssyncadd.s32 $0xFFFFFF80  }
0xda: {  	[tilespmem:s29], [sflag:$0x5] =	stream.linear.gather [hbm4b:s17+s10], $0x4000, $0x38;
	[tilespmem:$0x1C200] =	vst v63  }
0xdb: {  	_ =	swait.ge [sflag:s21], $0x4000  }
0xdc: {  	[sflag:s21] =	ssyncset.done $0x0  }
0xdd: {  	[sflag:s21] =	ssyncadd.s32 $0xFFFFC000  }
0xde: {  	[tilespmem:s30], [sflag:$0x2] =	stream.indirect.gather [hbm4b:s3+s24], $0x80, s24, s24, $0xb8;
	[tilespmem:$0x1C200] =	vst v63  }
0xdf: {  	_ = 	snop  }
0xe0: {  	[tilespmem:s31], [sflag:$0x4] =	stream.indirect.gather [hbm4b:s3+s24], $0x80, s28, s24, $0xb8;
	[tilespmem:$0x1C200] =	vst v63  }
0xe1: {  	_ =	swait.ge [sflag:s0], $0x4000  }
0xe2: {  	[sflag:s0] =	ssyncset.done $0x0  }
0xe3: {  	[sflag:s0] =	ssyncadd.s32 $0xFFFFC000  }
0xe4: {  	_ =	swait.ge [sflag:s2], $0x4000  }
0xe5: {  	[sflag:s2] =	ssyncset.done $0x0  }
0xe6: {  	s8 =	simm.s32 $0x0;
	[sflag:s2] =	ssyncadd.s32 $0xFFFFC000  }
0xe7: {  	v5 =	vld [tilespmem:s8+$0x200]  }
0xe8: {  	v7 =	vld [tilespmem:s8+$0x210]  }
0xe9: {  	v0 =	vld [tilespmem:s8+$0x8250]  }
0xea: {  	v1 =	vld [tilespmem:s8+$0x10250]  }
0xeb: {  	v2 =	vld [tilespmem:s8+$0x8254]  }
0xec: {  	v3 =	vld [tilespmem:s8+$0x10254]  }
0xed: {  	v4 =	vld [tilespmem:s8+$0x8200]  }
0xee: {  	v6 =	vld [tilespmem:s8+$0x10200]  }
0xef: {  	v8 =	vld [tilespmem:s8+$0x8210];
	v0 =	vmul.f32 v0, v5;
	v1 =	vmul.f32 v1, v7  }
0xf0: {  	v58 =	vld [tilespmem:s8+$0x10210]  }
0xf1: {  	v59 =	vld [tilespmem:s8+$0x8220];
	v2 =	vmul.f32 v2, v5;
	v3 =	vmul.f32 v3, v7;
	v0 =	vadd.f32 v1, v0  }
0xf2: {  	v60 =	vld [tilespmem:s8+$0x10220]  }
0xf3: {  	v61 =	vld [tilespmem:s8+$0x8230];
	v1 =	vadd.f32 v3, v2;
	v2 =	vmul.f32 v6, v7;
	[tilespmem:s8+$0x18250] =	vst v0;
	v0 =	vmul.f32 v4, v5  }
0xf4: {  	v13 =	vld [tilespmem:s8+$0x10230]  }
0xf5: {  	v14 =	vld [tilespmem:s8+$0x10240];
	v3 =	vmul.f32 v58, v7;
	[tilespmem:s8+$0x18254] =	vst v1;
	v1 =	vadd.f32 v2, v0;
	v2 =	vmul.f32 v8, v5  }
0xf6: {  	s9 =	simm.s32 $0x80;
	v6 =	vld [tilespmem:s8+$0x8240]  }
0xf7: {  	v4 =	vmul.f32 v59, v5;
	v0 =	vld [tilespmem:s9+$0x200];
	v8 =	vmul.f32 v60, v7;
	[tilespmem:s8+$0x18200] =	vst v1;
	v3 =	vadd.f32 v3, v2  }
0xf8: {  	v1 =	vld [tilespmem:s9+$0x210]  }
0xf9: {  	v62 =	vmul.f32 v61, v5;
	v63 =	vmul.f32 v13, v7;
	v8 =	vadd.f32 v8, v4;
	v2 =	vld [tilespmem:s9+$0x8250];
	[tilespmem:s8+$0x18210] =	vst v3  }
0xfa: {  	v4 =	vld [tilespmem:s9+$0x10250]  }
0xfb: {  	s10 =	simm.s32 $0x400;
	v7 =	vmul.f32 v14, v7;
	v5 =	vmul.f32 v6, v5;
	v6 =	vadd.f32 v63, v62;
	v3 =	vld [tilespmem:s9+$0x8254];
	[tilespmem:s8+$0x18220] =	vst v8  }
.LBB2_6:
0xfc: {  	p0 =	sne.s32 s10, $0xFE00;
	v8 =	vld [tilespmem:s9+$0x10254];
	v9 =	vmov v0  }
0xfd: {  	v0 =	vld [tilespmem:s9+$0x8200];
	[tilespmem:s8+$0x18230] =	vst v6;
	v5 =	vadd.f32 v7, v5;
	v7 =	vmov v1  }
0xfe: {  	v1 =	vld [tilespmem:s9+$0x10200]  }
0xff: {  	v6 =	vld [tilespmem:s9+$0x8210];
	[tilespmem:s8+$0x18240] =	vst v5;
	s8 =	smov.u32 s9  }
0x100: {  	v2 =	vmul.f32 v2, v9;
	v4 =	vmul.f32 v4, v7;
	v5 =	vld [tilespmem:s8+$0x10210]  }
0x101: {  	v3 =	vmul.f32 v3, v9;
	v10 =	vld [tilespmem:s8+$0x8220];
	v8 =	vmul.f32 v8, v7  }
0x102: {  	v2 =	vadd.f32 v4, v2;
	v0 =	vmul.f32 v0, v9;
	v11 =	vld [tilespmem:s8+$0x10220]  }
0x103: {  	v1 =	vmul.f32 v1, v7;
	v4 =	vld [tilespmem:s8+$0x8230];
	v3 =	vadd.f32 v8, v3  }
0x104: {  	v6 =	vmul.f32 v6, v9;
	v8 =	vld [tilespmem:s8+$0x10230];
	[tilespmem:s8+$0x18250] =	vst v2  }
0x105: {  	v1 =	vadd.f32 v1, v0;
	v2 =	vmul.f32 v5, v7;
	v5 =	vld [tilespmem:s8+$0x8240];
	[tilespmem:s8+$0x18254] =	vst v3  }
0x106: {  	s9 =	sshra.s32 s10, $0x2;
	v3 =	vmul.f32 v10, v9;
	v10 =	vld [tilespmem:s8+$0x10240]  }
.Ltmp2:
0x107: {  	v0 =	vld [tilespmem:s9+$0x200];
	[tilespmem:s8+$0x18200] =	vst v1;
	v6 =	vadd.f32 v2, v6;
	v11 =	vmul.f32 v11, v7;
	(pc) =	sbr.rel @p0 .LBB2_6-.Ltmp2, $4  }
0x108: {  	v1 =	vld [tilespmem:s9+$0x210];
	v12 =	vmul.f32 v4, v9  }
0x109: {  	v2 =	vld [tilespmem:s9+$0x8250];
	[tilespmem:s8+$0x18210] =	vst v6;
	v6 =	vadd.f32 v11, v3;
	v8 =	vmul.f32 v8, v7  }
0x10a: {  	v4 =	vld [tilespmem:s9+$0x10250];
	v5 =	vmul.f32 v5, v9  }
0x10b: {  	s10 =	sadd.s32 $0x200, s10;
	v3 =	vld [tilespmem:s9+$0x8254];
	[tilespmem:s8+$0x18220] =	vst v6;
	v6 =	vadd.f32 v8, v12;
	v7 =	vmul.f32 v10, v7  }
0x10c: {  	v8 =	vld [tilespmem:s9+$0x10254]  }
0x10d: {  	v9 =	vld [tilespmem:s9+$0x8200];
	[tilespmem:s8+$0x18230] =	vst v6;
	v5 =	vadd.f32 v7, v5  }
0x10e: {  	v6 =	vld [tilespmem:s9+$0x10200]  }
0x10f: {  	v7 =	vld [tilespmem:s9+$0x8210];
	[tilespmem:s8+$0x18240] =	vst v5  }
0x110: {  	v5 =	vld [tilespmem:s9+$0x10210]  }
0x111: {  	v2 =	vmul.f32 v2, v0;
	v4 =	vmul.f32 v4, v1;
	v10 =	vld [tilespmem:s9+$0x8220]  }
0x112: {  	v11 =	vld [tilespmem:s9+$0x10220];
	v3 =	vmul.f32 v3, v0;
	v8 =	vmul.f32 v8, v1  }
0x113: {  	v12 =	vld [tilespmem:s9+$0x10230];
	v2 =	vadd.f32 v4, v2  }
0x114: {  	v4 =	vld [tilespmem:s9+$0x8230];
	v3 =	vadd.f32 v8, v3  }
0x115: {  	[tilespmem:s9+$0x18250] =	vst v2;
	v2 =	vld [tilespmem:s9+$0x8240]  }
0x116: {  	[tilespmem:s9+$0x18254] =	vst v3;
	v3 =	vld [tilespmem:s9+$0x10240]  }
0x117: {  	v8 =	vmul.f32 v9, v0;
	v6 =	vmul.f32 v6, v1  }
0x118: {  	v7 =	vmul.f32 v7, v0;
	v5 =	vmul.f32 v5, v1  }
0x119: {  	v6 =	vadd.f32 v6, v8;
	v8 =	vmul.f32 v10, v0;
	v57 =	vmul.f32 v11, v1  }
0x11a: {  	v4 =	vmul.f32 v4, v0;
	v5 =	vadd.f32 v5, v7;
	v7 =	vmul.f32 v12, v1  }
0x11b: {  	[tilespmem:s9+$0x18200] =	vst v6;
	v6 =	vadd.f32 v57, v8;
	v0 =	vmul.f32 v2, v0;
	v1 =	vmul.f32 v3, v1  }
0x11c: {  	[tilespmem:s9+$0x18210] =	vst v5;
	v2 =	vadd.f32 v7, v4  }
0x11d: {  	[tilespmem:s9+$0x18220] =	vst v6;
	v0 =	vadd.f32 v1, v0  }
0x11e: {  	[tilespmem:s9+$0x18230] =	vst v2  }
0x11f: {  	s10 =	simm.s32 $0x0;
	[tilespmem:s9+$0x18240] =	vst v0  }
0x120: {  	[hbm4b:s18+s10] =	stream.linear.scatter [tilespmem:s4], [sflag:$0x5], $0x4000, $0x38;
	[tilespmem:$0x1C200] =	vst v63  }
0x121: {  	_ =	swait.ge [sflag:s21], $0x4000  }
0x122: {  	[sflag:s21] =	ssyncset.done $0x0  }
0x123: {  	[sflag:s21] =	ssyncadd.s32 $0xFFFFC000  }
0x124: {  	_ =	swait.ge [sflag:s5], $0x4000  }
0x125: {  	[sflag:s5] =	ssyncset.done $0x0  }
0x126: {  	[sflag:s5] =	ssyncadd.s32 $0xFFFFC000  }
0x127: {  	_ =	swait.ge [sflag:s6], $0x4000  }
0x128: {  	[sflag:s6] =	ssyncset.done $0x0  }
0x129: {  	s8 =	simm.s32 $0x0;
	[sflag:s6] =	ssyncadd.s32 $0xFFFFC000  }
0x12a: {  	v5 =	vld [tilespmem:s8+$0x4200]  }
0x12b: {  	v7 =	vld [tilespmem:s8+$0x4210]  }
0x12c: {  	v0 =	vld [tilespmem:s8+$0xC250]  }
0x12d: {  	v1 =	vld [tilespmem:s8+$0x14250]  }
0x12e: {  	v2 =	vld [tilespmem:s8+$0xC254]  }
0x12f: {  	v3 =	vld [tilespmem:s8+$0x14254]  }
0x130: {  	v4 =	vld [tilespmem:s8+$0xC200]  }
0x131: {  	v6 =	vld [tilespmem:s8+$0x14200]  }
0x132: {  	v8 =	vld [tilespmem:s8+$0xC210];
	v0 =	vmul.f32 v0, v5;
	v1 =	vmul.f32 v1, v7  }
0x133: {  	v58 =	vld [tilespmem:s8+$0x14210]  }
0x134: {  	v59 =	vld [tilespmem:s8+$0xC220];
	v2 =	vmul.f32 v2, v5;
	v3 =	vmul.f32 v3, v7;
	v0 =	vadd.f32 v1, v0  }
0x135: {  	v60 =	vld [tilespmem:s8+$0x14220]  }
0x136: {  	v61 =	vld [tilespmem:s8+$0xC230];
	v1 =	vadd.f32 v3, v2;
	v2 =	vmul.f32 v6, v7;
	[tilespmem:s8+$0x18250] =	vst v0;
	v0 =	vmul.f32 v4, v5  }
0x137: {  	v13 =	vld [tilespmem:s8+$0x14230]  }
0x138: {  	v14 =	vld [tilespmem:s8+$0x14240];
	v3 =	vmul.f32 v58, v7;
	[tilespmem:s8+$0x18254] =	vst v1;
	v1 =	vadd.f32 v2, v0;
	v2 =	vmul.f32 v8, v5  }
0x139: {  	s9 =	simm.s32 $0x80;
	v6 =	vld [tilespmem:s8+$0xC240]  }
0x13a: {  	v4 =	vmul.f32 v59, v5;
	v0 =	vld [tilespmem:s9+$0x4200];
	v8 =	vmul.f32 v60, v7;
	[tilespmem:s8+$0x18200] =	vst v1;
	v3 =	vadd.f32 v3, v2  }
0x13b: {  	v1 =	vld [tilespmem:s9+$0x4210]  }
0x13c: {  	v62 =	vmul.f32 v61, v5;
	v63 =	vmul.f32 v13, v7;
	v8 =	vadd.f32 v8, v4;
	v2 =	vld [tilespmem:s9+$0xC250];
	[tilespmem:s8+$0x18210] =	vst v3  }
0x13d: {  	v4 =	vld [tilespmem:s9+$0x14250]  }
0x13e: {  	s10 =	simm.s32 $0x400;
	v7 =	vmul.f32 v14, v7;
	v5 =	vmul.f32 v6, v5;
	v6 =	vadd.f32 v63, v62;
	v3 =	vld [tilespmem:s9+$0xC254];
	[tilespmem:s8+$0x18220] =	vst v8  }
.LBB2_8:
0x13f: {  	p0 =	sne.s32 s10, $0xFE00;
	v8 =	vld [tilespmem:s9+$0x14254];
	v9 =	vmov v0  }
0x140: {  	v0 =	vld [tilespmem:s9+$0xC200];
	[tilespmem:s8+$0x18230] =	vst v6;
	v5 =	vadd.f32 v7, v5;
	v7 =	vmov v1  }
0x141: {  	v1 =	vld [tilespmem:s9+$0x14200]  }
0x142: {  	v6 =	vld [tilespmem:s9+$0xC210];
	[tilespmem:s8+$0x18240] =	vst v5;
	s8 =	smov.u32 s9  }
0x143: {  	v2 =	vmul.f32 v2, v9;
	v4 =	vmul.f32 v4, v7;
	v5 =	vld [tilespmem:s8+$0x14210]  }
0x144: {  	v3 =	vmul.f32 v3, v9;
	v10 =	vld [tilespmem:s8+$0xC220];
	v8 =	vmul.f32 v8, v7  }
0x145: {  	v2 =	vadd.f32 v4, v2;
	v0 =	vmul.f32 v0, v9;
	v11 =	vld [tilespmem:s8+$0x14220]  }
0x146: {  	v1 =	vmul.f32 v1, v7;
	v4 =	vld [tilespmem:s8+$0xC230];
	v3 =	vadd.f32 v8, v3  }
0x147: {  	v6 =	vmul.f32 v6, v9;
	v8 =	vld [tilespmem:s8+$0x14230];
	[tilespmem:s8+$0x18250] =	vst v2  }
0x148: {  	v1 =	vadd.f32 v1, v0;
	v2 =	vmul.f32 v5, v7;
	v5 =	vld [tilespmem:s8+$0xC240];
	[tilespmem:s8+$0x18254] =	vst v3  }
0x149: {  	s9 =	sshra.s32 s10, $0x2;
	v3 =	vmul.f32 v10, v9;
	v10 =	vld [tilespmem:s8+$0x14240]  }
.Ltmp3:
0x14a: {  	v0 =	vld [tilespmem:s9+$0x4200];
	[tilespmem:s8+$0x18200] =	vst v1;
	v6 =	vadd.f32 v2, v6;
	v11 =	vmul.f32 v11, v7;
	(pc) =	sbr.rel @p0 .LBB2_8-.Ltmp3, $4  }
0x14b: {  	v1 =	vld [tilespmem:s9+$0x4210];
	v12 =	vmul.f32 v4, v9  }
0x14c: {  	v2 =	vld [tilespmem:s9+$0xC250];
	[tilespmem:s8+$0x18210] =	vst v6;
	v6 =	vadd.f32 v11, v3;
	v8 =	vmul.f32 v8, v7  }
0x14d: {  	v4 =	vld [tilespmem:s9+$0x14250];
	v5 =	vmul.f32 v5, v9  }
0x14e: {  	s10 =	sadd.s32 $0x200, s10;
	v3 =	vld [tilespmem:s9+$0xC254];
	[tilespmem:s8+$0x18220] =	vst v6;
	v6 =	vadd.f32 v8, v12;
	v7 =	vmul.f32 v10, v7  }
0x14f: {  	v8 =	vld [tilespmem:s9+$0x14254]  }
0x150: {  	v9 =	vld [tilespmem:s9+$0xC200];
	[tilespmem:s8+$0x18230] =	vst v6;
	v5 =	vadd.f32 v7, v5  }
0x151: {  	v6 =	vld [tilespmem:s9+$0x14200]  }
0x152: {  	v52 =	vld [tilespmem:s9+$0xC210];
	[tilespmem:s8+$0x18240] =	vst v5  }
0x153: {  	v5 =	vld [tilespmem:s9+$0x14210]  }
0x154: {  	v10 =	vld [tilespmem:s9+$0xC220]  }
0x155: {  	v11 =	vld [tilespmem:s9+$0x14220]  }
0x156: {  	v53 =	vld [tilespmem:s9+$0xC230]  }
0x157: {  	v12 =	vld [tilespmem:s9+$0x14230]  }
0x158: {  	v2 =	vmul.f32 v2, v0;
	v4 =	vmul.f32 v4, v1;
	v54 =	vld [tilespmem:s9+$0xC240]  }
0x159: {  	v3 =	vmul.f32 v3, v0;
	v55 =	vld [tilespmem:s9+$0x14240];
	v8 =	vmul.f32 v8, v1  }
0x15a: {  	v2 =	vadd.f32 v4, v2;
	v56 =	vmul.f32 v9, v0;
	v6 =	vmul.f32 v6, v1  }
0x15b: {  	v3 =	vadd.f32 v8, v3;
	v7 =	vmul.f32 v52, v0;
	v5 =	vmul.f32 v5, v1  }
0x15c: {  	[tilespmem:s9+$0x18250] =	vst v2;
	v6 =	vadd.f32 v6, v56;
	v57 =	vmul.f32 v10, v0;
	v58 =	vmul.f32 v11, v1  }
0x15d: {  	[tilespmem:s9+$0x18254] =	vst v3;
	v4 =	vmul.f32 v53, v0;
	v59 =	vmul.f32 v12, v1;
	v5 =	vadd.f32 v5, v7  }
0x15e: {  	v61 =	vmul.f32 v54, v0;
	v62 =	vmul.f32 v55, v1;
	[tilespmem:s9+$0x18200] =	vst v6;
	v60 =	vadd.f32 v58, v57  }
0x15f: {  	v63 =	vadd.f32 v59, v4;
	[tilespmem:s9+$0x18210] =	vst v5  }
0x160: {  	s7 =	sadd.s32 $0x1, s7;
	v0 =	vadd.f32 v62, v61;
	[tilespmem:s9+$0x18220] =	vst v60  }
0x161: {  	p0 =	sne.s32 s7, s20;
	[tilespmem:s9+$0x18230] =	vst v63  }
.Ltmp4:
0x162: {  	[tilespmem:s9+$0x18240] =	vst v0;
	(pc) =	sbr.rel @p0 .LBB2_1-.Ltmp4, $4  }
0x163: {  	[hbm4b:s19+s1] =	stream.linear.scatter [tilespmem:s4], [sflag:$0x5], $0x4000, $0x38;
	[tilespmem:$0x1C200] =	vst v63  }
0x164: {  	_ =	swait.ge [sflag:s21], $0x4000  }
0x165: {  	[sflag:s21] =	ssyncset.done $0x0  }
0x166: {  	[sflag:s21] =	ssyncadd.s32 $0xFFFFC000  }
0x167: {  	_ =	sfence.sel $0x180000  }
0x168: {  	[bflag:$0x0] =	sbarrier.arrive $0xFFFF  }
0x169: {  	_ =	strace $0x9000004D  }
0x16a: {  	s0 =	stileid.u32;
	[bflag:$0x2] =	sbarrier.arrive $0xFFFF  }
0x16b: {  	p0 =	sne.s32 s0, $0x0;
	s0 =	rddreg [dreg:$0x2]  }
0x16c: {  	s0 =	sadd.s32 @!p0 $0x100000, s0  }
0x16d: {  	[sflag:s0] =	ssyncadd.tile.s32 @!p0 $0x1;
	_ =	shalt  }
.Lfunc_end2:
_tile_overlayer_lowered:
.L_overlay_start_2:
0x16e: {  	(tag) =	ssettag $0x2  }
0x16f: {  	s0 =	rddreg [dreg:$0x0];
	s2 =	stileid.u32  }
0x170: {  	s1 =	rddreg [dreg:$0x1];
	p0 =	sne.s32 s2, $0x0  }
0x171: {  	s3 =	rddreg [dreg:$0x2];
	[bflag:$0x3] =	sbarrier.arrive $0xFFFF;
	s2 =	simm.s32 @!p0 $0x1C05  }
0x172: {  	[timem:s3], [sflag:s2] =	dma.local @!p0 [hbm:s0], s1  }
0x173: {  	s0 =	simm.s32 @!p0 $0x5  }
0x174: {  	_ =	swait.ge @!p0 [sflag:s0], s1  }
0x175: {  	s1 =	ssub.s32 @!p0 $0x0, s1;
	[sflag:s0] =	ssyncset.done @!p0 $0x0  }
0x176: {  	[sflag:s0] =	ssyncadd.s32 @!p0 s1  }
0x177: {  	[bflag:$0x3] =	sbarrier.arrive $0xFFFF  }
0x178: {  	_ =	shalt  }

// kernel: kernel.8.cloned.1.call-start
scs
__scs_entry_jumppad:
0x0: {  	(pc) =	sbr.rel $0x88, $3  }
0x1: {  	(tag) =	ssettag $0x0;
	lr =	simm.s32 $0x1  }
0x2: {  	[smem:$0x3F90] =	sst lr;
	_ =	strace $0xD0000000  }
0x3: {  	_ = 	snop  }
0x4: {  	_ = 	snop  }
0x5: {  	_ = 	snop  }
0x6: {  	_ = 	snop  }
0x7: {  	_ = 	snop  }
__scs_overlays_trampoline_lowered:
0x8: {  	[smem:$0x3F9F] =	sst s0  }
0x9: {  	[smem:$0x3FA0] =	sst s1  }
0xa: {  	[smem:$0x3FA1] =	sst s2  }
0xb: {  	[smem:$0x3FA2] =	sst s3  }
0xc: {  	[smem:$0x3FA3] =	sst s4  }
0xd: {  	[smem:$0x3FA4] =	sst s5  }
0xe: {  	[smem:$0x3FA5] =	sst s6  }
0xf: {  	[smem:$0x3FA6] =	sst s7  }
0x10: {  	[smem:$0x3FA7] =	sst s8  }
0x11: {  	[smem:$0x3FA8] =	sst s9;
	s0 =	simm.s32 @!p0 $0x0  }
0x12: {  	s1 =	sld [smem:$0x3F8E];
	s0 =	simm.s32 @p0 $0x1  }
0x13: {  	[smem:$0x3FA9] =	sst s0;
	s0 =	simm.s32 @!p1 $0x0  }
0x14: {  	s2 =	sld [smem:$0x3F8D];
	s0 =	simm.s32 @p1 $0x1  }
0x15: {  	[smem:$0x3FAA] =	sst s0;
	s0 =	simm.s32 @!p2 $0x0  }
0x16: {  	s3 =	sld [smem:$0x3FDB];
	s0 =	simm.s32 @p2 $0x1  }
0x17: {  	s4 =	simm.s32 $0x1BF5;
	[smem:$0x3FAC] =	sst s0  }
0x18: {  	s0 =	sld [smem:$0x3F8F];
	_ =	swait.ge [sflag:s4], $0x0  }
0x19: {  	s7 =	sld [smem:$0x3F90]  }
0x1a: {  	s8 =	sadd.s32 $0xFFFFE003, lr  }
0x1b: {  	s9 =	sadd.s32 $0xFFFFFEF7, lr;
	s5 =	simm.s32 $0xFFFFFFFF;
	p2 =	slt.u32 s8, $0xFFFFF086  }
0x1c: {  	p1 =	slt.u32 s9, $0xF7A;
	s5 =	simm.s32 @!p2 $0x0  }
0x1d: {  	s5 =	simm.s32 @p1 $0x1;
	p0 =	seq.s32 s7, s2  }
0x1e: {  	s7 =	smul.u32 @!p0 $0xF7A, s2;
	p2 =	seq.s32 @!p0 s5, $0x0  }
0x1f: {  	s9 =	smul.u32 $0xF7A, s1;
	s8 =	simm.s32 @!p0 $0x1BF5;
	p2 =	por !p2, p0  }
0x20: {  	[sflag:s8] =	ssyncset.s32 @!p0 $0xFFFFF086;
	s6 =	sadd.s32 @!p0 s3, s7;
	s7 =	simm.s32 @!p0 $0x108  }
0x21: {  	s3 =	sadd.s32 s3, s9;
	s6 =	sadd.s32 @!p0 $0x88, s6;
	s7 =	simm.s32 @p2 $0x1082  }
0x22: {  	[simem:s7], [sflag:s8] =	dma.local @!p0 [hbm:s6], $0xF7A  }
0x23: {  	s9 =	sor.u32 $0xD0000000, s2;
	s6 =	simm.s32 $0x108;
	_ =	swait.ge @!p0 [sflag:s8], $0x0  }
0x24: {  	s3 =	sadd.s32 $0x88, s3;
	s6 =	simm.s32 @!p1 $0x1082;
	[sflag:s4] =	ssyncset.s32 $0xFFFFF086  }
0x25: {  	[simem:s6], [sflag:s4] =	dma.local [hbm:s3], $0xF7A  }
0x26: {  	[smem:$0x3F90] =	sst s1;
	(tag) =	ssettag s2;
	_ =	strace s9  }
0x27: {  	s1 =	sld [smem:$0x3FA0]  }
0x28: {  	s2 =	sld [smem:$0x3FA1]  }
0x29: {  	s4 =	sld [smem:$0x3FA3]  }
0x2a: {  	p0 =	seq.s32 s5, $0x0;
	s5 =	sld [smem:$0x3FA4]  }
0x2b: {  	s6 =	sld [smem:$0x3FA5]  }
0x2c: {  	s7 =	sld [smem:$0x3FA6]  }
0x2d: {  	s3 =	simm.s32 $0x108;
	s8 =	sld [smem:$0x3FA7]  }
0x2e: {  	s3 =	simm.s32 @!p0 $0x1082;
	s9 =	sld [smem:$0x3FA8]  }
0x2f: {  	lr =	sadd.s32 s0, s3;
	s0 =	sld [smem:$0x3F9F]  }
0x30: {  	s3 =	sld [smem:$0x3FA2]  }
0x31: {  	[smem:$0x3FAB] =	sst s10  }
0x32: {  	s10 =	sld [smem:$0x3FA9];
	_ =	sdelay $0x3  }
0x33: {  	p0 =	seq.s32 s10, $0x1;
	s10 =	sld [smem:$0x3FAB];
	_ =	sdelay $0x3  }
0x34: {  	[smem:$0x3FAB] =	sst s10  }
0x35: {  	s10 =	sld [smem:$0x3FAA];
	_ =	sdelay $0x3  }
0x36: {  	p1 =	seq.s32 s10, $0x1;
	s10 =	sld [smem:$0x3FAB];
	_ =	sdelay $0x3  }
0x37: {  	[smem:$0x3FAB] =	sst s10  }
0x38: {  	s10 =	sld [smem:$0x3FAC]  }
0x39: {  	_ = 	snop;
	(pc) =	sbr.ind lr, $3  }
0x3a: {  	_ = 	snop  }
0x3b: {  	_ = 	snop  }
0x3c: {  	p2 =	seq.s32 s10, $0x1;
	s10 =	sld [smem:$0x3FAB]  }
0x3d: {  	_ =	shalt  }
0x3e: {  	_ =	shalt  }
0x3f: {  	_ =	shalt  }
0x40: {  	_ =	shalt  }
0x41: {  	_ =	shalt  }
0x42: {  	_ =	shalt  }
0x43: {  	_ =	shalt  }
0x44: {  	_ =	shalt  }
0x45: {  	_ =	shalt  }
0x46: {  	_ =	shalt  }
0x47: {  	_ =	shalt  }
0x48: {  	_ =	shalt  }
0x49: {  	_ =	shalt  }
0x4a: {  	_ =	shalt  }
0x4b: {  	_ =	shalt  }
0x4c: {  	_ =	shalt  }
0x4d: {  	_ =	shalt  }
0x4e: {  	_ =	shalt  }
0x4f: {  	_ =	shalt  }
0x50: {  	_ =	shalt  }
0x51: {  	_ =	shalt  }
0x52: {  	_ =	shalt  }
0x53: {  	_ =	shalt  }
0x54: {  	_ =	shalt  }
0x55: {  	_ =	shalt  }
0x56: {  	_ =	shalt  }
0x57: {  	_ =	shalt  }
0x58: {  	_ =	shalt  }
0x59: {  	_ =	shalt  }
0x5a: {  	_ =	shalt  }
0x5b: {  	_ =	shalt  }
0x5c: {  	_ =	shalt  }
0x5d: {  	_ =	shalt  }
0x5e: {  	_ =	shalt  }
0x5f: {  	_ =	shalt  }
0x60: {  	_ =	shalt  }
0x61: {  	_ =	shalt  }
0x62: {  	_ =	shalt  }
0x63: {  	_ =	shalt  }
0x64: {  	_ =	shalt  }
0x65: {  	_ =	shalt  }
0x66: {  	_ =	shalt  }
0x67: {  	_ =	shalt  }
0x68: {  	_ =	shalt  }
0x69: {  	_ =	shalt  }
0x6a: {  	_ =	shalt  }
0x6b: {  	_ =	shalt  }
0x6c: {  	_ =	shalt  }
0x6d: {  	_ =	shalt  }
0x6e: {  	_ =	shalt  }
0x6f: {  	_ =	shalt  }
0x70: {  	_ =	shalt  }
0x71: {  	_ =	shalt  }
0x72: {  	_ =	shalt  }
0x73: {  	_ =	shalt  }
0x74: {  	_ =	shalt  }
0x75: {  	_ =	shalt  }
0x76: {  	_ =	shalt  }
0x77: {  	_ =	shalt  }
0x78: {  	_ =	shalt  }
0x79: {  	_ =	shalt  }
0x7a: {  	_ =	shalt  }
0x7b: {  	_ =	shalt  }
0x7c: {  	_ =	shalt  }
0x7d: {  	_ =	shalt  }
0x7e: {  	_ =	shalt  }
0x7f: {  	_ =	shalt  }
0x80: {  	_ =	shalt  }
0x81: {  	_ =	shalt  }
0x82: {  	_ =	shalt  }
0x83: {  	_ =	shalt  }
0x84: {  	_ =	shalt  }
0x85: {  	_ =	shalt  }
0x86: {  	_ =	shalt  }
0x87: {  	_ =	shalt  }
.Lfunc_end0:
.L_simem_size_0:
called_computation_lowered:
.L_overlay_start_0:
0x88: {  	s2 =	sld [smem:$0x3FD9]  }
0x89: {  	s3 =	sld [smem:$0x3FFE];
	_ =	sdelay $0x1  }
0x8a: {  	s1 =	srdreg.scid  }
0x8b: {  	s0 =	sand.u32 $0x1, s1  }
0x8c: {  	s17 =	sshll.u32 s0, $0xA;
	s2 =	sadd.s32 s3, s2  }
0x8d: {  	s2 =	sadd.s32 s2, s17  }
0x8e: {  	[smem:$0x3FB7] =	sst s2  }
0x8f: {  	_ = 	snop  }
0x90: {  	s2 =	sld [smem:$0x3FC8];
	(tm) =	ssettm $0x1  }
0x91: {  	s18 =	sld [smem:$0x3FFB];
	_ =	sdelay $0x3  }
0x92: {  	_ =	strace s18  }
0x93: {  	s3 =	sld [smem:$0x3FFC];
	_ =	sdelay $0x3  }
0x94: {  	_ =	strace s3  }
0x95: {  	s3 =	sld [smem:$0x3FFD];
	_ =	sdelay $0x3  }
0x96: {  	_ =	strace s3  }
0x97: {  	_ =	strace $0x8FFFFFFF  }
0x98: {  	s19 =	sld [smem:$0x3FDB];
	_ =	sdelay $0x1  }
0x99: {  	s4 =	simm.s32 $_scs_section_size  }
0x9a: {  	s5 =	simm.s32 $_size__tile_overlayer_lowered;
	s6 =	simm.s32 $_tile_overlayer_lowered  }
0x9b: {  	s22 =	simm.s32 $0x1BFF;
	s21 =	sshll.u32 s6, $0x1;
	s3 =	sadd.s32 s4, s19  }
0x9c: {  	s7 =	simm.s32 $0x0;
	s20 =	sshll.u32 s5, $0x1;
	s5 =	sadd.s32 s21, s3  }
0x9d: {  	[timem:s7], [sflag:s22] =	dma.local [hbm:s5], s20  }
0x9e: {  	_ =	swait.ge [sflag:s22], s20  }
0x9f: {  	s4 =	ssub.s32 $0x0, s20;
	[sflag:s22] =	ssyncset.done $0x0  }
0xa0: {  	[sflag:s22] =	ssyncadd.s32 s4;
	_ =	sdelay $0x1  }
0xa1: {  	s23 =	simm.s32 $0x1B8B  }
0xa2: {  	_ =	swait.ge [sflag:s23], $0x1  }
0xa3: {  	[sflag:s23] =	ssyncset.done $0x0  }
0xa4: {  	s25 =	simm.s32 $0x1B8E;
	s24 =	sld [smem:$0x3FFE];
	[sflag:s23] =	ssyncadd.s32 $0xFFFFFFFF  }
0xa5: {  	s26 =	simm.s32 $execute0_lowered;
	[smem:$0x3FD2] =	sst s25  }
0xa6: {  	s5 =	sshll.u32 s26, $0x1;
	_ =	strace $0x80000046;
	[dreg:$0x1] =	wrdreg $0xFFFFFFFF  }
0xa7: {  	s28 =	simm.s32 $_size_execute0_lowered;
	s3 =	sadd.s32 s3, s5;
	[dreg:$0x0] =	wrdreg $0x0  }
0xa8: {  	s5 =	sshll.u32 s28, $0x1;
	[dreg:$0x2] =	wrdreg s3  }
0xa9: {  	[dreg:$0x3] =	wrdreg s5  }
0xaa: {  	[dreg:$0x4] =	wrdreg $0xC0  }
0xab: {  	_ =	task [dreg:s7], $0x5FFFF  }
0xac: {  	[dreg:$0x1] =	wrdreg $0xFFFFFFFF  }
0xad: {  	[dreg:$0x0] =	wrdreg $0x60  }
0xae: {  	[dreg:$0x2] =	wrdreg s24  }
0xaf: {  	[dreg:$0x3] =	wrdreg s2  }
0xb0: {  	[dreg:$0x4] =	wrdreg $0x9  }
0xb1: {  	_ =	task.clear_ibuf [dreg:s7], $0x5FFFF;
	_ =	strace $0x90000046  }
0xb2: {  	s29 =	simm.s32 $0x9;
	_ =	strace $0x80000048  }
0xb3: {  	_ =	swait.ge [sflag:s29], $0x1  }
0xb4: {  	[sflag:s29] =	ssyncadd.s32 $0xFFFFFFFF  }
0xb5: {  	_ =	strace $0x90000048  }
0xb6: {  	_ =	sfence  }
0xb7: {  	s30 =	sld [smem:$0x0];
	_ =	sdelay $0x2  }
0xb8: {  	s31 =	sshll.u32 s1, $0xD;
	s1 =	sshrl.u32 s1, $0x2  }
0xb9: {  	s3 =	sand.u32 $0x4000, s31;
	s1 =	sadd.s32 s1, s30  }
0xba: {  	s0 =	sor.u32 s3, s0;
	s1 =	sshll.u32 s1, $0x11  }
0xbb: {  	s0 =	sor.u32 s1, s0  }
0xbc: {  	s0 =	sadd.s32 $0x8F2B, s0  }
0xbd: {  	[sflag:s0] =	ssyncadd.remote.s32 $0x1  }
0xbe: {  	_ =	sfence.sel $0xFFFF  }
0xbf: {  	[dreg:$0x0] =	wrdreg $0xFFFFFFFF;
	(pc) =	sbr.abs _section_cstart, $3  }
0xc0: {  	[dreg:$0x1] =	wrdreg $0xFFFFFFFF  }
0xc1: {  	_ =	task.clear_ibuf [dreg:s7], $0x2FFFF;
	_ =	strace $0x9FFFFFFF  }
0xc2: {  	(tm) =	ssettm $0x7FFFFFFF  }
0xc3: {  	_ =	shalt  }
tec
execute0_lowered:
.L_overlay_start_1:
0x0: {  	(tag) =	ssettag $0x1  }
0x1: {  	s1 =	srdreg.scid  }
0x2: {  	s8 =	rddreg [dreg:$0x0];
	s0 =	stileid.u32  }
0x3: {  	s3 =	rddreg [dreg:$0x1];
	s2 =	simm.s32 $0x0;
	s6 =	sand.u32 $0x1, s1  }
0x4: {  	s4 =	sshll.u32 s0, $0xA;
	s1 =	rddreg [dreg:$0x2];
	s5 =	sshll.u32 s6, $0x9  }
0x5: {  	s7 =	simm.s32 $0x1;
	[smem:$0x7FF] =	sst s2;
	s9 =	sor.u32 s5, s4  }
0x6: {  	_ =	strace $0x80000047;
	s10 =	ssub.s32 $0x2, s6;
	s4 =	sshrl.u32 s9, $0x3  }
0x7: {  	s6 =	simm.s32 $0x200;
	s4 =	sadd.s32 s3, s4;
	s3 =	simm.s32 $0x2  }
0x8: {  	[tilespmem:s2], [sflag:$0x2] =	stream.linear.gather [hbm4b:s4+s2], $0x200, $0x38;
	[tilespmem:$0x10200] =	vst v63  }
0x9: {  	s5 =	sadd.s32 $0x18AA00, s8;
	s11 =	sshrl.u32 s10, $0x1;
	_ =	swait.ge [sflag:s3], $0x200  }
0xa: {  	s9 =	sshll.u32 s9, $0x4;
	s31 =	ssub.s32 s10, s11;
	[sflag:s3] =	ssyncset.done $0x0  }
0xb: {  	s8 =	sadd.s32 s9, s8;
	s9 =	smax.u32 s31, $0x1;
	[sflag:s3] =	ssyncadd.s32 $0xFFFFFE00  }
0xc: {  	[tilespmem:s6], [sflag:$0x1] =	stream.indirect.gather [hbm4b:s5+s6], $0x80, s2, s6, $0xb8;
	[tilespmem:$0x10200] =	vst v63  }
0xd: {  	p0 =	sne.s32 s9, $0x1;
	_ =	swait.ge [sflag:s7], $0x10000  }
.Ltmp0:
0xe: {  	[sflag:s7] =	ssyncset.done $0x0;
	(pc) =	sbr.rel @!p0 .LBB2_2-.Ltmp0, $4  }
0xf: {  	s8 =	sadd.s32 $0x4000, s8;
	[sflag:s7] =	ssyncadd.s32 $0xFFFF0000  }
0x10: {  	[hbm4b:s8+s2] =	stream.linear.scatter [tilespmem:s6], [sflag:$0x2], $0x10000, $0x38;
	[tilespmem:$0x10200] =	vst v63  }
0x11: {  	_ =	swait.ge [sflag:s3], $0x10000  }
0x12: {  	s9 =	sadd.s32 $0xFFFFFFFF, s9;
	[sflag:s3] =	ssyncset.done $0x0  }
.LBB2_1:
0x13: {  	p0 =	sne.s32 s9, $0x1;
	s9 =	sadd.s32 $0xFFFFFFFF, s9;
	[sflag:s3] =	ssyncadd.s32 $0xFFFF0000  }
0x14: {  	[tilespmem:s2], [sflag:$0x2] =	stream.linear.gather [hbm4b:s4+s2], $0x200, $0x38;
	[tilespmem:$0x10200] =	vst v63  }
0x15: {  	_ =	swait.ge [sflag:s3], $0x200  }
0x16: {  	[sflag:s3] =	ssyncset.done $0x0  }
0x17: {  	[sflag:s3] =	ssyncadd.s32 $0xFFFFFE00  }
0x18: {  	[tilespmem:s6], [sflag:$0x1] =	stream.indirect.gather [hbm4b:s5+s6], $0x80, s2, s6, $0xb8;
	[tilespmem:$0x10200] =	vst v63  }
0x19: {  	_ =	swait.ge [sflag:s7], $0x10000  }
.Ltmp1:
0x1a: {  	[sflag:s7] =	ssyncset.done $0x0;
	(pc) =	sbr.rel @p0 .LBB2_1-.Ltmp1, $4  }
0x1b: {  	[sflag:s7] =	ssyncadd.s32 $0xFFFF0000  }
0x1c: {  	[hbm4b:s8+s2] =	stream.linear.scatter [tilespmem:s6], [sflag:$0x2], $0x10000, $0x38;
	[tilespmem:$0x10200] =	vst v63  }
0x1d: {  	_ =	swait.ge [sflag:s3], $0x10000  }
0x1e: {  	[sflag:s3] =	ssyncset.done $0x0  }
.LBB2_2:
0x1f: {  	[sflag:s3] =	ssyncadd.s32 $0xFFFF0000  }
0x20: {  	_ =	sfence.sel $0x180000  }
0x21: {  	[bflag:$0x0] =	sbarrier.arrive $0xFFFF  }
0x22: {  	p0 =	sne.s32 s0, $0x0;
	_ =	strace $0x90000047  }
0x23: {  	s0 =	sadd.s32 @!p0 $0x100000, s1;
	[bflag:$0x2] =	sbarrier.arrive $0xFFFF  }
0x24: {  	[sflag:s0] =	ssyncadd.tile.s32 @!p0 $0x1;
	_ =	shalt  }
.Lfunc_end2:
_tile_overlayer_lowered:
.L_overlay_start_2:
0x25: {  	(tag) =	ssettag $0x2  }
0x26: {  	s0 =	rddreg [dreg:$0x0];
	s2 =	stileid.u32  }
0x27: {  	s1 =	rddreg [dreg:$0x1];
	p0 =	sne.s32 s2, $0x0  }
0x28: {  	s3 =	rddreg [dreg:$0x2];
	[bflag:$0x3] =	sbarrier.arrive $0xFFFF;
	s2 =	simm.s32 @!p0 $0x1C02  }
0x29: {  	[timem:s3], [sflag:s2] =	dma.local @!p0 [hbm:s0], s1  }
0x2a: {  	s0 =	simm.s32 @!p0 $0x2  }
0x2b: {  	_ =	swait.ge @!p0 [sflag:s0], s1  }
0x2c: {  	s1 =	ssub.s32 @!p0 $0x0, s1;
	[sflag:s0] =	ssyncset.done @!p0 $0x0  }
0x2d: {  	[sflag:s0] =	ssyncadd.s32 @!p0 s1  }
0x2e: {  	[bflag:$0x3] =	sbarrier.arrive $0xFFFF  }
0x2f: {  	_ =	shalt  }

</sc_bundles>
